<compile_context>
chip_gen: v7x
topology: tpu7x:2x2x1
jax: 0.10.2.dev20260603
libtpu: 0.0.44.dev20260713+nightly
codegen_flags: <defaults>
</compile_context>

<pallas_src>
import functools
import jax
import jax.numpy as jnp
from jax import lax
from jax.experimental import pallas as pl
from jax.experimental.pallas import tpu as pltpu
from jax.experimental.pallas import tpu_sc as plsc

_N = 10000
_E = 320000
_IN = 128
_H = 256
_OUT = 128

_NC = 2
_NS = 16
_NW = _NC * _NS
_C = 128
_NCH = 80
_EPT = _NCH * _C
_EPAD = _NW * _EPT
_SBCH = 4
_NSB = _NCH // _SBCH
_TSB = _NW * _NSB
_FH = 64
_NSB2 = _TSB // _NS
_NPT = _N // _NS
_NA = 10112
_RPT = _NA // _NS
_ROW_CHUNKS = tuple((r0, min(_C, _RPT - r0)) for r0 in range(0, _RPT, _C))
_F = 128


def _sc_feat_body(tabh, src4, dst4, ewf, out_s,
                  src_v, dst_v, ew_v, rows0, rows1, rows2, rows3,
                  tab_sp, acc, sem0, sem1, sem2, sem3,
                  ssem0, ssem1, ssem2, ssem3):
  c = lax.axis_index("c")
  s = lax.axis_index("s")
  t0 = s * _RPT

  pltpu.sync_copy(tabh.at[c, pl.ds(s * _NPT, _NPT)],
                  tab_sp.at[pl.ds(s * _NPT, _NPT)])

  zeros16 = jnp.zeros((16,), jnp.float32)

  def zbody(r, carry):
    for d in range(_FH // 16):
      rows0[r, pl.ds(d * 16, 16)] = zeros16
    return carry
  lax.fori_loop(0, _C, zbody, 0)

  for r0, rn in _ROW_CHUNKS:
    pltpu.sync_copy(rows0.at[pl.ds(0, rn)], acc.at[pl.ds(t0 + r0, rn)])
  plsc.subcore_barrier()

  rows = (rows0, rows1, rows2, rows3)
  sems = (sem0, sem1, sem2, sem3)
  ssems = (ssem0, ssem1, ssem2, ssem3)

  def scale(rr, k):
    def body(e, cc):
      wv = ew_v[e, pl.ds(k * 16, 16)]
      for d in range(_FH // 16):
        sl = pl.ds(d * 16, 16)
        rr[e, sl] = rr[e, sl] * wv
      return cc
    lax.fori_loop(0, _C, body, 0)

  def sb_body(b, carry):
    sbg = s * _NSB2 + b
    par = lax.rem(b, 2) * _SBCH
    pltpu.sync_copy(src4.at[sbg], src_v)
    pltpu.sync_copy(dst4.at[sbg], dst_v.at[pl.ds(par, _SBCH)])
    pltpu.sync_copy(ewf.at[:, pl.ds(sbg * 64, 64)], ew_v)
    for k in range(_SBCH):
      @pl.when(b > 0)
      def _():
        pltpu.make_async_copy(rows[k], acc.at[dst_v.at[par + k]],
                              ssems[k]).wait()
      pltpu.async_copy(tab_sp.at[src_v.at[k]], rows[k], sems[k])
    for k in range(_SBCH):
      pltpu.make_async_copy(tab_sp.at[src_v.at[k]], rows[k], sems[k]).wait()
      scale(rows[k], k)
      pltpu.async_copy(rows[k], acc.at[dst_v.at[par + k]], ssems[k],
                       add=True)
    return carry
  lax.fori_loop(0, _NSB2, sb_body, 0)
  lastp = ((_NSB2 - 1) % 2) * _SBCH
  for k in range(_SBCH):
    pltpu.make_async_copy(rows[k], acc.at[dst_v.at[lastp + k]],
                          ssems[k]).wait()
  plsc.subcore_barrier()

  for r0, rn in _ROW_CHUNKS:
    rb = t0 + r0
    pltpu.sync_copy(acc.at[pl.ds(rb, rn)], out_s.at[c, pl.ds(rb, rn)])


def _make_sc_feat():
  mesh = plsc.VectorSubcoreMesh(core_axis_name="c", subcore_axis_name="s")
  out_type = jax.ShapeDtypeStruct((_NC, _NA, _FH), jnp.float32)
  scratch = [
      pltpu.VMEM((_SBCH, _C), jnp.int32),
      pltpu.VMEM((2 * _SBCH, _C), jnp.int32),
      pltpu.VMEM((128, 64), jnp.float32),
      pltpu.VMEM((_C, _FH), jnp.float32),
      pltpu.VMEM((_C, _FH), jnp.float32),
      pltpu.VMEM((_C, _FH), jnp.float32),
      pltpu.VMEM((_C, _FH), jnp.float32),
      pltpu.VMEM_SHARED((_N, _FH), jnp.float32),
      pltpu.VMEM_SHARED((_NA, _FH), jnp.float32),
      pltpu.SemaphoreType.DMA,
      pltpu.SemaphoreType.DMA,
      pltpu.SemaphoreType.DMA,
      pltpu.SemaphoreType.DMA,
      pltpu.SemaphoreType.DMA,
      pltpu.SemaphoreType.DMA,
      pltpu.SemaphoreType.DMA,
      pltpu.SemaphoreType.DMA,
  ]
  return pl.kernel(_sc_feat_body, out_type=out_type, mesh=mesh,
                   scratch_types=scratch,
                   compiler_params=pltpu.CompilerParams(
                       use_tc_tiling_on_sc=False))


def _sc_deg_body(dst3, out_d, dst_v, ones_v, z16_v, dacc):
  c = lax.axis_index("c")
  s = lax.axis_index("s")
  wid = s * _NC + c
  t0 = s * _RPT

  zeros16 = jnp.zeros((16,), jnp.float32)
  ones16 = jnp.ones((16,), jnp.float32)

  def zbody(r, carry):
    ones_v[r, :] = ones16
    z16_v[r, :] = zeros16
    return carry
  lax.fori_loop(0, _C, zbody, 0)

  for r0, rn in _ROW_CHUNKS:
    pltpu.sync_copy(z16_v.at[pl.ds(0, rn)], dacc.at[pl.ds(t0 + r0, rn)])
  plsc.subcore_barrier()

  pltpu.sync_copy(dst3.at[wid], dst_v)

  def chunk(j, carry):
    pltpu.sync_copy(ones_v, dacc.at[dst_v.at[j]], add=True)
    return carry
  lax.fori_loop(0, _NCH, chunk, 0)
  plsc.subcore_barrier()

  for r0, rn in _ROW_CHUNKS:
    rb = t0 + r0
    pltpu.sync_copy(dacc.at[pl.ds(rb, rn)], out_d.at[c, pl.ds(rb, rn)])


def _make_sc_deg():
  mesh = plsc.VectorSubcoreMesh(core_axis_name="c", subcore_axis_name="s")
  out_type = jax.ShapeDtypeStruct((_NC, _NA, 16), jnp.float32)
  scratch = [
      pltpu.VMEM((_NCH, _C), jnp.int32),
      pltpu.VMEM((_C, 16), jnp.float32),
      pltpu.VMEM((_C, 16), jnp.float32),
      pltpu.VMEM_SHARED((_NA, 16), jnp.float32),
  ]
  return pl.kernel(_sc_deg_body, out_type=out_type, mesh=mesh,
                   scratch_types=scratch,
                   compiler_params=pltpu.CompilerParams(
                       use_tc_tiling_on_sc=False))


_sc_feat = _make_sc_feat()
_sc_degree = _make_sc_deg()


def _minmax_body(w_ref, mn_ref, mx_ref):
  w = w_ref[...]
  mn_ref[...] = jnp.full((1, 1), jnp.min(w), jnp.float32)
  mx_ref[...] = jnp.full((1, 1), jnp.max(w), jnp.float32)


_minmax = pl.pallas_call(
    _minmax_body,
    out_shape=[jax.ShapeDtypeStruct((1, 1), jnp.float32),
               jax.ShapeDtypeStruct((1, 1), jnp.float32)])

_RB = 2048
_RG = (_EPAD * 16 // 128) // _RB


def _rep_body(mn_ref, mx_ref, w_ref, o_ref):
  i = pl.program_id(0)
  mn = mn_ref[0, 0]
  mx = mx_ref[0, 0]
  eq = mx == mn
  a = jnp.where(eq, 0.0, 1.0 / jnp.where(eq, 1.0, mx - mn))
  b = jnp.where(eq, 1.0, -mn * a)
  w = w_ref[...]
  rr = lax.broadcasted_iota(jnp.int32, (_RB // 16, _RB), 0)
  rc = lax.broadcasted_iota(jnp.int32, (_RB // 16, _RB), 1)
  R = (rc // 16 == rr).astype(jnp.float32)
  rep = lax.dot_general(w, R, (((0,), (0,)), ((), ())),
                        preferred_element_type=jnp.float32)
  r_io = lax.broadcasted_iota(jnp.int32, (128, _RB), 0)
  c_io = lax.broadcasted_iota(jnp.int32, (128, _RB), 1)
  e = (_RB * 8) * i + 128 * (c_io // 16) + r_io
  o_ref[...] = jnp.where(e < _E, rep * a + b, 0.0)


_rep = pl.pallas_call(
    _rep_body,
    grid=(_RG,),
    in_specs=[
        pl.BlockSpec((1, 1), lambda i: (0, 0)),
        pl.BlockSpec((1, 1), lambda i: (0, 0)),
        pl.BlockSpec((_RB // 16, 128), lambda i: (i, 0)),
    ],
    out_specs=pl.BlockSpec((128, _RB), lambda i: (0, i)),
    out_shape=jax.ShapeDtypeStruct((128, _EPAD * 16 // 128), jnp.float32))


_BLK = 400
_NBLK = _N // _BLK


def _dense0_body(sp, dp, x, wl0, bl0, wr0, gamma, beta, rm, rv, wl1,
                 h_out, g_out):
  ssum = jnp.concatenate([sp[0], sp[1]], axis=1)
  dsum = dp[0] + dp[1]
  deg = jnp.clip(dsum[:, 0:1], 1.0, None)
  aggr = ssum / deg
  dn = (((1,), (1,)), ((), ()))
  pre = (lax.dot_general(aggr, wl0[...], dn, preferred_element_type=jnp.float32)
         + bl0[...]
         + lax.dot_general(x[...], wr0[...], dn, preferred_element_type=jnp.float32))
  inv = lax.rsqrt(rv[...] + 1e-5)
  hh = jnp.maximum((pre - rm[...]) * inv * gamma[...] + beta[...], 0.0)
  h_out[...] = hh
  g_out[...] = lax.dot_general(hh, wl1[...], dn, preferred_element_type=jnp.float32)


_dense0 = pl.pallas_call(
    _dense0_body,
    grid=(_NBLK,),
    in_specs=[
        pl.BlockSpec((_NC, _BLK, _FH), lambda i: (0, i, 0)),
        pl.BlockSpec((_NC, _BLK, 16), lambda i: (0, i, 0)),
        pl.BlockSpec((_BLK, _IN), lambda i: (i, 0)),
        pl.BlockSpec((_H, _IN), lambda i: (0, 0)),
        pl.BlockSpec((1, _H), lambda i: (0, 0)),
        pl.BlockSpec((_H, _IN), lambda i: (0, 0)),
        pl.BlockSpec((1, _H), lambda i: (0, 0)),
        pl.BlockSpec((1, _H), lambda i: (0, 0)),
        pl.BlockSpec((1, _H), lambda i: (0, 0)),
        pl.BlockSpec((1, _H), lambda i: (0, 0)),
        pl.BlockSpec((_OUT, _H), lambda i: (0, 0)),
    ],
    out_specs=[
        pl.BlockSpec((_BLK, _H), lambda i: (i, 0)),
        pl.BlockSpec((_BLK, _OUT), lambda i: (i, 0)),
    ],
    out_shape=[
        jax.ShapeDtypeStruct((_N, _H), jnp.float32),
        jax.ShapeDtypeStruct((_N, _OUT), jnp.float32),
    ])


def _dense1_body(sp, dp, h, wr1, bl1, lsm_out, var_out, acc_s):
  i = pl.program_id(0)
  ssum = jnp.concatenate([sp[0], sp[1]], axis=1)
  dsum = dp[0] + dp[1]
  deg = jnp.clip(dsum[:, 0:1], 1.0, None)
  dn = (((1,), (1,)), ((), ()))
  o = (ssum / deg + bl1[...]
       + lax.dot_general(h[...], wr1[...], dn, preferred_element_type=jnp.float32))
  m = jnp.max(o, axis=1, keepdims=True)
  lse = jnp.log(jnp.sum(jnp.exp(o - m), axis=1, keepdims=True)) + m
  lsm_out[...] = o - lse
  bs = jnp.sum(o)
  bss = jnp.sum(o * o)

  @pl.when(i == 0)
  def _():
    acc_s[0] = bs
    acc_s[1] = bss

  @pl.when(i > 0)
  def _():
    acc_s[0] = acc_s[0] + bs
    acc_s[1] = acc_s[1] + bss

  tot = float(_N * _OUT)
  var_out[...] = jnp.full((1, 1), (acc_s[1] - acc_s[0] * acc_s[0] / tot)
                          / (tot - 1.0), jnp.float32)


_dense1 = pl.pallas_call(
    _dense1_body,
    grid=(_NBLK,),
    in_specs=[
        pl.BlockSpec((_NC, _BLK, _FH), lambda i: (0, i, 0)),
        pl.BlockSpec((_NC, _BLK, 16), lambda i: (0, i, 0)),
        pl.BlockSpec((_BLK, _H), lambda i: (i, 0)),
        pl.BlockSpec((_OUT, _H), lambda i: (0, 0)),
        pl.BlockSpec((1, _OUT), lambda i: (0, 0)),
    ],
    out_specs=[
        pl.BlockSpec((_BLK, _OUT), lambda i: (i, 0)),
        pl.BlockSpec((1, 1), lambda i: (0, 0)),
    ],
    out_shape=[
        jax.ShapeDtypeStruct((_N, _OUT), jnp.float32),
        jax.ShapeDtypeStruct((1, 1), jnp.float32),
    ],
    scratch_shapes=[pltpu.SMEM((2,), jnp.float32)])


def kernel(x, edge_index, edge_weight, Wl0, bl0, Wr0, gamma, beta,
           running_mean, running_var, Wl1, bl1, Wr1):
  pad = _EPAD - _E
  mn, mx = _minmax(edge_weight.reshape(_E // 128, 128))
  wraw = jnp.concatenate([edge_weight, jnp.zeros((pad,), jnp.float32)]
                         ).reshape(_EPAD // 128, 128)
  ewf = _rep(mn, mx, wraw)
  src4 = jnp.concatenate([edge_index[0], jnp.zeros((pad,), jnp.int32)]
                         ).reshape(_TSB, _SBCH, _C)
  junk = _N + jnp.arange(pad, dtype=jnp.int32) % (_NA - _N)
  dst_p = jnp.concatenate([edge_index[1], junk])
  dst3 = dst_p.reshape(_NW, _NCH, _C)
  dst4 = dst_p.reshape(_TSB, _SBCH, _C)

  dp0 = _sc_degree(dst3)
  xh = x.reshape(_N, 2, _FH).transpose(1, 0, 2)
  sp0 = _sc_feat(xh, src4, dst4, ewf)
  h, g = _dense0(sp0, dp0, x, Wl0, bl0.reshape(1, -1), Wr0,
                 gamma.reshape(1, -1), beta.reshape(1, -1),
                 running_mean.reshape(1, -1), running_var.reshape(1, -1), Wl1)
  gh = g.reshape(_N, 2, _FH).transpose(1, 0, 2)
  sp1 = _sc_feat(gh, src4, dst4, ewf)
  lsm, var = _dense1(sp1, dp0, h, Wr1, bl1.reshape(1, -1))
  return lsm, var.reshape(())

# --- scband reference (transcript-rebuilt; emitter-appended) ---
"""Pipeline reference for scband-sageweight-80942953660602 (READ-ONLY COPY).

The authoritative reference and input builder live on the scoring server;
editing this copy changes nothing except your own understanding.
"""

import jax, jax.numpy as jnp
import numpy as np

N = 10000
E = 320000
IN = 128
H = 256
OUT = 128


def _norm_ew(ew):
    ew = ew.astype(jnp.float32)
    mn = jnp.min(ew)
    mx = jnp.max(ew)
    return jnp.where(mx == mn, jnp.ones_like(ew), (ew - mn) / (mx - mn))


def _conv(x, edge_index, ewn, Wl, bl, Wr):
    # WeightedSAGEConv: message = x_j * normalized_edge_weight, aggr='mean',
    # out = lin_l(aggr) + lin_r(x_root)
    src = edge_index[0]
    dst = edge_index[1]
    msg = x[src] * ewn[:, None]
    s = jnp.zeros((x.shape[0], x.shape[1]), x.dtype).at[dst].add(msg)
    deg = jnp.zeros((x.shape[0],), x.dtype).at[dst].add(1.0)
    aggr = s / jnp.clip(deg, 1.0, None)[:, None]
    return aggr @ Wl.T + bl + x @ Wr.T


def setup_inputs(seed: int = 0) -> dict:
    key = jax.random.key(seed)
    ks = jax.random.split(key, 16)
    x = jax.random.normal(ks[0], (N, IN), jnp.float32)
    edge_index = jax.random.randint(ks[1], (2, E), 0, N, dtype=jnp.int32)
    edge_weight = jax.random.uniform(ks[2], (E,), jnp.float32)
    s0 = 1.0 / float(np.sqrt(IN))
    Wl0 = jax.random.uniform(ks[3], (H, IN), jnp.float32, -s0, s0)
    bl0 = jax.random.uniform(ks[4], (H,), jnp.float32, -s0, s0)
    Wr0 = jax.random.uniform(ks[5], (H, IN), jnp.float32, -s0, s0)
    gamma = jnp.ones((H,), jnp.float32)
    beta = jnp.zeros((H,), jnp.float32)
    running_mean = jnp.zeros((H,), jnp.float32)
    running_var = jnp.ones((H,), jnp.float32)
    s1 = 1.0 / float(np.sqrt(H))
    Wl1 = jax.random.uniform(ks[6], (OUT, H), jnp.float32, -s1, s1)
    bl1 = jax.random.uniform(ks[7], (OUT,), jnp.float32, -s1, s1)
    Wr1 = jax.random.uniform(ks[8], (OUT, H), jnp.float32, -s1, s1)
    return {"x": x, "edge_index": edge_index, "edge_weight": edge_weight,
            "Wl0": Wl0, "bl0": bl0, "Wr0": Wr0,
            "gamma": gamma, "beta": beta,
            "running_mean": running_mean, "running_var": running_var,
            "Wl1": Wl1, "bl1": bl1, "Wr1": Wr1}


def reference(x, edge_index, edge_weight, Wl0, bl0, Wr0, gamma, beta,
              running_mean, running_var, Wl1, bl1, Wr1):
    # eval mode: dropout is identity, BatchNorm uses running stats
    ewn = _norm_ew(edge_weight)
    h = _conv(x, edge_index, ewn, Wl0, bl0, Wr0)
    h = (h - running_mean) / jnp.sqrt(running_var + 1e-5) * gamma + beta
    h = jax.nn.relu(h)
    o = _conv(h, edge_index, ewn, Wl1, bl1, Wr1)
    return (jax.nn.log_softmax(o, axis=-1), jnp.var(o, ddof=1))

if __name__ == "__main__":
    import jax
    _d = setup_inputs()
    print(jax.jit(kernel)(*tuple(_d.values())))

</pallas_src>

<mosaic_0001>
#map = affine_map<(d0, d1) -> (0, 0, 0)>
#map1 = affine_map<(d0, d1) -> (0, 0)>
module attributes {stable_mosaic.version = 14 : i64} {
  func.func @_sc_feat_body(%arg0: i32, %arg1: i32, %arg2: memref<2x10000x64xf32, #tpu.memory_space<hbm>>, %arg3: memref<640x4x128xi32, #tpu.memory_space<hbm>>, %arg4: memref<640x4x128xi32, #tpu.memory_space<hbm>>, %arg5: memref<128x40960xf32, #tpu.memory_space<hbm>>, %arg6: memref<2x10112x64xf32, #tpu.memory_space<hbm>>, %arg7: memref<4x128xi32, #tpu.memory_space<vmem>>, %arg8: memref<8x128xi32, #tpu.memory_space<vmem>>, %arg9: memref<128x64xf32, #tpu.memory_space<vmem>>, %arg10: memref<128x64xf32, #tpu.memory_space<vmem>>, %arg11: memref<128x64xf32, #tpu.memory_space<vmem>>, %arg12: memref<128x64xf32, #tpu.memory_space<vmem>>, %arg13: memref<128x64xf32, #tpu.memory_space<vmem>>, %arg14: memref<10000x64xf32, #tpu.memory_space<vmem_shared>>, %arg15: memref<10112x64xf32, #tpu.memory_space<vmem_shared>>, %arg16: memref<!tpu.dma_semaphore, #tpu.memory_space<semaphore_mem>>, %arg17: memref<!tpu.dma_semaphore, #tpu.memory_space<semaphore_mem>>, %arg18: memref<!tpu.dma_semaphore, #tpu.memory_space<semaphore_mem>>, %arg19: memref<!tpu.dma_semaphore, #tpu.memory_space<semaphore_mem>>, %arg20: memref<!tpu.dma_semaphore, #tpu.memory_space<semaphore_mem>>, %arg21: memref<!tpu.dma_semaphore, #tpu.memory_space<semaphore_mem>>, %arg22: memref<!tpu.dma_semaphore, #tpu.memory_space<semaphore_mem>>, %arg23: memref<!tpu.dma_semaphore, #tpu.memory_space<semaphore_mem>>) attributes {dimension_semantics = [#tpu.dimension_semantics<core_parallel>, #tpu.dimension_semantics<subcore_parallel>], iteration_bounds = array<i64: 2, 16>, scalar_prefetch = 0 : i64, scratch_operands = 17 : i64, tpu.core_type = #tpu.core_type<sc_vector_subcore>, window_params = [{transform_indices = #map}, {transform_indices = #map}, {transform_indices = #map}, {transform_indices = #map1}, {transform_indices = #map}]} {
    %mul3A = arith.constant 632 : i32
    %mul3A_0 = arith.muli %arg1, %mul3A : i32
    %mul3A_1 = arith.constant 625 : i32
    %mul3A_2 = arith.muli %arg1, %mul3A_1 : i32
    %mul3A_3 = arith.constant 625 : i32
    %mul3A_4 = arith.muli %arg1, %mul3A_3 : i32
    "tpu.region"() ({
      %run_scoped3A = tpu.sem_alloc : memref<!tpu.dma_semaphore, #tpu.memory_space<semaphore_mem>>
      %dma_start3A = arith.constant 0 : i32
      %dma_start3A_64 = tpu.memref_slice %arg14[%mul3A_4, %dma_start3A] : memref<10000x64xf32, #tpu.memory_space<vmem_shared>> -> memref<625x64xf32, #tpu.memory_space<vmem_shared>>
      %dma_start3A_65 = arith.constant 0 : i32
      %dma_start3A_66 = tpu.memref_slice %arg2[%arg0, %mul3A_2, %dma_start3A_65] : memref<2x10000x64xf32, #tpu.memory_space<hbm>> -> memref<1x625x64xf32, #tpu.memory_space<hbm>>
      %dma_start3A_67 = tpu.memref_squeeze %dma_start3A_66 : memref<1x625x64xf32, #tpu.memory_space<hbm>> -> memref<625x64xf32, #tpu.memory_space<hbm>>
      tpu.enqueue_dma source(%dma_start3A_67 : memref<625x64xf32, #tpu.memory_space<hbm>>) target(%dma_start3A_64 : memref<625x64xf32, #tpu.memory_space<vmem_shared>>) target_semaphore(%run_scoped3A : memref<!tpu.dma_semaphore, #tpu.memory_space<semaphore_mem>>)
      %dma_wait3A_68 = arith.constant 0 : i32
      %dma_wait3A_69 = tpu.memref_slice %arg14[%mul3A_4, %dma_wait3A_68] : memref<10000x64xf32, #tpu.memory_space<vmem_shared>> -> memref<625x64xf32, #tpu.memory_space<vmem_shared>>
      %dma_wait3A_70 = arith.constant 0 : i32
      %dma_wait3A_71 = tpu.memref_slice %arg2[%arg0, %mul3A_2, %dma_wait3A_70] : memref<2x10000x64xf32, #tpu.memory_space<hbm>> -> memref<1x625x64xf32, #tpu.memory_space<hbm>>
      %dma_wait3A_72 = tpu.memref_squeeze %dma_wait3A_71 : memref<1x625x64xf32, #tpu.memory_space<hbm>> -> memref<625x64xf32, #tpu.memory_space<hbm>>
      tpu.wait_dma2 semaphore(%run_scoped3A : memref<!tpu.dma_semaphore, #tpu.memory_space<semaphore_mem>>) src(%dma_wait3A_72 : memref<625x64xf32, #tpu.memory_space<hbm>>) dst(%dma_wait3A_69 : memref<625x64xf32, #tpu.memory_space<vmem_shared>>)
      tpu.yield
    }) : () -> ()
    %broadcast_in_dim3A = arith.constant 0.000000e+00 : f32
    %broadcast_in_dim3A_5 = vector.broadcast %broadcast_in_dim3A : f32 to vector<16xf32>
    %scan3A = arith.constant 0 : i32
    %scan3A_6 = arith.constant 0 : i32
    %scan3A_7 = arith.constant 128 : i32
    %scan3A_8 = arith.addi %scan3A_6, %scan3A_7 : i32
    %scan3A_9 = arith.constant 1 : i32
    scf.for %scan3A_64 = %scan3A_6 to %scan3A_8 step %scan3A_9  : i32 {
      %swap3A = arith.index_cast %scan3A_64 : i32 to index
      %swap3A_65 = arith.constant 0 : index
      %swap3A_66 = tpu.vector_load %arg10[%swap3A, %swap3A_65] {strides = array<i32>} : memref<128x64xf32, #tpu.memory_space<vmem>>, vector<1x16xf32>,
      %swap3A_67 = vector.shape_cast %swap3A_66 : vector<1x16xf32> to vector<16xf32>
      %swap3A_68 = vector.shape_cast %broadcast_in_dim3A_5 : vector<16xf32> to vector<1x16xf32>
      tpu.vector_store %arg10[%swap3A, %swap3A_65], %swap3A_68 {strides = array<i32>} : memref<128x64xf32, #tpu.memory_space<vmem>>, vector<1x16xf32>,
      %swap3A_69 = arith.index_cast %scan3A_64 : i32 to index
      %swap3A_70 = arith.constant 16 : index
      %swap3A_71 = tpu.vector_load %arg10[%swap3A_69, %swap3A_70] {strides = array<i32>} : memref<128x64xf32, #tpu.memory_space<vmem>>, vector<1x16xf32>,
      %swap3A_72 = vector.shape_cast %swap3A_71 : vector<1x16xf32> to vector<16xf32>
      %swap3A_73 = vector.shape_cast %broadcast_in_dim3A_5 : vector<16xf32> to vector<1x16xf32>
      tpu.vector_store %arg10[%swap3A_69, %swap3A_70], %swap3A_73 {strides = array<i32>} : memref<128x64xf32, #tpu.memory_space<vmem>>, vector<1x16xf32>,
      %swap3A_74 = arith.index_cast %scan3A_64 : i32 to index
      %swap3A_75 = arith.constant 32 : index
      %swap3A_76 = tpu.vector_load %arg10[%swap3A_74, %swap3A_75] {strides = array<i32>} : memref<128x64xf32, #tpu.memory_space<vmem>>, vector<1x16xf32>,
      %swap3A_77 = vector.shape_cast %swap3A_76 : vector<1x16xf32> to vector<16xf32>
      %swap3A_78 = vector.shape_cast %broadcast_in_dim3A_5 : vector<16xf32> to vector<1x16xf32>
      tpu.vector_store %arg10[%swap3A_74, %swap3A_75], %swap3A_78 {strides = array<i32>} : memref<128x64xf32, #tpu.memory_space<vmem>>, vector<1x16xf32>,
      %swap3A_79 = arith.index_cast %scan3A_64 : i32 to index
      %swap3A_80 = arith.constant 48 : index
      %swap3A_81 = tpu.vector_load %arg10[%swap3A_79, %swap3A_80] {strides = array<i32>} : memref<128x64xf32, #tpu.memory_space<vmem>>, vector<1x16xf32>,
      %swap3A_82 = vector.shape_cast %swap3A_81 : vector<1x16xf32> to vector<16xf32>
      %swap3A_83 = vector.shape_cast %broadcast_in_dim3A_5 : vector<16xf32> to vector<1x16xf32>
      tpu.vector_store %arg10[%swap3A_79, %swap3A_80], %swap3A_83 {strides = array<i32>} : memref<128x64xf32, #tpu.memory_space<vmem>>, vector<1x16xf32>,
    }
    %scan3A_10 = arith.constant 128 : i32
    %add3A = arith.constant 0 : i32
    %add3A_11 = arith.addi %mul3A_0, %add3A : i32
    "tpu.region"() ({
      %run_scoped3A = tpu.sem_alloc : memref<!tpu.dma_semaphore, #tpu.memory_space<semaphore_mem>>
      %dma_start3A = arith.constant 0 : i32
      %dma_start3A_64 = arith.constant 0 : i32
      %dma_start3A_65 = tpu.memref_slice %arg10[%dma_start3A, %dma_start3A_64] : memref<128x64xf32, #tpu.memory_space<vmem>> -> memref<128x64xf32, #tpu.memory_space<vmem>>
      %dma_start3A_66 = arith.constant 0 : i32
      %dma_start3A_67 = tpu.memref_slice %arg15[%add3A_11, %dma_start3A_66] : memref<10112x64xf32, #tpu.memory_space<vmem_shared>> -> memref<128x64xf32, #tpu.memory_space<vmem_shared>>
      %dma_start3A_68 = arith.constant 0 : i32
      %dma_start3A_69 = tpu.memref_slice %arg15[%add3A_11, %dma_start3A_68] : memref<10112x64xf32, #tpu.memory_space<vmem_shared>> -> memref<128x64xf32, #tpu.memory_space<vmem_shared>>
      %dma_start3A_70 = arith.constant 0 : i32
      %dma_start3A_71 = arith.constant 0 : i32
      %dma_start3A_72 = tpu.memref_slice %arg10[%dma_start3A_70, %dma_start3A_71] : memref<128x64xf32, #tpu.memory_space<vmem>> -> memref<128x64xf32, #tpu.memory_space<vmem>>
      tpu.enqueue_dma source(%dma_start3A_72 : memref<128x64xf32, #tpu.memory_space<vmem>>) target(%dma_start3A_69 : memref<128x64xf32, #tpu.memory_space<vmem_shared>>) target_semaphore(%run_scoped3A : memref<!tpu.dma_semaphore, #tpu.memory_space<semaphore_mem>>)
      %dma_wait3A_73 = arith.constant 0 : i32
      %dma_wait3A_74 = arith.constant 0 : i32
      %dma_wait3A_75 = tpu.memref_slice %arg10[%dma_wait3A_73, %dma_wait3A_74] : memref<128x64xf32, #tpu.memory_space<vmem>> -> memref<128x64xf32, #tpu.memory_space<vmem>>
      %dma_wait3A_76 = arith.constant 0 : i32
      %dma_wait3A_77 = tpu.memref_slice %arg15[%add3A_11, %dma_wait3A_76] : memref<10112x64xf32, #tpu.memory_space<vmem_shared>> -> memref<128x64xf32, #tpu.memory_space<vmem_shared>>
      %dma_wait3A_78 = arith.constant 0 : i32
      %dma_wait3A_79 = tpu.memref_slice %arg15[%add3A_11, %dma_wait3A_78] : memref<10112x64xf32, #tpu.memory_space<vmem_shared>> -> memref<128x64xf32, #tpu.memory_space<vmem_shared>>
      %dma_wait3A_80 = arith.constant 0 : i32
      %dma_wait3A_81 = arith.constant 0 : i32
      %dma_wait3A_82 = tpu.memref_slice %arg10[%dma_wait3A_80, %dma_wait3A_81] : memref<128x64xf32, #tpu.memory_space<vmem>> -> memref<128x64xf32, #tpu.memory_space<vmem>>
      tpu.wait_dma2 semaphore(%run_scoped3A : memref<!tpu.dma_semaphore, #tpu.memory_space<semaphore_mem>>) src(%dma_wait3A_82 : memref<128x64xf32, #tpu.memory_space<vmem>>) dst(%dma_wait3A_79 : memref<128x64xf32, #tpu.memory_space<vmem_shared>>)
      tpu.yield
    }) : () -> ()
    %add3A_12 = arith.constant 128 : i32
    %add3A_13 = arith.addi %mul3A_0, %add3A_12 : i32
    "tpu.region"() ({
      %run_scoped3A = tpu.sem_alloc : memref<!tpu.dma_semaphore, #tpu.memory_space<semaphore_mem>>
      %dma_start3A = arith.constant 0 : i32
      %dma_start3A_64 = arith.constant 0 : i32
      %dma_start3A_65 = tpu.memref_slice %arg10[%dma_start3A, %dma_start3A_64] : memref<128x64xf32, #tpu.memory_space<vmem>> -> memref<128x64xf32, #tpu.memory_space<vmem>>
      %dma_start3A_66 = arith.constant 0 : i32
      %dma_start3A_67 = tpu.memref_slice %arg15[%add3A_13, %dma_start3A_66] : memref<10112x64xf32, #tpu.memory_space<vmem_shared>> -> memref<128x64xf32, #tpu.memory_space<vmem_shared>>
      %dma_start3A_68 = arith.constant 0 : i32
      %dma_start3A_69 = tpu.memref_slice %arg15[%add3A_13, %dma_start3A_68] : memref<10112x64xf32, #tpu.memory_space<vmem_shared>> -> memref<128x64xf32, #tpu.memory_space<vmem_shared>>
      %dma_start3A_70 = arith.constant 0 : i32
      %dma_start3A_71 = arith.constant 0 : i32
      %dma_start3A_72 = tpu.memref_slice %arg10[%dma_start3A_70, %dma_start3A_71] : memref<128x64xf32, #tpu.memory_space<vmem>> -> memref<128x64xf32, #tpu.memory_space<vmem>>
      tpu.enqueue_dma source(%dma_start3A_72 : memref<128x64xf32, #tpu.memory_space<vmem>>) target(%dma_start3A_69 : memref<128x64xf32, #tpu.memory_space<vmem_shared>>) target_semaphore(%run_scoped3A : memref<!tpu.dma_semaphore, #tpu.memory_space<semaphore_mem>>)
      %dma_wait3A_73 = arith.constant 0 : i32
      %dma_wait3A_74 = arith.constant 0 : i32
      %dma_wait3A_75 = tpu.memref_slice %arg10[%dma_wait3A_73, %dma_wait3A_74] : memref<128x64xf32, #tpu.memory_space<vmem>> -> memref<128x64xf32, #tpu.memory_space<vmem>>
      %dma_wait3A_76 = arith.constant 0 : i32
      %dma_wait3A_77 = tpu.memref_slice %arg15[%add3A_13, %dma_wait3A_76] : memref<10112x64xf32, #tpu.memory_space<vmem_shared>> -> memref<128x64xf32, #tpu.memory_space<vmem_shared>>
      %dma_wait3A_78 = arith.constant 0 : i32
      %dma_wait3A_79 = tpu.memref_slice %arg15[%add3A_13, %dma_wait3A_78] : memref<10112x64xf32, #tpu.memory_space<vmem_shared>> -> memref<128x64xf32, #tpu.memory_space<vmem_shared>>
      %dma_wait3A_80 = arith.constant 0 : i32
      %dma_wait3A_81 = arith.constant 0 : i32
      %dma_wait3A_82 = tpu.memref_slice %arg10[%dma_wait3A_80, %dma_wait3A_81] : memref<128x64xf32, #tpu.memory_space<vmem>> -> memref<128x64xf32, #tpu.memory_space<vmem>>
      tpu.wait_dma2 semaphore(%run_scoped3A : memref<!tpu.dma_semaphore, #tpu.memory_space<semaphore_mem>>) src(%dma_wait3A_82 : memref<128x64xf32, #tpu.memory_space<vmem>>) dst(%dma_wait3A_79 : memref<128x64xf32, #tpu.memory_space<vmem_shared>>)
      tpu.yield
    }) : () -> ()
    %add3A_14 = arith.constant 256 : i32
    %add3A_15 = arith.addi %mul3A_0, %add3A_14 : i32
    "tpu.region"() ({
      %run_scoped3A = tpu.sem_alloc : memref<!tpu.dma_semaphore, #tpu.memory_space<semaphore_mem>>
      %dma_start3A = arith.constant 0 : i32
      %dma_start3A_64 = arith.constant 0 : i32
      %dma_start3A_65 = tpu.memref_slice %arg10[%dma_start3A, %dma_start3A_64] : memref<128x64xf32, #tpu.memory_space<vmem>> -> memref<128x64xf32, #tpu.memory_space<vmem>>
      %dma_start3A_66 = arith.constant 0 : i32
      %dma_start3A_67 = tpu.memref_slice %arg15[%add3A_15, %dma_start3A_66] : memref<10112x64xf32, #tpu.memory_space<vmem_shared>> -> memref<128x64xf32, #tpu.memory_space<vmem_shared>>
      %dma_start3A_68 = arith.constant 0 : i32
      %dma_start3A_69 = tpu.memref_slice %arg15[%add3A_15, %dma_start3A_68] : memref<10112x64xf32, #tpu.memory_space<vmem_shared>> -> memref<128x64xf32, #tpu.memory_space<vmem_shared>>
      %dma_start3A_70 = arith.constant 0 : i32
      %dma_start3A_71 = arith.constant 0 : i32
      %dma_start3A_72 = tpu.memref_slice %arg10[%dma_start3A_70, %dma_start3A_71] : memref<128x64xf32, #tpu.memory_space<vmem>> -> memref<128x64xf32, #tpu.memory_space<vmem>>
      tpu.enqueue_dma source(%dma_start3A_72 : memref<128x64xf32, #tpu.memory_space<vmem>>) target(%dma_start3A_69 : memref<128x64xf32, #tpu.memory_space<vmem_shared>>) target_semaphore(%run_scoped3A : memref<!tpu.dma_semaphore, #tpu.memory_space<semaphore_mem>>)
      %dma_wait3A_73 = arith.constant 0 : i32
      %dma_wait3A_74 = arith.constant 0 : i32
      %dma_wait3A_75 = tpu.memref_slice %arg10[%dma_wait3A_73, %dma_wait3A_74] : memref<128x64xf32, #tpu.memory_space<vmem>> -> memref<128x64xf32, #tpu.memory_space<vmem>>
      %dma_wait3A_76 = arith.constant 0 : i32
      %dma_wait3A_77 = tpu.memref_slice %arg15[%add3A_15, %dma_wait3A_76] : memref<10112x64xf32, #tpu.memory_space<vmem_shared>> -> memref<128x64xf32, #tpu.memory_space<vmem_shared>>
      %dma_wait3A_78 = arith.constant 0 : i32
      %dma_wait3A_79 = tpu.memref_slice %arg15[%add3A_15, %dma_wait3A_78] : memref<10112x64xf32, #tpu.memory_space<vmem_shared>> -> memref<128x64xf32, #tpu.memory_space<vmem_shared>>
      %dma_wait3A_80 = arith.constant 0 : i32
      %dma_wait3A_81 = arith.constant 0 : i32
      %dma_wait3A_82 = tpu.memref_slice %arg10[%dma_wait3A_80, %dma_wait3A_81] : memref<128x64xf32, #tpu.memory_space<vmem>> -> memref<128x64xf32, #tpu.memory_space<vmem>>
      tpu.wait_dma2 semaphore(%run_scoped3A : memref<!tpu.dma_semaphore, #tpu.memory_space<semaphore_mem>>) src(%dma_wait3A_82 : memref<128x64xf32, #tpu.memory_space<vmem>>) dst(%dma_wait3A_79 : memref<128x64xf32, #tpu.memory_space<vmem_shared>>)
      tpu.yield
    }) : () -> ()
    %add3A_16 = arith.constant 384 : i32
    %add3A_17 = arith.addi %mul3A_0, %add3A_16 : i32
    "tpu.region"() ({
      %run_scoped3A = tpu.sem_alloc : memref<!tpu.dma_semaphore, #tpu.memory_space<semaphore_mem>>
      %dma_start3A = arith.constant 0 : i32
      %dma_start3A_64 = arith.constant 0 : i32
      %dma_start3A_65 = tpu.memref_slice %arg10[%dma_start3A, %dma_start3A_64] : memref<128x64xf32, #tpu.memory_space<vmem>> -> memref<128x64xf32, #tpu.memory_space<vmem>>
      %dma_start3A_66 = arith.constant 0 : i32
      %dma_start3A_67 = tpu.memref_slice %arg15[%add3A_17, %dma_start3A_66] : memref<10112x64xf32, #tpu.memory_space<vmem_shared>> -> memref<128x64xf32, #tpu.memory_space<vmem_shared>>
      %dma_start3A_68 = arith.constant 0 : i32
      %dma_start3A_69 = tpu.memref_slice %arg15[%add3A_17, %dma_start3A_68] : memref<10112x64xf32, #tpu.memory_space<vmem_shared>> -> memref<128x64xf32, #tpu.memory_space<vmem_shared>>
      %dma_start3A_70 = arith.constant 0 : i32
      %dma_start3A_71 = arith.constant 0 : i32
      %dma_start3A_72 = tpu.memref_slice %arg10[%dma_start3A_70, %dma_start3A_71] : memref<128x64xf32, #tpu.memory_space<vmem>> -> memref<128x64xf32, #tpu.memory_space<vmem>>
      tpu.enqueue_dma source(%dma_start3A_72 : memref<128x64xf32, #tpu.memory_space<vmem>>) target(%dma_start3A_69 : memref<128x64xf32, #tpu.memory_space<vmem_shared>>) target_semaphore(%run_scoped3A : memref<!tpu.dma_semaphore, #tpu.memory_space<semaphore_mem>>)
      %dma_wait3A_73 = arith.constant 0 : i32
      %dma_wait3A_74 = arith.constant 0 : i32
      %dma_wait3A_75 = tpu.memref_slice %arg10[%dma_wait3A_73, %dma_wait3A_74] : memref<128x64xf32, #tpu.memory_space<vmem>> -> memref<128x64xf32, #tpu.memory_space<vmem>>
      %dma_wait3A_76 = arith.constant 0 : i32
      %dma_wait3A_77 = tpu.memref_slice %arg15[%add3A_17, %dma_wait3A_76] : memref<10112x64xf32, #tpu.memory_space<vmem_shared>> -> memref<128x64xf32, #tpu.memory_space<vmem_shared>>
      %dma_wait3A_78 = arith.constant 0 : i32
      %dma_wait3A_79 = tpu.memref_slice %arg15[%add3A_17, %dma_wait3A_78] : memref<10112x64xf32, #tpu.memory_space<vmem_shared>> -> memref<128x64xf32, #tpu.memory_space<vmem_shared>>
      %dma_wait3A_80 = arith.constant 0 : i32
      %dma_wait3A_81 = arith.constant 0 : i32
      %dma_wait3A_82 = tpu.memref_slice %arg10[%dma_wait3A_80, %dma_wait3A_81] : memref<128x64xf32, #tpu.memory_space<vmem>> -> memref<128x64xf32, #tpu.memory_space<vmem>>
      tpu.wait_dma2 semaphore(%run_scoped3A : memref<!tpu.dma_semaphore, #tpu.memory_space<semaphore_mem>>) src(%dma_wait3A_82 : memref<128x64xf32, #tpu.memory_space<vmem>>) dst(%dma_wait3A_79 : memref<128x64xf32, #tpu.memory_space<vmem_shared>>)
      tpu.yield
    }) : () -> ()
    %add3A_18 = arith.constant 512 : i32
    %add3A_19 = arith.addi %mul3A_0, %add3A_18 : i32
    "tpu.region"() ({
      %run_scoped3A = tpu.sem_alloc : memref<!tpu.dma_semaphore, #tpu.memory_space<semaphore_mem>>
      %dma_start3A = arith.constant 0 : i32
      %dma_start3A_64 = arith.constant 0 : i32
      %dma_start3A_65 = tpu.memref_slice %arg10[%dma_start3A, %dma_start3A_64] : memref<128x64xf32, #tpu.memory_space<vmem>> -> memref<120x64xf32, #tpu.memory_space<vmem>>
      %dma_start3A_66 = arith.constant 0 : i32
      %dma_start3A_67 = tpu.memref_slice %arg15[%add3A_19, %dma_start3A_66] : memref<10112x64xf32, #tpu.memory_space<vmem_shared>> -> memref<120x64xf32, #tpu.memory_space<vmem_shared>>
      %dma_start3A_68 = arith.constant 0 : i32
      %dma_start3A_69 = tpu.memref_slice %arg15[%add3A_19, %dma_start3A_68] : memref<10112x64xf32, #tpu.memory_space<vmem_shared>> -> memref<120x64xf32, #tpu.memory_space<vmem_shared>>
      %dma_start3A_70 = arith.constant 0 : i32
      %dma_start3A_71 = arith.constant 0 : i32
      %dma_start3A_72 = tpu.memref_slice %arg10[%dma_start3A_70, %dma_start3A_71] : memref<128x64xf32, #tpu.memory_space<vmem>> -> memref<120x64xf32, #tpu.memory_space<vmem>>
      tpu.enqueue_dma source(%dma_start3A_72 : memref<120x64xf32, #tpu.memory_space<vmem>>) target(%dma_start3A_69 : memref<120x64xf32, #tpu.memory_space<vmem_shared>>) target_semaphore(%run_scoped3A : memref<!tpu.dma_semaphore, #tpu.memory_space<semaphore_mem>>)
      %dma_wait3A_73 = arith.constant 0 : i32
      %dma_wait3A_74 = arith.constant 0 : i32
      %dma_wait3A_75 = tpu.memref_slice %arg10[%dma_wait3A_73, %dma_wait3A_74] : memref<128x64xf32, #tpu.memory_space<vmem>> -> memref<120x64xf32, #tpu.memory_space<vmem>>
      %dma_wait3A_76 = arith.constant 0 : i32
      %dma_wait3A_77 = tpu.memref_slice %arg15[%add3A_19, %dma_wait3A_76] : memref<10112x64xf32, #tpu.memory_space<vmem_shared>> -> memref<120x64xf32, #tpu.memory_space<vmem_shared>>
      %dma_wait3A_78 = arith.constant 0 : i32
      %dma_wait3A_79 = tpu.memref_slice %arg15[%add3A_19, %dma_wait3A_78] : memref<10112x64xf32, #tpu.memory_space<vmem_shared>> -> memref<120x64xf32, #tpu.memory_space<vmem_shared>>
      %dma_wait3A_80 = arith.constant 0 : i32
      %dma_wait3A_81 = arith.constant 0 : i32
      %dma_wait3A_82 = tpu.memref_slice %arg10[%dma_wait3A_80, %dma_wait3A_81] : memref<128x64xf32, #tpu.memory_space<vmem>> -> memref<120x64xf32, #tpu.memory_space<vmem>>
      tpu.wait_dma2 semaphore(%run_scoped3A : memref<!tpu.dma_semaphore, #tpu.memory_space<semaphore_mem>>) src(%dma_wait3A_82 : memref<120x64xf32, #tpu.memory_space<vmem>>) dst(%dma_wait3A_79 : memref<120x64xf32, #tpu.memory_space<vmem_shared>>)
      tpu.yield
    }) : () -> ()
    %barrier3A = arith.constant 0 : index
    tpu.barrier barrier_id(%barrier3A)
    %scan3A_20 = arith.constant 0 : i32
    %scan3A_21 = arith.constant 0 : i32
    %scan3A_22 = arith.constant 40 : i32
    %scan3A_23 = arith.addi %scan3A_21, %scan3A_22 : i32
    %scan3A_24 = arith.constant 1 : i32
    scf.for %scan3A_64 = %scan3A_21 to %scan3A_23 step %scan3A_24  : i32 {
      %mul3A_65 = arith.constant 40 : i32
      %mul3A_66 = arith.muli %arg1, %mul3A_65 : i32
      %add3A_67 = arith.addi %mul3A_66, %scan3A_64 : i32
      %rem3A = arith.constant 2 : i32
      %rem3A_68 = arith.remsi %scan3A_64, %rem3A : i32
      %mul3A_69 = arith.constant 4 : i32
      %mul3A_70 = arith.muli %rem3A_68, %mul3A_69 : i32
      "tpu.region"() ({
        %run_scoped3A = tpu.sem_alloc : memref<!tpu.dma_semaphore, #tpu.memory_space<semaphore_mem>>
        %dma_start3A_201 = arith.constant 0 : i32
        %dma_start3A_202 = arith.constant 0 : i32
        %dma_start3A_203 = tpu.memref_slice %arg3[%add3A_67, %dma_start3A_201, %dma_start3A_202] : memref<640x4x128xi32, #tpu.memory_space<hbm>> -> memref<1x4x128xi32, #tpu.memory_space<hbm>>
        %dma_start3A_204 = tpu.memref_squeeze %dma_start3A_203 : memref<1x4x128xi32, #tpu.memory_space<hbm>> -> memref<4x128xi32, #tpu.memory_space<hbm>>
        %dma_start3A_205 = arith.constant 0 : i32
        %dma_start3A_206 = arith.constant 0 : i32
        %dma_start3A_207 = tpu.memref_slice %arg3[%add3A_67, %dma_start3A_205, %dma_start3A_206] : memref<640x4x128xi32, #tpu.memory_space<hbm>> -> memref<1x4x128xi32, #tpu.memory_space<hbm>>
        %dma_start3A_208 = tpu.memref_squeeze %dma_start3A_207 : memref<1x4x128xi32, #tpu.memory_space<hbm>> -> memref<4x128xi32, #tpu.memory_space<hbm>>
        tpu.enqueue_dma source(%dma_start3A_208 : memref<4x128xi32, #tpu.memory_space<hbm>>) target(%arg7 : memref<4x128xi32, #tpu.memory_space<vmem>>) target_semaphore(%run_scoped3A : memref<!tpu.dma_semaphore, #tpu.memory_space<semaphore_mem>>)
        %dma_wait3A_209 = arith.constant 0 : i32
        %dma_wait3A_210 = arith.constant 0 : i32
        %dma_wait3A_211 = tpu.memref_slice %arg3[%add3A_67, %dma_wait3A_209, %dma_wait3A_210] : memref<640x4x128xi32, #tpu.memory_space<hbm>> -> memref<1x4x128xi32, #tpu.memory_space<hbm>>
        %dma_wait3A_212 = tpu.memref_squeeze %dma_wait3A_211 : memref<1x4x128xi32, #tpu.memory_space<hbm>> -> memref<4x128xi32, #tpu.memory_space<hbm>>
        %dma_wait3A_213 = arith.constant 0 : i32
        %dma_wait3A_214 = arith.constant 0 : i32
        %dma_wait3A_215 = tpu.memref_slice %arg3[%add3A_67, %dma_wait3A_213, %dma_wait3A_214] : memref<640x4x128xi32, #tpu.memory_space<hbm>> -> memref<1x4x128xi32, #tpu.memory_space<hbm>>
        %dma_wait3A_216 = tpu.memref_squeeze %dma_wait3A_215 : memref<1x4x128xi32, #tpu.memory_space<hbm>> -> memref<4x128xi32, #tpu.memory_space<hbm>>
        tpu.wait_dma2 semaphore(%run_scoped3A : memref<!tpu.dma_semaphore, #tpu.memory_space<semaphore_mem>>) src(%dma_wait3A_216 : memref<4x128xi32, #tpu.memory_space<hbm>>) dst(%arg7 : memref<4x128xi32, #tpu.memory_space<vmem>>)
        tpu.yield
      }) : () -> ()
      "tpu.region"() ({
        %run_scoped3A = tpu.sem_alloc : memref<!tpu.dma_semaphore, #tpu.memory_space<semaphore_mem>>
        %dma_start3A_201 = arith.constant 0 : i32
        %dma_start3A_202 = tpu.memref_slice %arg8[%mul3A_70, %dma_start3A_201] : memref<8x128xi32, #tpu.memory_space<vmem>> -> memref<4x128xi32, #tpu.memory_space<vmem>>
        %dma_start3A_203 = arith.constant 0 : i32
        %dma_start3A_204 = arith.constant 0 : i32
        %dma_start3A_205 = tpu.memref_slice %arg4[%add3A_67, %dma_start3A_203, %dma_start3A_204] : memref<640x4x128xi32, #tpu.memory_space<hbm>> -> memref<1x4x128xi32, #tpu.memory_space<hbm>>
        %dma_start3A_206 = tpu.memref_squeeze %dma_start3A_205 : memref<1x4x128xi32, #tpu.memory_space<hbm>> -> memref<4x128xi32, #tpu.memory_space<hbm>>
        %dma_start3A_207 = arith.constant 0 : i32
        %dma_start3A_208 = tpu.memref_slice %arg8[%mul3A_70, %dma_start3A_207] : memref<8x128xi32, #tpu.memory_space<vmem>> -> memref<4x128xi32, #tpu.memory_space<vmem>>
        %dma_start3A_209 = arith.constant 0 : i32
        %dma_start3A_210 = arith.constant 0 : i32
        %dma_start3A_211 = tpu.memref_slice %arg4[%add3A_67, %dma_start3A_209, %dma_start3A_210] : memref<640x4x128xi32, #tpu.memory_space<hbm>> -> memref<1x4x128xi32, #tpu.memory_space<hbm>>
        %dma_start3A_212 = tpu.memref_squeeze %dma_start3A_211 : memref<1x4x128xi32, #tpu.memory_space<hbm>> -> memref<4x128xi32, #tpu.memory_space<hbm>>
        tpu.enqueue_dma source(%dma_start3A_212 : memref<4x128xi32, #tpu.memory_space<hbm>>) target(%dma_start3A_208 : memref<4x128xi32, #tpu.memory_space<vmem>>) target_semaphore(%run_scoped3A : memref<!tpu.dma_semaphore, #tpu.memory_space<semaphore_mem>>)
        %dma_wait3A_213 = arith.constant 0 : i32
        %dma_wait3A_214 = tpu.memref_slice %arg8[%mul3A_70, %dma_wait3A_213] : memref<8x128xi32, #tpu.memory_space<vmem>> -> memref<4x128xi32, #tpu.memory_space<vmem>>
        %dma_wait3A_215 = arith.constant 0 : i32
        %dma_wait3A_216 = arith.constant 0 : i32
        %dma_wait3A_217 = tpu.memref_slice %arg4[%add3A_67, %dma_wait3A_215, %dma_wait3A_216] : memref<640x4x128xi32, #tpu.memory_space<hbm>> -> memref<1x4x128xi32, #tpu.memory_space<hbm>>
        %dma_wait3A_218 = tpu.memref_squeeze %dma_wait3A_217 : memref<1x4x128xi32, #tpu.memory_space<hbm>> -> memref<4x128xi32, #tpu.memory_space<hbm>>
        %dma_wait3A_219 = arith.constant 0 : i32
        %dma_wait3A_220 = tpu.memref_slice %arg8[%mul3A_70, %dma_wait3A_219] : memref<8x128xi32, #tpu.memory_space<vmem>> -> memref<4x128xi32, #tpu.memory_space<vmem>>
        %dma_wait3A_221 = arith.constant 0 : i32
        %dma_wait3A_222 = arith.constant 0 : i32
        %dma_wait3A_223 = tpu.memref_slice %arg4[%add3A_67, %dma_wait3A_221, %dma_wait3A_222] : memref<640x4x128xi32, #tpu.memory_space<hbm>> -> memref<1x4x128xi32, #tpu.memory_space<hbm>>
        %dma_wait3A_224 = tpu.memref_squeeze %dma_wait3A_223 : memref<1x4x128xi32, #tpu.memory_space<hbm>> -> memref<4x128xi32, #tpu.memory_space<hbm>>
        tpu.wait_dma2 semaphore(%run_scoped3A : memref<!tpu.dma_semaphore, #tpu.memory_space<semaphore_mem>>) src(%dma_wait3A_224 : memref<4x128xi32, #tpu.memory_space<hbm>>) dst(%dma_wait3A_220 : memref<4x128xi32, #tpu.memory_space<vmem>>)
        tpu.yield
      }) : () -> ()
      %mul3A_71 = arith.constant 64 : i32
      %mul3A_72 = arith.muli %add3A_67, %mul3A_71 : i32
      "tpu.region"() ({
        %run_scoped3A = tpu.sem_alloc : memref<!tpu.dma_semaphore, #tpu.memory_space<semaphore_mem>>
        %dma_start3A_201 = arith.constant 0 : i32
        %dma_start3A_202 = tpu.memref_slice %arg5[%dma_start3A_201, %mul3A_72] : memref<128x40960xf32, #tpu.memory_space<hbm>> -> memref<128x64xf32, #tpu.memory_space<hbm>>
        %dma_start3A_203 = arith.constant 0 : i32
        %dma_start3A_204 = tpu.memref_slice %arg5[%dma_start3A_203, %mul3A_72] : memref<128x40960xf32, #tpu.memory_space<hbm>> -> memref<128x64xf32, #tpu.memory_space<hbm>>
        tpu.enqueue_dma source(%dma_start3A_204 : memref<128x64xf32, #tpu.memory_space<hbm>>) target(%arg9 : memref<128x64xf32, #tpu.memory_space<vmem>>) target_semaphore(%run_scoped3A : memref<!tpu.dma_semaphore, #tpu.memory_space<semaphore_mem>>)
        %dma_wait3A_205 = arith.constant 0 : i32
        %dma_wait3A_206 = tpu.memref_slice %arg5[%dma_wait3A_205, %mul3A_72] : memref<128x40960xf32, #tpu.memory_space<hbm>> -> memref<128x64xf32, #tpu.memory_space<hbm>>
        %dma_wait3A_207 = arith.constant 0 : i32
        %dma_wait3A_208 = tpu.memref_slice %arg5[%dma_wait3A_207, %mul3A_72] : memref<128x40960xf32, #tpu.memory_space<hbm>> -> memref<128x64xf32, #tpu.memory_space<hbm>>
        tpu.wait_dma2 semaphore(%run_scoped3A : memref<!tpu.dma_semaphore, #tpu.memory_space<semaphore_mem>>) src(%dma_wait3A_208 : memref<128x64xf32, #tpu.memory_space<hbm>>) dst(%arg9 : memref<128x64xf32, #tpu.memory_space<vmem>>)
        tpu.yield
      }) : () -> ()
      %gt3A = arith.constant 0 : i32
      %gt3A_73 = arith.cmpi sgt, %scan3A_64, %gt3A : i32
      %convert_element_type3A = arith.extui %gt3A_73 : i1 to i32
      %cond3A = arith.constant 0 : i32
      %cond3A_74 = arith.cmpi ne, %convert_element_type3A, %cond3A : i32
      scf.if %cond3A_74 {
        %add3A_201 = arith.constant 0 : i32
        %add3A_202 = arith.addi %mul3A_70, %add3A_201 : i32
        %dma_wait3A_203 = arith.constant 0 : i32
        %dma_wait3A_204 = tpu.memref_slice %arg8[%add3A_202, %dma_wait3A_203] : memref<8x128xi32, #tpu.memory_space<vmem>> -> memref<1x128xi32, #tpu.memory_space<vmem>>
        %dma_wait3A_205 = tpu.memref_squeeze %dma_wait3A_204 : memref<1x128xi32, #tpu.memory_space<vmem>> -> memref<128xi32, #tpu.memory_space<vmem>>
        %dma_wait3A_206 = arith.constant 0 : i32
        %dma_wait3A_207 = arith.constant 0 : i32
        %dma_wait3A_208 = tpu.memref_slice %arg15[%dma_wait3A_206, %dma_wait3A_207] : memref<10112x64xf32, #tpu.memory_space<vmem_shared>> -> memref<10112x64xf32, #tpu.memory_space<vmem_shared>>
        tpu.wait_indirect_dma semaphore(%arg20 : memref<!tpu.dma_semaphore, #tpu.memory_space<semaphore_mem>>) src(%arg10 : memref<128x64xf32, #tpu.memory_space<vmem>>) dst(%dma_wait3A_208 : memref<10112x64xf32, #tpu.memory_space<vmem_shared>>)
      } else {
      }
      %dma_start3A = arith.constant 0 : i32
      %dma_start3A_75 = arith.constant 0 : i32
      %dma_start3A_76 = tpu.memref_slice %arg7[%dma_start3A, %dma_start3A_75] : memref<4x128xi32, #tpu.memory_space<vmem>> -> memref<1x128xi32, #tpu.memory_space<vmem>>
      %dma_start3A_77 = tpu.memref_squeeze %dma_start3A_76 : memref<1x128xi32, #tpu.memory_space<vmem>> -> memref<128xi32, #tpu.memory_space<vmem>>
      %dma_start3A_78 = arith.constant 0 : i32
      %dma_start3A_79 = arith.constant 0 : i32
      %dma_start3A_80 = tpu.memref_slice %arg14[%dma_start3A_78, %dma_start3A_79] : memref<10000x64xf32, #tpu.memory_space<vmem_shared>> -> memref<10000x64xf32, #tpu.memory_space<vmem_shared>>
      tpu.enqueue_indirect_dma source(%dma_start3A_80 : memref<10000x64xf32, #tpu.memory_space<vmem_shared>>) target(%arg10 : memref<128x64xf32, #tpu.memory_space<vmem>>) offsets(%dma_start3A_77 : memref<128xi32, #tpu.memory_space<vmem>>) semaphore(%arg16 : memref<!tpu.dma_semaphore, #tpu.memory_space<semaphore_mem>>)
      %gt3A_81 = arith.constant 0 : i32
      %gt3A_82 = arith.cmpi sgt, %scan3A_64, %gt3A_81 : i32
      %convert_element_type3A_83 = arith.extui %gt3A_82 : i1 to i32
      %cond3A_84 = arith.constant 0 : i32
      %cond3A_85 = arith.cmpi ne, %convert_element_type3A_83, %cond3A_84 : i32
      scf.if %cond3A_85 {
        %add3A_201 = arith.constant 1 : i32
        %add3A_202 = arith.addi %mul3A_70, %add3A_201 : i32
        %dma_wait3A_203 = arith.constant 0 : i32
        %dma_wait3A_204 = tpu.memref_slice %arg8[%add3A_202, %dma_wait3A_203] : memref<8x128xi32, #tpu.memory_space<vmem>> -> memref<1x128xi32, #tpu.memory_space<vmem>>
        %dma_wait3A_205 = tpu.memref_squeeze %dma_wait3A_204 : memref<1x128xi32, #tpu.memory_space<vmem>> -> memref<128xi32, #tpu.memory_space<vmem>>
        %dma_wait3A_206 = arith.constant 0 : i32
        %dma_wait3A_207 = arith.constant 0 : i32
        %dma_wait3A_208 = tpu.memref_slice %arg15[%dma_wait3A_206, %dma_wait3A_207] : memref<10112x64xf32, #tpu.memory_space<vmem_shared>> -> memref<10112x64xf32, #tpu.memory_space<vmem_shared>>
        tpu.wait_indirect_dma semaphore(%arg21 : memref<!tpu.dma_semaphore, #tpu.memory_space<semaphore_mem>>) src(%arg11 : memref<128x64xf32, #tpu.memory_space<vmem>>) dst(%dma_wait3A_208 : memref<10112x64xf32, #tpu.memory_space<vmem_shared>>)
      } else {
      }
      %dma_start3A_86 = arith.constant 1 : i32
      %dma_start3A_87 = arith.constant 0 : i32
      %dma_start3A_88 = tpu.memref_slice %arg7[%dma_start3A_86, %dma_start3A_87] : memref<4x128xi32, #tpu.memory_space<vmem>> -> memref<1x128xi32, #tpu.memory_space<vmem>>
      %dma_start3A_89 = tpu.memref_squeeze %dma_start3A_88 : memref<1x128xi32, #tpu.memory_space<vmem>> -> memref<128xi32, #tpu.memory_space<vmem>>
      %dma_start3A_90 = arith.constant 0 : i32
      %dma_start3A_91 = arith.constant 0 : i32
      %dma_start3A_92 = tpu.memref_slice %arg14[%dma_start3A_90, %dma_start3A_91] : memref<10000x64xf32, #tpu.memory_space<vmem_shared>> -> memref<10000x64xf32, #tpu.memory_space<vmem_shared>>
      tpu.enqueue_indirect_dma source(%dma_start3A_92 : memref<10000x64xf32, #tpu.memory_space<vmem_shared>>) target(%arg11 : memref<128x64xf32, #tpu.memory_space<vmem>>) offsets(%dma_start3A_89 : memref<128xi32, #tpu.memory_space<vmem>>) semaphore(%arg17 : memref<!tpu.dma_semaphore, #tpu.memory_space<semaphore_mem>>)
      %gt3A_93 = arith.constant 0 : i32
      %gt3A_94 = arith.cmpi sgt, %scan3A_64, %gt3A_93 : i32
      %convert_element_type3A_95 = arith.extui %gt3A_94 : i1 to i32
      %cond3A_96 = arith.constant 0 : i32
      %cond3A_97 = arith.cmpi ne, %convert_element_type3A_95, %cond3A_96 : i32
      scf.if %cond3A_97 {
        %add3A_201 = arith.constant 2 : i32
        %add3A_202 = arith.addi %mul3A_70, %add3A_201 : i32
        %dma_wait3A_203 = arith.constant 0 : i32
        %dma_wait3A_204 = tpu.memref_slice %arg8[%add3A_202, %dma_wait3A_203] : memref<8x128xi32, #tpu.memory_space<vmem>> -> memref<1x128xi32, #tpu.memory_space<vmem>>
        %dma_wait3A_205 = tpu.memref_squeeze %dma_wait3A_204 : memref<1x128xi32, #tpu.memory_space<vmem>> -> memref<128xi32, #tpu.memory_space<vmem>>
        %dma_wait3A_206 = arith.constant 0 : i32
        %dma_wait3A_207 = arith.constant 0 : i32
        %dma_wait3A_208 = tpu.memref_slice %arg15[%dma_wait3A_206, %dma_wait3A_207] : memref<10112x64xf32, #tpu.memory_space<vmem_shared>> -> memref<10112x64xf32, #tpu.memory_space<vmem_shared>>
        tpu.wait_indirect_dma semaphore(%arg22 : memref<!tpu.dma_semaphore, #tpu.memory_space<semaphore_mem>>) src(%arg12 : memref<128x64xf32, #tpu.memory_space<vmem>>) dst(%dma_wait3A_208 : memref<10112x64xf32, #tpu.memory_space<vmem_shared>>)
      } else {
      }
      %dma_start3A_98 = arith.constant 2 : i32
      %dma_start3A_99 = arith.constant 0 : i32
      %dma_start3A_100 = tpu.memref_slice %arg7[%dma_start3A_98, %dma_start3A_99] : memref<4x128xi32, #tpu.memory_space<vmem>> -> memref<1x128xi32, #tpu.memory_space<vmem>>
      %dma_start3A_101 = tpu.memref_squeeze %dma_start3A_100 : memref<1x128xi32, #tpu.memory_space<vmem>> -> memref<128xi32, #tpu.memory_space<vmem>>
      %dma_start3A_102 = arith.constant 0 : i32
      %dma_start3A_103 = arith.constant 0 : i32
      %dma_start3A_104 = tpu.memref_slice %arg14[%dma_start3A_102, %dma_start3A_103] : memref<10000x64xf32, #tpu.memory_space<vmem_shared>> -> memref<10000x64xf32, #tpu.memory_space<vmem_shared>>
      tpu.enqueue_indirect_dma source(%dma_start3A_104 : memref<10000x64xf32, #tpu.memory_space<vmem_shared>>) target(%arg12 : memref<128x64xf32, #tpu.memory_space<vmem>>) offsets(%dma_start3A_101 : memref<128xi32, #tpu.memory_space<vmem>>) semaphore(%arg18 : memref<!tpu.dma_semaphore, #tpu.memory_space<semaphore_mem>>)
      %gt3A_105 = arith.constant 0 : i32
      %gt3A_106 = arith.cmpi sgt, %scan3A_64, %gt3A_105 : i32
      %convert_element_type3A_107 = arith.extui %gt3A_106 : i1 to i32
      %cond3A_108 = arith.constant 0 : i32
      %cond3A_109 = arith.cmpi ne, %convert_element_type3A_107, %cond3A_108 : i32
      scf.if %cond3A_109 {
        %add3A_201 = arith.constant 3 : i32
        %add3A_202 = arith.addi %mul3A_70, %add3A_201 : i32
        %dma_wait3A_203 = arith.constant 0 : i32
        %dma_wait3A_204 = tpu.memref_slice %arg8[%add3A_202, %dma_wait3A_203] : memref<8x128xi32, #tpu.memory_space<vmem>> -> memref<1x128xi32, #tpu.memory_space<vmem>>
        %dma_wait3A_205 = tpu.memref_squeeze %dma_wait3A_204 : memref<1x128xi32, #tpu.memory_space<vmem>> -> memref<128xi32, #tpu.memory_space<vmem>>
        %dma_wait3A_206 = arith.constant 0 : i32
        %dma_wait3A_207 = arith.constant 0 : i32
        %dma_wait3A_208 = tpu.memref_slice %arg15[%dma_wait3A_206, %dma_wait3A_207] : memref<10112x64xf32, #tpu.memory_space<vmem_shared>> -> memref<10112x64xf32, #tpu.memory_space<vmem_shared>>
        tpu.wait_indirect_dma semaphore(%arg23 : memref<!tpu.dma_semaphore, #tpu.memory_space<semaphore_mem>>) src(%arg13 : memref<128x64xf32, #tpu.memory_space<vmem>>) dst(%dma_wait3A_208 : memref<10112x64xf32, #tpu.memory_space<vmem_shared>>)
      } else {
      }
      %dma_start3A_110 = arith.constant 3 : i32
      %dma_start3A_111 = arith.constant 0 : i32
      %dma_start3A_112 = tpu.memref_slice %arg7[%dma_start3A_110, %dma_start3A_111] : memref<4x128xi32, #tpu.memory_space<vmem>> -> memref<1x128xi32, #tpu.memory_space<vmem>>
      %dma_start3A_113 = tpu.memref_squeeze %dma_start3A_112 : memref<1x128xi32, #tpu.memory_space<vmem>> -> memref<128xi32, #tpu.memory_space<vmem>>
      %dma_start3A_114 = arith.constant 0 : i32
      %dma_start3A_115 = arith.constant 0 : i32
      %dma_start3A_116 = tpu.memref_slice %arg14[%dma_start3A_114, %dma_start3A_115] : memref<10000x64xf32, #tpu.memory_space<vmem_shared>> -> memref<10000x64xf32, #tpu.memory_space<vmem_shared>>
      tpu.enqueue_indirect_dma source(%dma_start3A_116 : memref<10000x64xf32, #tpu.memory_space<vmem_shared>>) target(%arg13 : memref<128x64xf32, #tpu.memory_space<vmem>>) offsets(%dma_start3A_113 : memref<128xi32, #tpu.memory_space<vmem>>) semaphore(%arg19 : memref<!tpu.dma_semaphore, #tpu.memory_space<semaphore_mem>>)
      %dma_wait3A_117 = arith.constant 0 : i32
      %dma_wait3A_118 = arith.constant 0 : i32
      %dma_wait3A_119 = tpu.memref_slice %arg7[%dma_wait3A_117, %dma_wait3A_118] : memref<4x128xi32, #tpu.memory_space<vmem>> -> memref<1x128xi32, #tpu.memory_space<vmem>>
      %dma_wait3A_120 = tpu.memref_squeeze %dma_wait3A_119 : memref<1x128xi32, #tpu.memory_space<vmem>> -> memref<128xi32, #tpu.memory_space<vmem>>
      %dma_wait3A_121 = arith.constant 0 : i32
      %dma_wait3A_122 = arith.constant 0 : i32
      %dma_wait3A_123 = tpu.memref_slice %arg14[%dma_wait3A_121, %dma_wait3A_122] : memref<10000x64xf32, #tpu.memory_space<vmem_shared>> -> memref<10000x64xf32, #tpu.memory_space<vmem_shared>>
      tpu.wait_indirect_dma semaphore(%arg16 : memref<!tpu.dma_semaphore, #tpu.memory_space<semaphore_mem>>) src(%dma_wait3A_123 : memref<10000x64xf32, #tpu.memory_space<vmem_shared>>) dst(%arg10 : memref<128x64xf32, #tpu.memory_space<vmem>>)
      %scan3A_124 = arith.constant 0 : i32
      %scan3A_125 = arith.constant 0 : i32
      %scan3A_126 = arith.constant 128 : i32
      %scan3A_127 = arith.addi %scan3A_125, %scan3A_126 : i32
      %scan3A_128 = arith.constant 1 : i32
      scf.for %scan3A_201 = %scan3A_125 to %scan3A_127 step %scan3A_128  : i32 {
        %get3A = arith.index_cast %scan3A_201 : i32 to index
        %get3A_202 = arith.constant 0 : index
        %get3A_203 = tpu.vector_load %arg9[%get3A, %get3A_202] {strides = array<i32>} : memref<128x64xf32, #tpu.memory_space<vmem>>, vector<1x16xf32>,
        %get3A_204 = vector.shape_cast %get3A_203 : vector<1x16xf32> to vector<16xf32>
        %get3A_205 = arith.index_cast %scan3A_201 : i32 to index
        %get3A_206 = arith.constant 0 : index
        %get3A_207 = tpu.vector_load %arg10[%get3A_205, %get3A_206] {strides = array<i32>} : memref<128x64xf32, #tpu.memory_space<vmem>>, vector<1x16xf32>,
        %get3A_208 = vector.shape_cast %get3A_207 : vector<1x16xf32> to vector<16xf32>
        %mul3A_209 = arith.mulf %get3A_208, %get3A_204 : vector<16xf32>
        %swap3A = arith.index_cast %scan3A_201 : i32 to index
        %swap3A_210 = arith.constant 0 : index
        %swap3A_211 = tpu.vector_load %arg10[%swap3A, %swap3A_210] {strides = array<i32>} : memref<128x64xf32, #tpu.memory_space<vmem>>, vector<1x16xf32>,
        %swap3A_212 = vector.shape_cast %swap3A_211 : vector<1x16xf32> to vector<16xf32>
        %swap3A_213 = vector.shape_cast %mul3A_209 : vector<16xf32> to vector<1x16xf32>
        tpu.vector_store %arg10[%swap3A, %swap3A_210], %swap3A_213 {strides = array<i32>} : memref<128x64xf32, #tpu.memory_space<vmem>>, vector<1x16xf32>,
        %get3A_214 = arith.index_cast %scan3A_201 : i32 to index
        %get3A_215 = arith.constant 16 : index
        %get3A_216 = tpu.vector_load %arg10[%get3A_214, %get3A_215] {strides = array<i32>} : memref<128x64xf32, #tpu.memory_space<vmem>>, vector<1x16xf32>,
        %get3A_217 = vector.shape_cast %get3A_216 : vector<1x16xf32> to vector<16xf32>
        %mul3A_218 = arith.mulf %get3A_217, %get3A_204 : vector<16xf32>
        %swap3A_219 = arith.index_cast %scan3A_201 : i32 to index
        %swap3A_220 = arith.constant 16 : index
        %swap3A_221 = tpu.vector_load %arg10[%swap3A_219, %swap3A_220] {strides = array<i32>} : memref<128x64xf32, #tpu.memory_space<vmem>>, vector<1x16xf32>,
        %swap3A_222 = vector.shape_cast %swap3A_221 : vector<1x16xf32> to vector<16xf32>
        %swap3A_223 = vector.shape_cast %mul3A_218 : vector<16xf32> to vector<1x16xf32>
        tpu.vector_store %arg10[%swap3A_219, %swap3A_220], %swap3A_223 {strides = array<i32>} : memref<128x64xf32, #tpu.memory_space<vmem>>, vector<1x16xf32>,
        %get3A_224 = arith.index_cast %scan3A_201 : i32 to index
        %get3A_225 = arith.constant 32 : index
        %get3A_226 = tpu.vector_load %arg10[%get3A_224, %get3A_225] {strides = array<i32>} : memref<128x64xf32, #tpu.memory_space<vmem>>, vector<1x16xf32>,
        %get3A_227 = vector.shape_cast %get3A_226 : vector<1x16xf32> to vector<16xf32>
        %mul3A_228 = arith.mulf %get3A_227, %get3A_204 : vector<16xf32>
        %swap3A_229 = arith.index_cast %scan3A_201 : i32 to index
        %swap3A_230 = arith.constant 32 : index
        %swap3A_231 = tpu.vector_load %arg10[%swap3A_229, %swap3A_230] {strides = array<i32>} : memref<128x64xf32, #tpu.memory_space<vmem>>, vector<1x16xf32>,
        %swap3A_232 = vector.shape_cast %swap3A_231 : vector<1x16xf32> to vector<16xf32>
        %swap3A_233 = vector.shape_cast %mul3A_228 : vector<16xf32> to vector<1x16xf32>
        tpu.vector_store %arg10[%swap3A_229, %swap3A_230], %swap3A_233 {strides = array<i32>} : memref<128x64xf32, #tpu.memory_space<vmem>>, vector<1x16xf32>,
        %get3A_234 = arith.index_cast %scan3A_201 : i32 to index
        %get3A_235 = arith.constant 48 : index
        %get3A_236 = tpu.vector_load %arg10[%get3A_234, %get3A_235] {strides = array<i32>} : memref<128x64xf32, #tpu.memory_space<vmem>>, vector<1x16xf32>,
        %get3A_237 = vector.shape_cast %get3A_236 : vector<1x16xf32> to vector<16xf32>
        %mul3A_238 = arith.mulf %get3A_237, %get3A_204 : vector<16xf32>
        %swap3A_239 = arith.index_cast %scan3A_201 : i32 to index
        %swap3A_240 = arith.constant 48 : index
        %swap3A_241 = tpu.vector_load %arg10[%swap3A_239, %swap3A_240] {strides = array<i32>} : memref<128x64xf32, #tpu.memory_space<vmem>>, vector<1x16xf32>,
        %swap3A_242 = vector.shape_cast %swap3A_241 : vector<1x16xf32> to vector<16xf32>
        %swap3A_243 = vector.shape_cast %mul3A_238 : vector<16xf32> to vector<1x16xf32>
        tpu.vector_store %arg10[%swap3A_239, %swap3A_240], %swap3A_243 {strides = array<i32>} : memref<128x64xf32, #tpu.memory_space<vmem>>, vector<1x16xf32>,
      }
      %scan3A_129 = arith.constant 128 : i32
      %add3A_130 = arith.constant 0 : i32
      %add3A_131 = arith.addi %mul3A_70, %add3A_130 : i32
      %dma_start3A_132 = arith.constant 0 : i32
      %dma_start3A_133 = tpu.memref_slice %arg8[%add3A_131, %dma_start3A_132] : memref<8x128xi32, #tpu.memory_space<vmem>> -> memref<1x128xi32, #tpu.memory_space<vmem>>
      %dma_start3A_134 = tpu.memref_squeeze %dma_start3A_133 : memref<1x128xi32, #tpu.memory_space<vmem>> -> memref<128xi32, #tpu.memory_space<vmem>>
      %dma_start3A_135 = arith.constant 0 : i32
      %dma_start3A_136 = arith.constant 0 : i32
      %dma_start3A_137 = tpu.memref_slice %arg15[%dma_start3A_135, %dma_start3A_136] : memref<10112x64xf32, #tpu.memory_space<vmem_shared>> -> memref<10112x64xf32, #tpu.memory_space<vmem_shared>>
      tpu.enqueue_indirect_dma source(%arg10 : memref<128x64xf32, #tpu.memory_space<vmem>>) target(%dma_start3A_137 : memref<10112x64xf32, #tpu.memory_space<vmem_shared>>) offsets(%dma_start3A_134 : memref<128xi32, #tpu.memory_space<vmem>>) semaphore(%arg20 : memref<!tpu.dma_semaphore, #tpu.memory_space<semaphore_mem>>) {add = true}
      %dma_wait3A_138 = arith.constant 1 : i32
      %dma_wait3A_139 = arith.constant 0 : i32
      %dma_wait3A_140 = tpu.memref_slice %arg7[%dma_wait3A_138, %dma_wait3A_139] : memref<4x128xi32, #tpu.memory_space<vmem>> -> memref<1x128xi32, #tpu.memory_space<vmem>>
      %dma_wait3A_141 = tpu.memref_squeeze %dma_wait3A_140 : memref<1x128xi32, #tpu.memory_space<vmem>> -> memref<128xi32, #tpu.memory_space<vmem>>
      %dma_wait3A_142 = arith.constant 0 : i32
      %dma_wait3A_143 = arith.constant 0 : i32
      %dma_wait3A_144 = tpu.memref_slice %arg14[%dma_wait3A_142, %dma_wait3A_143] : memref<10000x64xf32, #tpu.memory_space<vmem_shared>> -> memref<10000x64xf32, #tpu.memory_space<vmem_shared>>
      tpu.wait_indirect_dma semaphore(%arg17 : memref<!tpu.dma_semaphore, #tpu.memory_space<semaphore_mem>>) src(%dma_wait3A_144 : memref<10000x64xf32, #tpu.memory_space<vmem_shared>>) dst(%arg11 : memref<128x64xf32, #tpu.memory_space<vmem>>)
      %scan3A_145 = arith.constant 0 : i32
      %scan3A_146 = arith.constant 0 : i32
      %scan3A_147 = arith.constant 128 : i32
      %scan3A_148 = arith.addi %scan3A_146, %scan3A_147 : i32
      %scan3A_149 = arith.constant 1 : i32
      scf.for %scan3A_201 = %scan3A_146 to %scan3A_148 step %scan3A_149  : i32 {
        %get3A = arith.index_cast %scan3A_201 : i32 to index
        %get3A_202 = arith.constant 16 : index
        %get3A_203 = tpu.vector_load %arg9[%get3A, %get3A_202] {strides = array<i32>} : memref<128x64xf32, #tpu.memory_space<vmem>>, vector<1x16xf32>,
        %get3A_204 = vector.shape_cast %get3A_203 : vector<1x16xf32> to vector<16xf32>
        %get3A_205 = arith.index_cast %scan3A_201 : i32 to index
        %get3A_206 = arith.constant 0 : index
        %get3A_207 = tpu.vector_load %arg11[%get3A_205, %get3A_206] {strides = array<i32>} : memref<128x64xf32, #tpu.memory_space<vmem>>, vector<1x16xf32>,
        %get3A_208 = vector.shape_cast %get3A_207 : vector<1x16xf32> to vector<16xf32>
        %mul3A_209 = arith.mulf %get3A_208, %get3A_204 : vector<16xf32>
        %swap3A = arith.index_cast %scan3A_201 : i32 to index
        %swap3A_210 = arith.constant 0 : index
        %swap3A_211 = tpu.vector_load %arg11[%swap3A, %swap3A_210] {strides = array<i32>} : memref<128x64xf32, #tpu.memory_space<vmem>>, vector<1x16xf32>,
        %swap3A_212 = vector.shape_cast %swap3A_211 : vector<1x16xf32> to vector<16xf32>
        %swap3A_213 = vector.shape_cast %mul3A_209 : vector<16xf32> to vector<1x16xf32>
        tpu.vector_store %arg11[%swap3A, %swap3A_210], %swap3A_213 {strides = array<i32>} : memref<128x64xf32, #tpu.memory_space<vmem>>, vector<1x16xf32>,
        %get3A_214 = arith.index_cast %scan3A_201 : i32 to index
        %get3A_215 = arith.constant 16 : index
        %get3A_216 = tpu.vector_load %arg11[%get3A_214, %get3A_215] {strides = array<i32>} : memref<128x64xf32, #tpu.memory_space<vmem>>, vector<1x16xf32>,
        %get3A_217 = vector.shape_cast %get3A_216 : vector<1x16xf32> to vector<16xf32>
        %mul3A_218 = arith.mulf %get3A_217, %get3A_204 : vector<16xf32>
        %swap3A_219 = arith.index_cast %scan3A_201 : i32 to index
        %swap3A_220 = arith.constant 16 : index
        %swap3A_221 = tpu.vector_load %arg11[%swap3A_219, %swap3A_220] {strides = array<i32>} : memref<128x64xf32, #tpu.memory_space<vmem>>, vector<1x16xf32>,
        %swap3A_222 = vector.shape_cast %swap3A_221 : vector<1x16xf32> to vector<16xf32>
        %swap3A_223 = vector.shape_cast %mul3A_218 : vector<16xf32> to vector<1x16xf32>
        tpu.vector_store %arg11[%swap3A_219, %swap3A_220], %swap3A_223 {strides = array<i32>} : memref<128x64xf32, #tpu.memory_space<vmem>>, vector<1x16xf32>,
        %get3A_224 = arith.index_cast %scan3A_201 : i32 to index
        %get3A_225 = arith.constant 32 : index
        %get3A_226 = tpu.vector_load %arg11[%get3A_224, %get3A_225] {strides = array<i32>} : memref<128x64xf32, #tpu.memory_space<vmem>>, vector<1x16xf32>,
        %get3A_227 = vector.shape_cast %get3A_226 : vector<1x16xf32> to vector<16xf32>
        %mul3A_228 = arith.mulf %get3A_227, %get3A_204 : vector<16xf32>
        %swap3A_229 = arith.index_cast %scan3A_201 : i32 to index
        %swap3A_230 = arith.constant 32 : index
        %swap3A_231 = tpu.vector_load %arg11[%swap3A_229, %swap3A_230] {strides = array<i32>} : memref<128x64xf32, #tpu.memory_space<vmem>>, vector<1x16xf32>,
        %swap3A_232 = vector.shape_cast %swap3A_231 : vector<1x16xf32> to vector<16xf32>
        %swap3A_233 = vector.shape_cast %mul3A_228 : vector<16xf32> to vector<1x16xf32>
        tpu.vector_store %arg11[%swap3A_229, %swap3A_230], %swap3A_233 {strides = array<i32>} : memref<128x64xf32, #tpu.memory_space<vmem>>, vector<1x16xf32>,
        %get3A_234 = arith.index_cast %scan3A_201 : i32 to index
        %get3A_235 = arith.constant 48 : index
        %get3A_236 = tpu.vector_load %arg11[%get3A_234, %get3A_235] {strides = array<i32>} : memref<128x64xf32, #tpu.memory_space<vmem>>, vector<1x16xf32>,
        %get3A_237 = vector.shape_cast %get3A_236 : vector<1x16xf32> to vector<16xf32>
        %mul3A_238 = arith.mulf %get3A_237, %get3A_204 : vector<16xf32>
        %swap3A_239 = arith.index_cast %scan3A_201 : i32 to index
        %swap3A_240 = arith.constant 48 : index
        %swap3A_241 = tpu.vector_load %arg11[%swap3A_239, %swap3A_240] {strides = array<i32>} : memref<128x64xf32, #tpu.memory_space<vmem>>, vector<1x16xf32>,
        %swap3A_242 = vector.shape_cast %swap3A_241 : vector<1x16xf32> to vector<16xf32>
        %swap3A_243 = vector.shape_cast %mul3A_238 : vector<16xf32> to vector<1x16xf32>
        tpu.vector_store %arg11[%swap3A_239, %swap3A_240], %swap3A_243 {strides = array<i32>} : memref<128x64xf32, #tpu.memory_space<vmem>>, vector<1x16xf32>,
      }
      %scan3A_150 = arith.constant 128 : i32
      %add3A_151 = arith.constant 1 : i32
      %add3A_152 = arith.addi %mul3A_70, %add3A_151 : i32
      %dma_start3A_153 = arith.constant 0 : i32
      %dma_start3A_154 = tpu.memref_slice %arg8[%add3A_152, %dma_start3A_153] : memref<8x128xi32, #tpu.memory_space<vmem>> -> memref<1x128xi32, #tpu.memory_space<vmem>>
      %dma_start3A_155 = tpu.memref_squeeze %dma_start3A_154 : memref<1x128xi32, #tpu.memory_space<vmem>> -> memref<128xi32, #tpu.memory_space<vmem>>
      %dma_start3A_156 = arith.constant 0 : i32
      %dma_start3A_157 = arith.constant 0 : i32
      %dma_start3A_158 = tpu.memref_slice %arg15[%dma_start3A_156, %dma_start3A_157] : memref<10112x64xf32, #tpu.memory_space<vmem_shared>> -> memref<10112x64xf32, #tpu.memory_space<vmem_shared>>
      tpu.enqueue_indirect_dma source(%arg11 : memref<128x64xf32, #tpu.memory_space<vmem>>) target(%dma_start3A_158 : memref<10112x64xf32, #tpu.memory_space<vmem_shared>>) offsets(%dma_start3A_155 : memref<128xi32, #tpu.memory_space<vmem>>) semaphore(%arg21 : memref<!tpu.dma_semaphore, #tpu.memory_space<semaphore_mem>>) {add = true}
      %dma_wait3A_159 = arith.constant 2 : i32
      %dma_wait3A_160 = arith.constant 0 : i32
      %dma_wait3A_161 = tpu.memref_slice %arg7[%dma_wait3A_159, %dma_wait3A_160] : memref<4x128xi32, #tpu.memory_space<vmem>> -> memref<1x128xi32, #tpu.memory_space<vmem>>
      %dma_wait3A_162 = tpu.memref_squeeze %dma_wait3A_161 : memref<1x128xi32, #tpu.memory_space<vmem>> -> memref<128xi32, #tpu.memory_space<vmem>>
      %dma_wait3A_163 = arith.constant 0 : i32
      %dma_wait3A_164 = arith.constant 0 : i32
      %dma_wait3A_165 = tpu.memref_slice %arg14[%dma_wait3A_163, %dma_wait3A_164] : memref<10000x64xf32, #tpu.memory_space<vmem_shared>> -> memref<10000x64xf32, #tpu.memory_space<vmem_shared>>
      tpu.wait_indirect_dma semaphore(%arg18 : memref<!tpu.dma_semaphore, #tpu.memory_space<semaphore_mem>>) src(%dma_wait3A_165 : memref<10000x64xf32, #tpu.memory_space<vmem_shared>>) dst(%arg12 : memref<128x64xf32, #tpu.memory_space<vmem>>)
      %scan3A_166 = arith.constant 0 : i32
      %scan3A_167 = arith.constant 0 : i32
      %scan3A_168 = arith.constant 128 : i32
      %scan3A_169 = arith.addi %scan3A_167, %scan3A_168 : i32
      %scan3A_170 = arith.constant 1 : i32
      scf.for %scan3A_201 = %scan3A_167 to %scan3A_169 step %scan3A_170  : i32 {
        %get3A = arith.index_cast %scan3A_201 : i32 to index
        %get3A_202 = arith.constant 32 : index
        %get3A_203 = tpu.vector_load %arg9[%get3A, %get3A_202] {strides = array<i32>} : memref<128x64xf32, #tpu.memory_space<vmem>>, vector<1x16xf32>,
        %get3A_204 = vector.shape_cast %get3A_203 : vector<1x16xf32> to vector<16xf32>
        %get3A_205 = arith.index_cast %scan3A_201 : i32 to index
        %get3A_206 = arith.constant 0 : index
        %get3A_207 = tpu.vector_load %arg12[%get3A_205, %get3A_206] {strides = array<i32>} : memref<128x64xf32, #tpu.memory_space<vmem>>, vector<1x16xf32>,
        %get3A_208 = vector.shape_cast %get3A_207 : vector<1x16xf32> to vector<16xf32>
        %mul3A_209 = arith.mulf %get3A_208, %get3A_204 : vector<16xf32>
        %swap3A = arith.index_cast %scan3A_201 : i32 to index
        %swap3A_210 = arith.constant 0 : index
        %swap3A_211 = tpu.vector_load %arg12[%swap3A, %swap3A_210] {strides = array<i32>} : memref<128x64xf32, #tpu.memory_space<vmem>>, vector<1x16xf32>,
        %swap3A_212 = vector.shape_cast %swap3A_211 : vector<1x16xf32> to vector<16xf32>
        %swap3A_213 = vector.shape_cast %mul3A_209 : vector<16xf32> to vector<1x16xf32>
        tpu.vector_store %arg12[%swap3A, %swap3A_210], %swap3A_213 {strides = array<i32>} : memref<128x64xf32, #tpu.memory_space<vmem>>, vector<1x16xf32>,
        %get3A_214 = arith.index_cast %scan3A_201 : i32 to index
        %get3A_215 = arith.constant 16 : index
        %get3A_216 = tpu.vector_load %arg12[%get3A_214, %get3A_215] {strides = array<i32>} : memref<128x64xf32, #tpu.memory_space<vmem>>, vector<1x16xf32>,
        %get3A_217 = vector.shape_cast %get3A_216 : vector<1x16xf32> to vector<16xf32>
        %mul3A_218 = arith.mulf %get3A_217, %get3A_204 : vector<16xf32>
        %swap3A_219 = arith.index_cast %scan3A_201 : i32 to index
        %swap3A_220 = arith.constant 16 : index
        %swap3A_221 = tpu.vector_load %arg12[%swap3A_219, %swap3A_220] {strides = array<i32>} : memref<128x64xf32, #tpu.memory_space<vmem>>, vector<1x16xf32>,
        %swap3A_222 = vector.shape_cast %swap3A_221 : vector<1x16xf32> to vector<16xf32>
        %swap3A_223 = vector.shape_cast %mul3A_218 : vector<16xf32> to vector<1x16xf32>
        tpu.vector_store %arg12[%swap3A_219, %swap3A_220], %swap3A_223 {strides = array<i32>} : memref<128x64xf32, #tpu.memory_space<vmem>>, vector<1x16xf32>,
        %get3A_224 = arith.index_cast %scan3A_201 : i32 to index
        %get3A_225 = arith.constant 32 : index
        %get3A_226 = tpu.vector_load %arg12[%get3A_224, %get3A_225] {strides = array<i32>} : memref<128x64xf32, #tpu.memory_space<vmem>>, vector<1x16xf32>,
        %get3A_227 = vector.shape_cast %get3A_226 : vector<1x16xf32> to vector<16xf32>
        %mul3A_228 = arith.mulf %get3A_227, %get3A_204 : vector<16xf32>
        %swap3A_229 = arith.index_cast %scan3A_201 : i32 to index
        %swap3A_230 = arith.constant 32 : index
        %swap3A_231 = tpu.vector_load %arg12[%swap3A_229, %swap3A_230] {strides = array<i32>} : memref<128x64xf32, #tpu.memory_space<vmem>>, vector<1x16xf32>,
        %swap3A_232 = vector.shape_cast %swap3A_231 : vector<1x16xf32> to vector<16xf32>
        %swap3A_233 = vector.shape_cast %mul3A_228 : vector<16xf32> to vector<1x16xf32>
        tpu.vector_store %arg12[%swap3A_229, %swap3A_230], %swap3A_233 {strides = array<i32>} : memref<128x64xf32, #tpu.memory_space<vmem>>, vector<1x16xf32>,
        %get3A_234 = arith.index_cast %scan3A_201 : i32 to index
        %get3A_235 = arith.constant 48 : index
        %get3A_236 = tpu.vector_load %arg12[%get3A_234, %get3A_235] {strides = array<i32>} : memref<128x64xf32, #tpu.memory_space<vmem>>, vector<1x16xf32>,
        %get3A_237 = vector.shape_cast %get3A_236 : vector<1x16xf32> to vector<16xf32>
        %mul3A_238 = arith.mulf %get3A_237, %get3A_204 : vector<16xf32>
        %swap3A_239 = arith.index_cast %scan3A_201 : i32 to index
        %swap3A_240 = arith.constant 48 : index
        %swap3A_241 = tpu.vector_load %arg12[%swap3A_239, %swap3A_240] {strides = array<i32>} : memref<128x64xf32, #tpu.memory_space<vmem>>, vector<1x16xf32>,
        %swap3A_242 = vector.shape_cast %swap3A_241 : vector<1x16xf32> to vector<16xf32>
        %swap3A_243 = vector.shape_cast %mul3A_238 : vector<16xf32> to vector<1x16xf32>
        tpu.vector_store %arg12[%swap3A_239, %swap3A_240], %swap3A_243 {strides = array<i32>} : memref<128x64xf32, #tpu.memory_space<vmem>>, vector<1x16xf32>,
      }
      %scan3A_171 = arith.constant 128 : i32
      %add3A_172 = arith.constant 2 : i32
      %add3A_173 = arith.addi %mul3A_70, %add3A_172 : i32
      %dma_start3A_174 = arith.constant 0 : i32
      %dma_start3A_175 = tpu.memref_slice %arg8[%add3A_173, %dma_start3A_174] : memref<8x128xi32, #tpu.memory_space<vmem>> -> memref<1x128xi32, #tpu.memory_space<vmem>>
      %dma_start3A_176 = tpu.memref_squeeze %dma_start3A_175 : memref<1x128xi32, #tpu.memory_space<vmem>> -> memref<128xi32, #tpu.memory_space<vmem>>
      %dma_start3A_177 = arith.constant 0 : i32
      %dma_start3A_178 = arith.constant 0 : i32
      %dma_start3A_179 = tpu.memref_slice %arg15[%dma_start3A_177, %dma_start3A_178] : memref<10112x64xf32, #tpu.memory_space<vmem_shared>> -> memref<10112x64xf32, #tpu.memory_space<vmem_shared>>
      tpu.enqueue_indirect_dma source(%arg12 : memref<128x64xf32, #tpu.memory_space<vmem>>) target(%dma_start3A_179 : memref<10112x64xf32, #tpu.memory_space<vmem_shared>>) offsets(%dma_start3A_176 : memref<128xi32, #tpu.memory_space<vmem>>) semaphore(%arg22 : memref<!tpu.dma_semaphore, #tpu.memory_space<semaphore_mem>>) {add = true}
      %dma_wait3A_180 = arith.constant 3 : i32
      %dma_wait3A_181 = arith.constant 0 : i32
      %dma_wait3A_182 = tpu.memref_slice %arg7[%dma_wait3A_180, %dma_wait3A_181] : memref<4x128xi32, #tpu.memory_space<vmem>> -> memref<1x128xi32, #tpu.memory_space<vmem>>
      %dma_wait3A_183 = tpu.memref_squeeze %dma_wait3A_182 : memref<1x128xi32, #tpu.memory_space<vmem>> -> memref<128xi32, #tpu.memory_space<vmem>>
      %dma_wait3A_184 = arith.constant 0 : i32
      %dma_wait3A_185 = arith.constant 0 : i32
      %dma_wait3A_186 = tpu.memref_slice %arg14[%dma_wait3A_184, %dma_wait3A_185] : memref<10000x64xf32, #tpu.memory_space<vmem_shared>> -> memref<10000x64xf32, #tpu.memory_space<vmem_shared>>
      tpu.wait_indirect_dma semaphore(%arg19 : memref<!tpu.dma_semaphore, #tpu.memory_space<semaphore_mem>>) src(%dma_wait3A_186 : memref<10000x64xf32, #tpu.memory_space<vmem_shared>>) dst(%arg13 : memref<128x64xf32, #tpu.memory_space<vmem>>)
      %scan3A_187 = arith.constant 0 : i32
      %scan3A_188 = arith.constant 0 : i32
      %scan3A_189 = arith.constant 128 : i32
      %scan3A_190 = arith.addi %scan3A_188, %scan3A_189 : i32
      %scan3A_191 = arith.constant 1 : i32
      scf.for %scan3A_201 = %scan3A_188 to %scan3A_190 step %scan3A_191  : i32 {
        %get3A = arith.index_cast %scan3A_201 : i32 to index
        %get3A_202 = arith.constant 48 : index
        %get3A_203 = tpu.vector_load %arg9[%get3A, %get3A_202] {strides = array<i32>} : memref<128x64xf32, #tpu.memory_space<vmem>>, vector<1x16xf32>,
        %get3A_204 = vector.shape_cast %get3A_203 : vector<1x16xf32> to vector<16xf32>
        %get3A_205 = arith.index_cast %scan3A_201 : i32 to index
        %get3A_206 = arith.constant 0 : index
        %get3A_207 = tpu.vector_load %arg13[%get3A_205, %get3A_206] {strides = array<i32>} : memref<128x64xf32, #tpu.memory_space<vmem>>, vector<1x16xf32>,
        %get3A_208 = vector.shape_cast %get3A_207 : vector<1x16xf32> to vector<16xf32>
        %mul3A_209 = arith.mulf %get3A_208, %get3A_204 : vector<16xf32>
        %swap3A = arith.index_cast %scan3A_201 : i32 to index
        %swap3A_210 = arith.constant 0 : index
        %swap3A_211 = tpu.vector_load %arg13[%swap3A, %swap3A_210] {strides = array<i32>} : memref<128x64xf32, #tpu.memory_space<vmem>>, vector<1x16xf32>,
        %swap3A_212 = vector.shape_cast %swap3A_211 : vector<1x16xf32> to vector<16xf32>
        %swap3A_213 = vector.shape_cast %mul3A_209 : vector<16xf32> to vector<1x16xf32>
        tpu.vector_store %arg13[%swap3A, %swap3A_210], %swap3A_213 {strides = array<i32>} : memref<128x64xf32, #tpu.memory_space<vmem>>, vector<1x16xf32>,
        %get3A_214 = arith.index_cast %scan3A_201 : i32 to index
        %get3A_215 = arith.constant 16 : index
        %get3A_216 = tpu.vector_load %arg13[%get3A_214, %get3A_215] {strides = array<i32>} : memref<128x64xf32, #tpu.memory_space<vmem>>, vector<1x16xf32>,
        %get3A_217 = vector.shape_cast %get3A_216 : vector<1x16xf32> to vector<16xf32>
        %mul3A_218 = arith.mulf %get3A_217, %get3A_204 : vector<16xf32>
        %swap3A_219 = arith.index_cast %scan3A_201 : i32 to index
        %swap3A_220 = arith.constant 16 : index
        %swap3A_221 = tpu.vector_load %arg13[%swap3A_219, %swap3A_220] {strides = array<i32>} : memref<128x64xf32, #tpu.memory_space<vmem>>, vector<1x16xf32>,
        %swap3A_222 = vector.shape_cast %swap3A_221 : vector<1x16xf32> to vector<16xf32>
        %swap3A_223 = vector.shape_cast %mul3A_218 : vector<16xf32> to vector<1x16xf32>
        tpu.vector_store %arg13[%swap3A_219, %swap3A_220], %swap3A_223 {strides = array<i32>} : memref<128x64xf32, #tpu.memory_space<vmem>>, vector<1x16xf32>,
        %get3A_224 = arith.index_cast %scan3A_201 : i32 to index
        %get3A_225 = arith.constant 32 : index
        %get3A_226 = tpu.vector_load %arg13[%get3A_224, %get3A_225] {strides = array<i32>} : memref<128x64xf32, #tpu.memory_space<vmem>>, vector<1x16xf32>,
        %get3A_227 = vector.shape_cast %get3A_226 : vector<1x16xf32> to vector<16xf32>
        %mul3A_228 = arith.mulf %get3A_227, %get3A_204 : vector<16xf32>
        %swap3A_229 = arith.index_cast %scan3A_201 : i32 to index
        %swap3A_230 = arith.constant 32 : index
        %swap3A_231 = tpu.vector_load %arg13[%swap3A_229, %swap3A_230] {strides = array<i32>} : memref<128x64xf32, #tpu.memory_space<vmem>>, vector<1x16xf32>,
        %swap3A_232 = vector.shape_cast %swap3A_231 : vector<1x16xf32> to vector<16xf32>
        %swap3A_233 = vector.shape_cast %mul3A_228 : vector<16xf32> to vector<1x16xf32>
        tpu.vector_store %arg13[%swap3A_229, %swap3A_230], %swap3A_233 {strides = array<i32>} : memref<128x64xf32, #tpu.memory_space<vmem>>, vector<1x16xf32>,
        %get3A_234 = arith.index_cast %scan3A_201 : i32 to index
        %get3A_235 = arith.constant 48 : index
        %get3A_236 = tpu.vector_load %arg13[%get3A_234, %get3A_235] {strides = array<i32>} : memref<128x64xf32, #tpu.memory_space<vmem>>, vector<1x16xf32>,
        %get3A_237 = vector.shape_cast %get3A_236 : vector<1x16xf32> to vector<16xf32>
        %mul3A_238 = arith.mulf %get3A_237, %get3A_204 : vector<16xf32>
        %swap3A_239 = arith.index_cast %scan3A_201 : i32 to index
        %swap3A_240 = arith.constant 48 : index
        %swap3A_241 = tpu.vector_load %arg13[%swap3A_239, %swap3A_240] {strides = array<i32>} : memref<128x64xf32, #tpu.memory_space<vmem>>, vector<1x16xf32>,
        %swap3A_242 = vector.shape_cast %swap3A_241 : vector<1x16xf32> to vector<16xf32>
        %swap3A_243 = vector.shape_cast %mul3A_238 : vector<16xf32> to vector<1x16xf32>
        tpu.vector_store %arg13[%swap3A_239, %swap3A_240], %swap3A_243 {strides = array<i32>} : memref<128x64xf32, #tpu.memory_space<vmem>>, vector<1x16xf32>,
      }
      %scan3A_192 = arith.constant 128 : i32
      %add3A_193 = arith.constant 3 : i32
      %add3A_194 = arith.addi %mul3A_70, %add3A_193 : i32
      %dma_start3A_195 = arith.constant 0 : i32
      %dma_start3A_196 = tpu.memref_slice %arg8[%add3A_194, %dma_start3A_195] : memref<8x128xi32, #tpu.memory_space<vmem>> -> memref<1x128xi32, #tpu.memory_space<vmem>>
      %dma_start3A_197 = tpu.memref_squeeze %dma_start3A_196 : memref<1x128xi32, #tpu.memory_space<vmem>> -> memref<128xi32, #tpu.memory_space<vmem>>
      %dma_start3A_198 = arith.constant 0 : i32
      %dma_start3A_199 = arith.constant 0 : i32
      %dma_start3A_200 = tpu.memref_slice %arg15[%dma_start3A_198, %dma_start3A_199] : memref<10112x64xf32, #tpu.memory_space<vmem_shared>> -> memref<10112x64xf32, #tpu.memory_space<vmem_shared>>
      tpu.enqueue_indirect_dma source(%arg13 : memref<128x64xf32, #tpu.memory_space<vmem>>) target(%dma_start3A_200 : memref<10112x64xf32, #tpu.memory_space<vmem_shared>>) offsets(%dma_start3A_197 : memref<128xi32, #tpu.memory_space<vmem>>) semaphore(%arg23 : memref<!tpu.dma_semaphore, #tpu.memory_space<semaphore_mem>>) {add = true}
    }
    %scan3A_25 = arith.constant 40 : i32
    %dma_wait3A = arith.constant 4 : i32
    %dma_wait3A_26 = arith.constant 0 : i32
    %dma_wait3A_27 = tpu.memref_slice %arg8[%dma_wait3A, %dma_wait3A_26] : memref<8x128xi32, #tpu.memory_space<vmem>> -> memref<1x128xi32, #tpu.memory_space<vmem>>
    %dma_wait3A_28 = tpu.memref_squeeze %dma_wait3A_27 : memref<1x128xi32, #tpu.memory_space<vmem>> -> memref<128xi32, #tpu.memory_space<vmem>>
    %dma_wait3A_29 = arith.constant 0 : i32
    %dma_wait3A_30 = arith.constant 0 : i32
    %dma_wait3A_31 = tpu.memref_slice %arg15[%dma_wait3A_29, %dma_wait3A_30] : memref<10112x64xf32, #tpu.memory_space<vmem_shared>> -> memref<10112x64xf32, #tpu.memory_space<vmem_shared>>
    tpu.wait_indirect_dma semaphore(%arg20 : memref<!tpu.dma_semaphore, #tpu.memory_space<semaphore_mem>>) src(%arg10 : memref<128x64xf32, #tpu.memory_space<vmem>>) dst(%dma_wait3A_31 : memref<10112x64xf32, #tpu.memory_space<vmem_shared>>)
    %dma_wait3A_32 = arith.constant 5 : i32
    %dma_wait3A_33 = arith.constant 0 : i32
    %dma_wait3A_34 = tpu.memref_slice %arg8[%dma_wait3A_32, %dma_wait3A_33] : memref<8x128xi32, #tpu.memory_space<vmem>> -> memref<1x128xi32, #tpu.memory_space<vmem>>
    %dma_wait3A_35 = tpu.memref_squeeze %dma_wait3A_34 : memref<1x128xi32, #tpu.memory_space<vmem>> -> memref<128xi32, #tpu.memory_space<vmem>>
    %dma_wait3A_36 = arith.constant 0 : i32
    %dma_wait3A_37 = arith.constant 0 : i32
    %dma_wait3A_38 = tpu.memref_slice %arg15[%dma_wait3A_36, %dma_wait3A_37] : memref<10112x64xf32, #tpu.memory_space<vmem_shared>> -> memref<10112x64xf32, #tpu.memory_space<vmem_shared>>
    tpu.wait_indirect_dma semaphore(%arg21 : memref<!tpu.dma_semaphore, #tpu.memory_space<semaphore_mem>>) src(%arg11 : memref<128x64xf32, #tpu.memory_space<vmem>>) dst(%dma_wait3A_38 : memref<10112x64xf32, #tpu.memory_space<vmem_shared>>)
    %dma_wait3A_39 = arith.constant 6 : i32
    %dma_wait3A_40 = arith.constant 0 : i32
    %dma_wait3A_41 = tpu.memref_slice %arg8[%dma_wait3A_39, %dma_wait3A_40] : memref<8x128xi32, #tpu.memory_space<vmem>> -> memref<1x128xi32, #tpu.memory_space<vmem>>
    %dma_wait3A_42 = tpu.memref_squeeze %dma_wait3A_41 : memref<1x128xi32, #tpu.memory_space<vmem>> -> memref<128xi32, #tpu.memory_space<vmem>>
    %dma_wait3A_43 = arith.constant 0 : i32
    %dma_wait3A_44 = arith.constant 0 : i32
    %dma_wait3A_45 = tpu.memref_slice %arg15[%dma_wait3A_43, %dma_wait3A_44] : memref<10112x64xf32, #tpu.memory_space<vmem_shared>> -> memref<10112x64xf32, #tpu.memory_space<vmem_shared>>
    tpu.wait_indirect_dma semaphore(%arg22 : memref<!tpu.dma_semaphore, #tpu.memory_space<semaphore_mem>>) src(%arg12 : memref<128x64xf32, #tpu.memory_space<vmem>>) dst(%dma_wait3A_45 : memref<10112x64xf32, #tpu.memory_space<vmem_shared>>)
    %dma_wait3A_46 = arith.constant 7 : i32
    %dma_wait3A_47 = arith.constant 0 : i32
    %dma_wait3A_48 = tpu.memref_slice %arg8[%dma_wait3A_46, %dma_wait3A_47] : memref<8x128xi32, #tpu.memory_space<vmem>> -> memref<1x128xi32, #tpu.memory_space<vmem>>
    %dma_wait3A_49 = tpu.memref_squeeze %dma_wait3A_48 : memref<1x128xi32, #tpu.memory_space<vmem>> -> memref<128xi32, #tpu.memory_space<vmem>>
    %dma_wait3A_50 = arith.constant 0 : i32
    %dma_wait3A_51 = arith.constant 0 : i32
    %dma_wait3A_52 = tpu.memref_slice %arg15[%dma_wait3A_50, %dma_wait3A_51] : memref<10112x64xf32, #tpu.memory_space<vmem_shared>> -> memref<10112x64xf32, #tpu.memory_space<vmem_shared>>
    tpu.wait_indirect_dma semaphore(%arg23 : memref<!tpu.dma_semaphore, #tpu.memory_space<semaphore_mem>>) src(%arg13 : memref<128x64xf32, #tpu.memory_space<vmem>>) dst(%dma_wait3A_52 : memref<10112x64xf32, #tpu.memory_space<vmem_shared>>)
    %barrier3A_53 = arith.constant 0 : index
    tpu.barrier barrier_id(%barrier3A_53)
    %add3A_54 = arith.constant 0 : i32
    %add3A_55 = arith.addi %mul3A_0, %add3A_54 : i32
    "tpu.region"() ({
      %run_scoped3A = tpu.sem_alloc : memref<!tpu.dma_semaphore, #tpu.memory_space<semaphore_mem>>
      %dma_start3A = arith.constant 0 : i32
      %dma_start3A_64 = tpu.memref_slice %arg6[%arg0, %add3A_55, %dma_start3A] : memref<2x10112x64xf32, #tpu.memory_space<hbm>> -> memref<1x128x64xf32, #tpu.memory_space<hbm>>
      %dma_start3A_65 = tpu.memref_squeeze %dma_start3A_64 : memref<1x128x64xf32, #tpu.memory_space<hbm>> -> memref<128x64xf32, #tpu.memory_space<hbm>>
      %dma_start3A_66 = arith.constant 0 : i32
      %dma_start3A_67 = tpu.memref_slice %arg15[%add3A_55, %dma_start3A_66] : memref<10112x64xf32, #tpu.memory_space<vmem_shared>> -> memref<128x64xf32, #tpu.memory_space<vmem_shared>>
      tpu.enqueue_dma source(%dma_start3A_67 : memref<128x64xf32, #tpu.memory_space<vmem_shared>>) target(%dma_start3A_65 : memref<128x64xf32, #tpu.memory_space<hbm>>) target_semaphore(%run_scoped3A : memref<!tpu.dma_semaphore, #tpu.memory_space<semaphore_mem>>)
      %dma_wait3A_68 = arith.constant 0 : i32
      %dma_wait3A_69 = tpu.memref_slice %arg6[%arg0, %add3A_55, %dma_wait3A_68] : memref<2x10112x64xf32, #tpu.memory_space<hbm>> -> memref<1x128x64xf32, #tpu.memory_space<hbm>>
      %dma_wait3A_70 = tpu.memref_squeeze %dma_wait3A_69 : memref<1x128x64xf32, #tpu.memory_space<hbm>> -> memref<128x64xf32, #tpu.memory_space<hbm>>
      %dma_wait3A_71 = arith.constant 0 : i32
      %dma_wait3A_72 = tpu.memref_slice %arg15[%add3A_55, %dma_wait3A_71] : memref<10112x64xf32, #tpu.memory_space<vmem_shared>> -> memref<128x64xf32, #tpu.memory_space<vmem_shared>>
      tpu.wait_dma2 semaphore(%run_scoped3A : memref<!tpu.dma_semaphore, #tpu.memory_space<semaphore_mem>>) src(%dma_wait3A_72 : memref<128x64xf32, #tpu.memory_space<vmem_shared>>) dst(%dma_wait3A_70 : memref<128x64xf32, #tpu.memory_space<hbm>>)
      tpu.yield
    }) : () -> ()
    %add3A_56 = arith.constant 128 : i32
    %add3A_57 = arith.addi %mul3A_0, %add3A_56 : i32
    "tpu.region"() ({
      %run_scoped3A = tpu.sem_alloc : memref<!tpu.dma_semaphore, #tpu.memory_space<semaphore_mem>>
      %dma_start3A = arith.constant 0 : i32
      %dma_start3A_64 = tpu.memref_slice %arg6[%arg0, %add3A_57, %dma_start3A] : memref<2x10112x64xf32, #tpu.memory_space<hbm>> -> memref<1x128x64xf32, #tpu.memory_space<hbm>>
      %dma_start3A_65 = tpu.memref_squeeze %dma_start3A_64 : memref<1x128x64xf32, #tpu.memory_space<hbm>> -> memref<128x64xf32, #tpu.memory_space<hbm>>
      %dma_start3A_66 = arith.constant 0 : i32
      %dma_start3A_67 = tpu.memref_slice %arg15[%add3A_57, %dma_start3A_66] : memref<10112x64xf32, #tpu.memory_space<vmem_shared>> -> memref<128x64xf32, #tpu.memory_space<vmem_shared>>
      tpu.enqueue_dma source(%dma_start3A_67 : memref<128x64xf32, #tpu.memory_space<vmem_shared>>) target(%dma_start3A_65 : memref<128x64xf32, #tpu.memory_space<hbm>>) target_semaphore(%run_scoped3A : memref<!tpu.dma_semaphore, #tpu.memory_space<semaphore_mem>>)
      %dma_wait3A_68 = arith.constant 0 : i32
      %dma_wait3A_69 = tpu.memref_slice %arg6[%arg0, %add3A_57, %dma_wait3A_68] : memref<2x10112x64xf32, #tpu.memory_space<hbm>> -> memref<1x128x64xf32, #tpu.memory_space<hbm>>
      %dma_wait3A_70 = tpu.memref_squeeze %dma_wait3A_69 : memref<1x128x64xf32, #tpu.memory_space<hbm>> -> memref<128x64xf32, #tpu.memory_space<hbm>>
      %dma_wait3A_71 = arith.constant 0 : i32
      %dma_wait3A_72 = tpu.memref_slice %arg15[%add3A_57, %dma_wait3A_71] : memref<10112x64xf32, #tpu.memory_space<vmem_shared>> -> memref<128x64xf32, #tpu.memory_space<vmem_shared>>
      tpu.wait_dma2 semaphore(%run_scoped3A : memref<!tpu.dma_semaphore, #tpu.memory_space<semaphore_mem>>) src(%dma_wait3A_72 : memref<128x64xf32, #tpu.memory_space<vmem_shared>>) dst(%dma_wait3A_70 : memref<128x64xf32, #tpu.memory_space<hbm>>)
      tpu.yield
    }) : () -> ()
    %add3A_58 = arith.constant 256 : i32
    %add3A_59 = arith.addi %mul3A_0, %add3A_58 : i32
    "tpu.region"() ({
      %run_scoped3A = tpu.sem_alloc : memref<!tpu.dma_semaphore, #tpu.memory_space<semaphore_mem>>
      %dma_start3A = arith.constant 0 : i32
      %dma_start3A_64 = tpu.memref_slice %arg6[%arg0, %add3A_59, %dma_start3A] : memref<2x10112x64xf32, #tpu.memory_space<hbm>> -> memref<1x128x64xf32, #tpu.memory_space<hbm>>
      %dma_start3A_65 = tpu.memref_squeeze %dma_start3A_64 : memref<1x128x64xf32, #tpu.memory_space<hbm>> -> memref<128x64xf32, #tpu.memory_space<hbm>>
      %dma_start3A_66 = arith.constant 0 : i32
      %dma_start3A_67 = tpu.memref_slice %arg15[%add3A_59, %dma_start3A_66] : memref<10112x64xf32, #tpu.memory_space<vmem_shared>> -> memref<128x64xf32, #tpu.memory_space<vmem_shared>>
      tpu.enqueue_dma source(%dma_start3A_67 : memref<128x64xf32, #tpu.memory_space<vmem_shared>>) target(%dma_start3A_65 : memref<128x64xf32, #tpu.memory_space<hbm>>) target_semaphore(%run_scoped3A : memref<!tpu.dma_semaphore, #tpu.memory_space<semaphore_mem>>)
      %dma_wait3A_68 = arith.constant 0 : i32
      %dma_wait3A_69 = tpu.memref_slice %arg6[%arg0, %add3A_59, %dma_wait3A_68] : memref<2x10112x64xf32, #tpu.memory_space<hbm>> -> memref<1x128x64xf32, #tpu.memory_space<hbm>>
      %dma_wait3A_70 = tpu.memref_squeeze %dma_wait3A_69 : memref<1x128x64xf32, #tpu.memory_space<hbm>> -> memref<128x64xf32, #tpu.memory_space<hbm>>
      %dma_wait3A_71 = arith.constant 0 : i32
      %dma_wait3A_72 = tpu.memref_slice %arg15[%add3A_59, %dma_wait3A_71] : memref<10112x64xf32, #tpu.memory_space<vmem_shared>> -> memref<128x64xf32, #tpu.memory_space<vmem_shared>>
      tpu.wait_dma2 semaphore(%run_scoped3A : memref<!tpu.dma_semaphore, #tpu.memory_space<semaphore_mem>>) src(%dma_wait3A_72 : memref<128x64xf32, #tpu.memory_space<vmem_shared>>) dst(%dma_wait3A_70 : memref<128x64xf32, #tpu.memory_space<hbm>>)
      tpu.yield
    }) : () -> ()
    %add3A_60 = arith.constant 384 : i32
    %add3A_61 = arith.addi %mul3A_0, %add3A_60 : i32
    "tpu.region"() ({
      %run_scoped3A = tpu.sem_alloc : memref<!tpu.dma_semaphore, #tpu.memory_space<semaphore_mem>>
      %dma_start3A = arith.constant 0 : i32
      %dma_start3A_64 = tpu.memref_slice %arg6[%arg0, %add3A_61, %dma_start3A] : memref<2x10112x64xf32, #tpu.memory_space<hbm>> -> memref<1x128x64xf32, #tpu.memory_space<hbm>>
      %dma_start3A_65 = tpu.memref_squeeze %dma_start3A_64 : memref<1x128x64xf32, #tpu.memory_space<hbm>> -> memref<128x64xf32, #tpu.memory_space<hbm>>
      %dma_start3A_66 = arith.constant 0 : i32
      %dma_start3A_67 = tpu.memref_slice %arg15[%add3A_61, %dma_start3A_66] : memref<10112x64xf32, #tpu.memory_space<vmem_shared>> -> memref<128x64xf32, #tpu.memory_space<vmem_shared>>
      tpu.enqueue_dma source(%dma_start3A_67 : memref<128x64xf32, #tpu.memory_space<vmem_shared>>) target(%dma_start3A_65 : memref<128x64xf32, #tpu.memory_space<hbm>>) target_semaphore(%run_scoped3A : memref<!tpu.dma_semaphore, #tpu.memory_space<semaphore_mem>>)
      %dma_wait3A_68 = arith.constant 0 : i32
      %dma_wait3A_69 = tpu.memref_slice %arg6[%arg0, %add3A_61, %dma_wait3A_68] : memref<2x10112x64xf32, #tpu.memory_space<hbm>> -> memref<1x128x64xf32, #tpu.memory_space<hbm>>
      %dma_wait3A_70 = tpu.memref_squeeze %dma_wait3A_69 : memref<1x128x64xf32, #tpu.memory_space<hbm>> -> memref<128x64xf32, #tpu.memory_space<hbm>>
      %dma_wait3A_71 = arith.constant 0 : i32
      %dma_wait3A_72 = tpu.memref_slice %arg15[%add3A_61, %dma_wait3A_71] : memref<10112x64xf32, #tpu.memory_space<vmem_shared>> -> memref<128x64xf32, #tpu.memory_space<vmem_shared>>
      tpu.wait_dma2 semaphore(%run_scoped3A : memref<!tpu.dma_semaphore, #tpu.memory_space<semaphore_mem>>) src(%dma_wait3A_72 : memref<128x64xf32, #tpu.memory_space<vmem_shared>>) dst(%dma_wait3A_70 : memref<128x64xf32, #tpu.memory_space<hbm>>)
      tpu.yield
    }) : () -> ()
    %add3A_62 = arith.constant 512 : i32
    %add3A_63 = arith.addi %mul3A_0, %add3A_62 : i32
    "tpu.region"() ({
      %run_scoped3A = tpu.sem_alloc : memref<!tpu.dma_semaphore, #tpu.memory_space<semaphore_mem>>
      %dma_start3A = arith.constant 0 : i32
      %dma_start3A_64 = tpu.memref_slice %arg6[%arg0, %add3A_63, %dma_start3A] : memref<2x10112x64xf32, #tpu.memory_space<hbm>> -> memref<1x120x64xf32, #tpu.memory_space<hbm>>
      %dma_start3A_65 = tpu.memref_squeeze %dma_start3A_64 : memref<1x120x64xf32, #tpu.memory_space<hbm>> -> memref<120x64xf32, #tpu.memory_space<hbm>>
      %dma_start3A_66 = arith.constant 0 : i32
      %dma_start3A_67 = tpu.memref_slice %arg15[%add3A_63, %dma_start3A_66] : memref<10112x64xf32, #tpu.memory_space<vmem_shared>> -> memref<120x64xf32, #tpu.memory_space<vmem_shared>>
      tpu.enqueue_dma source(%dma_start3A_67 : memref<120x64xf32, #tpu.memory_space<vmem_shared>>) target(%dma_start3A_65 : memref<120x64xf32, #tpu.memory_space<hbm>>) target_semaphore(%run_scoped3A : memref<!tpu.dma_semaphore, #tpu.memory_space<semaphore_mem>>)
      %dma_wait3A_68 = arith.constant 0 : i32
      %dma_wait3A_69 = tpu.memref_slice %arg6[%arg0, %add3A_63, %dma_wait3A_68] : memref<2x10112x64xf32, #tpu.memory_space<hbm>> -> memref<1x120x64xf32, #tpu.memory_space<hbm>>
      %dma_wait3A_70 = tpu.memref_squeeze %dma_wait3A_69 : memref<1x120x64xf32, #tpu.memory_space<hbm>> -> memref<120x64xf32, #tpu.memory_space<hbm>>
      %dma_wait3A_71 = arith.constant 0 : i32
      %dma_wait3A_72 = tpu.memref_slice %arg15[%add3A_63, %dma_wait3A_71] : memref<10112x64xf32, #tpu.memory_space<vmem_shared>> -> memref<120x64xf32, #tpu.memory_space<vmem_shared>>
      tpu.wait_dma2 semaphore(%run_scoped3A : memref<!tpu.dma_semaphore, #tpu.memory_space<semaphore_mem>>) src(%dma_wait3A_72 : memref<120x64xf32, #tpu.memory_space<vmem_shared>>) dst(%dma_wait3A_70 : memref<120x64xf32, #tpu.memory_space<hbm>>)
      tpu.yield
    }) : () -> ()
    return
  }
}

#map = affine_map<(d0, d1) -> (0, 0, 0)>
#map1 = affine_map<(d0, d1) -> (0, 0)>
module attributes {stable_mosaic.version = 14 : i64} {
  func.func @_sc_feat_body(%arg0: i32, %arg1: i32, %arg2: memref<2x10000x64xf32, #tpu.memory_space<hbm>>, %arg3: memref<640x4x128xi32, #tpu.memory_space<hbm>>, %arg4: memref<640x4x128xi32, #tpu.memory_space<hbm>>, %arg5: memref<128x40960xf32, #tpu.memory_space<hbm>>, %arg6: memref<2x10112x64xf32, #tpu.memory_space<hbm>>, %arg7: memref<4x128xi32, #tpu.memory_space<vmem>>, %arg8: memref<8x128xi32, #tpu.memory_space<vmem>>, %arg9: memref<128x64xf32, #tpu.memory_space<vmem>>, %arg10: memref<128x64xf32, #tpu.memory_space<vmem>>, %arg11: memref<128x64xf32, #tpu.memory_space<vmem>>, %arg12: memref<128x64xf32, #tpu.memory_space<vmem>>, %arg13: memref<128x64xf32, #tpu.memory_space<vmem>>, %arg14: memref<10000x64xf32, #tpu.memory_space<vmem_shared>>, %arg15: memref<10112x64xf32, #tpu.memory_space<vmem_shared>>, %arg16: memref<!tpu.dma_semaphore, #tpu.memory_space<semaphore_mem>>, %arg17: memref<!tpu.dma_semaphore, #tpu.memory_space<semaphore_mem>>, %arg18: memref<!tpu.dma_semaphore, #tpu.memory_space<semaphore_mem>>, %arg19: memref<!tpu.dma_semaphore, #tpu.memory_space<semaphore_mem>>, %arg20: memref<!tpu.dma_semaphore, #tpu.memory_space<semaphore_mem>>, %arg21: memref<!tpu.dma_semaphore, #tpu.memory_space<semaphore_mem>>, %arg22: memref<!tpu.dma_semaphore, #tpu.memory_space<semaphore_mem>>, %arg23: memref<!tpu.dma_semaphore, #tpu.memory_space<semaphore_mem>>) attributes {dimension_semantics = [#tpu.dimension_semantics<core_parallel>, #tpu.dimension_semantics<subcore_parallel>], iteration_bounds = array<i64: 2, 16>, scalar_prefetch = 0 : i64, scratch_operands = 17 : i64, tpu.core_type = #tpu.core_type<sc_vector_subcore>, window_params = [{transform_indices = #map}, {transform_indices = #map}, {transform_indices = #map}, {transform_indices = #map1}, {transform_indices = #map}]} {
    %mul3A = arith.constant 632 : i32
    %mul3A_0 = arith.muli %arg1, %mul3A : i32
    %mul3A_1 = arith.constant 625 : i32
    %mul3A_2 = arith.muli %arg1, %mul3A_1 : i32
    %mul3A_3 = arith.constant 625 : i32
    %mul3A_4 = arith.muli %arg1, %mul3A_3 : i32
    "tpu.region"() ({
      %run_scoped3A = tpu.sem_alloc : memref<!tpu.dma_semaphore, #tpu.memory_space<semaphore_mem>>
      %dma_start3A = arith.constant 0 : i32
      %dma_start3A_64 = tpu.memref_slice %arg14[%mul3A_4, %dma_start3A] : memref<10000x64xf32, #tpu.memory_space<vmem_shared>> -> memref<625x64xf32, #tpu.memory_space<vmem_shared>>
      %dma_start3A_65 = arith.constant 0 : i32
      %dma_start3A_66 = tpu.memref_slice %arg2[%arg0, %mul3A_2, %dma_start3A_65] : memref<2x10000x64xf32, #tpu.memory_space<hbm>> -> memref<1x625x64xf32, #tpu.memory_space<hbm>>
      %dma_start3A_67 = tpu.memref_squeeze %dma_start3A_66 : memref<1x625x64xf32, #tpu.memory_space<hbm>> -> memref<625x64xf32, #tpu.memory_space<hbm>>
      tpu.enqueue_dma source(%dma_start3A_67 : memref<625x64xf32, #tpu.memory_space<hbm>>) target(%dma_start3A_64 : memref<625x64xf32, #tpu.memory_space<vmem_shared>>) target_semaphore(%run_scoped3A : memref<!tpu.dma_semaphore, #tpu.memory_space<semaphore_mem>>)
      %dma_wait3A_68 = arith.constant 0 : i32
      %dma_wait3A_69 = tpu.memref_slice %arg14[%mul3A_4, %dma_wait3A_68] : memref<10000x64xf32, #tpu.memory_space<vmem_shared>> -> memref<625x64xf32, #tpu.memory_space<vmem_shared>>
      %dma_wait3A_70 = arith.constant 0 : i32
      %dma_wait3A_71 = tpu.memref_slice %arg2[%arg0, %mul3A_2, %dma_wait3A_70] : memref<2x10000x64xf32, #tpu.memory_space<hbm>> -> memref<1x625x64xf32, #tpu.memory_space<hbm>>
      %dma_wait3A_72 = tpu.memref_squeeze %dma_wait3A_71 : memref<1x625x64xf32, #tpu.memory_space<hbm>> -> memref<625x64xf32, #tpu.memory_space<hbm>>
      tpu.wait_dma2 semaphore(%run_scoped3A : memref<!tpu.dma_semaphore, #tpu.memory_space<semaphore_mem>>) src(%dma_wait3A_72 : memref<625x64xf32, #tpu.memory_space<hbm>>) dst(%dma_wait3A_69 : memref<625x64xf32, #tpu.memory_space<vmem_shared>>)
      tpu.yield
    }) : () -> ()
    %broadcast_in_dim3A = arith.constant 0.000000e+00 : f32
    %broadcast_in_dim3A_5 = vector.broadcast %broadcast_in_dim3A : f32 to vector<16xf32>
    %scan3A = arith.constant 0 : i32
    %scan3A_6 = arith.constant 0 : i32
    %scan3A_7 = arith.constant 128 : i32
    %scan3A_8 = arith.addi %scan3A_6, %scan3A_7 : i32
    %scan3A_9 = arith.constant 1 : i32
    scf.for %scan3A_64 = %scan3A_6 to %scan3A_8 step %scan3A_9  : i32 {
      %swap3A = arith.index_cast %scan3A_64 : i32 to index
      %swap3A_65 = arith.constant 0 : index
      %swap3A_66 = tpu.vector_load %arg10[%swap3A, %swap3A_65] {strides = array<i32>} : memref<128x64xf32, #tpu.memory_space<vmem>>, vector<1x16xf32>,
      %swap3A_67 = vector.shape_cast %swap3A_66 : vector<1x16xf32> to vector<16xf32>
      %swap3A_68 = vector.shape_cast %broadcast_in_dim3A_5 : vector<16xf32> to vector<1x16xf32>
      tpu.vector_store %arg10[%swap3A, %swap3A_65], %swap3A_68 {strides = array<i32>} : memref<128x64xf32, #tpu.memory_space<vmem>>, vector<1x16xf32>,
      %swap3A_69 = arith.index_cast %scan3A_64 : i32 to index
      %swap3A_70 = arith.constant 16 : index
      %swap3A_71 = tpu.vector_load %arg10[%swap3A_69, %swap3A_70] {strides = array<i32>} : memref<128x64xf32, #tpu.memory_space<vmem>>, vector<1x16xf32>,
      %swap3A_72 = vector.shape_cast %swap3A_71 : vector<1x16xf32> to vector<16xf32>
      %swap3A_73 = vector.shape_cast %broadcast_in_dim3A_5 : vector<16xf32> to vector<1x16xf32>
      tpu.vector_store %arg10[%swap3A_69, %swap3A_70], %swap3A_73 {strides = array<i32>} : memref<128x64xf32, #tpu.memory_space<vmem>>, vector<1x16xf32>,
      %swap3A_74 = arith.index_cast %scan3A_64 : i32 to index
      %swap3A_75 = arith.constant 32 : index
      %swap3A_76 = tpu.vector_load %arg10[%swap3A_74, %swap3A_75] {strides = array<i32>} : memref<128x64xf32, #tpu.memory_space<vmem>>, vector<1x16xf32>,
      %swap3A_77 = vector.shape_cast %swap3A_76 : vector<1x16xf32> to vector<16xf32>
      %swap3A_78 = vector.shape_cast %broadcast_in_dim3A_5 : vector<16xf32> to vector<1x16xf32>
      tpu.vector_store %arg10[%swap3A_74, %swap3A_75], %swap3A_78 {strides = array<i32>} : memref<128x64xf32, #tpu.memory_space<vmem>>, vector<1x16xf32>,
      %swap3A_79 = arith.index_cast %scan3A_64 : i32 to index
      %swap3A_80 = arith.constant 48 : index
      %swap3A_81 = tpu.vector_load %arg10[%swap3A_79, %swap3A_80] {strides = array<i32>} : memref<128x64xf32, #tpu.memory_space<vmem>>, vector<1x16xf32>,
      %swap3A_82 = vector.shape_cast %swap3A_81 : vector<1x16xf32> to vector<16xf32>
      %swap3A_83 = vector.shape_cast %broadcast_in_dim3A_5 : vector<16xf32> to vector<1x16xf32>
      tpu.vector_store %arg10[%swap3A_79, %swap3A_80], %swap3A_83 {strides = array<i32>} : memref<128x64xf32, #tpu.memory_space<vmem>>, vector<1x16xf32>,
    }
    %scan3A_10 = arith.constant 128 : i32
    %add3A = arith.constant 0 : i32
    %add3A_11 = arith.addi %mul3A_0, %add3A : i32
    "tpu.region"() ({
      %run_scoped3A = tpu.sem_alloc : memref<!tpu.dma_semaphore, #tpu.memory_space<semaphore_mem>>
      %dma_start3A = arith.constant 0 : i32
      %dma_start3A_64 = arith.constant 0 : i32
      %dma_start3A_65 = tpu.memref_slice %arg10[%dma_start3A, %dma_start3A_64] : memref<128x64xf32, #tpu.memory_space<vmem>> -> memref<128x64xf32, #tpu.memory_space<vmem>>
      %dma_start3A_66 = arith.constant 0 : i32
      %dma_start3A_67 = tpu.memref_slice %arg15[%add3A_11, %dma_start3A_66] : memref<10112x64xf32, #tpu.memory_space<vmem_shared>> -> memref<128x64xf32, #tpu.memory_space<vmem_shared>>
      %dma_start3A_68 = arith.constant 0 : i32
      %dma_start3A_69 = tpu.memref_slice %arg15[%add3A_11, %dma_start3A_68] : memref<10112x64xf32, #tpu.memory_space<vmem_shared>> -> memref<128x64xf32, #tpu.memory_space<vmem_shared>>
      %dma_start3A_70 = arith.constant 0 : i32
      %dma_start3A_71 = arith.constant 0 : i32
      %dma_start3A_72 = tpu.memref_slice %arg10[%dma_start3A_70, %dma_start3A_71] : memref<128x64xf32, #tpu.memory_space<vmem>> -> memref<128x64xf32, #tpu.memory_space<vmem>>
      tpu.enqueue_dma source(%dma_start3A_72 : memref<128x64xf32, #tpu.memory_space<vmem>>) target(%dma_start3A_69 : memref<128x64xf32, #tpu.memory_space<vmem_shared>>) target_semaphore(%run_scoped3A : memref<!tpu.dma_semaphore, #tpu.memory_space<semaphore_mem>>)
      %dma_wait3A_73 = arith.constant 0 : i32
      %dma_wait3A_74 = arith.constant 0 : i32
      %dma_wait3A_75 = tpu.memref_slice %arg10[%dma_wait3A_73, %dma_wait3A_74] : memref<128x64xf32, #tpu.memory_space<vmem>> -> memref<128x64xf32, #tpu.memory_space<vmem>>
      %dma_wait3A_76 = arith.constant 0 : i32
      %dma_wait3A_77 = tpu.memref_slice %arg15[%add3A_11, %dma_wait3A_76] : memref<10112x64xf32, #tpu.memory_space<vmem_shared>> -> memref<128x64xf32, #tpu.memory_space<vmem_shared>>
      %dma_wait3A_78 = arith.constant 0 : i32
      %dma_wait3A_79 = tpu.memref_slice %arg15[%add3A_11, %dma_wait3A_78] : memref<10112x64xf32, #tpu.memory_space<vmem_shared>> -> memref<128x64xf32, #tpu.memory_space<vmem_shared>>
      %dma_wait3A_80 = arith.constant 0 : i32
      %dma_wait3A_81 = arith.constant 0 : i32
      %dma_wait3A_82 = tpu.memref_slice %arg10[%dma_wait3A_80, %dma_wait3A_81] : memref<128x64xf32, #tpu.memory_space<vmem>> -> memref<128x64xf32, #tpu.memory_space<vmem>>
      tpu.wait_dma2 semaphore(%run_scoped3A : memref<!tpu.dma_semaphore, #tpu.memory_space<semaphore_mem>>) src(%dma_wait3A_82 : memref<128x64xf32, #tpu.memory_space<vmem>>) dst(%dma_wait3A_79 : memref<128x64xf32, #tpu.memory_space<vmem_shared>>)
      tpu.yield
    }) : () -> ()
    %add3A_12 = arith.constant 128 : i32
    %add3A_13 = arith.addi %mul3A_0, %add3A_12 : i32
    "tpu.region"() ({
      %run_scoped3A = tpu.sem_alloc : memref<!tpu.dma_semaphore, #tpu.memory_space<semaphore_mem>>
      %dma_start3A = arith.constant 0 : i32
      %dma_start3A_64 = arith.constant 0 : i32
      %dma_start3A_65 = tpu.memref_slice %arg10[%dma_start3A, %dma_start3A_64] : memref<128x64xf32, #tpu.memory_space<vmem>> -> memref<128x64xf32, #tpu.memory_space<vmem>>
      %dma_start3A_66 = arith.constant 0 : i32
      %dma_start3A_67 = tpu.memref_slice %arg15[%add3A_13, %dma_start3A_66] : memref<10112x64xf32, #tpu.memory_space<vmem_shared>> -> memref<128x64xf32, #tpu.memory_space<vmem_shared>>
      %dma_start3A_68 = arith.constant 0 : i32
      %dma_start3A_69 = tpu.memref_slice %arg15[%add3A_13, %dma_start3A_68] : memref<10112x64xf32, #tpu.memory_space<vmem_shared>> -> memref<128x64xf32, #tpu.memory_space<vmem_shared>>
      %dma_start3A_70 = arith.constant 0 : i32
      %dma_start3A_71 = arith.constant 0 : i32
      %dma_start3A_72 = tpu.memref_slice %arg10[%dma_start3A_70, %dma_start3A_71] : memref<128x64xf32, #tpu.memory_space<vmem>> -> memref<128x64xf32, #tpu.memory_space<vmem>>
      tpu.enqueue_dma source(%dma_start3A_72 : memref<128x64xf32, #tpu.memory_space<vmem>>) target(%dma_start3A_69 : memref<128x64xf32, #tpu.memory_space<vmem_shared>>) target_semaphore(%run_scoped3A : memref<!tpu.dma_semaphore, #tpu.memory_space<semaphore_mem>>)
      %dma_wait3A_73 = arith.constant 0 : i32
      %dma_wait3A_74 = arith.constant 0 : i32
      %dma_wait3A_75 = tpu.memref_slice %arg10[%dma_wait3A_73, %dma_wait3A_74] : memref<128x64xf32, #tpu.memory_space<vmem>> -> memref<128x64xf32, #tpu.memory_space<vmem>>
      %dma_wait3A_76 = arith.constant 0 : i32
      %dma_wait3A_77 = tpu.memref_slice %arg15[%add3A_13, %dma_wait3A_76] : memref<10112x64xf32, #tpu.memory_space<vmem_shared>> -> memref<128x64xf32, #tpu.memory_space<vmem_shared>>
      %dma_wait3A_78 = arith.constant 0 : i32
      %dma_wait3A_79 = tpu.memref_slice %arg15[%add3A_13, %dma_wait3A_78] : memref<10112x64xf32, #tpu.memory_space<vmem_shared>> -> memref<128x64xf32, #tpu.memory_space<vmem_shared>>
      %dma_wait3A_80 = arith.constant 0 : i32
      %dma_wait3A_81 = arith.constant 0 : i32
      %dma_wait3A_82 = tpu.memref_slice %arg10[%dma_wait3A_80, %dma_wait3A_81] : memref<128x64xf32, #tpu.memory_space<vmem>> -> memref<128x64xf32, #tpu.memory_space<vmem>>
      tpu.wait_dma2 semaphore(%run_scoped3A : memref<!tpu.dma_semaphore, #tpu.memory_space<semaphore_mem>>) src(%dma_wait3A_82 : memref<128x64xf32, #tpu.memory_space<vmem>>) dst(%dma_wait3A_79 : memref<128x64xf32, #tpu.memory_space<vmem_shared>>)
      tpu.yield
    }) : () -> ()
    %add3A_14 = arith.constant 256 : i32
    %add3A_15 = arith.addi %mul3A_0, %add3A_14 : i32
    "tpu.region"() ({
      %run_scoped3A = tpu.sem_alloc : memref<!tpu.dma_semaphore, #tpu.memory_space<semaphore_mem>>
      %dma_start3A = arith.constant 0 : i32
      %dma_start3A_64 = arith.constant 0 : i32
      %dma_start3A_65 = tpu.memref_slice %arg10[%dma_start3A, %dma_start3A_64] : memref<128x64xf32, #tpu.memory_space<vmem>> -> memref<128x64xf32, #tpu.memory_space<vmem>>
      %dma_start3A_66 = arith.constant 0 : i32
      %dma_start3A_67 = tpu.memref_slice %arg15[%add3A_15, %dma_start3A_66] : memref<10112x64xf32, #tpu.memory_space<vmem_shared>> -> memref<128x64xf32, #tpu.memory_space<vmem_shared>>
      %dma_start3A_68 = arith.constant 0 : i32
      %dma_start3A_69 = tpu.memref_slice %arg15[%add3A_15, %dma_start3A_68] : memref<10112x64xf32, #tpu.memory_space<vmem_shared>> -> memref<128x64xf32, #tpu.memory_space<vmem_shared>>
      %dma_start3A_70 = arith.constant 0 : i32
      %dma_start3A_71 = arith.constant 0 : i32
      %dma_start3A_72 = tpu.memref_slice %arg10[%dma_start3A_70, %dma_start3A_71] : memref<128x64xf32, #tpu.memory_space<vmem>> -> memref<128x64xf32, #tpu.memory_space<vmem>>
      tpu.enqueue_dma source(%dma_start3A_72 : memref<128x64xf32, #tpu.memory_space<vmem>>) target(%dma_start3A_69 : memref<128x64xf32, #tpu.memory_space<vmem_shared>>) target_semaphore(%run_scoped3A : memref<!tpu.dma_semaphore, #tpu.memory_space<semaphore_mem>>)
      %dma_wait3A_73 = arith.constant 0 : i32
      %dma_wait3A_74 = arith.constant 0 : i32
      %dma_wait3A_75 = tpu.memref_slice %arg10[%dma_wait3A_73, %dma_wait3A_74] : memref<128x64xf32, #tpu.memory_space<vmem>> -> memref<128x64xf32, #tpu.memory_space<vmem>>
      %dma_wait3A_76 = arith.constant 0 : i32
      %dma_wait3A_77 = tpu.memref_slice %arg15[%add3A_15, %dma_wait3A_76] : memref<10112x64xf32, #tpu.memory_space<vmem_shared>> -> memref<128x64xf32, #tpu.memory_space<vmem_shared>>
      %dma_wait3A_78 = arith.constant 0 : i32
      %dma_wait3A_79 = tpu.memref_slice %arg15[%add3A_15, %dma_wait3A_78] : memref<10112x64xf32, #tpu.memory_space<vmem_shared>> -> memref<128x64xf32, #tpu.memory_space<vmem_shared>>
      %dma_wait3A_80 = arith.constant 0 : i32
      %dma_wait3A_81 = arith.constant 0 : i32
      %dma_wait3A_82 = tpu.memref_slice %arg10[%dma_wait3A_80, %dma_wait3A_81] : memref<128x64xf32, #tpu.memory_space<vmem>> -> memref<128x64xf32, #tpu.memory_space<vmem>>
      tpu.wait_dma2 semaphore(%run_scoped3A : memref<!tpu.dma_semaphore, #tpu.memory_space<semaphore_mem>>) src(%dma_wait3A_82 : memref<128x64xf32, #tpu.memory_space<vmem>>) dst(%dma_wait3A_79 : memref<128x64xf32, #tpu.memory_space<vmem_shared>>)
      tpu.yield
    }) : () -> ()
    %add3A_16 = arith.constant 384 : i32
    %add3A_17 = arith.addi %mul3A_0, %add3A_16 : i32
    "tpu.region"() ({
      %run_scoped3A = tpu.sem_alloc : memref<!tpu.dma_semaphore, #tpu.memory_space<semaphore_mem>>
      %dma_start3A = arith.constant 0 : i32
      %dma_start3A_64 = arith.constant 0 : i32
      %dma_start3A_65 = tpu.memref_slice %arg10[%dma_start3A, %dma_start3A_64] : memref<128x64xf32, #tpu.memory_space<vmem>> -> memref<128x64xf32, #tpu.memory_space<vmem>>
      %dma_start3A_66 = arith.constant 0 : i32
      %dma_start3A_67 = tpu.memref_slice %arg15[%add3A_17, %dma_start3A_66] : memref<10112x64xf32, #tpu.memory_space<vmem_shared>> -> memref<128x64xf32, #tpu.memory_space<vmem_shared>>
      %dma_start3A_68 = arith.constant 0 : i32
      %dma_start3A_69 = tpu.memref_slice %arg15[%add3A_17, %dma_start3A_68] : memref<10112x64xf32, #tpu.memory_space<vmem_shared>> -> memref<128x64xf32, #tpu.memory_space<vmem_shared>>
      %dma_start3A_70 = arith.constant 0 : i32
      %dma_start3A_71 = arith.constant 0 : i32
      %dma_start3A_72 = tpu.memref_slice %arg10[%dma_start3A_70, %dma_start3A_71] : memref<128x64xf32, #tpu.memory_space<vmem>> -> memref<128x64xf32, #tpu.memory_space<vmem>>
      tpu.enqueue_dma source(%dma_start3A_72 : memref<128x64xf32, #tpu.memory_space<vmem>>) target(%dma_start3A_69 : memref<128x64xf32, #tpu.memory_space<vmem_shared>>) target_semaphore(%run_scoped3A : memref<!tpu.dma_semaphore, #tpu.memory_space<semaphore_mem>>)
      %dma_wait3A_73 = arith.constant 0 : i32
      %dma_wait3A_74 = arith.constant 0 : i32
      %dma_wait3A_75 = tpu.memref_slice %arg10[%dma_wait3A_73, %dma_wait3A_74] : memref<128x64xf32, #tpu.memory_space<vmem>> -> memref<128x64xf32, #tpu.memory_space<vmem>>
      %dma_wait3A_76 = arith.constant 0 : i32
      %dma_wait3A_77 = tpu.memref_slice %arg15[%add3A_17, %dma_wait3A_76] : memref<10112x64xf32, #tpu.memory_space<vmem_shared>> -> memref<128x64xf32, #tpu.memory_space<vmem_shared>>
      %dma_wait3A_78 = arith.constant 0 : i32
      %dma_wait3A_79 = tpu.memref_slice %arg15[%add3A_17, %dma_wait3A_78] : memref<10112x64xf32, #tpu.memory_space<vmem_shared>> -> memref<128x64xf32, #tpu.memory_space<vmem_shared>>
      %dma_wait3A_80 = arith.constant 0 : i32
      %dma_wait3A_81 = arith.constant 0 : i32
      %dma_wait3A_82 = tpu.memref_slice %arg10[%dma_wait3A_80, %dma_wait3A_81] : memref<128x64xf32, #tpu.memory_space<vmem>> -> memref<128x64xf32, #tpu.memory_space<vmem>>
      tpu.wait_dma2 semaphore(%run_scoped3A : memref<!tpu.dma_semaphore, #tpu.memory_space<semaphore_mem>>) src(%dma_wait3A_82 : memref<128x64xf32, #tpu.memory_space<vmem>>) dst(%dma_wait3A_79 : memref<128x64xf32, #tpu.memory_space<vmem_shared>>)
      tpu.yield
    }) : () -> ()
    %add3A_18 = arith.constant 512 : i32
    %add3A_19 = arith.addi %mul3A_0, %add3A_18 : i32
    "tpu.region"() ({
      %run_scoped3A = tpu.sem_alloc : memref<!tpu.dma_semaphore, #tpu.memory_space<semaphore_mem>>
      %dma_start3A = arith.constant 0 : i32
      %dma_start3A_64 = arith.constant 0 : i32
      %dma_start3A_65 = tpu.memref_slice %arg10[%dma_start3A, %dma_start3A_64] : memref<128x64xf32, #tpu.memory_space<vmem>> -> memref<120x64xf32, #tpu.memory_space<vmem>>
      %dma_start3A_66 = arith.constant 0 : i32
      %dma_start3A_67 = tpu.memref_slice %arg15[%add3A_19, %dma_start3A_66] : memref<10112x64xf32, #tpu.memory_space<vmem_shared>> -> memref<120x64xf32, #tpu.memory_space<vmem_shared>>
      %dma_start3A_68 = arith.constant 0 : i32
      %dma_start3A_69 = tpu.memref_slice %arg15[%add3A_19, %dma_start3A_68] : memref<10112x64xf32, #tpu.memory_space<vmem_shared>> -> memref<120x64xf32, #tpu.memory_space<vmem_shared>>
      %dma_start3A_70 = arith.constant 0 : i32
      %dma_start3A_71 = arith.constant 0 : i32
      %dma_start3A_72 = tpu.memref_slice %arg10[%dma_start3A_70, %dma_start3A_71] : memref<128x64xf32, #tpu.memory_space<vmem>> -> memref<120x64xf32, #tpu.memory_space<vmem>>
      tpu.enqueue_dma source(%dma_start3A_72 : memref<120x64xf32, #tpu.memory_space<vmem>>) target(%dma_start3A_69 : memref<120x64xf32, #tpu.memory_space<vmem_shared>>) target_semaphore(%run_scoped3A : memref<!tpu.dma_semaphore, #tpu.memory_space<semaphore_mem>>)
      %dma_wait3A_73 = arith.constant 0 : i32
      %dma_wait3A_74 = arith.constant 0 : i32
      %dma_wait3A_75 = tpu.memref_slice %arg10[%dma_wait3A_73, %dma_wait3A_74] : memref<128x64xf32, #tpu.memory_space<vmem>> -> memref<120x64xf32, #tpu.memory_space<vmem>>
      %dma_wait3A_76 = arith.constant 0 : i32
      %dma_wait3A_77 = tpu.memref_slice %arg15[%add3A_19, %dma_wait3A_76] : memref<10112x64xf32, #tpu.memory_space<vmem_shared>> -> memref<120x64xf32, #tpu.memory_space<vmem_shared>>
      %dma_wait3A_78 = arith.constant 0 : i32
      %dma_wait3A_79 = tpu.memref_slice %arg15[%add3A_19, %dma_wait3A_78] : memref<10112x64xf32, #tpu.memory_space<vmem_shared>> -> memref<120x64xf32, #tpu.memory_space<vmem_shared>>
      %dma_wait3A_80 = arith.constant 0 : i32
      %dma_wait3A_81 = arith.constant 0 : i32
      %dma_wait3A_82 = tpu.memref_slice %arg10[%dma_wait3A_80, %dma_wait3A_81] : memref<128x64xf32, #tpu.memory_space<vmem>> -> memref<120x64xf32, #tpu.memory_space<vmem>>
      tpu.wait_dma2 semaphore(%run_scoped3A : memref<!tpu.dma_semaphore, #tpu.memory_space<semaphore_mem>>) src(%dma_wait3A_82 : memref<120x64xf32, #tpu.memory_space<vmem>>) dst(%dma_wait3A_79 : memref<120x64xf32, #tpu.memory_space<vmem_shared>>)
      tpu.yield
    }) : () -> ()
    %barrier3A = arith.constant 0 : index
    tpu.barrier barrier_id(%barrier3A)
    %scan3A_20 = arith.constant 0 : i32
    %scan3A_21 = arith.constant 0 : i32
    %scan3A_22 = arith.constant 40 : i32
    %scan3A_23 = arith.addi %scan3A_21, %scan3A_22 : i32
    %scan3A_24 = arith.constant 1 : i32
    scf.for %scan3A_64 = %scan3A_21 to %scan3A_23 step %scan3A_24  : i32 {
      %mul3A_65 = arith.constant 40 : i32
      %mul3A_66 = arith.muli %arg1, %mul3A_65 : i32
      %add3A_67 = arith.addi %mul3A_66, %scan3A_64 : i32
      %rem3A = arith.constant 2 : i32
      %rem3A_68 = arith.remsi %scan3A_64, %rem3A : i32
      %mul3A_69 = arith.constant 4 : i32
      %mul3A_70 = arith.muli %rem3A_68, %mul3A_69 : i32
      "tpu.region"() ({
        %run_scoped3A = tpu.sem_alloc : memref<!tpu.dma_semaphore, #tpu.memory_space<semaphore_mem>>
        %dma_start3A_201 = arith.constant 0 : i32
        %dma_start3A_202 = arith.constant 0 : i32
        %dma_start3A_203 = tpu.memref_slice %arg3[%add3A_67, %dma_start3A_201, %dma_start3A_202] : memref<640x4x128xi32, #tpu.memory_space<hbm>> -> memref<1x4x128xi32, #tpu.memory_space<hbm>>
        %dma_start3A_204 = tpu.memref_squeeze %dma_start3A_203 : memref<1x4x128xi32, #tpu.memory_space<hbm>> -> memref<4x128xi32, #tpu.memory_space<hbm>>
        %dma_start3A_205 = arith.constant 0 : i32
        %dma_start3A_206 = arith.constant 0 : i32
        %dma_start3A_207 = tpu.memref_slice %arg3[%add3A_67, %dma_start3A_205, %dma_start3A_206] : memref<640x4x128xi32, #tpu.memory_space<hbm>> -> memref<1x4x128xi32, #tpu.memory_space<hbm>>
        %dma_start3A_208 = tpu.memref_squeeze %dma_start3A_207 : memref<1x4x128xi32, #tpu.memory_space<hbm>> -> memref<4x128xi32, #tpu.memory_space<hbm>>
        tpu.enqueue_dma source(%dma_start3A_208 : memref<4x128xi32, #tpu.memory_space<hbm>>) target(%arg7 : memref<4x128xi32, #tpu.memory_space<vmem>>) target_semaphore(%run_scoped3A : memref<!tpu.dma_semaphore, #tpu.memory_space<semaphore_mem>>)
        %dma_wait3A_209 = arith.constant 0 : i32
        %dma_wait3A_210 = arith.constant 0 : i32
        %dma_wait3A_211 = tpu.memref_slice %arg3[%add3A_67, %dma_wait3A_209, %dma_wait3A_210] : memref<640x4x128xi32, #tpu.memory_space<hbm>> -> memref<1x4x128xi32, #tpu.memory_space<hbm>>
        %dma_wait3A_212 = tpu.memref_squeeze %dma_wait3A_211 : memref<1x4x128xi32, #tpu.memory_space<hbm>> -> memref<4x128xi32, #tpu.memory_space<hbm>>
        %dma_wait3A_213 = arith.constant 0 : i32
        %dma_wait3A_214 = arith.constant 0 : i32
        %dma_wait3A_215 = tpu.memref_slice %arg3[%add3A_67, %dma_wait3A_213, %dma_wait3A_214] : memref<640x4x128xi32, #tpu.memory_space<hbm>> -> memref<1x4x128xi32, #tpu.memory_space<hbm>>
        %dma_wait3A_216 = tpu.memref_squeeze %dma_wait3A_215 : memref<1x4x128xi32, #tpu.memory_space<hbm>> -> memref<4x128xi32, #tpu.memory_space<hbm>>
        tpu.wait_dma2 semaphore(%run_scoped3A : memref<!tpu.dma_semaphore, #tpu.memory_space<semaphore_mem>>) src(%dma_wait3A_216 : memref<4x128xi32, #tpu.memory_space<hbm>>) dst(%arg7 : memref<4x128xi32, #tpu.memory_space<vmem>>)
        tpu.yield
      }) : () -> ()
      "tpu.region"() ({
        %run_scoped3A = tpu.sem_alloc : memref<!tpu.dma_semaphore, #tpu.memory_space<semaphore_mem>>
        %dma_start3A_201 = arith.constant 0 : i32
        %dma_start3A_202 = tpu.memref_slice %arg8[%mul3A_70, %dma_start3A_201] : memref<8x128xi32, #tpu.memory_space<vmem>> -> memref<4x128xi32, #tpu.memory_space<vmem>>
        %dma_start3A_203 = arith.constant 0 : i32
        %dma_start3A_204 = arith.constant 0 : i32
        %dma_start3A_205 = tpu.memref_slice %arg4[%add3A_67, %dma_start3A_203, %dma_start3A_204] : memref<640x4x128xi32, #tpu.memory_space<hbm>> -> memref<1x4x128xi32, #tpu.memory_space<hbm>>
        %dma_start3A_206 = tpu.memref_squeeze %dma_start3A_205 : memref<1x4x128xi32, #tpu.memory_space<hbm>> -> memref<4x128xi32, #tpu.memory_space<hbm>>
        %dma_start3A_207 = arith.constant 0 : i32
        %dma_start3A_208 = tpu.memref_slice %arg8[%mul3A_70, %dma_start3A_207] : memref<8x128xi32, #tpu.memory_space<vmem>> -> memref<4x128xi32, #tpu.memory_space<vmem>>
        %dma_start3A_209 = arith.constant 0 : i32
        %dma_start3A_210 = arith.constant 0 : i32
        %dma_start3A_211 = tpu.memref_slice %arg4[%add3A_67, %dma_start3A_209, %dma_start3A_210] : memref<640x4x128xi32, #tpu.memory_space<hbm>> -> memref<1x4x128xi32, #tpu.memory_space<hbm>>
        %dma_start3A_212 = tpu.memref_squeeze %dma_start3A_211 : memref<1x4x128xi32, #tpu.memory_space<hbm>> -> memref<4x128xi32, #tpu.memory_space<hbm>>
        tpu.enqueue_dma source(%dma_start3A_212 : memref<4x128xi32, #tpu.memory_space<hbm>>) target(%dma_start3A_208 : memref<4x128xi32, #tpu.memory_space<vmem>>) target_semaphore(%run_scoped3A : memref<!tpu.dma_semaphore, #tpu.memory_space<semaphore_mem>>)
        %dma_wait3A_213 = arith.constant 0 : i32
        %dma_wait3A_214 = tpu.memref_slice %arg8[%mul3A_70, %dma_wait3A_213] : memref<8x128xi32, #tpu.memory_space<vmem>> -> memref<4x128xi32, #tpu.memory_space<vmem>>
        %dma_wait3A_215 = arith.constant 0 : i32
        %dma_wait3A_216 = arith.constant 0 : i32
        %dma_wait3A_217 = tpu.memref_slice %arg4[%add3A_67, %dma_wait3A_215, %dma_wait3A_216] : memref<640x4x128xi32, #tpu.memory_space<hbm>> -> memref<1x4x128xi32, #tpu.memory_space<hbm>>
        %dma_wait3A_218 = tpu.memref_squeeze %dma_wait3A_217 : memref<1x4x128xi32, #tpu.memory_space<hbm>> -> memref<4x128xi32, #tpu.memory_space<hbm>>
        %dma_wait3A_219 = arith.constant 0 : i32
        %dma_wait3A_220 = tpu.memref_slice %arg8[%mul3A_70, %dma_wait3A_219] : memref<8x128xi32, #tpu.memory_space<vmem>> -> memref<4x128xi32, #tpu.memory_space<vmem>>
        %dma_wait3A_221 = arith.constant 0 : i32
        %dma_wait3A_222 = arith.constant 0 : i32
        %dma_wait3A_223 = tpu.memref_slice %arg4[%add3A_67, %dma_wait3A_221, %dma_wait3A_222] : memref<640x4x128xi32, #tpu.memory_space<hbm>> -> memref<1x4x128xi32, #tpu.memory_space<hbm>>
        %dma_wait3A_224 = tpu.memref_squeeze %dma_wait3A_223 : memref<1x4x128xi32, #tpu.memory_space<hbm>> -> memref<4x128xi32, #tpu.memory_space<hbm>>
        tpu.wait_dma2 semaphore(%run_scoped3A : memref<!tpu.dma_semaphore, #tpu.memory_space<semaphore_mem>>) src(%dma_wait3A_224 : memref<4x128xi32, #tpu.memory_space<hbm>>) dst(%dma_wait3A_220 : memref<4x128xi32, #tpu.memory_space<vmem>>)
        tpu.yield
      }) : () -> ()
      %mul3A_71 = arith.constant 64 : i32
      %mul3A_72 = arith.muli %add3A_67, %mul3A_71 : i32
      "tpu.region"() ({
        %run_scoped3A = tpu.sem_alloc : memref<!tpu.dma_semaphore, #tpu.memory_space<semaphore_mem>>
        %dma_start3A_201 = arith.constant 0 : i32
        %dma_start3A_202 = tpu.memref_slice %arg5[%dma_start3A_201, %mul3A_72] : memref<128x40960xf32, #tpu.memory_space<hbm>> -> memref<128x64xf32, #tpu.memory_space<hbm>>
        %dma_start3A_203 = arith.constant 0 : i32
        %dma_start3A_204 = tpu.memref_slice %arg5[%dma_start3A_203, %mul3A_72] : memref<128x40960xf32, #tpu.memory_space<hbm>> -> memref<128x64xf32, #tpu.memory_space<hbm>>
        tpu.enqueue_dma source(%dma_start3A_204 : memref<128x64xf32, #tpu.memory_space<hbm>>) target(%arg9 : memref<128x64xf32, #tpu.memory_space<vmem>>) target_semaphore(%run_scoped3A : memref<!tpu.dma_semaphore, #tpu.memory_space<semaphore_mem>>)
        %dma_wait3A_205 = arith.constant 0 : i32
        %dma_wait3A_206 = tpu.memref_slice %arg5[%dma_wait3A_205, %mul3A_72] : memref<128x40960xf32, #tpu.memory_space<hbm>> -> memref<128x64xf32, #tpu.memory_space<hbm>>
        %dma_wait3A_207 = arith.constant 0 : i32
        %dma_wait3A_208 = tpu.memref_slice %arg5[%dma_wait3A_207, %mul3A_72] : memref<128x40960xf32, #tpu.memory_space<hbm>> -> memref<128x64xf32, #tpu.memory_space<hbm>>
        tpu.wait_dma2 semaphore(%run_scoped3A : memref<!tpu.dma_semaphore, #tpu.memory_space<semaphore_mem>>) src(%dma_wait3A_208 : memref<128x64xf32, #tpu.memory_space<hbm>>) dst(%arg9 : memref<128x64xf32, #tpu.memory_space<vmem>>)
        tpu.yield
      }) : () -> ()
      %gt3A = arith.constant 0 : i32
      %gt3A_73 = arith.cmpi sgt, %scan3A_64, %gt3A : i32
      %convert_element_type3A = arith.extui %gt3A_73 : i1 to i32
      %cond3A = arith.constant 0 : i32
      %cond3A_74 = arith.cmpi ne, %convert_element_type3A, %cond3A : i32
      scf.if %cond3A_74 {
        %add3A_201 = arith.constant 0 : i32
        %add3A_202 = arith.addi %mul3A_70, %add3A_201 : i32
        %dma_wait3A_203 = arith.constant 0 : i32
        %dma_wait3A_204 = tpu.memref_slice %arg8[%add3A_202, %dma_wait3A_203] : memref<8x128xi32, #tpu.memory_space<vmem>> -> memref<1x128xi32, #tpu.memory_space<vmem>>
        %dma_wait3A_205 = tpu.memref_squeeze %dma_wait3A_204 : memref<1x128xi32, #tpu.memory_space<vmem>> -> memref<128xi32, #tpu.memory_space<vmem>>
        %dma_wait3A_206 = arith.constant 0 : i32
        %dma_wait3A_207 = arith.constant 0 : i32
        %dma_wait3A_208 = tpu.memref_slice %arg15[%dma_wait3A_206, %dma_wait3A_207] : memref<10112x64xf32, #tpu.memory_space<vmem_shared>> -> memref<10112x64xf32, #tpu.memory_space<vmem_shared>>
        tpu.wait_indirect_dma semaphore(%arg20 : memref<!tpu.dma_semaphore, #tpu.memory_space<semaphore_mem>>) src(%arg10 : memref<128x64xf32, #tpu.memory_space<vmem>>) dst(%dma_wait3A_208 : memref<10112x64xf32, #tpu.memory_space<vmem_shared>>)
      } else {
      }
      %dma_start3A = arith.constant 0 : i32
      %dma_start3A_75 = arith.constant 0 : i32
      %dma_start3A_76 = tpu.memref_slice %arg7[%dma_start3A, %dma_start3A_75] : memref<4x128xi32, #tpu.memory_space<vmem>> -> memref<1x128xi32, #tpu.memory_space<vmem>>
      %dma_start3A_77 = tpu.memref_squeeze %dma_start3A_76 : memref<1x128xi32, #tpu.memory_space<vmem>> -> memref<128xi32, #tpu.memory_space<vmem>>
      %dma_start3A_78 = arith.constant 0 : i32
      %dma_start3A_79 = arith.constant 0 : i32
      %dma_start3A_80 = tpu.memref_slice %arg14[%dma_start3A_78, %dma_start3A_79] : memref<10000x64xf32, #tpu.memory_space<vmem_shared>> -> memref<10000x64xf32, #tpu.memory_space<vmem_shared>>
      tpu.enqueue_indirect_dma source(%dma_start3A_80 : memref<10000x64xf32, #tpu.memory_space<vmem_shared>>) target(%arg10 : memref<128x64xf32, #tpu.memory_space<vmem>>) offsets(%dma_start3A_77 : memref<128xi32, #tpu.memory_space<vmem>>) semaphore(%arg16 : memref<!tpu.dma_semaphore, #tpu.memory_space<semaphore_mem>>)
      %gt3A_81 = arith.constant 0 : i32
      %gt3A_82 = arith.cmpi sgt, %scan3A_64, %gt3A_81 : i32
      %convert_element_type3A_83 = arith.extui %gt3A_82 : i1 to i32
      %cond3A_84 = arith.constant 0 : i32
      %cond3A_85 = arith.cmpi ne, %convert_element_type3A_83, %cond3A_84 : i32
      scf.if %cond3A_85 {
        %add3A_201 = arith.constant 1 : i32
        %add3A_202 = arith.addi %mul3A_70, %add3A_201 : i32
        %dma_wait3A_203 = arith.constant 0 : i32
        %dma_wait3A_204 = tpu.memref_slice %arg8[%add3A_202, %dma_wait3A_203] : memref<8x128xi32, #tpu.memory_space<vmem>> -> memref<1x128xi32, #tpu.memory_space<vmem>>
        %dma_wait3A_205 = tpu.memref_squeeze %dma_wait3A_204 : memref<1x128xi32, #tpu.memory_space<vmem>> -> memref<128xi32, #tpu.memory_space<vmem>>
        %dma_wait3A_206 = arith.constant 0 : i32
        %dma_wait3A_207 = arith.constant 0 : i32
        %dma_wait3A_208 = tpu.memref_slice %arg15[%dma_wait3A_206, %dma_wait3A_207] : memref<10112x64xf32, #tpu.memory_space<vmem_shared>> -> memref<10112x64xf32, #tpu.memory_space<vmem_shared>>
        tpu.wait_indirect_dma semaphore(%arg21 : memref<!tpu.dma_semaphore, #tpu.memory_space<semaphore_mem>>) src(%arg11 : memref<128x64xf32, #tpu.memory_space<vmem>>) dst(%dma_wait3A_208 : memref<10112x64xf32, #tpu.memory_space<vmem_shared>>)
      } else {
      }
      %dma_start3A_86 = arith.constant 1 : i32
      %dma_start3A_87 = arith.constant 0 : i32
      %dma_start3A_88 = tpu.memref_slice %arg7[%dma_start3A_86, %dma_start3A_87] : memref<4x128xi32, #tpu.memory_space<vmem>> -> memref<1x128xi32, #tpu.memory_space<vmem>>
      %dma_start3A_89 = tpu.memref_squeeze %dma_start3A_88 : memref<1x128xi32, #tpu.memory_space<vmem>> -> memref<128xi32, #tpu.memory_space<vmem>>
      %dma_start3A_90 = arith.constant 0 : i32
      %dma_start3A_91 = arith.constant 0 : i32
      %dma_start3A_92 = tpu.memref_slice %arg14[%dma_start3A_90, %dma_start3A_91] : memref<10000x64xf32, #tpu.memory_space<vmem_shared>> -> memref<10000x64xf32, #tpu.memory_space<vmem_shared>>
      tpu.enqueue_indirect_dma source(%dma_start3A_92 : memref<10000x64xf32, #tpu.memory_space<vmem_shared>>) target(%arg11 : memref<128x64xf32, #tpu.memory_space<vmem>>) offsets(%dma_start3A_89 : memref<128xi32, #tpu.memory_space<vmem>>) semaphore(%arg17 : memref<!tpu.dma_semaphore, #tpu.memory_space<semaphore_mem>>)
      %gt3A_93 = arith.constant 0 : i32
      %gt3A_94 = arith.cmpi sgt, %scan3A_64, %gt3A_93 : i32
      %convert_element_type3A_95 = arith.extui %gt3A_94 : i1 to i32
      %cond3A_96 = arith.constant 0 : i32
      %cond3A_97 = arith.cmpi ne, %convert_element_type3A_95, %cond3A_96 : i32
      scf.if %cond3A_97 {
        %add3A_201 = arith.constant 2 : i32
        %add3A_202 = arith.addi %mul3A_70, %add3A_201 : i32
        %dma_wait3A_203 = arith.constant 0 : i32
        %dma_wait3A_204 = tpu.memref_slice %arg8[%add3A_202, %dma_wait3A_203] : memref<8x128xi32, #tpu.memory_space<vmem>> -> memref<1x128xi32, #tpu.memory_space<vmem>>
        %dma_wait3A_205 = tpu.memref_squeeze %dma_wait3A_204 : memref<1x128xi32, #tpu.memory_space<vmem>> -> memref<128xi32, #tpu.memory_space<vmem>>
        %dma_wait3A_206 = arith.constant 0 : i32
        %dma_wait3A_207 = arith.constant 0 : i32
        %dma_wait3A_208 = tpu.memref_slice %arg15[%dma_wait3A_206, %dma_wait3A_207] : memref<10112x64xf32, #tpu.memory_space<vmem_shared>> -> memref<10112x64xf32, #tpu.memory_space<vmem_shared>>
        tpu.wait_indirect_dma semaphore(%arg22 : memref<!tpu.dma_semaphore, #tpu.memory_space<semaphore_mem>>) src(%arg12 : memref<128x64xf32, #tpu.memory_space<vmem>>) dst(%dma_wait3A_208 : memref<10112x64xf32, #tpu.memory_space<vmem_shared>>)
      } else {
      }
      %dma_start3A_98 = arith.constant 2 : i32
      %dma_start3A_99 = arith.constant 0 : i32
      %dma_start3A_100 = tpu.memref_slice %arg7[%dma_start3A_98, %dma_start3A_99] : memref<4x128xi32, #tpu.memory_space<vmem>> -> memref<1x128xi32, #tpu.memory_space<vmem>>
      %dma_start3A_101 = tpu.memref_squeeze %dma_start3A_100 : memref<1x128xi32, #tpu.memory_space<vmem>> -> memref<128xi32, #tpu.memory_space<vmem>>
      %dma_start3A_102 = arith.constant 0 : i32
      %dma_start3A_103 = arith.constant 0 : i32
      %dma_start3A_104 = tpu.memref_slice %arg14[%dma_start3A_102, %dma_start3A_103] : memref<10000x64xf32, #tpu.memory_space<vmem_shared>> -> memref<10000x64xf32, #tpu.memory_space<vmem_shared>>
      tpu.enqueue_indirect_dma source(%dma_start3A_104 : memref<10000x64xf32, #tpu.memory_space<vmem_shared>>) target(%arg12 : memref<128x64xf32, #tpu.memory_space<vmem>>) offsets(%dma_start3A_101 : memref<128xi32, #tpu.memory_space<vmem>>) semaphore(%arg18 : memref<!tpu.dma_semaphore, #tpu.memory_space<semaphore_mem>>)
      %gt3A_105 = arith.constant 0 : i32
      %gt3A_106 = arith.cmpi sgt, %scan3A_64, %gt3A_105 : i32
      %convert_element_type3A_107 = arith.extui %gt3A_106 : i1 to i32
      %cond3A_108 = arith.constant 0 : i32
      %cond3A_109 = arith.cmpi ne, %convert_element_type3A_107, %cond3A_108 : i32
      scf.if %cond3A_109 {
        %add3A_201 = arith.constant 3 : i32
        %add3A_202 = arith.addi %mul3A_70, %add3A_201 : i32
        %dma_wait3A_203 = arith.constant 0 : i32
        %dma_wait3A_204 = tpu.memref_slice %arg8[%add3A_202, %dma_wait3A_203] : memref<8x128xi32, #tpu.memory_space<vmem>> -> memref<1x128xi32, #tpu.memory_space<vmem>>
        %dma_wait3A_205 = tpu.memref_squeeze %dma_wait3A_204 : memref<1x128xi32, #tpu.memory_space<vmem>> -> memref<128xi32, #tpu.memory_space<vmem>>
        %dma_wait3A_206 = arith.constant 0 : i32
        %dma_wait3A_207 = arith.constant 0 : i32
        %dma_wait3A_208 = tpu.memref_slice %arg15[%dma_wait3A_206, %dma_wait3A_207] : memref<10112x64xf32, #tpu.memory_space<vmem_shared>> -> memref<10112x64xf32, #tpu.memory_space<vmem_shared>>
        tpu.wait_indirect_dma semaphore(%arg23 : memref<!tpu.dma_semaphore, #tpu.memory_space<semaphore_mem>>) src(%arg13 : memref<128x64xf32, #tpu.memory_space<vmem>>) dst(%dma_wait3A_208 : memref<10112x64xf32, #tpu.memory_space<vmem_shared>>)
      } else {
      }
      %dma_start3A_110 = arith.constant 3 : i32
      %dma_start3A_111 = arith.constant 0 : i32
      %dma_start3A_112 = tpu.memref_slice %arg7[%dma_start3A_110, %dma_start3A_111] : memref<4x128xi32, #tpu.memory_space<vmem>> -> memref<1x128xi32, #tpu.memory_space<vmem>>
      %dma_start3A_113 = tpu.memref_squeeze %dma_start3A_112 : memref<1x128xi32, #tpu.memory_space<vmem>> -> memref<128xi32, #tpu.memory_space<vmem>>
      %dma_start3A_114 = arith.constant 0 : i32
      %dma_start3A_115 = arith.constant 0 : i32
      %dma_start3A_116 = tpu.memref_slice %arg14[%dma_start3A_114, %dma_start3A_115] : memref<10000x64xf32, #tpu.memory_space<vmem_shared>> -> memref<10000x64xf32, #tpu.memory_space<vmem_shared>>
      tpu.enqueue_indirect_dma source(%dma_start3A_116 : memref<10000x64xf32, #tpu.memory_space<vmem_shared>>) target(%arg13 : memref<128x64xf32, #tpu.memory_space<vmem>>) offsets(%dma_start3A_113 : memref<128xi32, #tpu.memory_space<vmem>>) semaphore(%arg19 : memref<!tpu.dma_semaphore, #tpu.memory_space<semaphore_mem>>)
      %dma_wait3A_117 = arith.constant 0 : i32
      %dma_wait3A_118 = arith.constant 0 : i32
      %dma_wait3A_119 = tpu.memref_slice %arg7[%dma_wait3A_117, %dma_wait3A_118] : memref<4x128xi32, #tpu.memory_space<vmem>> -> memref<1x128xi32, #tpu.memory_space<vmem>>
      %dma_wait3A_120 = tpu.memref_squeeze %dma_wait3A_119 : memref<1x128xi32, #tpu.memory_space<vmem>> -> memref<128xi32, #tpu.memory_space<vmem>>
      %dma_wait3A_121 = arith.constant 0 : i32
      %dma_wait3A_122 = arith.constant 0 : i32
      %dma_wait3A_123 = tpu.memref_slice %arg14[%dma_wait3A_121, %dma_wait3A_122] : memref<10000x64xf32, #tpu.memory_space<vmem_shared>> -> memref<10000x64xf32, #tpu.memory_space<vmem_shared>>
      tpu.wait_indirect_dma semaphore(%arg16 : memref<!tpu.dma_semaphore, #tpu.memory_space<semaphore_mem>>) src(%dma_wait3A_123 : memref<10000x64xf32, #tpu.memory_space<vmem_shared>>) dst(%arg10 : memref<128x64xf32, #tpu.memory_space<vmem>>)
      %scan3A_124 = arith.constant 0 : i32
      %scan3A_125 = arith.constant 0 : i32
      %scan3A_126 = arith.constant 128 : i32
      %scan3A_127 = arith.addi %scan3A_125, %scan3A_126 : i32
      %scan3A_128 = arith.constant 1 : i32
      scf.for %scan3A_201 = %scan3A_125 to %scan3A_127 step %scan3A_128  : i32 {
        %get3A = arith.index_cast %scan3A_201 : i32 to index
        %get3A_202 = arith.constant 0 : index
        %get3A_203 = tpu.vector_load %arg9[%get3A, %get3A_202] {strides = array<i32>} : memref<128x64xf32, #tpu.memory_space<vmem>>, vector<1x16xf32>,
        %get3A_204 = vector.shape_cast %get3A_203 : vector<1x16xf32> to vector<16xf32>
        %get3A_205 = arith.index_cast %scan3A_201 : i32 to index
        %get3A_206 = arith.constant 0 : index
        %get3A_207 = tpu.vector_load %arg10[%get3A_205, %get3A_206] {strides = array<i32>} : memref<128x64xf32, #tpu.memory_space<vmem>>, vector<1x16xf32>,
        %get3A_208 = vector.shape_cast %get3A_207 : vector<1x16xf32> to vector<16xf32>
        %mul3A_209 = arith.mulf %get3A_208, %get3A_204 : vector<16xf32>
        %swap3A = arith.index_cast %scan3A_201 : i32 to index
        %swap3A_210 = arith.constant 0 : index
        %swap3A_211 = tpu.vector_load %arg10[%swap3A, %swap3A_210] {strides = array<i32>} : memref<128x64xf32, #tpu.memory_space<vmem>>, vector<1x16xf32>,
        %swap3A_212 = vector.shape_cast %swap3A_211 : vector<1x16xf32> to vector<16xf32>
        %swap3A_213 = vector.shape_cast %mul3A_209 : vector<16xf32> to vector<1x16xf32>
        tpu.vector_store %arg10[%swap3A, %swap3A_210], %swap3A_213 {strides = array<i32>} : memref<128x64xf32, #tpu.memory_space<vmem>>, vector<1x16xf32>,
        %get3A_214 = arith.index_cast %scan3A_201 : i32 to index
        %get3A_215 = arith.constant 16 : index
        %get3A_216 = tpu.vector_load %arg10[%get3A_214, %get3A_215] {strides = array<i32>} : memref<128x64xf32, #tpu.memory_space<vmem>>, vector<1x16xf32>,
        %get3A_217 = vector.shape_cast %get3A_216 : vector<1x16xf32> to vector<16xf32>
        %mul3A_218 = arith.mulf %get3A_217, %get3A_204 : vector<16xf32>
        %swap3A_219 = arith.index_cast %scan3A_201 : i32 to index
        %swap3A_220 = arith.constant 16 : index
        %swap3A_221 = tpu.vector_load %arg10[%swap3A_219, %swap3A_220] {strides = array<i32>} : memref<128x64xf32, #tpu.memory_space<vmem>>, vector<1x16xf32>,
        %swap3A_222 = vector.shape_cast %swap3A_221 : vector<1x16xf32> to vector<16xf32>
        %swap3A_223 = vector.shape_cast %mul3A_218 : vector<16xf32> to vector<1x16xf32>
        tpu.vector_store %arg10[%swap3A_219, %swap3A_220], %swap3A_223 {strides = array<i32>} : memref<128x64xf32, #tpu.memory_space<vmem>>, vector<1x16xf32>,
        %get3A_224 = arith.index_cast %scan3A_201 : i32 to index
        %get3A_225 = arith.constant 32 : index
        %get3A_226 = tpu.vector_load %arg10[%get3A_224, %get3A_225] {strides = array<i32>} : memref<128x64xf32, #tpu.memory_space<vmem>>, vector<1x16xf32>,
        %get3A_227 = vector.shape_cast %get3A_226 : vector<1x16xf32> to vector<16xf32>
        %mul3A_228 = arith.mulf %get3A_227, %get3A_204 : vector<16xf32>
        %swap3A_229 = arith.index_cast %scan3A_201 : i32 to index
        %swap3A_230 = arith.constant 32 : index
        %swap3A_231 = tpu.vector_load %arg10[%swap3A_229, %swap3A_230] {strides = array<i32>} : memref<128x64xf32, #tpu.memory_space<vmem>>, vector<1x16xf32>,
        %swap3A_232 = vector.shape_cast %swap3A_231 : vector<1x16xf32> to vector<16xf32>
        %swap3A_233 = vector.shape_cast %mul3A_228 : vector<16xf32> to vector<1x16xf32>
        tpu.vector_store %arg10[%swap3A_229, %swap3A_230], %swap3A_233 {strides = array<i32>} : memref<128x64xf32, #tpu.memory_space<vmem>>, vector<1x16xf32>,
        %get3A_234 = arith.index_cast %scan3A_201 : i32 to index
        %get3A_235 = arith.constant 48 : index
        %get3A_236 = tpu.vector_load %arg10[%get3A_234, %get3A_235] {strides = array<i32>} : memref<128x64xf32, #tpu.memory_space<vmem>>, vector<1x16xf32>,
        %get3A_237 = vector.shape_cast %get3A_236 : vector<1x16xf32> to vector<16xf32>
        %mul3A_238 = arith.mulf %get3A_237, %get3A_204 : vector<16xf32>
        %swap3A_239 = arith.index_cast %scan3A_201 : i32 to index
        %swap3A_240 = arith.constant 48 : index
        %swap3A_241 = tpu.vector_load %arg10[%swap3A_239, %swap3A_240] {strides = array<i32>} : memref<128x64xf32, #tpu.memory_space<vmem>>, vector<1x16xf32>,
        %swap3A_242 = vector.shape_cast %swap3A_241 : vector<1x16xf32> to vector<16xf32>
        %swap3A_243 = vector.shape_cast %mul3A_238 : vector<16xf32> to vector<1x16xf32>
        tpu.vector_store %arg10[%swap3A_239, %swap3A_240], %swap3A_243 {strides = array<i32>} : memref<128x64xf32, #tpu.memory_space<vmem>>, vector<1x16xf32>,
      }
      %scan3A_129 = arith.constant 128 : i32
      %add3A_130 = arith.constant 0 : i32
      %add3A_131 = arith.addi %mul3A_70, %add3A_130 : i32
      %dma_start3A_132 = arith.constant 0 : i32
      %dma_start3A_133 = tpu.memref_slice %arg8[%add3A_131, %dma_start3A_132] : memref<8x128xi32, #tpu.memory_space<vmem>> -> memref<1x128xi32, #tpu.memory_space<vmem>>
      %dma_start3A_134 = tpu.memref_squeeze %dma_start3A_133 : memref<1x128xi32, #tpu.memory_space<vmem>> -> memref<128xi32, #tpu.memory_space<vmem>>
      %dma_start3A_135 = arith.constant 0 : i32
      %dma_start3A_136 = arith.constant 0 : i32
      %dma_start3A_137 = tpu.memref_slice %arg15[%dma_start3A_135, %dma_start3A_136] : memref<10112x64xf32, #tpu.memory_space<vmem_shared>> -> memref<10112x64xf32, #tpu.memory_space<vmem_shared>>
      tpu.enqueue_indirect_dma source(%arg10 : memref<128x64xf32, #tpu.memory_space<vmem>>) target(%dma_start3A_137 : memref<10112x64xf32, #tpu.memory_space<vmem_shared>>) offsets(%dma_start3A_134 : memref<128xi32, #tpu.memory_space<vmem>>) semaphore(%arg20 : memref<!tpu.dma_semaphore, #tpu.memory_space<semaphore_mem>>) {add = true}
      %dma_wait3A_138 = arith.constant 1 : i32
      %dma_wait3A_139 = arith.constant 0 : i32
      %dma_wait3A_140 = tpu.memref_slice %arg7[%dma_wait3A_138, %dma_wait3A_139] : memref<4x128xi32, #tpu.memory_space<vmem>> -> memref<1x128xi32, #tpu.memory_space<vmem>>
      %dma_wait3A_141 = tpu.memref_squeeze %dma_wait3A_140 : memref<1x128xi32, #tpu.memory_space<vmem>> -> memref<128xi32, #tpu.memory_space<vmem>>
      %dma_wait3A_142 = arith.constant 0 : i32
      %dma_wait3A_143 = arith.constant 0 : i32
      %dma_wait3A_144 = tpu.memref_slice %arg14[%dma_wait3A_142, %dma_wait3A_143] : memref<10000x64xf32, #tpu.memory_space<vmem_shared>> -> memref<10000x64xf32, #tpu.memory_space<vmem_shared>>
      tpu.wait_indirect_dma semaphore(%arg17 : memref<!tpu.dma_semaphore, #tpu.memory_space<semaphore_mem>>) src(%dma_wait3A_144 : memref<10000x64xf32, #tpu.memory_space<vmem_shared>>) dst(%arg11 : memref<128x64xf32, #tpu.memory_space<vmem>>)
      %scan3A_145 = arith.constant 0 : i32
      %scan3A_146 = arith.constant 0 : i32
      %scan3A_147 = arith.constant 128 : i32
      %scan3A_148 = arith.addi %scan3A_146, %scan3A_147 : i32
      %scan3A_149 = arith.constant 1 : i32
      scf.for %scan3A_201 = %scan3A_146 to %scan3A_148 step %scan3A_149  : i32 {
        %get3A = arith.index_cast %scan3A_201 : i32 to index
        %get3A_202 = arith.constant 16 : index
        %get3A_203 = tpu.vector_load %arg9[%get3A, %get3A_202] {strides = array<i32>} : memref<128x64xf32, #tpu.memory_space<vmem>>, vector<1x16xf32>,
        %get3A_204 = vector.shape_cast %get3A_203 : vector<1x16xf32> to vector<16xf32>
        %get3A_205 = arith.index_cast %scan3A_201 : i32 to index
        %get3A_206 = arith.constant 0 : index
        %get3A_207 = tpu.vector_load %arg11[%get3A_205, %get3A_206] {strides = array<i32>} : memref<128x64xf32, #tpu.memory_space<vmem>>, vector<1x16xf32>,
        %get3A_208 = vector.shape_cast %get3A_207 : vector<1x16xf32> to vector<16xf32>
        %mul3A_209 = arith.mulf %get3A_208, %get3A_204 : vector<16xf32>
        %swap3A = arith.index_cast %scan3A_201 : i32 to index
        %swap3A_210 = arith.constant 0 : index
        %swap3A_211 = tpu.vector_load %arg11[%swap3A, %swap3A_210] {strides = array<i32>} : memref<128x64xf32, #tpu.memory_space<vmem>>, vector<1x16xf32>,
        %swap3A_212 = vector.shape_cast %swap3A_211 : vector<1x16xf32> to vector<16xf32>
        %swap3A_213 = vector.shape_cast %mul3A_209 : vector<16xf32> to vector<1x16xf32>
        tpu.vector_store %arg11[%swap3A, %swap3A_210], %swap3A_213 {strides = array<i32>} : memref<128x64xf32, #tpu.memory_space<vmem>>, vector<1x16xf32>,
        %get3A_214 = arith.index_cast %scan3A_201 : i32 to index
        %get3A_215 = arith.constant 16 : index
        %get3A_216 = tpu.vector_load %arg11[%get3A_214, %get3A_215] {strides = array<i32>} : memref<128x64xf32, #tpu.memory_space<vmem>>, vector<1x16xf32>,
        %get3A_217 = vector.shape_cast %get3A_216 : vector<1x16xf32> to vector<16xf32>
        %mul3A_218 = arith.mulf %get3A_217, %get3A_204 : vector<16xf32>
        %swap3A_219 = arith.index_cast %scan3A_201 : i32 to index
        %swap3A_220 = arith.constant 16 : index
        %swap3A_221 = tpu.vector_load %arg11[%swap3A_219, %swap3A_220] {strides = array<i32>} : memref<128x64xf32, #tpu.memory_space<vmem>>, vector<1x16xf32>,
        %swap3A_222 = vector.shape_cast %swap3A_221 : vector<1x16xf32> to vector<16xf32>
        %swap3A_223 = vector.shape_cast %mul3A_218 : vector<16xf32> to vector<1x16xf32>
        tpu.vector_store %arg11[%swap3A_219, %swap3A_220], %swap3A_223 {strides = array<i32>} : memref<128x64xf32, #tpu.memory_space<vmem>>, vector<1x16xf32>,
        %get3A_224 = arith.index_cast %scan3A_201 : i32 to index
        %get3A_225 = arith.constant 32 : index
        %get3A_226 = tpu.vector_load %arg11[%get3A_224, %get3A_225] {strides = array<i32>} : memref<128x64xf32, #tpu.memory_space<vmem>>, vector<1x16xf32>,
        %get3A_227 = vector.shape_cast %get3A_226 : vector<1x16xf32> to vector<16xf32>
        %mul3A_228 = arith.mulf %get3A_227, %get3A_204 : vector<16xf32>
        %swap3A_229 = arith.index_cast %scan3A_201 : i32 to index
        %swap3A_230 = arith.constant 32 : index
        %swap3A_231 = tpu.vector_load %arg11[%swap3A_229, %swap3A_230] {strides = array<i32>} : memref<128x64xf32, #tpu.memory_space<vmem>>, vector<1x16xf32>,
        %swap3A_232 = vector.shape_cast %swap3A_231 : vector<1x16xf32> to vector<16xf32>
        %swap3A_233 = vector.shape_cast %mul3A_228 : vector<16xf32> to vector<1x16xf32>
        tpu.vector_store %arg11[%swap3A_229, %swap3A_230], %swap3A_233 {strides = array<i32>} : memref<128x64xf32, #tpu.memory_space<vmem>>, vector<1x16xf32>,
        %get3A_234 = arith.index_cast %scan3A_201 : i32 to index
        %get3A_235 = arith.constant 48 : index
        %get3A_236 = tpu.vector_load %arg11[%get3A_234, %get3A_235] {strides = array<i32>} : memref<128x64xf32, #tpu.memory_space<vmem>>, vector<1x16xf32>,
        %get3A_237 = vector.shape_cast %get3A_236 : vector<1x16xf32> to vector<16xf32>
        %mul3A_238 = arith.mulf %get3A_237, %get3A_204 : vector<16xf32>
        %swap3A_239 = arith.index_cast %scan3A_201 : i32 to index
        %swap3A_240 = arith.constant 48 : index
        %swap3A_241 = tpu.vector_load %arg11[%swap3A_239, %swap3A_240] {strides = array<i32>} : memref<128x64xf32, #tpu.memory_space<vmem>>, vector<1x16xf32>,
        %swap3A_242 = vector.shape_cast %swap3A_241 : vector<1x16xf32> to vector<16xf32>
        %swap3A_243 = vector.shape_cast %mul3A_238 : vector<16xf32> to vector<1x16xf32>
        tpu.vector_store %arg11[%swap3A_239, %swap3A_240], %swap3A_243 {strides = array<i32>} : memref<128x64xf32, #tpu.memory_space<vmem>>, vector<1x16xf32>,
      }
      %scan3A_150 = arith.constant 128 : i32
      %add3A_151 = arith.constant 1 : i32
      %add3A_152 = arith.addi %mul3A_70, %add3A_151 : i32
      %dma_start3A_153 = arith.constant 0 : i32
      %dma_start3A_154 = tpu.memref_slice %arg8[%add3A_152, %dma_start3A_153] : memref<8x128xi32, #tpu.memory_space<vmem>> -> memref<1x128xi32, #tpu.memory_space<vmem>>
      %dma_start3A_155 = tpu.memref_squeeze %dma_start3A_154 : memref<1x128xi32, #tpu.memory_space<vmem>> -> memref<128xi32, #tpu.memory_space<vmem>>
      %dma_start3A_156 = arith.constant 0 : i32
      %dma_start3A_157 = arith.constant 0 : i32
      %dma_start3A_158 = tpu.memref_slice %arg15[%dma_start3A_156, %dma_start3A_157] : memref<10112x64xf32, #tpu.memory_space<vmem_shared>> -> memref<10112x64xf32, #tpu.memory_space<vmem_shared>>
      tpu.enqueue_indirect_dma source(%arg11 : memref<128x64xf32, #tpu.memory_space<vmem>>) target(%dma_start3A_158 : memref<10112x64xf32, #tpu.memory_space<vmem_shared>>) offsets(%dma_start3A_155 : memref<128xi32, #tpu.memory_space<vmem>>) semaphore(%arg21 : memref<!tpu.dma_semaphore, #tpu.memory_space<semaphore_mem>>) {add = true}
      %dma_wait3A_159 = arith.constant 2 : i32
      %dma_wait3A_160 = arith.constant 0 : i32
      %dma_wait3A_161 = tpu.memref_slice %arg7[%dma_wait3A_159, %dma_wait3A_160] : memref<4x128xi32, #tpu.memory_space<vmem>> -> memref<1x128xi32, #tpu.memory_space<vmem>>
      %dma_wait3A_162 = tpu.memref_squeeze %dma_wait3A_161 : memref<1x128xi32, #tpu.memory_space<vmem>> -> memref<128xi32, #tpu.memory_space<vmem>>
      %dma_wait3A_163 = arith.constant 0 : i32
      %dma_wait3A_164 = arith.constant 0 : i32
      %dma_wait3A_165 = tpu.memref_slice %arg14[%dma_wait3A_163, %dma_wait3A_164] : memref<10000x64xf32, #tpu.memory_space<vmem_shared>> -> memref<10000x64xf32, #tpu.memory_space<vmem_shared>>
      tpu.wait_indirect_dma semaphore(%arg18 : memref<!tpu.dma_semaphore, #tpu.memory_space<semaphore_mem>>) src(%dma_wait3A_165 : memref<10000x64xf32, #tpu.memory_space<vmem_shared>>) dst(%arg12 : memref<128x64xf32, #tpu.memory_space<vmem>>)
      %scan3A_166 = arith.constant 0 : i32
      %scan3A_167 = arith.constant 0 : i32
      %scan3A_168 = arith.constant 128 : i32
      %scan3A_169 = arith.addi %scan3A_167, %scan3A_168 : i32
      %scan3A_170 = arith.constant 1 : i32
      scf.for %scan3A_201 = %scan3A_167 to %scan3A_169 step %scan3A_170  : i32 {
        %get3A = arith.index_cast %scan3A_201 : i32 to index
        %get3A_202 = arith.constant 32 : index
        %get3A_203 = tpu.vector_load %arg9[%get3A, %get3A_202] {strides = array<i32>} : memref<128x64xf32, #tpu.memory_space<vmem>>, vector<1x16xf32>,
        %get3A_204 = vector.shape_cast %get3A_203 : vector<1x16xf32> to vector<16xf32>
        %get3A_205 = arith.index_cast %scan3A_201 : i32 to index
        %get3A_206 = arith.constant 0 : index
        %get3A_207 = tpu.vector_load %arg12[%get3A_205, %get3A_206] {strides = array<i32>} : memref<128x64xf32, #tpu.memory_space<vmem>>, vector<1x16xf32>,
        %get3A_208 = vector.shape_cast %get3A_207 : vector<1x16xf32> to vector<16xf32>
        %mul3A_209 = arith.mulf %get3A_208, %get3A_204 : vector<16xf32>
        %swap3A = arith.index_cast %scan3A_201 : i32 to index
        %swap3A_210 = arith.constant 0 : index
        %swap3A_211 = tpu.vector_load %arg12[%swap3A, %swap3A_210] {strides = array<i32>} : memref<128x64xf32, #tpu.memory_space<vmem>>, vector<1x16xf32>,
        %swap3A_212 = vector.shape_cast %swap3A_211 : vector<1x16xf32> to vector<16xf32>
        %swap3A_213 = vector.shape_cast %mul3A_209 : vector<16xf32> to vector<1x16xf32>
        tpu.vector_store %arg12[%swap3A, %swap3A_210], %swap3A_213 {strides = array<i32>} : memref<128x64xf32, #tpu.memory_space<vmem>>, vector<1x16xf32>,
        %get3A_214 = arith.index_cast %scan3A_201 : i32 to index
        %get3A_215 = arith.constant 16 : index
        %get3A_216 = tpu.vector_load %arg12[%get3A_214, %get3A_215] {strides = array<i32>} : memref<128x64xf32, #tpu.memory_space<vmem>>, vector<1x16xf32>,
        %get3A_217 = vector.shape_cast %get3A_216 : vector<1x16xf32> to vector<16xf32>
        %mul3A_218 = arith.mulf %get3A_217, %get3A_204 : vector<16xf32>
        %swap3A_219 = arith.index_cast %scan3A_201 : i32 to index
        %swap3A_220 = arith.constant 16 : index
        %swap3A_221 = tpu.vector_load %arg12[%swap3A_219, %swap3A_220] {strides = array<i32>} : memref<128x64xf32, #tpu.memory_space<vmem>>, vector<1x16xf32>,
        %swap3A_222 = vector.shape_cast %swap3A_221 : vector<1x16xf32> to vector<16xf32>
        %swap3A_223 = vector.shape_cast %mul3A_218 : vector<16xf32> to vector<1x16xf32>
        tpu.vector_store %arg12[%swap3A_219, %swap3A_220], %swap3A_223 {strides = array<i32>} : memref<128x64xf32, #tpu.memory_space<vmem>>, vector<1x16xf32>,
        %get3A_224 = arith.index_cast %scan3A_201 : i32 to index
        %get3A_225 = arith.constant 32 : index
        %get3A_226 = tpu.vector_load %arg12[%get3A_224, %get3A_225] {strides = array<i32>} : memref<128x64xf32, #tpu.memory_space<vmem>>, vector<1x16xf32>,
        %get3A_227 = vector.shape_cast %get3A_226 : vector<1x16xf32> to vector<16xf32>
        %mul3A_228 = arith.mulf %get3A_227, %get3A_204 : vector<16xf32>
        %swap3A_229 = arith.index_cast %scan3A_201 : i32 to index
        %swap3A_230 = arith.constant 32 : index
        %swap3A_231 = tpu.vector_load %arg12[%swap3A_229, %swap3A_230] {strides = array<i32>} : memref<128x64xf32, #tpu.memory_space<vmem>>, vector<1x16xf32>,
        %swap3A_232 = vector.shape_cast %swap3A_231 : vector<1x16xf32> to vector<16xf32>
        %swap3A_233 = vector.shape_cast %mul3A_228 : vector<16xf32> to vector<1x16xf32>
        tpu.vector_store %arg12[%swap3A_229, %swap3A_230], %swap3A_233 {strides = array<i32>} : memref<128x64xf32, #tpu.memory_space<vmem>>, vector<1x16xf32>,
        %get3A_234 = arith.index_cast %scan3A_201 : i32 to index
        %get3A_235 = arith.constant 48 : index
        %get3A_236 = tpu.vector_load %arg12[%get3A_234, %get3A_235] {strides = array<i32>} : memref<128x64xf32, #tpu.memory_space<vmem>>, vector<1x16xf32>,
        %get3A_237 = vector.shape_cast %get3A_236 : vector<1x16xf32> to vector<16xf32>
        %mul3A_238 = arith.mulf %get3A_237, %get3A_204 : vector<16xf32>
        %swap3A_239 = arith.index_cast %scan3A_201 : i32 to index
        %swap3A_240 = arith.constant 48 : index
        %swap3A_241 = tpu.vector_load %arg12[%swap3A_239, %swap3A_240] {strides = array<i32>} : memref<128x64xf32, #tpu.memory_space<vmem>>, vector<1x16xf32>,
        %swap3A_242 = vector.shape_cast %swap3A_241 : vector<1x16xf32> to vector<16xf32>
        %swap3A_243 = vector.shape_cast %mul3A_238 : vector<16xf32> to vector<1x16xf32>
        tpu.vector_store %arg12[%swap3A_239, %swap3A_240], %swap3A_243 {strides = array<i32>} : memref<128x64xf32, #tpu.memory_space<vmem>>, vector<1x16xf32>,
      }
      %scan3A_171 = arith.constant 128 : i32
      %add3A_172 = arith.constant 2 : i32
      %add3A_173 = arith.addi %mul3A_70, %add3A_172 : i32
      %dma_start3A_174 = arith.constant 0 : i32
      %dma_start3A_175 = tpu.memref_slice %arg8[%add3A_173, %dma_start3A_174] : memref<8x128xi32, #tpu.memory_space<vmem>> -> memref<1x128xi32, #tpu.memory_space<vmem>>
      %dma_start3A_176 = tpu.memref_squeeze %dma_start3A_175 : memref<1x128xi32, #tpu.memory_space<vmem>> -> memref<128xi32, #tpu.memory_space<vmem>>
      %dma_start3A_177 = arith.constant 0 : i32
      %dma_start3A_178 = arith.constant 0 : i32
      %dma_start3A_179 = tpu.memref_slice %arg15[%dma_start3A_177, %dma_start3A_178] : memref<10112x64xf32, #tpu.memory_space<vmem_shared>> -> memref<10112x64xf32, #tpu.memory_space<vmem_shared>>
      tpu.enqueue_indirect_dma source(%arg12 : memref<128x64xf32, #tpu.memory_space<vmem>>) target(%dma_start3A_179 : memref<10112x64xf32, #tpu.memory_space<vmem_shared>>) offsets(%dma_start3A_176 : memref<128xi32, #tpu.memory_space<vmem>>) semaphore(%arg22 : memref<!tpu.dma_semaphore, #tpu.memory_space<semaphore_mem>>) {add = true}
      %dma_wait3A_180 = arith.constant 3 : i32
      %dma_wait3A_181 = arith.constant 0 : i32
      %dma_wait3A_182 = tpu.memref_slice %arg7[%dma_wait3A_180, %dma_wait3A_181] : memref<4x128xi32, #tpu.memory_space<vmem>> -> memref<1x128xi32, #tpu.memory_space<vmem>>
      %dma_wait3A_183 = tpu.memref_squeeze %dma_wait3A_182 : memref<1x128xi32, #tpu.memory_space<vmem>> -> memref<128xi32, #tpu.memory_space<vmem>>
      %dma_wait3A_184 = arith.constant 0 : i32
      %dma_wait3A_185 = arith.constant 0 : i32
      %dma_wait3A_186 = tpu.memref_slice %arg14[%dma_wait3A_184, %dma_wait3A_185] : memref<10000x64xf32, #tpu.memory_space<vmem_shared>> -> memref<10000x64xf32, #tpu.memory_space<vmem_shared>>
      tpu.wait_indirect_dma semaphore(%arg19 : memref<!tpu.dma_semaphore, #tpu.memory_space<semaphore_mem>>) src(%dma_wait3A_186 : memref<10000x64xf32, #tpu.memory_space<vmem_shared>>) dst(%arg13 : memref<128x64xf32, #tpu.memory_space<vmem>>)
      %scan3A_187 = arith.constant 0 : i32
      %scan3A_188 = arith.constant 0 : i32
      %scan3A_189 = arith.constant 128 : i32
      %scan3A_190 = arith.addi %scan3A_188, %scan3A_189 : i32
      %scan3A_191 = arith.constant 1 : i32
      scf.for %scan3A_201 = %scan3A_188 to %scan3A_190 step %scan3A_191  : i32 {
        %get3A = arith.index_cast %scan3A_201 : i32 to index
        %get3A_202 = arith.constant 48 : index
        %get3A_203 = tpu.vector_load %arg9[%get3A, %get3A_202] {strides = array<i32>} : memref<128x64xf32, #tpu.memory_space<vmem>>, vector<1x16xf32>,
        %get3A_204 = vector.shape_cast %get3A_203 : vector<1x16xf32> to vector<16xf32>
        %get3A_205 = arith.index_cast %scan3A_201 : i32 to index
        %get3A_206 = arith.constant 0 : index
        %get3A_207 = tpu.vector_load %arg13[%get3A_205, %get3A_206] {strides = array<i32>} : memref<128x64xf32, #tpu.memory_space<vmem>>, vector<1x16xf32>,
        %get3A_208 = vector.shape_cast %get3A_207 : vector<1x16xf32> to vector<16xf32>
        %mul3A_209 = arith.mulf %get3A_208, %get3A_204 : vector<16xf32>
        %swap3A = arith.index_cast %scan3A_201 : i32 to index
        %swap3A_210 = arith.constant 0 : index
        %swap3A_211 = tpu.vector_load %arg13[%swap3A, %swap3A_210] {strides = array<i32>} : memref<128x64xf32, #tpu.memory_space<vmem>>, vector<1x16xf32>,
        %swap3A_212 = vector.shape_cast %swap3A_211 : vector<1x16xf32> to vector<16xf32>
        %swap3A_213 = vector.shape_cast %mul3A_209 : vector<16xf32> to vector<1x16xf32>
        tpu.vector_store %arg13[%swap3A, %swap3A_210], %swap3A_213 {strides = array<i32>} : memref<128x64xf32, #tpu.memory_space<vmem>>, vector<1x16xf32>,
        %get3A_214 = arith.index_cast %scan3A_201 : i32 to index
        %get3A_215 = arith.constant 16 : index
        %get3A_216 = tpu.vector_load %arg13[%get3A_214, %get3A_215] {strides = array<i32>} : memref<128x64xf32, #tpu.memory_space<vmem>>, vector<1x16xf32>,
        %get3A_217 = vector.shape_cast %get3A_216 : vector<1x16xf32> to vector<16xf32>
        %mul3A_218 = arith.mulf %get3A_217, %get3A_204 : vector<16xf32>
        %swap3A_219 = arith.index_cast %scan3A_201 : i32 to index
        %swap3A_220 = arith.constant 16 : index
        %swap3A_221 = tpu.vector_load %arg13[%swap3A_219, %swap3A_220] {strides = array<i32>} : memref<128x64xf32, #tpu.memory_space<vmem>>, vector<1x16xf32>,
        %swap3A_222 = vector.shape_cast %swap3A_221 : vector<1x16xf32> to vector<16xf32>
        %swap3A_223 = vector.shape_cast %mul3A_218 : vector<16xf32> to vector<1x16xf32>
        tpu.vector_store %arg13[%swap3A_219, %swap3A_220], %swap3A_223 {strides = array<i32>} : memref<128x64xf32, #tpu.memory_space<vmem>>, vector<1x16xf32>,
        %get3A_224 = arith.index_cast %scan3A_201 : i32 to index
        %get3A_225 = arith.constant 32 : index
        %get3A_226 = tpu.vector_load %arg13[%get3A_224, %get3A_225] {strides = array<i32>} : memref<128x64xf32, #tpu.memory_space<vmem>>, vector<1x16xf32>,
        %get3A_227 = vector.shape_cast %get3A_226 : vector<1x16xf32> to vector<16xf32>
        %mul3A_228 = arith.mulf %get3A_227, %get3A_204 : vector<16xf32>
        %swap3A_229 = arith.index_cast %scan3A_201 : i32 to index
        %swap3A_230 = arith.constant 32 : index
        %swap3A_231 = tpu.vector_load %arg13[%swap3A_229, %swap3A_230] {strides = array<i32>} : memref<128x64xf32, #tpu.memory_space<vmem>>, vector<1x16xf32>,
        %swap3A_232 = vector.shape_cast %swap3A_231 : vector<1x16xf32> to vector<16xf32>
        %swap3A_233 = vector.shape_cast %mul3A_228 : vector<16xf32> to vector<1x16xf32>
        tpu.vector_store %arg13[%swap3A_229, %swap3A_230], %swap3A_233 {strides = array<i32>} : memref<128x64xf32, #tpu.memory_space<vmem>>, vector<1x16xf32>,
        %get3A_234 = arith.index_cast %scan3A_201 : i32 to index
        %get3A_235 = arith.constant 48 : index
        %get3A_236 = tpu.vector_load %arg13[%get3A_234, %get3A_235] {strides = array<i32>} : memref<128x64xf32, #tpu.memory_space<vmem>>, vector<1x16xf32>,
        %get3A_237 = vector.shape_cast %get3A_236 : vector<1x16xf32> to vector<16xf32>
        %mul3A_238 = arith.mulf %get3A_237, %get3A_204 : vector<16xf32>
        %swap3A_239 = arith.index_cast %scan3A_201 : i32 to index
        %swap3A_240 = arith.constant 48 : index
        %swap3A_241 = tpu.vector_load %arg13[%swap3A_239, %swap3A_240] {strides = array<i32>} : memref<128x64xf32, #tpu.memory_space<vmem>>, vector<1x16xf32>,
        %swap3A_242 = vector.shape_cast %swap3A_241 : vector<1x16xf32> to vector<16xf32>
        %swap3A_243 = vector.shape_cast %mul3A_238 : vector<16xf32> to vector<1x16xf32>
        tpu.vector_store %arg13[%swap3A_239, %swap3A_240], %swap3A_243 {strides = array<i32>} : memref<128x64xf32, #tpu.memory_space<vmem>>, vector<1x16xf32>,
      }
      %scan3A_192 = arith.constant 128 : i32
      %add3A_193 = arith.constant 3 : i32
      %add3A_194 = arith.addi %mul3A_70, %add3A_193 : i32
      %dma_start3A_195 = arith.constant 0 : i32
      %dma_start3A_196 = tpu.memref_slice %arg8[%add3A_194, %dma_start3A_195] : memref<8x128xi32, #tpu.memory_space<vmem>> -> memref<1x128xi32, #tpu.memory_space<vmem>>
      %dma_start3A_197 = tpu.memref_squeeze %dma_start3A_196 : memref<1x128xi32, #tpu.memory_space<vmem>> -> memref<128xi32, #tpu.memory_space<vmem>>
      %dma_start3A_198 = arith.constant 0 : i32
      %dma_start3A_199 = arith.constant 0 : i32
      %dma_start3A_200 = tpu.memref_slice %arg15[%dma_start3A_198, %dma_start3A_199] : memref<10112x64xf32, #tpu.memory_space<vmem_shared>> -> memref<10112x64xf32, #tpu.memory_space<vmem_shared>>
      tpu.enqueue_indirect_dma source(%arg13 : memref<128x64xf32, #tpu.memory_space<vmem>>) target(%dma_start3A_200 : memref<10112x64xf32, #tpu.memory_space<vmem_shared>>) offsets(%dma_start3A_197 : memref<128xi32, #tpu.memory_space<vmem>>) semaphore(%arg23 : memref<!tpu.dma_semaphore, #tpu.memory_space<semaphore_mem>>) {add = true}
    }
    %scan3A_25 = arith.constant 40 : i32
    %dma_wait3A = arith.constant 4 : i32
    %dma_wait3A_26 = arith.constant 0 : i32
    %dma_wait3A_27 = tpu.memref_slice %arg8[%dma_wait3A, %dma_wait3A_26] : memref<8x128xi32, #tpu.memory_space<vmem>> -> memref<1x128xi32, #tpu.memory_space<vmem>>
    %dma_wait3A_28 = tpu.memref_squeeze %dma_wait3A_27 : memref<1x128xi32, #tpu.memory_space<vmem>> -> memref<128xi32, #tpu.memory_space<vmem>>
    %dma_wait3A_29 = arith.constant 0 : i32
    %dma_wait3A_30 = arith.constant 0 : i32
    %dma_wait3A_31 = tpu.memref_slice %arg15[%dma_wait3A_29, %dma_wait3A_30] : memref<10112x64xf32, #tpu.memory_space<vmem_shared>> -> memref<10112x64xf32, #tpu.memory_space<vmem_shared>>
    tpu.wait_indirect_dma semaphore(%arg20 : memref<!tpu.dma_semaphore, #tpu.memory_space<semaphore_mem>>) src(%arg10 : memref<128x64xf32, #tpu.memory_space<vmem>>) dst(%dma_wait3A_31 : memref<10112x64xf32, #tpu.memory_space<vmem_shared>>)
    %dma_wait3A_32 = arith.constant 5 : i32
    %dma_wait3A_33 = arith.constant 0 : i32
    %dma_wait3A_34 = tpu.memref_slice %arg8[%dma_wait3A_32, %dma_wait3A_33] : memref<8x128xi32, #tpu.memory_space<vmem>> -> memref<1x128xi32, #tpu.memory_space<vmem>>
    %dma_wait3A_35 = tpu.memref_squeeze %dma_wait3A_34 : memref<1x128xi32, #tpu.memory_space<vmem>> -> memref<128xi32, #tpu.memory_space<vmem>>
    %dma_wait3A_36 = arith.constant 0 : i32
    %dma_wait3A_37 = arith.constant 0 : i32
    %dma_wait3A_38 = tpu.memref_slice %arg15[%dma_wait3A_36, %dma_wait3A_37] : memref<10112x64xf32, #tpu.memory_space<vmem_shared>> -> memref<10112x64xf32, #tpu.memory_space<vmem_shared>>
    tpu.wait_indirect_dma semaphore(%arg21 : memref<!tpu.dma_semaphore, #tpu.memory_space<semaphore_mem>>) src(%arg11 : memref<128x64xf32, #tpu.memory_space<vmem>>) dst(%dma_wait3A_38 : memref<10112x64xf32, #tpu.memory_space<vmem_shared>>)
    %dma_wait3A_39 = arith.constant 6 : i32
    %dma_wait3A_40 = arith.constant 0 : i32
    %dma_wait3A_41 = tpu.memref_slice %arg8[%dma_wait3A_39, %dma_wait3A_40] : memref<8x128xi32, #tpu.memory_space<vmem>> -> memref<1x128xi32, #tpu.memory_space<vmem>>
    %dma_wait3A_42 = tpu.memref_squeeze %dma_wait3A_41 : memref<1x128xi32, #tpu.memory_space<vmem>> -> memref<128xi32, #tpu.memory_space<vmem>>
    %dma_wait3A_43 = arith.constant 0 : i32
    %dma_wait3A_44 = arith.constant 0 : i32
    %dma_wait3A_45 = tpu.memref_slice %arg15[%dma_wait3A_43, %dma_wait3A_44] : memref<10112x64xf32, #tpu.memory_space<vmem_shared>> -> memref<10112x64xf32, #tpu.memory_space<vmem_shared>>
    tpu.wait_indirect_dma semaphore(%arg22 : memref<!tpu.dma_semaphore, #tpu.memory_space<semaphore_mem>>) src(%arg12 : memref<128x64xf32, #tpu.memory_space<vmem>>) dst(%dma_wait3A_45 : memref<10112x64xf32, #tpu.memory_space<vmem_shared>>)
    %dma_wait3A_46 = arith.constant 7 : i32
    %dma_wait3A_47 = arith.constant 0 : i32
    %dma_wait3A_48 = tpu.memref_slice %arg8[%dma_wait3A_46, %dma_wait3A_47] : memref<8x128xi32, #tpu.memory_space<vmem>> -> memref<1x128xi32, #tpu.memory_space<vmem>>
    %dma_wait3A_49 = tpu.memref_squeeze %dma_wait3A_48 : memref<1x128xi32, #tpu.memory_space<vmem>> -> memref<128xi32, #tpu.memory_space<vmem>>
    %dma_wait3A_50 = arith.constant 0 : i32
    %dma_wait3A_51 = arith.constant 0 : i32
    %dma_wait3A_52 = tpu.memref_slice %arg15[%dma_wait3A_50, %dma_wait3A_51] : memref<10112x64xf32, #tpu.memory_space<vmem_shared>> -> memref<10112x64xf32, #tpu.memory_space<vmem_shared>>
    tpu.wait_indirect_dma semaphore(%arg23 : memref<!tpu.dma_semaphore, #tpu.memory_space<semaphore_mem>>) src(%arg13 : memref<128x64xf32, #tpu.memory_space<vmem>>) dst(%dma_wait3A_52 : memref<10112x64xf32, #tpu.memory_space<vmem_shared>>)
    %barrier3A_53 = arith.constant 0 : index
    tpu.barrier barrier_id(%barrier3A_53)
    %add3A_54 = arith.constant 0 : i32
    %add3A_55 = arith.addi %mul3A_0, %add3A_54 : i32
    "tpu.region"() ({
      %run_scoped3A = tpu.sem_alloc : memref<!tpu.dma_semaphore, #tpu.memory_space<semaphore_mem>>
      %dma_start3A = arith.constant 0 : i32
      %dma_start3A_64 = tpu.memref_slice %arg6[%arg0, %add3A_55, %dma_start3A] : memref<2x10112x64xf32, #tpu.memory_space<hbm>> -> memref<1x128x64xf32, #tpu.memory_space<hbm>>
      %dma_start3A_65 = tpu.memref_squeeze %dma_start3A_64 : memref<1x128x64xf32, #tpu.memory_space<hbm>> -> memref<128x64xf32, #tpu.memory_space<hbm>>
      %dma_start3A_66 = arith.constant 0 : i32
      %dma_start3A_67 = tpu.memref_slice %arg15[%add3A_55, %dma_start3A_66] : memref<10112x64xf32, #tpu.memory_space<vmem_shared>> -> memref<128x64xf32, #tpu.memory_space<vmem_shared>>
      tpu.enqueue_dma source(%dma_start3A_67 : memref<128x64xf32, #tpu.memory_space<vmem_shared>>) target(%dma_start3A_65 : memref<128x64xf32, #tpu.memory_space<hbm>>) target_semaphore(%run_scoped3A : memref<!tpu.dma_semaphore, #tpu.memory_space<semaphore_mem>>)
      %dma_wait3A_68 = arith.constant 0 : i32
      %dma_wait3A_69 = tpu.memref_slice %arg6[%arg0, %add3A_55, %dma_wait3A_68] : memref<2x10112x64xf32, #tpu.memory_space<hbm>> -> memref<1x128x64xf32, #tpu.memory_space<hbm>>
      %dma_wait3A_70 = tpu.memref_squeeze %dma_wait3A_69 : memref<1x128x64xf32, #tpu.memory_space<hbm>> -> memref<128x64xf32, #tpu.memory_space<hbm>>
      %dma_wait3A_71 = arith.constant 0 : i32
      %dma_wait3A_72 = tpu.memref_slice %arg15[%add3A_55, %dma_wait3A_71] : memref<10112x64xf32, #tpu.memory_space<vmem_shared>> -> memref<128x64xf32, #tpu.memory_space<vmem_shared>>
      tpu.wait_dma2 semaphore(%run_scoped3A : memref<!tpu.dma_semaphore, #tpu.memory_space<semaphore_mem>>) src(%dma_wait3A_72 : memref<128x64xf32, #tpu.memory_space<vmem_shared>>) dst(%dma_wait3A_70 : memref<128x64xf32, #tpu.memory_space<hbm>>)
      tpu.yield
    }) : () -> ()
    %add3A_56 = arith.constant 128 : i32
    %add3A_57 = arith.addi %mul3A_0, %add3A_56 : i32
    "tpu.region"() ({
      %run_scoped3A = tpu.sem_alloc : memref<!tpu.dma_semaphore, #tpu.memory_space<semaphore_mem>>
      %dma_start3A = arith.constant 0 : i32
      %dma_start3A_64 = tpu.memref_slice %arg6[%arg0, %add3A_57, %dma_start3A] : memref<2x10112x64xf32, #tpu.memory_space<hbm>> -> memref<1x128x64xf32, #tpu.memory_space<hbm>>
      %dma_start3A_65 = tpu.memref_squeeze %dma_start3A_64 : memref<1x128x64xf32, #tpu.memory_space<hbm>> -> memref<128x64xf32, #tpu.memory_space<hbm>>
      %dma_start3A_66 = arith.constant 0 : i32
      %dma_start3A_67 = tpu.memref_slice %arg15[%add3A_57, %dma_start3A_66] : memref<10112x64xf32, #tpu.memory_space<vmem_shared>> -> memref<128x64xf32, #tpu.memory_space<vmem_shared>>
      tpu.enqueue_dma source(%dma_start3A_67 : memref<128x64xf32, #tpu.memory_space<vmem_shared>>) target(%dma_start3A_65 : memref<128x64xf32, #tpu.memory_space<hbm>>) target_semaphore(%run_scoped3A : memref<!tpu.dma_semaphore, #tpu.memory_space<semaphore_mem>>)
      %dma_wait3A_68 = arith.constant 0 : i32
      %dma_wait3A_69 = tpu.memref_slice %arg6[%arg0, %add3A_57, %dma_wait3A_68] : memref<2x10112x64xf32, #tpu.memory_space<hbm>> -> memref<1x128x64xf32, #tpu.memory_space<hbm>>
      %dma_wait3A_70 = tpu.memref_squeeze %dma_wait3A_69 : memref<1x128x64xf32, #tpu.memory_space<hbm>> -> memref<128x64xf32, #tpu.memory_space<hbm>>
      %dma_wait3A_71 = arith.constant 0 : i32
      %dma_wait3A_72 = tpu.memref_slice %arg15[%add3A_57, %dma_wait3A_71] : memref<10112x64xf32, #tpu.memory_space<vmem_shared>> -> memref<128x64xf32, #tpu.memory_space<vmem_shared>>
      tpu.wait_dma2 semaphore(%run_scoped3A : memref<!tpu.dma_semaphore, #tpu.memory_space<semaphore_mem>>) src(%dma_wait3A_72 : memref<128x64xf32, #tpu.memory_space<vmem_shared>>) dst(%dma_wait3A_70 : memref<128x64xf32, #tpu.memory_space<hbm>>)
      tpu.yield
    }) : () -> ()
    %add3A_58 = arith.constant 256 : i32
    %add3A_59 = arith.addi %mul3A_0, %add3A_58 : i32
    "tpu.region"() ({
      %run_scoped3A = tpu.sem_alloc : memref<!tpu.dma_semaphore, #tpu.memory_space<semaphore_mem>>
      %dma_start3A = arith.constant 0 : i32
      %dma_start3A_64 = tpu.memref_slice %arg6[%arg0, %add3A_59, %dma_start3A] : memref<2x10112x64xf32, #tpu.memory_space<hbm>> -> memref<1x128x64xf32, #tpu.memory_space<hbm>>
      %dma_start3A_65 = tpu.memref_squeeze %dma_start3A_64 : memref<1x128x64xf32, #tpu.memory_space<hbm>> -> memref<128x64xf32, #tpu.memory_space<hbm>>
      %dma_start3A_66 = arith.constant 0 : i32
      %dma_start3A_67 = tpu.memref_slice %arg15[%add3A_59, %dma_start3A_66] : memref<10112x64xf32, #tpu.memory_space<vmem_shared>> -> memref<128x64xf32, #tpu.memory_space<vmem_shared>>
      tpu.enqueue_dma source(%dma_start3A_67 : memref<128x64xf32, #tpu.memory_space<vmem_shared>>) target(%dma_start3A_65 : memref<128x64xf32, #tpu.memory_space<hbm>>) target_semaphore(%run_scoped3A : memref<!tpu.dma_semaphore, #tpu.memory_space<semaphore_mem>>)
      %dma_wait3A_68 = arith.constant 0 : i32
      %dma_wait3A_69 = tpu.memref_slice %arg6[%arg0, %add3A_59, %dma_wait3A_68] : memref<2x10112x64xf32, #tpu.memory_space<hbm>> -> memref<1x128x64xf32, #tpu.memory_space<hbm>>
      %dma_wait3A_70 = tpu.memref_squeeze %dma_wait3A_69 : memref<1x128x64xf32, #tpu.memory_space<hbm>> -> memref<128x64xf32, #tpu.memory_space<hbm>>
      %dma_wait3A_71 = arith.constant 0 : i32
      %dma_wait3A_72 = tpu.memref_slice %arg15[%add3A_59, %dma_wait3A_71] : memref<10112x64xf32, #tpu.memory_space<vmem_shared>> -> memref<128x64xf32, #tpu.memory_space<vmem_shared>>
      tpu.wait_dma2 semaphore(%run_scoped3A : memref<!tpu.dma_semaphore, #tpu.memory_space<semaphore_mem>>) src(%dma_wait3A_72 : memref<128x64xf32, #tpu.memory_space<vmem_shared>>) dst(%dma_wait3A_70 : memref<128x64xf32, #tpu.memory_space<hbm>>)
      tpu.yield
    }) : () -> ()
    %add3A_60 = arith.constant 384 : i32
    %add3A_61 = arith.addi %mul3A_0, %add3A_60 : i32
    "tpu.region"() ({
      %run_scoped3A = tpu.sem_alloc : memref<!tpu.dma_semaphore, #tpu.memory_space<semaphore_mem>>
      %dma_start3A = arith.constant 0 : i32
      %dma_start3A_64 = tpu.memref_slice %arg6[%arg0, %add3A_61, %dma_start3A] : memref<2x10112x64xf32, #tpu.memory_space<hbm>> -> memref<1x128x64xf32, #tpu.memory_space<hbm>>
      %dma_start3A_65 = tpu.memref_squeeze %dma_start3A_64 : memref<1x128x64xf32, #tpu.memory_space<hbm>> -> memref<128x64xf32, #tpu.memory_space<hbm>>
      %dma_start3A_66 = arith.constant 0 : i32
      %dma_start3A_67 = tpu.memref_slice %arg15[%add3A_61, %dma_start3A_66] : memref<10112x64xf32, #tpu.memory_space<vmem_shared>> -> memref<128x64xf32, #tpu.memory_space<vmem_shared>>
      tpu.enqueue_dma source(%dma_start3A_67 : memref<128x64xf32, #tpu.memory_space<vmem_shared>>) target(%dma_start3A_65 : memref<128x64xf32, #tpu.memory_space<hbm>>) target_semaphore(%run_scoped3A : memref<!tpu.dma_semaphore, #tpu.memory_space<semaphore_mem>>)
      %dma_wait3A_68 = arith.constant 0 : i32
      %dma_wait3A_69 = tpu.memref_slice %arg6[%arg0, %add3A_61, %dma_wait3A_68] : memref<2x10112x64xf32, #tpu.memory_space<hbm>> -> memref<1x128x64xf32, #tpu.memory_space<hbm>>
      %dma_wait3A_70 = tpu.memref_squeeze %dma_wait3A_69 : memref<1x128x64xf32, #tpu.memory_space<hbm>> -> memref<128x64xf32, #tpu.memory_space<hbm>>
      %dma_wait3A_71 = arith.constant 0 : i32
      %dma_wait3A_72 = tpu.memref_slice %arg15[%add3A_61, %dma_wait3A_71] : memref<10112x64xf32, #tpu.memory_space<vmem_shared>> -> memref<128x64xf32, #tpu.memory_space<vmem_shared>>
      tpu.wait_dma2 semaphore(%run_scoped3A : memref<!tpu.dma_semaphore, #tpu.memory_space<semaphore_mem>>) src(%dma_wait3A_72 : memref<128x64xf32, #tpu.memory_space<vmem_shared>>) dst(%dma_wait3A_70 : memref<128x64xf32, #tpu.memory_space<hbm>>)
      tpu.yield
    }) : () -> ()
    %add3A_62 = arith.constant 512 : i32
    %add3A_63 = arith.addi %mul3A_0, %add3A_62 : i32
    "tpu.region"() ({
      %run_scoped3A = tpu.sem_alloc : memref<!tpu.dma_semaphore, #tpu.memory_space<semaphore_mem>>
      %dma_start3A = arith.constant 0 : i32
      %dma_start3A_64 = tpu.memref_slice %arg6[%arg0, %add3A_63, %dma_start3A] : memref<2x10112x64xf32, #tpu.memory_space<hbm>> -> memref<1x120x64xf32, #tpu.memory_space<hbm>>
      %dma_start3A_65 = tpu.memref_squeeze %dma_start3A_64 : memref<1x120x64xf32, #tpu.memory_space<hbm>> -> memref<120x64xf32, #tpu.memory_space<hbm>>
      %dma_start3A_66 = arith.constant 0 : i32
      %dma_start3A_67 = tpu.memref_slice %arg15[%add3A_63, %dma_start3A_66] : memref<10112x64xf32, #tpu.memory_space<vmem_shared>> -> memref<120x64xf32, #tpu.memory_space<vmem_shared>>
      tpu.enqueue_dma source(%dma_start3A_67 : memref<120x64xf32, #tpu.memory_space<vmem_shared>>) target(%dma_start3A_65 : memref<120x64xf32, #tpu.memory_space<hbm>>) target_semaphore(%run_scoped3A : memref<!tpu.dma_semaphore, #tpu.memory_space<semaphore_mem>>)
      %dma_wait3A_68 = arith.constant 0 : i32
      %dma_wait3A_69 = tpu.memref_slice %arg6[%arg0, %add3A_63, %dma_wait3A_68] : memref<2x10112x64xf32, #tpu.memory_space<hbm>> -> memref<1x120x64xf32, #tpu.memory_space<hbm>>
      %dma_wait3A_70 = tpu.memref_squeeze %dma_wait3A_69 : memref<1x120x64xf32, #tpu.memory_space<hbm>> -> memref<120x64xf32, #tpu.memory_space<hbm>>
      %dma_wait3A_71 = arith.constant 0 : i32
      %dma_wait3A_72 = tpu.memref_slice %arg15[%add3A_63, %dma_wait3A_71] : memref<10112x64xf32, #tpu.memory_space<vmem_shared>> -> memref<120x64xf32, #tpu.memory_space<vmem_shared>>
      tpu.wait_dma2 semaphore(%run_scoped3A : memref<!tpu.dma_semaphore, #tpu.memory_space<semaphore_mem>>) src(%dma_wait3A_72 : memref<120x64xf32, #tpu.memory_space<vmem_shared>>) dst(%dma_wait3A_70 : memref<120x64xf32, #tpu.memory_space<hbm>>)
      tpu.yield
    }) : () -> ()
    return
  }
}

#map = affine_map<(d0, d1) -> (0, 0, 0)>
module attributes {stable_mosaic.version = 14 : i64} {
  func.func @_sc_deg_body(%arg0: i32, %arg1: i32, %arg2: memref<32x80x128xi32, #tpu.memory_space<hbm>>, %arg3: memref<2x10112x16xf32, #tpu.memory_space<hbm>>, %arg4: memref<80x128xi32, #tpu.memory_space<vmem>>, %arg5: memref<128x16xf32, #tpu.memory_space<vmem>>, %arg6: memref<128x16xf32, #tpu.memory_space<vmem>>, %arg7: memref<10112x16xf32, #tpu.memory_space<vmem_shared>>) attributes {dimension_semantics = [#tpu.dimension_semantics<core_parallel>, #tpu.dimension_semantics<subcore_parallel>], iteration_bounds = array<i64: 2, 16>, scalar_prefetch = 0 : i64, scratch_operands = 4 : i64, tpu.core_type = #tpu.core_type<sc_vector_subcore>, window_params = [{transform_indices = #map}, {transform_indices = #map}]} {
    %mul3A = arith.constant 2 : i32
    %mul3A_0 = arith.muli %arg1, %mul3A : i32
    %add3A = arith.addi %mul3A_0, %arg0 : i32
    %mul3A_1 = arith.constant 632 : i32
    %mul3A_2 = arith.muli %arg1, %mul3A_1 : i32
    %broadcast_in_dim3A = arith.constant 0.000000e+00 : f32
    %broadcast_in_dim3A_3 = vector.broadcast %broadcast_in_dim3A : f32 to vector<16xf32>
    %broadcast_in_dim3A_4 = arith.constant 1.000000e+00 : f32
    %broadcast_in_dim3A_5 = vector.broadcast %broadcast_in_dim3A_4 : f32 to vector<16xf32>
    %scan3A = arith.constant 0 : i32
    %scan3A_6 = arith.constant 0 : i32
    %scan3A_7 = arith.constant 128 : i32
    %scan3A_8 = arith.addi %scan3A_6, %scan3A_7 : i32
    %scan3A_9 = arith.constant 1 : i32
    scf.for %scan3A_38 = %scan3A_6 to %scan3A_8 step %scan3A_9  : i32 {
      %swap3A = arith.index_cast %scan3A_38 : i32 to index
      %swap3A_39 = arith.constant 0 : index
      %swap3A_40 = tpu.vector_load %arg5[%swap3A, %swap3A_39] {strides = array<i32>} : memref<128x16xf32, #tpu.memory_space<vmem>>, vector<1x16xf32>,
      %swap3A_41 = vector.shape_cast %swap3A_40 : vector<1x16xf32> to vector<16xf32>
      %swap3A_42 = vector.shape_cast %broadcast_in_dim3A_5 : vector<16xf32> to vector<1x16xf32>
      tpu.vector_store %arg5[%swap3A, %swap3A_39], %swap3A_42 {strides = array<i32>} : memref<128x16xf32, #tpu.memory_space<vmem>>, vector<1x16xf32>,
      %swap3A_43 = arith.index_cast %scan3A_38 : i32 to index
      %swap3A_44 = arith.constant 0 : index
      %swap3A_45 = tpu.vector_load %arg6[%swap3A_43, %swap3A_44] {strides = array<i32>} : memref<128x16xf32, #tpu.memory_space<vmem>>, vector<1x16xf32>,
      %swap3A_46 = vector.shape_cast %swap3A_45 : vector<1x16xf32> to vector<16xf32>
      %swap3A_47 = vector.shape_cast %broadcast_in_dim3A_3 : vector<16xf32> to vector<1x16xf32>
      tpu.vector_store %arg6[%swap3A_43, %swap3A_44], %swap3A_47 {strides = array<i32>} : memref<128x16xf32, #tpu.memory_space<vmem>>, vector<1x16xf32>,
    }
    %scan3A_10 = arith.constant 128 : i32
    %add3A_11 = arith.constant 0 : i32
    %add3A_12 = arith.addi %mul3A_2, %add3A_11 : i32
    "tpu.region"() ({
      %run_scoped3A = tpu.sem_alloc : memref<!tpu.dma_semaphore, #tpu.memory_space<semaphore_mem>>
      %dma_start3A = arith.constant 0 : i32
      %dma_start3A_38 = arith.constant 0 : i32
      %dma_start3A_39 = tpu.memref_slice %arg6[%dma_start3A, %dma_start3A_38] : memref<128x16xf32, #tpu.memory_space<vmem>> -> memref<128x16xf32, #tpu.memory_space<vmem>>
      %dma_start3A_40 = arith.constant 0 : i32
      %dma_start3A_41 = tpu.memref_slice %arg7[%add3A_12, %dma_start3A_40] : memref<10112x16xf32, #tpu.memory_space<vmem_shared>> -> memref<128x16xf32, #tpu.memory_space<vmem_shared>>
      %dma_start3A_42 = arith.constant 0 : i32
      %dma_start3A_43 = tpu.memref_slice %arg7[%add3A_12, %dma_start3A_42] : memref<10112x16xf32, #tpu.memory_space<vmem_shared>> -> memref<128x16xf32, #tpu.memory_space<vmem_shared>>
      %dma_start3A_44 = arith.constant 0 : i32
      %dma_start3A_45 = arith.constant 0 : i32
      %dma_start3A_46 = tpu.memref_slice %arg6[%dma_start3A_44, %dma_start3A_45] : memref<128x16xf32, #tpu.memory_space<vmem>> -> memref<128x16xf32, #tpu.memory_space<vmem>>
      tpu.enqueue_dma source(%dma_start3A_46 : memref<128x16xf32, #tpu.memory_space<vmem>>) target(%dma_start3A_43 : memref<128x16xf32, #tpu.memory_space<vmem_shared>>) target_semaphore(%run_scoped3A : memref<!tpu.dma_semaphore, #tpu.memory_space<semaphore_mem>>)
      %dma_wait3A = arith.constant 0 : i32
      %dma_wait3A_47 = arith.constant 0 : i32
      %dma_wait3A_48 = tpu.memref_slice %arg6[%dma_wait3A, %dma_wait3A_47] : memref<128x16xf32, #tpu.memory_space<vmem>> -> memref<128x16xf32, #tpu.memory_space<vmem>>
      %dma_wait3A_49 = arith.constant 0 : i32
      %dma_wait3A_50 = tpu.memref_slice %arg7[%add3A_12, %dma_wait3A_49] : memref<10112x16xf32, #tpu.memory_space<vmem_shared>> -> memref<128x16xf32, #tpu.memory_space<vmem_shared>>
      %dma_wait3A_51 = arith.constant 0 : i32
      %dma_wait3A_52 = tpu.memref_slice %arg7[%add3A_12, %dma_wait3A_51] : memref<10112x16xf32, #tpu.memory_space<vmem_shared>> -> memref<128x16xf32, #tpu.memory_space<vmem_shared>>
      %dma_wait3A_53 = arith.constant 0 : i32
      %dma_wait3A_54 = arith.constant 0 : i32
      %dma_wait3A_55 = tpu.memref_slice %arg6[%dma_wait3A_53, %dma_wait3A_54] : memref<128x16xf32, #tpu.memory_space<vmem>> -> memref<128x16xf32, #tpu.memory_space<vmem>>
      tpu.wait_dma2 semaphore(%run_scoped3A : memref<!tpu.dma_semaphore, #tpu.memory_space<semaphore_mem>>) src(%dma_wait3A_55 : memref<128x16xf32, #tpu.memory_space<vmem>>) dst(%dma_wait3A_52 : memref<128x16xf32, #tpu.memory_space<vmem_shared>>)
      tpu.yield
    }) : () -> ()
    %add3A_13 = arith.constant 128 : i32
    %add3A_14 = arith.addi %mul3A_2, %add3A_13 : i32
    "tpu.region"() ({
      %run_scoped3A = tpu.sem_alloc : memref<!tpu.dma_semaphore, #tpu.memory_space<semaphore_mem>>
      %dma_start3A = arith.constant 0 : i32
      %dma_start3A_38 = arith.constant 0 : i32
      %dma_start3A_39 = tpu.memref_slice %arg6[%dma_start3A, %dma_start3A_38] : memref<128x16xf32, #tpu.memory_space<vmem>> -> memref<128x16xf32, #tpu.memory_space<vmem>>
      %dma_start3A_40 = arith.constant 0 : i32
      %dma_start3A_41 = tpu.memref_slice %arg7[%add3A_14, %dma_start3A_40] : memref<10112x16xf32, #tpu.memory_space<vmem_shared>> -> memref<128x16xf32, #tpu.memory_space<vmem_shared>>
      %dma_start3A_42 = arith.constant 0 : i32
      %dma_start3A_43 = tpu.memref_slice %arg7[%add3A_14, %dma_start3A_42] : memref<10112x16xf32, #tpu.memory_space<vmem_shared>> -> memref<128x16xf32, #tpu.memory_space<vmem_shared>>
      %dma_start3A_44 = arith.constant 0 : i32
      %dma_start3A_45 = arith.constant 0 : i32
      %dma_start3A_46 = tpu.memref_slice %arg6[%dma_start3A_44, %dma_start3A_45] : memref<128x16xf32, #tpu.memory_space<vmem>> -> memref<128x16xf32, #tpu.memory_space<vmem>>
      tpu.enqueue_dma source(%dma_start3A_46 : memref<128x16xf32, #tpu.memory_space<vmem>>) target(%dma_start3A_43 : memref<128x16xf32, #tpu.memory_space<vmem_shared>>) target_semaphore(%run_scoped3A : memref<!tpu.dma_semaphore, #tpu.memory_space<semaphore_mem>>)
      %dma_wait3A = arith.constant 0 : i32
      %dma_wait3A_47 = arith.constant 0 : i32
      %dma_wait3A_48 = tpu.memref_slice %arg6[%dma_wait3A, %dma_wait3A_47] : memref<128x16xf32, #tpu.memory_space<vmem>> -> memref<128x16xf32, #tpu.memory_space<vmem>>
      %dma_wait3A_49 = arith.constant 0 : i32
      %dma_wait3A_50 = tpu.memref_slice %arg7[%add3A_14, %dma_wait3A_49] : memref<10112x16xf32, #tpu.memory_space<vmem_shared>> -> memref<128x16xf32, #tpu.memory_space<vmem_shared>>
      %dma_wait3A_51 = arith.constant 0 : i32
      %dma_wait3A_52 = tpu.memref_slice %arg7[%add3A_14, %dma_wait3A_51] : memref<10112x16xf32, #tpu.memory_space<vmem_shared>> -> memref<128x16xf32, #tpu.memory_space<vmem_shared>>
      %dma_wait3A_53 = arith.constant 0 : i32
      %dma_wait3A_54 = arith.constant 0 : i32
      %dma_wait3A_55 = tpu.memref_slice %arg6[%dma_wait3A_53, %dma_wait3A_54] : memref<128x16xf32, #tpu.memory_space<vmem>> -> memref<128x16xf32, #tpu.memory_space<vmem>>
      tpu.wait_dma2 semaphore(%run_scoped3A : memref<!tpu.dma_semaphore, #tpu.memory_space<semaphore_mem>>) src(%dma_wait3A_55 : memref<128x16xf32, #tpu.memory_space<vmem>>) dst(%dma_wait3A_52 : memref<128x16xf32, #tpu.memory_space<vmem_shared>>)
      tpu.yield
    }) : () -> ()
    %add3A_15 = arith.constant 256 : i32
    %add3A_16 = arith.addi %mul3A_2, %add3A_15 : i32
    "tpu.region"() ({
      %run_scoped3A = tpu.sem_alloc : memref<!tpu.dma_semaphore, #tpu.memory_space<semaphore_mem>>
      %dma_start3A = arith.constant 0 : i32
      %dma_start3A_38 = arith.constant 0 : i32
      %dma_start3A_39 = tpu.memref_slice %arg6[%dma_start3A, %dma_start3A_38] : memref<128x16xf32, #tpu.memory_space<vmem>> -> memref<128x16xf32, #tpu.memory_space<vmem>>
      %dma_start3A_40 = arith.constant 0 : i32
      %dma_start3A_41 = tpu.memref_slice %arg7[%add3A_16, %dma_start3A_40] : memref<10112x16xf32, #tpu.memory_space<vmem_shared>> -> memref<128x16xf32, #tpu.memory_space<vmem_shared>>
      %dma_start3A_42 = arith.constant 0 : i32
      %dma_start3A_43 = tpu.memref_slice %arg7[%add3A_16, %dma_start3A_42] : memref<10112x16xf32, #tpu.memory_space<vmem_shared>> -> memref<128x16xf32, #tpu.memory_space<vmem_shared>>
      %dma_start3A_44 = arith.constant 0 : i32
      %dma_start3A_45 = arith.constant 0 : i32
      %dma_start3A_46 = tpu.memref_slice %arg6[%dma_start3A_44, %dma_start3A_45] : memref<128x16xf32, #tpu.memory_space<vmem>> -> memref<128x16xf32, #tpu.memory_space<vmem>>
      tpu.enqueue_dma source(%dma_start3A_46 : memref<128x16xf32, #tpu.memory_space<vmem>>) target(%dma_start3A_43 : memref<128x16xf32, #tpu.memory_space<vmem_shared>>) target_semaphore(%run_scoped3A : memref<!tpu.dma_semaphore, #tpu.memory_space<semaphore_mem>>)
      %dma_wait3A = arith.constant 0 : i32
      %dma_wait3A_47 = arith.constant 0 : i32
      %dma_wait3A_48 = tpu.memref_slice %arg6[%dma_wait3A, %dma_wait3A_47] : memref<128x16xf32, #tpu.memory_space<vmem>> -> memref<128x16xf32, #tpu.memory_space<vmem>>
      %dma_wait3A_49 = arith.constant 0 : i32
      %dma_wait3A_50 = tpu.memref_slice %arg7[%add3A_16, %dma_wait3A_49] : memref<10112x16xf32, #tpu.memory_space<vmem_shared>> -> memref<128x16xf32, #tpu.memory_space<vmem_shared>>
      %dma_wait3A_51 = arith.constant 0 : i32
      %dma_wait3A_52 = tpu.memref_slice %arg7[%add3A_16, %dma_wait3A_51] : memref<10112x16xf32, #tpu.memory_space<vmem_shared>> -> memref<128x16xf32, #tpu.memory_space<vmem_shared>>
      %dma_wait3A_53 = arith.constant 0 : i32
      %dma_wait3A_54 = arith.constant 0 : i32
      %dma_wait3A_55 = tpu.memref_slice %arg6[%dma_wait3A_53, %dma_wait3A_54] : memref<128x16xf32, #tpu.memory_space<vmem>> -> memref<128x16xf32, #tpu.memory_space<vmem>>
      tpu.wait_dma2 semaphore(%run_scoped3A : memref<!tpu.dma_semaphore, #tpu.memory_space<semaphore_mem>>) src(%dma_wait3A_55 : memref<128x16xf32, #tpu.memory_space<vmem>>) dst(%dma_wait3A_52 : memref<128x16xf32, #tpu.memory_space<vmem_shared>>)
      tpu.yield
    }) : () -> ()
    %add3A_17 = arith.constant 384 : i32
    %add3A_18 = arith.addi %mul3A_2, %add3A_17 : i32
    "tpu.region"() ({
      %run_scoped3A = tpu.sem_alloc : memref<!tpu.dma_semaphore, #tpu.memory_space<semaphore_mem>>
      %dma_start3A = arith.constant 0 : i32
      %dma_start3A_38 = arith.constant 0 : i32
      %dma_start3A_39 = tpu.memref_slice %arg6[%dma_start3A, %dma_start3A_38] : memref<128x16xf32, #tpu.memory_space<vmem>> -> memref<128x16xf32, #tpu.memory_space<vmem>>
      %dma_start3A_40 = arith.constant 0 : i32
      %dma_start3A_41 = tpu.memref_slice %arg7[%add3A_18, %dma_start3A_40] : memref<10112x16xf32, #tpu.memory_space<vmem_shared>> -> memref<128x16xf32, #tpu.memory_space<vmem_shared>>
      %dma_start3A_42 = arith.constant 0 : i32
      %dma_start3A_43 = tpu.memref_slice %arg7[%add3A_18, %dma_start3A_42] : memref<10112x16xf32, #tpu.memory_space<vmem_shared>> -> memref<128x16xf32, #tpu.memory_space<vmem_shared>>
      %dma_start3A_44 = arith.constant 0 : i32
      %dma_start3A_45 = arith.constant 0 : i32
      %dma_start3A_46 = tpu.memref_slice %arg6[%dma_start3A_44, %dma_start3A_45] : memref<128x16xf32, #tpu.memory_space<vmem>> -> memref<128x16xf32, #tpu.memory_space<vmem>>
      tpu.enqueue_dma source(%dma_start3A_46 : memref<128x16xf32, #tpu.memory_space<vmem>>) target(%dma_start3A_43 : memref<128x16xf32, #tpu.memory_space<vmem_shared>>) target_semaphore(%run_scoped3A : memref<!tpu.dma_semaphore, #tpu.memory_space<semaphore_mem>>)
      %dma_wait3A = arith.constant 0 : i32
      %dma_wait3A_47 = arith.constant 0 : i32
      %dma_wait3A_48 = tpu.memref_slice %arg6[%dma_wait3A, %dma_wait3A_47] : memref<128x16xf32, #tpu.memory_space<vmem>> -> memref<128x16xf32, #tpu.memory_space<vmem>>
      %dma_wait3A_49 = arith.constant 0 : i32
      %dma_wait3A_50 = tpu.memref_slice %arg7[%add3A_18, %dma_wait3A_49] : memref<10112x16xf32, #tpu.memory_space<vmem_shared>> -> memref<128x16xf32, #tpu.memory_space<vmem_shared>>
      %dma_wait3A_51 = arith.constant 0 : i32
      %dma_wait3A_52 = tpu.memref_slice %arg7[%add3A_18, %dma_wait3A_51] : memref<10112x16xf32, #tpu.memory_space<vmem_shared>> -> memref<128x16xf32, #tpu.memory_space<vmem_shared>>
      %dma_wait3A_53 = arith.constant 0 : i32
      %dma_wait3A_54 = arith.constant 0 : i32
      %dma_wait3A_55 = tpu.memref_slice %arg6[%dma_wait3A_53, %dma_wait3A_54] : memref<128x16xf32, #tpu.memory_space<vmem>> -> memref<128x16xf32, #tpu.memory_space<vmem>>
      tpu.wait_dma2 semaphore(%run_scoped3A : memref<!tpu.dma_semaphore, #tpu.memory_space<semaphore_mem>>) src(%dma_wait3A_55 : memref<128x16xf32, #tpu.memory_space<vmem>>) dst(%dma_wait3A_52 : memref<128x16xf32, #tpu.memory_space<vmem_shared>>)
      tpu.yield
    }) : () -> ()
    %add3A_19 = arith.constant 512 : i32
    %add3A_20 = arith.addi %mul3A_2, %add3A_19 : i32
    "tpu.region"() ({
      %run_scoped3A = tpu.sem_alloc : memref<!tpu.dma_semaphore, #tpu.memory_space<semaphore_mem>>
      %dma_start3A = arith.constant 0 : i32
      %dma_start3A_38 = arith.constant 0 : i32
      %dma_start3A_39 = tpu.memref_slice %arg6[%dma_start3A, %dma_start3A_38] : memref<128x16xf32, #tpu.memory_space<vmem>> -> memref<120x16xf32, #tpu.memory_space<vmem>>
      %dma_start3A_40 = arith.constant 0 : i32
      %dma_start3A_41 = tpu.memref_slice %arg7[%add3A_20, %dma_start3A_40] : memref<10112x16xf32, #tpu.memory_space<vmem_shared>> -> memref<120x16xf32, #tpu.memory_space<vmem_shared>>
      %dma_start3A_42 = arith.constant 0 : i32
      %dma_start3A_43 = tpu.memref_slice %arg7[%add3A_20, %dma_start3A_42] : memref<10112x16xf32, #tpu.memory_space<vmem_shared>> -> memref<120x16xf32, #tpu.memory_space<vmem_shared>>
      %dma_start3A_44 = arith.constant 0 : i32
      %dma_start3A_45 = arith.constant 0 : i32
      %dma_start3A_46 = tpu.memref_slice %arg6[%dma_start3A_44, %dma_start3A_45] : memref<128x16xf32, #tpu.memory_space<vmem>> -> memref<120x16xf32, #tpu.memory_space<vmem>>
      tpu.enqueue_dma source(%dma_start3A_46 : memref<120x16xf32, #tpu.memory_space<vmem>>) target(%dma_start3A_43 : memref<120x16xf32, #tpu.memory_space<vmem_shared>>) target_semaphore(%run_scoped3A : memref<!tpu.dma_semaphore, #tpu.memory_space<semaphore_mem>>)
      %dma_wait3A = arith.constant 0 : i32
      %dma_wait3A_47 = arith.constant 0 : i32
      %dma_wait3A_48 = tpu.memref_slice %arg6[%dma_wait3A, %dma_wait3A_47] : memref<128x16xf32, #tpu.memory_space<vmem>> -> memref<120x16xf32, #tpu.memory_space<vmem>>
      %dma_wait3A_49 = arith.constant 0 : i32
      %dma_wait3A_50 = tpu.memref_slice %arg7[%add3A_20, %dma_wait3A_49] : memref<10112x16xf32, #tpu.memory_space<vmem_shared>> -> memref<120x16xf32, #tpu.memory_space<vmem_shared>>
      %dma_wait3A_51 = arith.constant 0 : i32
      %dma_wait3A_52 = tpu.memref_slice %arg7[%add3A_20, %dma_wait3A_51] : memref<10112x16xf32, #tpu.memory_space<vmem_shared>> -> memref<120x16xf32, #tpu.memory_space<vmem_shared>>
      %dma_wait3A_53 = arith.constant 0 : i32
      %dma_wait3A_54 = arith.constant 0 : i32
      %dma_wait3A_55 = tpu.memref_slice %arg6[%dma_wait3A_53, %dma_wait3A_54] : memref<128x16xf32, #tpu.memory_space<vmem>> -> memref<120x16xf32, #tpu.memory_space<vmem>>
      tpu.wait_dma2 semaphore(%run_scoped3A : memref<!tpu.dma_semaphore, #tpu.memory_space<semaphore_mem>>) src(%dma_wait3A_55 : memref<120x16xf32, #tpu.memory_space<vmem>>) dst(%dma_wait3A_52 : memref<120x16xf32, #tpu.memory_space<vmem_shared>>)
      tpu.yield
    }) : () -> ()
    %barrier3A = arith.constant 0 : index
    tpu.barrier barrier_id(%barrier3A)
    "tpu.region"() ({
      %run_scoped3A = tpu.sem_alloc : memref<!tpu.dma_semaphore, #tpu.memory_space<semaphore_mem>>
      %dma_start3A = arith.constant 0 : i32
      %dma_start3A_38 = arith.constant 0 : i32
      %dma_start3A_39 = tpu.memref_slice %arg2[%add3A, %dma_start3A, %dma_start3A_38] : memref<32x80x128xi32, #tpu.memory_space<hbm>> -> memref<1x80x128xi32, #tpu.memory_space<hbm>>
      %dma_start3A_40 = tpu.memref_squeeze %dma_start3A_39 : memref<1x80x128xi32, #tpu.memory_space<hbm>> -> memref<80x128xi32, #tpu.memory_space<hbm>>
      %dma_start3A_41 = arith.constant 0 : i32
      %dma_start3A_42 = arith.constant 0 : i32
      %dma_start3A_43 = tpu.memref_slice %arg2[%add3A, %dma_start3A_41, %dma_start3A_42] : memref<32x80x128xi32, #tpu.memory_space<hbm>> -> memref<1x80x128xi32, #tpu.memory_space<hbm>>
      %dma_start3A_44 = tpu.memref_squeeze %dma_start3A_43 : memref<1x80x128xi32, #tpu.memory_space<hbm>> -> memref<80x128xi32, #tpu.memory_space<hbm>>
      tpu.enqueue_dma source(%dma_start3A_44 : memref<80x128xi32, #tpu.memory_space<hbm>>) target(%arg4 : memref<80x128xi32, #tpu.memory_space<vmem>>) target_semaphore(%run_scoped3A : memref<!tpu.dma_semaphore, #tpu.memory_space<semaphore_mem>>)
      %dma_wait3A = arith.constant 0 : i32
      %dma_wait3A_45 = arith.constant 0 : i32
      %dma_wait3A_46 = tpu.memref_slice %arg2[%add3A, %dma_wait3A, %dma_wait3A_45] : memref<32x80x128xi32, #tpu.memory_space<hbm>> -> memref<1x80x128xi32, #tpu.memory_space<hbm>>
      %dma_wait3A_47 = tpu.memref_squeeze %dma_wait3A_46 : memref<1x80x128xi32, #tpu.memory_space<hbm>> -> memref<80x128xi32, #tpu.memory_space<hbm>>
      %dma_wait3A_48 = arith.constant 0 : i32
      %dma_wait3A_49 = arith.constant 0 : i32
      %dma_wait3A_50 = tpu.memref_slice %arg2[%add3A, %dma_wait3A_48, %dma_wait3A_49] : memref<32x80x128xi32, #tpu.memory_space<hbm>> -> memref<1x80x128xi32, #tpu.memory_space<hbm>>
      %dma_wait3A_51 = tpu.memref_squeeze %dma_wait3A_50 : memref<1x80x128xi32, #tpu.memory_space<hbm>> -> memref<80x128xi32, #tpu.memory_space<hbm>>
      tpu.wait_dma2 semaphore(%run_scoped3A : memref<!tpu.dma_semaphore, #tpu.memory_space<semaphore_mem>>) src(%dma_wait3A_51 : memref<80x128xi32, #tpu.memory_space<hbm>>) dst(%arg4 : memref<80x128xi32, #tpu.memory_space<vmem>>)
      tpu.yield
    }) : () -> ()
    %scan3A_21 = arith.constant 0 : i32
    %scan3A_22 = arith.constant 0 : i32
    %scan3A_23 = arith.constant 80 : i32
    %scan3A_24 = arith.addi %scan3A_22, %scan3A_23 : i32
    %scan3A_25 = arith.constant 1 : i32
    scf.for %scan3A_38 = %scan3A_22 to %scan3A_24 step %scan3A_25  : i32 {
      "tpu.region"() ({
        %run_scoped3A = tpu.sem_alloc : memref<!tpu.dma_semaphore, #tpu.memory_space<semaphore_mem>>
        %dma_start3A = arith.constant 0 : i32
        %dma_start3A_39 = tpu.memref_slice %arg4[%scan3A_38, %dma_start3A] : memref<80x128xi32, #tpu.memory_space<vmem>> -> memref<1x128xi32, #tpu.memory_space<vmem>>
        %dma_start3A_40 = tpu.memref_squeeze %dma_start3A_39 : memref<1x128xi32, #tpu.memory_space<vmem>> -> memref<128xi32, #tpu.memory_space<vmem>>
        %dma_start3A_41 = arith.constant 0 : i32
        %dma_start3A_42 = arith.constant 0 : i32
        %dma_start3A_43 = tpu.memref_slice %arg7[%dma_start3A_41, %dma_start3A_42] : memref<10112x16xf32, #tpu.memory_space<vmem_shared>> -> memref<10112x16xf32, #tpu.memory_space<vmem_shared>>
        tpu.enqueue_indirect_dma source(%arg5 : memref<128x16xf32, #tpu.memory_space<vmem>>) target(%dma_start3A_43 : memref<10112x16xf32, #tpu.memory_space<vmem_shared>>) offsets(%dma_start3A_40 : memref<128xi32, #tpu.memory_space<vmem>>) semaphore(%run_scoped3A : memref<!tpu.dma_semaphore, #tpu.memory_space<semaphore_mem>>) {add = true}
        %dma_wait3A = arith.constant 0 : i32
        %dma_wait3A_44 = tpu.memref_slice %arg4[%scan3A_38, %dma_wait3A] : memref<80x128xi32, #tpu.memory_space<vmem>> -> memref<1x128xi32, #tpu.memory_space<vmem>>
        %dma_wait3A_45 = tpu.memref_squeeze %dma_wait3A_44 : memref<1x128xi32, #tpu.memory_space<vmem>> -> memref<128xi32, #tpu.memory_space<vmem>>
        %dma_wait3A_46 = arith.constant 0 : i32
        %dma_wait3A_47 = arith.constant 0 : i32
        %dma_wait3A_48 = tpu.memref_slice %arg7[%dma_wait3A_46, %dma_wait3A_47] : memref<10112x16xf32, #tpu.memory_space<vmem_shared>> -> memref<10112x16xf32, #tpu.memory_space<vmem_shared>>
        tpu.wait_indirect_dma semaphore(%run_scoped3A : memref<!tpu.dma_semaphore, #tpu.memory_space<semaphore_mem>>) src(%arg5 : memref<128x16xf32, #tpu.memory_space<vmem>>) dst(%dma_wait3A_48 : memref<10112x16xf32, #tpu.memory_space<vmem_shared>>)
        tpu.yield
      }) : () -> ()
    }
    %scan3A_26 = arith.constant 80 : i32
    %barrier3A_27 = arith.constant 0 : index
    tpu.barrier barrier_id(%barrier3A_27)
    %add3A_28 = arith.constant 0 : i32
    %add3A_29 = arith.addi %mul3A_2, %add3A_28 : i32
    "tpu.region"() ({
      %run_scoped3A = tpu.sem_alloc : memref<!tpu.dma_semaphore, #tpu.memory_space<semaphore_mem>>
      %dma_start3A = arith.constant 0 : i32
      %dma_start3A_38 = tpu.memref_slice %arg3[%arg0, %add3A_29, %dma_start3A] : memref<2x10112x16xf32, #tpu.memory_space<hbm>> -> memref<1x128x16xf32, #tpu.memory_space<hbm>>
      %dma_start3A_39 = tpu.memref_squeeze %dma_start3A_38 : memref<1x128x16xf32, #tpu.memory_space<hbm>> -> memref<128x16xf32, #tpu.memory_space<hbm>>
      %dma_start3A_40 = arith.constant 0 : i32
      %dma_start3A_41 = tpu.memref_slice %arg7[%add3A_29, %dma_start3A_40] : memref<10112x16xf32, #tpu.memory_space<vmem_shared>> -> memref<128x16xf32, #tpu.memory_space<vmem_shared>>
      tpu.enqueue_dma source(%dma_start3A_41 : memref<128x16xf32, #tpu.memory_space<vmem_shared>>) target(%dma_start3A_39 : memref<128x16xf32, #tpu.memory_space<hbm>>) target_semaphore(%run_scoped3A : memref<!tpu.dma_semaphore, #tpu.memory_space<semaphore_mem>>)
      %dma_wait3A = arith.constant 0 : i32
      %dma_wait3A_42 = tpu.memref_slice %arg3[%arg0, %add3A_29, %dma_wait3A] : memref<2x10112x16xf32, #tpu.memory_space<hbm>> -> memref<1x128x16xf32, #tpu.memory_space<hbm>>
      %dma_wait3A_43 = tpu.memref_squeeze %dma_wait3A_42 : memref<1x128x16xf32, #tpu.memory_space<hbm>> -> memref<128x16xf32, #tpu.memory_space<hbm>>
      %dma_wait3A_44 = arith.constant 0 : i32
      %dma_wait3A_45 = tpu.memref_slice %arg7[%add3A_29, %dma_wait3A_44] : memref<10112x16xf32, #tpu.memory_space<vmem_shared>> -> memref<128x16xf32, #tpu.memory_space<vmem_shared>>
      tpu.wait_dma2 semaphore(%run_scoped3A : memref<!tpu.dma_semaphore, #tpu.memory_space<semaphore_mem>>) src(%dma_wait3A_45 : memref<128x16xf32, #tpu.memory_space<vmem_shared>>) dst(%dma_wait3A_43 : memref<128x16xf32, #tpu.memory_space<hbm>>)
      tpu.yield
    }) : () -> ()
    %add3A_30 = arith.constant 128 : i32
    %add3A_31 = arith.addi %mul3A_2, %add3A_30 : i32
    "tpu.region"() ({
      %run_scoped3A = tpu.sem_alloc : memref<!tpu.dma_semaphore, #tpu.memory_space<semaphore_mem>>
      %dma_start3A = arith.constant 0 : i32
      %dma_start3A_38 = tpu.memref_slice %arg3[%arg0, %add3A_31, %dma_start3A] : memref<2x10112x16xf32, #tpu.memory_space<hbm>> -> memref<1x128x16xf32, #tpu.memory_space<hbm>>
      %dma_start3A_39 = tpu.memref_squeeze %dma_start3A_38 : memref<1x128x16xf32, #tpu.memory_space<hbm>> -> memref<128x16xf32, #tpu.memory_space<hbm>>
      %dma_start3A_40 = arith.constant 0 : i32
      %dma_start3A_41 = tpu.memref_slice %arg7[%add3A_31, %dma_start3A_40] : memref<10112x16xf32, #tpu.memory_space<vmem_shared>> -> memref<128x16xf32, #tpu.memory_space<vmem_shared>>
      tpu.enqueue_dma source(%dma_start3A_41 : memref<128x16xf32, #tpu.memory_space<vmem_shared>>) target(%dma_start3A_39 : memref<128x16xf32, #tpu.memory_space<hbm>>) target_semaphore(%run_scoped3A : memref<!tpu.dma_semaphore, #tpu.memory_space<semaphore_mem>>)
      %dma_wait3A = arith.constant 0 : i32
      %dma_wait3A_42 = tpu.memref_slice %arg3[%arg0, %add3A_31, %dma_wait3A] : memref<2x10112x16xf32, #tpu.memory_space<hbm>> -> memref<1x128x16xf32, #tpu.memory_space<hbm>>
      %dma_wait3A_43 = tpu.memref_squeeze %dma_wait3A_42 : memref<1x128x16xf32, #tpu.memory_space<hbm>> -> memref<128x16xf32, #tpu.memory_space<hbm>>
      %dma_wait3A_44 = arith.constant 0 : i32
      %dma_wait3A_45 = tpu.memref_slice %arg7[%add3A_31, %dma_wait3A_44] : memref<10112x16xf32, #tpu.memory_space<vmem_shared>> -> memref<128x16xf32, #tpu.memory_space<vmem_shared>>
      tpu.wait_dma2 semaphore(%run_scoped3A : memref<!tpu.dma_semaphore, #tpu.memory_space<semaphore_mem>>) src(%dma_wait3A_45 : memref<128x16xf32, #tpu.memory_space<vmem_shared>>) dst(%dma_wait3A_43 : memref<128x16xf32, #tpu.memory_space<hbm>>)
      tpu.yield
    }) : () -> ()
    %add3A_32 = arith.constant 256 : i32
    %add3A_33 = arith.addi %mul3A_2, %add3A_32 : i32
    "tpu.region"() ({
      %run_scoped3A = tpu.sem_alloc : memref<!tpu.dma_semaphore, #tpu.memory_space<semaphore_mem>>
      %dma_start3A = arith.constant 0 : i32
      %dma_start3A_38 = tpu.memref_slice %arg3[%arg0, %add3A_33, %dma_start3A] : memref<2x10112x16xf32, #tpu.memory_space<hbm>> -> memref<1x128x16xf32, #tpu.memory_space<hbm>>
      %dma_start3A_39 = tpu.memref_squeeze %dma_start3A_38 : memref<1x128x16xf32, #tpu.memory_space<hbm>> -> memref<128x16xf32, #tpu.memory_space<hbm>>
      %dma_start3A_40 = arith.constant 0 : i32
      %dma_start3A_41 = tpu.memref_slice %arg7[%add3A_33, %dma_start3A_40] : memref<10112x16xf32, #tpu.memory_space<vmem_shared>> -> memref<128x16xf32, #tpu.memory_space<vmem_shared>>
      tpu.enqueue_dma source(%dma_start3A_41 : memref<128x16xf32, #tpu.memory_space<vmem_shared>>) target(%dma_start3A_39 : memref<128x16xf32, #tpu.memory_space<hbm>>) target_semaphore(%run_scoped3A : memref<!tpu.dma_semaphore, #tpu.memory_space<semaphore_mem>>)
      %dma_wait3A = arith.constant 0 : i32
      %dma_wait3A_42 = tpu.memref_slice %arg3[%arg0, %add3A_33, %dma_wait3A] : memref<2x10112x16xf32, #tpu.memory_space<hbm>> -> memref<1x128x16xf32, #tpu.memory_space<hbm>>
      %dma_wait3A_43 = tpu.memref_squeeze %dma_wait3A_42 : memref<1x128x16xf32, #tpu.memory_space<hbm>> -> memref<128x16xf32, #tpu.memory_space<hbm>>
      %dma_wait3A_44 = arith.constant 0 : i32
      %dma_wait3A_45 = tpu.memref_slice %arg7[%add3A_33, %dma_wait3A_44] : memref<10112x16xf32, #tpu.memory_space<vmem_shared>> -> memref<128x16xf32, #tpu.memory_space<vmem_shared>>
      tpu.wait_dma2 semaphore(%run_scoped3A : memref<!tpu.dma_semaphore, #tpu.memory_space<semaphore_mem>>) src(%dma_wait3A_45 : memref<128x16xf32, #tpu.memory_space<vmem_shared>>) dst(%dma_wait3A_43 : memref<128x16xf32, #tpu.memory_space<hbm>>)
      tpu.yield
    }) : () -> ()
    %add3A_34 = arith.constant 384 : i32
    %add3A_35 = arith.addi %mul3A_2, %add3A_34 : i32
    "tpu.region"() ({
      %run_scoped3A = tpu.sem_alloc : memref<!tpu.dma_semaphore, #tpu.memory_space<semaphore_mem>>
      %dma_start3A = arith.constant 0 : i32
      %dma_start3A_38 = tpu.memref_slice %arg3[%arg0, %add3A_35, %dma_start3A] : memref<2x10112x16xf32, #tpu.memory_space<hbm>> -> memref<1x128x16xf32, #tpu.memory_space<hbm>>
      %dma_start3A_39 = tpu.memref_squeeze %dma_start3A_38 : memref<1x128x16xf32, #tpu.memory_space<hbm>> -> memref<128x16xf32, #tpu.memory_space<hbm>>
      %dma_start3A_40 = arith.constant 0 : i32
      %dma_start3A_41 = tpu.memref_slice %arg7[%add3A_35, %dma_start3A_40] : memref<10112x16xf32, #tpu.memory_space<vmem_shared>> -> memref<128x16xf32, #tpu.memory_space<vmem_shared>>
      tpu.enqueue_dma source(%dma_start3A_41 : memref<128x16xf32, #tpu.memory_space<vmem_shared>>) target(%dma_start3A_39 : memref<128x16xf32, #tpu.memory_space<hbm>>) target_semaphore(%run_scoped3A : memref<!tpu.dma_semaphore, #tpu.memory_space<semaphore_mem>>)
      %dma_wait3A = arith.constant 0 : i32
      %dma_wait3A_42 = tpu.memref_slice %arg3[%arg0, %add3A_35, %dma_wait3A] : memref<2x10112x16xf32, #tpu.memory_space<hbm>> -> memref<1x128x16xf32, #tpu.memory_space<hbm>>
      %dma_wait3A_43 = tpu.memref_squeeze %dma_wait3A_42 : memref<1x128x16xf32, #tpu.memory_space<hbm>> -> memref<128x16xf32, #tpu.memory_space<hbm>>
      %dma_wait3A_44 = arith.constant 0 : i32
      %dma_wait3A_45 = tpu.memref_slice %arg7[%add3A_35, %dma_wait3A_44] : memref<10112x16xf32, #tpu.memory_space<vmem_shared>> -> memref<128x16xf32, #tpu.memory_space<vmem_shared>>
      tpu.wait_dma2 semaphore(%run_scoped3A : memref<!tpu.dma_semaphore, #tpu.memory_space<semaphore_mem>>) src(%dma_wait3A_45 : memref<128x16xf32, #tpu.memory_space<vmem_shared>>) dst(%dma_wait3A_43 : memref<128x16xf32, #tpu.memory_space<hbm>>)
      tpu.yield
    }) : () -> ()
    %add3A_36 = arith.constant 512 : i32
    %add3A_37 = arith.addi %mul3A_2, %add3A_36 : i32
    "tpu.region"() ({
      %run_scoped3A = tpu.sem_alloc : memref<!tpu.dma_semaphore, #tpu.memory_space<semaphore_mem>>
      %dma_start3A = arith.constant 0 : i32
      %dma_start3A_38 = tpu.memref_slice %arg3[%arg0, %add3A_37, %dma_start3A] : memref<2x10112x16xf32, #tpu.memory_space<hbm>> -> memref<1x120x16xf32, #tpu.memory_space<hbm>>
      %dma_start3A_39 = tpu.memref_squeeze %dma_start3A_38 : memref<1x120x16xf32, #tpu.memory_space<hbm>> -> memref<120x16xf32, #tpu.memory_space<hbm>>
      %dma_start3A_40 = arith.constant 0 : i32
      %dma_start3A_41 = tpu.memref_slice %arg7[%add3A_37, %dma_start3A_40] : memref<10112x16xf32, #tpu.memory_space<vmem_shared>> -> memref<120x16xf32, #tpu.memory_space<vmem_shared>>
      tpu.enqueue_dma source(%dma_start3A_41 : memref<120x16xf32, #tpu.memory_space<vmem_shared>>) target(%dma_start3A_39 : memref<120x16xf32, #tpu.memory_space<hbm>>) target_semaphore(%run_scoped3A : memref<!tpu.dma_semaphore, #tpu.memory_space<semaphore_mem>>)
      %dma_wait3A = arith.constant 0 : i32
      %dma_wait3A_42 = tpu.memref_slice %arg3[%arg0, %add3A_37, %dma_wait3A] : memref<2x10112x16xf32, #tpu.memory_space<hbm>> -> memref<1x120x16xf32, #tpu.memory_space<hbm>>
      %dma_wait3A_43 = tpu.memref_squeeze %dma_wait3A_42 : memref<1x120x16xf32, #tpu.memory_space<hbm>> -> memref<120x16xf32, #tpu.memory_space<hbm>>
      %dma_wait3A_44 = arith.constant 0 : i32
      %dma_wait3A_45 = tpu.memref_slice %arg7[%add3A_37, %dma_wait3A_44] : memref<10112x16xf32, #tpu.memory_space<vmem_shared>> -> memref<120x16xf32, #tpu.memory_space<vmem_shared>>
      tpu.wait_dma2 semaphore(%run_scoped3A : memref<!tpu.dma_semaphore, #tpu.memory_space<semaphore_mem>>) src(%dma_wait3A_45 : memref<120x16xf32, #tpu.memory_space<vmem_shared>>) dst(%dma_wait3A_43 : memref<120x16xf32, #tpu.memory_space<hbm>>)
      tpu.yield
    }) : () -> ()
    return
  }
}

module attributes {stable_mosaic.version = 14 : i64} {
  func.func @_minmax_body(%arg0: memref<2500x128xf32, #tpu.memory_space<vmem>>, %arg1: memref<1x1xf32, #tpu.memory_space<vmem>>, %arg2: memref<1x1xf32, #tpu.memory_space<vmem>>) attributes {dimension_semantics = [], scalar_prefetch = 0 : i64, scratch_operands = 0 : i64, tpu.core_type = #tpu.core_type<tc>} {
    %get3A = arith.constant 0 : index
    %get3A_0 = arith.constant 0 : index
    %get3A_1 = vector.load %arg0[%get3A, %get3A_0] : memref<2500x128xf32, #tpu.memory_space<vmem>>, vector<2500x128xf32>
    %reduce_min3A = vector.shape_cast %get3A_1 : vector<2500x128xf32> to vector<1x2500x128xf32>
    %reduce_min3A_2 = arith.constant dense<0x7F800000> : vector<1xf32>
    %reduce_min3A_3 = vector.multi_reduction <minimumf>, %reduce_min3A, %reduce_min3A_2 [1, 2] : vector<1x2500x128xf32> to vector<1xf32>
    %reduce_min3A_4 = vector.shape_cast %reduce_min3A_3 : vector<1xf32> to vector<1x1x1xf32>
    %reduce_min3A_5 = vector.extract %reduce_min3A_4[0, 0, 0] : f32 from vector<1x1x1xf32>
    %broadcast_in_dim3A = vector.broadcast %reduce_min3A_5 : f32 to vector<1x1xf32>
    %swap3A = arith.constant 0 : index
    %swap3A_6 = arith.constant 0 : index
    %swap3A_7 = vector.load %arg1[%swap3A, %swap3A_6] : memref<1x1xf32, #tpu.memory_space<vmem>>, vector<1x1xf32>
    tpu.vector_store %arg1[%swap3A, %swap3A_6], %broadcast_in_dim3A {strides = array<i32>} : memref<1x1xf32, #tpu.memory_space<vmem>>, vector<1x1xf32>,
    %reduce_max3A = vector.shape_cast %get3A_1 : vector<2500x128xf32> to vector<1x2500x128xf32>
    %reduce_max3A_8 = arith.constant dense<0xFF800000> : vector<1xf32>
    %reduce_max3A_9 = vector.multi_reduction <maximumf>, %reduce_max3A, %reduce_max3A_8 [1, 2] : vector<1x2500x128xf32> to vector<1xf32>
    %reduce_max3A_10 = vector.shape_cast %reduce_max3A_9 : vector<1xf32> to vector<1x1x1xf32>
    %reduce_max3A_11 = vector.extract %reduce_max3A_10[0, 0, 0] : f32 from vector<1x1x1xf32>
    %broadcast_in_dim3A_12 = vector.broadcast %reduce_max3A_11 : f32 to vector<1x1xf32>
    %swap3A_13 = arith.constant 0 : index
    %swap3A_14 = arith.constant 0 : index
    %swap3A_15 = vector.load %arg2[%swap3A_13, %swap3A_14] : memref<1x1xf32, #tpu.memory_space<vmem>>, vector<1x1xf32>
    tpu.vector_store %arg2[%swap3A_13, %swap3A_14], %broadcast_in_dim3A_12 {strides = array<i32>} : memref<1x1xf32, #tpu.memory_space<vmem>>, vector<1x1xf32>,
    return
  }
}

module attributes {stable_mosaic.version = 14 : i64} {
  func.func @_rep_body(%arg0: i32, %arg1: memref<1x1xf32, #tpu.memory_space<vmem>>, %arg2: memref<1x1xf32, #tpu.memory_space<vmem>>, %arg3: memref<128x128xf32, #tpu.memory_space<vmem>>, %arg4: memref<128x2048xf32, #tpu.memory_space<vmem>>) attributes {dimension_semantics = [#tpu.dimension_semantics<arbitrary>], iteration_bounds = array<i64: 20>, scalar_prefetch = 0 : i64, scratch_operands = 0 : i64, tpu.core_type = #tpu.core_type<tc>, window_params = [{pipeline_mode = #tpu.pipeline_mode<synchronous>, transform_indices = @transform_0, window_bounds = array<i64: 1, 1>}, {pipeline_mode = #tpu.pipeline_mode<synchronous>, transform_indices = @transform_1, window_bounds = array<i64: 1, 1>}, {transform_indices = @transform_2, window_bounds = array<i64: 128, 128>}, {transform_indices = @transform_3, window_bounds = array<i64: 128, 2048>}]} {
    %get3A = arith.constant 0 : index
    %get3A_0 = arith.constant 0 : index
    %get3A_1 = vector.load %arg1[%get3A, %get3A_0] : memref<1x1xf32, #tpu.memory_space<vmem>>, vector<1x1xf32>
    %get3A_2 = vector.extract %get3A_1[0, 0] : f32 from vector<1x1xf32>
    %get3A_3 = arith.constant 0 : index
    %get3A_4 = arith.constant 0 : index
    %get3A_5 = vector.load %arg2[%get3A_3, %get3A_4] : memref<1x1xf32, #tpu.memory_space<vmem>>, vector<1x1xf32>
    %get3A_6 = vector.extract %get3A_5[0, 0] : f32 from vector<1x1xf32>
    %eq3A = arith.cmpf oeq, %get3A_6, %get3A_2 : f32
    %sub3A = arith.subf %get3A_6, %get3A_2 : f32
    %jit3A = arith.constant 1.000000e+00 : f32
    %select_n3A = arith.select %eq3A, %jit3A, %sub3A : f32
    %div3A = arith.constant 1.000000e+00 : f32
    %div3A_7 = arith.divf %div3A, %select_n3A : f32
    %jit3A_8 = arith.constant 0.000000e+00 : f32
    %select_n3A_9 = arith.select %eq3A, %jit3A_8, %div3A_7 : f32
    %neg3A = arith.constant 0.000000e+00 : f32
    %neg3A_10 = arith.subf %neg3A, %get3A_2 : f32
    %mul3A = arith.mulf %neg3A_10, %select_n3A_9 : f32
    %jit3A_11 = arith.constant 1.000000e+00 : f32
    %select_n3A_12 = arith.select %eq3A, %jit3A_11, %mul3A : f32
    %get3A_13 = arith.constant 0 : index
    %get3A_14 = arith.constant 0 : index
    %get3A_15 = vector.load %arg3[%get3A_13, %get3A_14] : memref<128x128xf32, #tpu.memory_space<vmem>>, vector<128x128xf32>
    %iota3A = tpu.iota {dimensions = array<i32: 0>} : vector<128x2048xi32>
    %iota3A_16 = tpu.iota {dimensions = array<i32: 1>} : vector<128x2048xi32>
    %jit3A_17 = arith.constant 16 : i32
    %div3A_18 = vector.broadcast %jit3A_17 : i32 to vector<128x2048xi32>
    %div3A_19 = arith.divsi %iota3A_16, %div3A_18 : vector<128x2048xi32>
    %sign3A = arith.constant 0 : i32
    %sign3A_20 = vector.broadcast %sign3A : i32 to vector<128x2048xi32>
    %sign3A_21 = arith.cmpi sgt, %iota3A_16, %sign3A_20 : vector<128x2048xi32>
    %sign3A_22 = arith.extui %sign3A_21 : vector<128x2048xi1> to vector<128x2048xi32>
    %sign3A_23 = arith.constant 0 : i32
    %sign3A_24 = vector.broadcast %sign3A_23 : i32 to vector<128x2048xi32>
    %sign3A_25 = arith.cmpi slt, %iota3A_16, %sign3A_24 : vector<128x2048xi32>
    %sign3A_26 = arith.extui %sign3A_25 : vector<128x2048xi1> to vector<128x2048xi32>
    %sign3A_27 = arith.subi %sign3A_22, %sign3A_26 : vector<128x2048xi32>
    %sign3A_28 = arith.constant 0 : i32
    %sign3A_29 = arith.cmpi sgt, %jit3A_17, %sign3A_28 : i32
    %sign3A_30 = arith.extui %sign3A_29 : i1 to i32
    %sign3A_31 = arith.constant 0 : i32
    %sign3A_32 = arith.cmpi slt, %jit3A_17, %sign3A_31 : i32
    %sign3A_33 = arith.extui %sign3A_32 : i1 to i32
    %sign3A_34 = arith.subi %sign3A_30, %sign3A_33 : i32
    %ne3A = vector.broadcast %sign3A_34 : i32 to vector<128x2048xi32>
    %ne3A_35 = arith.cmpi ne, %sign3A_27, %ne3A : vector<128x2048xi32>
    %rem3A = vector.broadcast %jit3A_17 : i32 to vector<128x2048xi32>
    %rem3A_36 = arith.remsi %iota3A_16, %rem3A : vector<128x2048xi32>
    %ne3A_37 = arith.constant 0 : i32
    %ne3A_38 = vector.broadcast %ne3A_37 : i32 to vector<128x2048xi32>
    %ne3A_39 = arith.cmpi ne, %rem3A_36, %ne3A_38 : vector<128x2048xi32>
    %and3A = arith.andi %ne3A_35, %ne3A_39 : vector<128x2048xi1>
    %sub3A_40 = arith.constant 1 : i32
    %sub3A_41 = vector.broadcast %sub3A_40 : i32 to vector<128x2048xi32>
    %sub3A_42 = arith.subi %div3A_19, %sub3A_41 : vector<128x2048xi32>
    %select_n3A_43 = arith.select %and3A, %sub3A_42, %div3A_19 : vector<128x2048xi1>, vector<128x2048xi32>
    %eq3A_44 = arith.cmpi eq, %select_n3A_43, %iota3A : vector<128x2048xi32>
    %convert_element_type3A = arith.extui %eq3A_44 : vector<128x2048xi1> to vector<128x2048xi32>
    %convert_element_type3A_45 = arith.sitofp %convert_element_type3A : vector<128x2048xi32> to vector<128x2048xf32>
    %dot_general3A = arith.constant dense<0.000000e+00> : vector<128x2048xf32>
    %dot_general3A_46 = tpu.matmul %get3A_15, %convert_element_type3A_45, %dot_general3A {dimension_numbers = #tpu.dot_dimension_numbers<[0], [0], [1], [1], [0, 1, 1, 1], [], []>, transpose_lhs_hint = false} : vector<128x128xf32>, vector<128x2048xf32>, vector<128x2048xf32> -> vector<128x2048xf32>
    %iota3A_47 = tpu.iota {dimensions = array<i32: 0>} : vector<128x2048xi32>
    %iota3A_48 = tpu.iota {dimensions = array<i32: 1>} : vector<128x2048xi32>
    %mul3A_49 = arith.constant 16384 : i32
    %mul3A_50 = arith.muli %mul3A_49, %arg0 : i32
    %jit3A_51 = arith.constant 16 : i32
    %div3A_52 = vector.broadcast %jit3A_51 : i32 to vector<128x2048xi32>
    %div3A_53 = arith.divsi %iota3A_48, %div3A_52 : vector<128x2048xi32>
    %sign3A_54 = arith.constant 0 : i32
    %sign3A_55 = vector.broadcast %sign3A_54 : i32 to vector<128x2048xi32>
    %sign3A_56 = arith.cmpi sgt, %iota3A_48, %sign3A_55 : vector<128x2048xi32>
    %sign3A_57 = arith.extui %sign3A_56 : vector<128x2048xi1> to vector<128x2048xi32>
    %sign3A_58 = arith.constant 0 : i32
    %sign3A_59 = vector.broadcast %sign3A_58 : i32 to vector<128x2048xi32>
    %sign3A_60 = arith.cmpi slt, %iota3A_48, %sign3A_59 : vector<128x2048xi32>
    %sign3A_61 = arith.extui %sign3A_60 : vector<128x2048xi1> to vector<128x2048xi32>
    %sign3A_62 = arith.subi %sign3A_57, %sign3A_61 : vector<128x2048xi32>
    %sign3A_63 = arith.constant 0 : i32
    %sign3A_64 = arith.cmpi sgt, %jit3A_51, %sign3A_63 : i32
    %sign3A_65 = arith.extui %sign3A_64 : i1 to i32
    %sign3A_66 = arith.constant 0 : i32
    %sign3A_67 = arith.cmpi slt, %jit3A_51, %sign3A_66 : i32
    %sign3A_68 = arith.extui %sign3A_67 : i1 to i32
    %sign3A_69 = arith.subi %sign3A_65, %sign3A_68 : i32
    %ne3A_70 = vector.broadcast %sign3A_69 : i32 to vector<128x2048xi32>
    %ne3A_71 = arith.cmpi ne, %sign3A_62, %ne3A_70 : vector<128x2048xi32>
    %rem3A_72 = vector.broadcast %jit3A_51 : i32 to vector<128x2048xi32>
    %rem3A_73 = arith.remsi %iota3A_48, %rem3A_72 : vector<128x2048xi32>
    %ne3A_74 = arith.constant 0 : i32
    %ne3A_75 = vector.broadcast %ne3A_74 : i32 to vector<128x2048xi32>
    %ne3A_76 = arith.cmpi ne, %rem3A_73, %ne3A_75 : vector<128x2048xi32>
    %and3A_77 = arith.andi %ne3A_71, %ne3A_76 : vector<128x2048xi1>
    %sub3A_78 = arith.constant 1 : i32
    %sub3A_79 = vector.broadcast %sub3A_78 : i32 to vector<128x2048xi32>
    %sub3A_80 = arith.subi %div3A_53, %sub3A_79 : vector<128x2048xi32>
    %select_n3A_81 = arith.select %and3A_77, %sub3A_80, %div3A_53 : vector<128x2048xi1>, vector<128x2048xi32>
    %mul3A_82 = arith.constant 128 : i32
    %mul3A_83 = vector.broadcast %mul3A_82 : i32 to vector<128x2048xi32>
    %mul3A_84 = arith.muli %mul3A_83, %select_n3A_81 : vector<128x2048xi32>
    %add3A = vector.broadcast %mul3A_50 : i32 to vector<128x2048xi32>
    %add3A_85 = arith.addi %add3A, %mul3A_84 : vector<128x2048xi32>
    %add3A_86 = arith.addi %add3A_85, %iota3A_47 : vector<128x2048xi32>
    %lt3A = arith.constant 320000 : i32
    %lt3A_87 = vector.broadcast %lt3A : i32 to vector<128x2048xi32>
    %lt3A_88 = arith.cmpi slt, %add3A_86, %lt3A_87 : vector<128x2048xi32>
    %mul3A_89 = vector.broadcast %select_n3A_9 : f32 to vector<128x2048xf32>
    %mul3A_90 = arith.mulf %dot_general3A_46, %mul3A_89 : vector<128x2048xf32>
    %add3A_91 = vector.broadcast %select_n3A_12 : f32 to vector<128x2048xf32>
    %add3A_92 = arith.addf %mul3A_90, %add3A_91 : vector<128x2048xf32>
    %jit3A_93 = arith.constant 0.000000e+00 : f32
    %broadcast_in_dim3A = vector.broadcast %jit3A_93 : f32 to vector<128x2048xf32>
    %select_n3A_94 = arith.select %lt3A_88, %add3A_92, %broadcast_in_dim3A : vector<128x2048xi1>, vector<128x2048xf32>
    %swap3A = arith.constant 0 : index
    %swap3A_95 = arith.constant 0 : index
    %swap3A_96 = vector.load %arg4[%swap3A, %swap3A_95] : memref<128x2048xf32, #tpu.memory_space<vmem>>, vector<128x2048xf32>
    tpu.vector_store %arg4[%swap3A, %swap3A_95], %select_n3A_94 {strides = array<i32>} : memref<128x2048xf32, #tpu.memory_space<vmem>>, vector<128x2048xf32>,
    return
  }
  func.func @transform_0(%arg0: i32) -> (i32, i32) {
    %c0_i32 = arith.constant 0 : i32
    %c0_i32_0 = arith.constant 0 : i32
    %c0_i32_1 = arith.constant 0 : i32
    return %c0_i32, %c0_i32_0 : i32, i32
  }
  func.func @transform_1(%arg0: i32) -> (i32, i32) {
    %c0_i32 = arith.constant 0 : i32
    %c0_i32_0 = arith.constant 0 : i32
    %c0_i32_1 = arith.constant 0 : i32
    return %c0_i32, %c0_i32_0 : i32, i32
  }
  func.func @transform_2(%arg0: i32) -> (i32, i32) {
    %c0_i32 = arith.constant 0 : i32
    %c0_i32_0 = arith.constant 0 : i32
    return %arg0, %c0_i32 : i32, i32
  }
  func.func @transform_3(%arg0: i32) -> (i32, i32) {
    %c0_i32 = arith.constant 0 : i32
    %c0_i32_0 = arith.constant 0 : i32
    return %c0_i32, %arg0 : i32, i32
  }
}

module attributes {stable_mosaic.version = 14 : i64} {
  func.func @_dense0_body(%arg0: i32, %arg1: memref<2x400x64xf32, #tpu.memory_space<vmem>>, %arg2: memref<2x400x16xf32, #tpu.memory_space<vmem>>, %arg3: memref<400x128xf32, #tpu.memory_space<vmem>>, %arg4: memref<256x128xf32, #tpu.memory_space<vmem>>, %arg5: memref<1x256xf32, #tpu.memory_space<vmem>>, %arg6: memref<256x128xf32, #tpu.memory_space<vmem>>, %arg7: memref<1x256xf32, #tpu.memory_space<vmem>>, %arg8: memref<1x256xf32, #tpu.memory_space<vmem>>, %arg9: memref<1x256xf32, #tpu.memory_space<vmem>>, %arg10: memref<1x256xf32, #tpu.memory_space<vmem>>, %arg11: memref<128x256xf32, #tpu.memory_space<vmem>>, %arg12: memref<400x256xf32, #tpu.memory_space<vmem>>, %arg13: memref<400x128xf32, #tpu.memory_space<vmem>>) attributes {dimension_semantics = [#tpu.dimension_semantics<arbitrary>], iteration_bounds = array<i64: 25>, scalar_prefetch = 0 : i64, scratch_operands = 0 : i64, tpu.core_type = #tpu.core_type<tc>, window_params = [{transform_indices = @transform_0, window_bounds = array<i64: 2, 400, 64>}, {transform_indices = @transform_1, window_bounds = array<i64: 2, 400, 16>}, {transform_indices = @transform_2, window_bounds = array<i64: 400, 128>}, {pipeline_mode = #tpu.pipeline_mode<synchronous>, transform_indices = @transform_3, window_bounds = array<i64: 256, 128>}, {pipeline_mode = #tpu.pipeline_mode<synchronous>, transform_indices = @transform_4, window_bounds = array<i64: 1, 256>}, {pipeline_mode = #tpu.pipeline_mode<synchronous>, transform_indices = @transform_5, window_bounds = array<i64: 256, 128>}, {pipeline_mode = #tpu.pipeline_mode<synchronous>, transform_indices = @transform_6, window_bounds = array<i64: 1, 256>}, {pipeline_mode = #tpu.pipeline_mode<synchronous>, transform_indices = @transform_7, window_bounds = array<i64: 1, 256>}, {pipeline_mode = #tpu.pipeline_mode<synchronous>, transform_indices = @transform_8, window_bounds = array<i64: 1, 256>}, {pipeline_mode = #tpu.pipeline_mode<synchronous>, transform_indices = @transform_9, window_bounds = array<i64: 1, 256>}, {pipeline_mode = #tpu.pipeline_mode<synchronous>, transform_indices = @transform_10, window_bounds = array<i64: 128, 256>}, {transform_indices = @transform_11, window_bounds = array<i64: 400, 256>}, {transform_indices = @transform_12, window_bounds = array<i64: 400, 128>}]} {
    %get3A = arith.constant 0 : index
    %get3A_0 = arith.constant 0 : index
    %get3A_1 = arith.constant 0 : index
    %get3A_2 = vector.load %arg1[%get3A, %get3A_0, %get3A_1] : memref<2x400x64xf32, #tpu.memory_space<vmem>>, vector<1x400x64xf32>
    %get3A_3 = vector.shape_cast %get3A_2 : vector<1x400x64xf32> to vector<400x64xf32>
    %get3A_4 = arith.constant 1 : index
    %get3A_5 = arith.constant 0 : index
    %get3A_6 = arith.constant 0 : index
    %get3A_7 = vector.load %arg1[%get3A_4, %get3A_5, %get3A_6] : memref<2x400x64xf32, #tpu.memory_space<vmem>>, vector<1x400x64xf32>
    %get3A_8 = vector.shape_cast %get3A_7 : vector<1x400x64xf32> to vector<400x64xf32>
    %concatenate3A = tpu.concatenate %get3A_3, %get3A_8 in 1 : vector<400x64xf32>, vector<400x64xf32> -> vector<400x128xf32>
    %get3A_9 = arith.constant 0 : index
    %get3A_10 = arith.constant 0 : index
    %get3A_11 = arith.constant 0 : index
    %get3A_12 = vector.load %arg2[%get3A_9, %get3A_10, %get3A_11] : memref<2x400x16xf32, #tpu.memory_space<vmem>>, vector<1x400x16xf32>
    %get3A_13 = vector.shape_cast %get3A_12 : vector<1x400x16xf32> to vector<400x16xf32>
    %get3A_14 = arith.constant 1 : index
    %get3A_15 = arith.constant 0 : index
    %get3A_16 = arith.constant 0 : index
    %get3A_17 = vector.load %arg2[%get3A_14, %get3A_15, %get3A_16] : memref<2x400x16xf32, #tpu.memory_space<vmem>>, vector<1x400x16xf32>
    %get3A_18 = vector.shape_cast %get3A_17 : vector<1x400x16xf32> to vector<400x16xf32>
    %add3A = arith.addf %get3A_13, %get3A_18 : vector<400x16xf32>
    %slice3A = vector.extract_strided_slice %add3A {offsets = [0, 0], sizes = [400, 1], strides = [1, 1]} : vector<400x16xf32> to vector<400x1xf32>
    %jit3A = arith.constant 1.000000e+00 : f32
    %max3A = vector.broadcast %jit3A : f32 to vector<400x1xf32>
    %max3A_19 = arith.maximumf %max3A, %slice3A : vector<400x1xf32>
    %div3A = vector.broadcast %max3A_19 : vector<400x1xf32> to vector<400x128xf32>
    %div3A_20 = arith.divf %concatenate3A, %div3A : vector<400x128xf32>
    %get3A_21 = arith.constant 0 : index
    %get3A_22 = arith.constant 0 : index
    %get3A_23 = vector.load %arg4[%get3A_21, %get3A_22] : memref<256x128xf32, #tpu.memory_space<vmem>>, vector<256x128xf32>
    %dot_general3A = arith.constant dense<0.000000e+00> : vector<400x256xf32>
    %dot_general3A_24 = tpu.matmul %div3A_20, %get3A_23, %dot_general3A {dimension_numbers = #tpu.dot_dimension_numbers<[1], [1], [0], [0], [0, 0, 1, 0], [], []>, transpose_lhs_hint = false} : vector<400x128xf32>, vector<256x128xf32>, vector<400x256xf32> -> vector<400x256xf32>
    %get3A_25 = arith.constant 0 : index
    %get3A_26 = arith.constant 0 : index
    %get3A_27 = vector.load %arg5[%get3A_25, %get3A_26] : memref<1x256xf32, #tpu.memory_space<vmem>>, vector<1x256xf32>
    %add3A_28 = vector.broadcast %get3A_27 : vector<1x256xf32> to vector<400x256xf32>
    %add3A_29 = arith.addf %dot_general3A_24, %add3A_28 : vector<400x256xf32>
    %get3A_30 = arith.constant 0 : index
    %get3A_31 = arith.constant 0 : index
    %get3A_32 = vector.load %arg3[%get3A_30, %get3A_31] : memref<400x128xf32, #tpu.memory_space<vmem>>, vector<400x128xf32>
    %get3A_33 = arith.constant 0 : index
    %get3A_34 = arith.constant 0 : index
    %get3A_35 = vector.load %arg6[%get3A_33, %get3A_34] : memref<256x128xf32, #tpu.memory_space<vmem>>, vector<256x128xf32>
    %dot_general3A_36 = arith.constant dense<0.000000e+00> : vector<400x256xf32>
    %dot_general3A_37 = tpu.matmul %get3A_32, %get3A_35, %dot_general3A_36 {dimension_numbers = #tpu.dot_dimension_numbers<[1], [1], [0], [0], [0, 0, 1, 0], [], []>, transpose_lhs_hint = false} : vector<400x128xf32>, vector<256x128xf32>, vector<400x256xf32> -> vector<400x256xf32>
    %add3A_38 = arith.addf %add3A_29, %dot_general3A_37 : vector<400x256xf32>
    %get3A_39 = arith.constant 0 : index
    %get3A_40 = arith.constant 0 : index
    %get3A_41 = vector.load %arg10[%get3A_39, %get3A_40] : memref<1x256xf32, #tpu.memory_space<vmem>>, vector<1x256xf32>
    %add3A_42 = arith.constant 9.99999974E-6 : f32
    %add3A_43 = vector.broadcast %add3A_42 : f32 to vector<1x256xf32>
    %add3A_44 = arith.addf %get3A_41, %add3A_43 : vector<1x256xf32>
    %rsqrt3A = math.rsqrt %add3A_44 : vector<1x256xf32>
    %get3A_45 = arith.constant 0 : index
    %get3A_46 = arith.constant 0 : index
    %get3A_47 = vector.load %arg9[%get3A_45, %get3A_46] : memref<1x256xf32, #tpu.memory_space<vmem>>, vector<1x256xf32>
    %sub3A = vector.broadcast %get3A_47 : vector<1x256xf32> to vector<400x256xf32>
    %sub3A_48 = arith.subf %add3A_38, %sub3A : vector<400x256xf32>
    %mul3A = vector.broadcast %rsqrt3A : vector<1x256xf32> to vector<400x256xf32>
    %mul3A_49 = arith.mulf %sub3A_48, %mul3A : vector<400x256xf32>
    %get3A_50 = arith.constant 0 : index
    %get3A_51 = arith.constant 0 : index
    %get3A_52 = vector.load %arg7[%get3A_50, %get3A_51] : memref<1x256xf32, #tpu.memory_space<vmem>>, vector<1x256xf32>
    %mul3A_53 = vector.broadcast %get3A_52 : vector<1x256xf32> to vector<400x256xf32>
    %mul3A_54 = arith.mulf %mul3A_49, %mul3A_53 : vector<400x256xf32>
    %get3A_55 = arith.constant 0 : index
    %get3A_56 = arith.constant 0 : index
    %get3A_57 = vector.load %arg8[%get3A_55, %get3A_56] : memref<1x256xf32, #tpu.memory_space<vmem>>, vector<1x256xf32>
    %add3A_58 = vector.broadcast %get3A_57 : vector<1x256xf32> to vector<400x256xf32>
    %add3A_59 = arith.addf %mul3A_54, %add3A_58 : vector<400x256xf32>
    %max3A_60 = arith.constant 0.000000e+00 : f32
    %max3A_61 = vector.broadcast %max3A_60 : f32 to vector<400x256xf32>
    %max3A_62 = arith.maximumf %add3A_59, %max3A_61 : vector<400x256xf32>
    %swap3A = arith.constant 0 : index
    %swap3A_63 = arith.constant 0 : index
    %swap3A_64 = vector.load %arg12[%swap3A, %swap3A_63] : memref<400x256xf32, #tpu.memory_space<vmem>>, vector<400x256xf32>
    tpu.vector_store %arg12[%swap3A, %swap3A_63], %max3A_62 {strides = array<i32>} : memref<400x256xf32, #tpu.memory_space<vmem>>, vector<400x256xf32>,
    %get3A_65 = arith.constant 0 : index
    %get3A_66 = arith.constant 0 : index
    %get3A_67 = vector.load %arg11[%get3A_65, %get3A_66] : memref<128x256xf32, #tpu.memory_space<vmem>>, vector<128x256xf32>
    %dot_general3A_68 = arith.constant dense<0.000000e+00> : vector<400x128xf32>
    %dot_general3A_69 = tpu.matmul %max3A_62, %get3A_67, %dot_general3A_68 {dimension_numbers = #tpu.dot_dimension_numbers<[1], [1], [0], [0], [0, 0, 1, 0], [], []>, transpose_lhs_hint = false} : vector<400x256xf32>, vector<128x256xf32>, vector<400x128xf32> -> vector<400x128xf32>
    %swap3A_70 = arith.constant 0 : index
    %swap3A_71 = arith.constant 0 : index
    %swap3A_72 = vector.load %arg13[%swap3A_70, %swap3A_71] : memref<400x128xf32, #tpu.memory_space<vmem>>, vector<400x128xf32>
    tpu.vector_store %arg13[%swap3A_70, %swap3A_71], %dot_general3A_69 {strides = array<i32>} : memref<400x128xf32, #tpu.memory_space<vmem>>, vector<400x128xf32>,
    return
  }
  func.func @transform_0(%arg0: i32) -> (i32, i32, i32) {
    %c0_i32 = arith.constant 0 : i32
    %c0_i32_0 = arith.constant 0 : i32
    %c0_i32_1 = arith.constant 0 : i32
    return %c0_i32, %arg0, %c0_i32_0 : i32, i32, i32
  }
  func.func @transform_1(%arg0: i32) -> (i32, i32, i32) {
    %c0_i32 = arith.constant 0 : i32
    %c0_i32_0 = arith.constant 0 : i32
    %c0_i32_1 = arith.constant 0 : i32
    return %c0_i32, %arg0, %c0_i32_0 : i32, i32, i32
  }
  func.func @transform_2(%arg0: i32) -> (i32, i32) {
    %c0_i32 = arith.constant 0 : i32
    %c0_i32_0 = arith.constant 0 : i32
    return %arg0, %c0_i32 : i32, i32
  }
  func.func @transform_3(%arg0: i32) -> (i32, i32) {
    %c0_i32 = arith.constant 0 : i32
    %c0_i32_0 = arith.constant 0 : i32
    %c0_i32_1 = arith.constant 0 : i32
    return %c0_i32, %c0_i32_0 : i32, i32
  }
  func.func @transform_4(%arg0: i32) -> (i32, i32) {
    %c0_i32 = arith.constant 0 : i32
    %c0_i32_0 = arith.constant 0 : i32
    %c0_i32_1 = arith.constant 0 : i32
    return %c0_i32, %c0_i32_0 : i32, i32
  }
  func.func @transform_5(%arg0: i32) -> (i32, i32) {
    %c0_i32 = arith.constant 0 : i32
    %c0_i32_0 = arith.constant 0 : i32
    %c0_i32_1 = arith.constant 0 : i32
    return %c0_i32, %c0_i32_0 : i32, i32
  }
  func.func @transform_6(%arg0: i32) -> (i32, i32) {
    %c0_i32 = arith.constant 0 : i32
    %c0_i32_0 = arith.constant 0 : i32
    %c0_i32_1 = arith.constant 0 : i32
    return %c0_i32, %c0_i32_0 : i32, i32
  }
  func.func @transform_7(%arg0: i32) -> (i32, i32) {
    %c0_i32 = arith.constant 0 : i32
    %c0_i32_0 = arith.constant 0 : i32
    %c0_i32_1 = arith.constant 0 : i32
    return %c0_i32, %c0_i32_0 : i32, i32
  }
  func.func @transform_8(%arg0: i32) -> (i32, i32) {
    %c0_i32 = arith.constant 0 : i32
    %c0_i32_0 = arith.constant 0 : i32
    %c0_i32_1 = arith.constant 0 : i32
    return %c0_i32, %c0_i32_0 : i32, i32
  }
  func.func @transform_9(%arg0: i32) -> (i32, i32) {
    %c0_i32 = arith.constant 0 : i32
    %c0_i32_0 = arith.constant 0 : i32
    %c0_i32_1 = arith.constant 0 : i32
    return %c0_i32, %c0_i32_0 : i32, i32
  }
  func.func @transform_10(%arg0: i32) -> (i32, i32) {
    %c0_i32 = arith.constant 0 : i32
    %c0_i32_0 = arith.constant 0 : i32
    %c0_i32_1 = arith.constant 0 : i32
    return %c0_i32, %c0_i32_0 : i32, i32
  }
  func.func @transform_11(%arg0: i32) -> (i32, i32) {
    %c0_i32 = arith.constant 0 : i32
    %c0_i32_0 = arith.constant 0 : i32
    return %arg0, %c0_i32 : i32, i32
  }
  func.func @transform_12(%arg0: i32) -> (i32, i32) {
    %c0_i32 = arith.constant 0 : i32
    %c0_i32_0 = arith.constant 0 : i32
    return %arg0, %c0_i32 : i32, i32
  }
}

module attributes {stable_mosaic.version = 14 : i64} {
  func.func @_dense1_body(%arg0: i32, %arg1: memref<2x400x64xf32, #tpu.memory_space<vmem>>, %arg2: memref<2x400x16xf32, #tpu.memory_space<vmem>>, %arg3: memref<400x256xf32, #tpu.memory_space<vmem>>, %arg4: memref<128x256xf32, #tpu.memory_space<vmem>>, %arg5: memref<1x128xf32, #tpu.memory_space<vmem>>, %arg6: memref<400x128xf32, #tpu.memory_space<vmem>>, %arg7: memref<1x1xf32, #tpu.memory_space<vmem>>, %arg8: memref<2xf32, #tpu.memory_space<smem>>) attributes {dimension_semantics = [#tpu.dimension_semantics<arbitrary>], iteration_bounds = array<i64: 25>, scalar_prefetch = 0 : i64, scratch_operands = 1 : i64, tpu.core_type = #tpu.core_type<tc>, window_params = [{transform_indices = @transform_0, window_bounds = array<i64: 2, 400, 64>}, {transform_indices = @transform_1, window_bounds = array<i64: 2, 400, 16>}, {transform_indices = @transform_2, window_bounds = array<i64: 400, 256>}, {pipeline_mode = #tpu.pipeline_mode<synchronous>, transform_indices = @transform_3, window_bounds = array<i64: 128, 256>}, {pipeline_mode = #tpu.pipeline_mode<synchronous>, transform_indices = @transform_4, window_bounds = array<i64: 1, 128>}, {transform_indices = @transform_5, window_bounds = array<i64: 400, 128>}, {pipeline_mode = #tpu.pipeline_mode<synchronous>, transform_indices = @transform_6, window_bounds = array<i64: 1, 1>}]} {
    %get3A = arith.constant 0 : index
    %get3A_0 = arith.constant 0 : index
    %get3A_1 = arith.constant 0 : index
    %get3A_2 = vector.load %arg1[%get3A, %get3A_0, %get3A_1] : memref<2x400x64xf32, #tpu.memory_space<vmem>>, vector<1x400x64xf32>
    %get3A_3 = vector.shape_cast %get3A_2 : vector<1x400x64xf32> to vector<400x64xf32>
    %get3A_4 = arith.constant 1 : index
    %get3A_5 = arith.constant 0 : index
    %get3A_6 = arith.constant 0 : index
    %get3A_7 = vector.load %arg1[%get3A_4, %get3A_5, %get3A_6] : memref<2x400x64xf32, #tpu.memory_space<vmem>>, vector<1x400x64xf32>
    %get3A_8 = vector.shape_cast %get3A_7 : vector<1x400x64xf32> to vector<400x64xf32>
    %concatenate3A = tpu.concatenate %get3A_3, %get3A_8 in 1 : vector<400x64xf32>, vector<400x64xf32> -> vector<400x128xf32>
    %get3A_9 = arith.constant 0 : index
    %get3A_10 = arith.constant 0 : index
    %get3A_11 = arith.constant 0 : index
    %get3A_12 = vector.load %arg2[%get3A_9, %get3A_10, %get3A_11] : memref<2x400x16xf32, #tpu.memory_space<vmem>>, vector<1x400x16xf32>
    %get3A_13 = vector.shape_cast %get3A_12 : vector<1x400x16xf32> to vector<400x16xf32>
    %get3A_14 = arith.constant 1 : index
    %get3A_15 = arith.constant 0 : index
    %get3A_16 = arith.constant 0 : index
    %get3A_17 = vector.load %arg2[%get3A_14, %get3A_15, %get3A_16] : memref<2x400x16xf32, #tpu.memory_space<vmem>>, vector<1x400x16xf32>
    %get3A_18 = vector.shape_cast %get3A_17 : vector<1x400x16xf32> to vector<400x16xf32>
    %add3A = arith.addf %get3A_13, %get3A_18 : vector<400x16xf32>
    %slice3A = vector.extract_strided_slice %add3A {offsets = [0, 0], sizes = [400, 1], strides = [1, 1]} : vector<400x16xf32> to vector<400x1xf32>
    %jit3A = arith.constant 1.000000e+00 : f32
    %max3A = vector.broadcast %jit3A : f32 to vector<400x1xf32>
    %max3A_19 = arith.maximumf %max3A, %slice3A : vector<400x1xf32>
    %div3A = vector.broadcast %max3A_19 : vector<400x1xf32> to vector<400x128xf32>
    %div3A_20 = arith.divf %concatenate3A, %div3A : vector<400x128xf32>
    %get3A_21 = arith.constant 0 : index
    %get3A_22 = arith.constant 0 : index
    %get3A_23 = vector.load %arg5[%get3A_21, %get3A_22] : memref<1x128xf32, #tpu.memory_space<vmem>>, vector<1x128xf32>
    %add3A_24 = vector.broadcast %get3A_23 : vector<1x128xf32> to vector<400x128xf32>
    %add3A_25 = arith.addf %div3A_20, %add3A_24 : vector<400x128xf32>
    %get3A_26 = arith.constant 0 : index
    %get3A_27 = arith.constant 0 : index
    %get3A_28 = vector.load %arg3[%get3A_26, %get3A_27] : memref<400x256xf32, #tpu.memory_space<vmem>>, vector<400x256xf32>
    %get3A_29 = arith.constant 0 : index
    %get3A_30 = arith.constant 0 : index
    %get3A_31 = vector.load %arg4[%get3A_29, %get3A_30] : memref<128x256xf32, #tpu.memory_space<vmem>>, vector<128x256xf32>
    %dot_general3A = arith.constant dense<0.000000e+00> : vector<400x128xf32>
    %dot_general3A_32 = tpu.matmul %get3A_28, %get3A_31, %dot_general3A {dimension_numbers = #tpu.dot_dimension_numbers<[1], [1], [0], [0], [0, 0, 1, 0], [], []>, transpose_lhs_hint = false} : vector<400x256xf32>, vector<128x256xf32>, vector<400x128xf32> -> vector<400x128xf32>
    %add3A_33 = arith.addf %add3A_25, %dot_general3A_32 : vector<400x128xf32>
    %reduce_max3A = arith.constant dense<0xFF800000> : vector<400xf32>
    %reduce_max3A_34 = vector.multi_reduction <maximumf>, %add3A_33, %reduce_max3A [1] : vector<400x128xf32> to vector<400xf32>
    %broadcast_in_dim3A = vector.shape_cast %reduce_max3A_34 : vector<400xf32> to vector<400x1xf32>
    %sub3A = vector.broadcast %broadcast_in_dim3A : vector<400x1xf32> to vector<400x128xf32>
    %sub3A_35 = arith.subf %add3A_33, %sub3A : vector<400x128xf32>
    %exp3A = math.exp %sub3A_35 : vector<400x128xf32>
    %reduce_sum3A = arith.constant dense<0.000000e+00> : vector<400xf32>
    %reduce_sum3A_36 = vector.multi_reduction <add>, %exp3A, %reduce_sum3A [1] : vector<400x128xf32> to vector<400xf32>
    %broadcast_in_dim3A_37 = vector.shape_cast %reduce_sum3A_36 : vector<400xf32> to vector<400x1xf32>
    %log3A = math.log %broadcast_in_dim3A_37 : vector<400x1xf32>
    %add3A_38 = arith.addf %log3A, %broadcast_in_dim3A : vector<400x1xf32>
    %sub3A_39 = vector.broadcast %add3A_38 : vector<400x1xf32> to vector<400x128xf32>
    %sub3A_40 = arith.subf %add3A_33, %sub3A_39 : vector<400x128xf32>
    %swap3A = arith.constant 0 : index
    %swap3A_41 = arith.constant 0 : index
    %swap3A_42 = vector.load %arg6[%swap3A, %swap3A_41] : memref<400x128xf32, #tpu.memory_space<vmem>>, vector<400x128xf32>
    tpu.vector_store %arg6[%swap3A, %swap3A_41], %sub3A_40 {strides = array<i32>} : memref<400x128xf32, #tpu.memory_space<vmem>>, vector<400x128xf32>,
    %reduce_sum3A_43 = vector.shape_cast %add3A_33 : vector<400x128xf32> to vector<1x400x128xf32>
    %reduce_sum3A_44 = arith.constant dense<0.000000e+00> : vector<1xf32>
    %reduce_sum3A_45 = vector.multi_reduction <add>, %reduce_sum3A_43, %reduce_sum3A_44 [1, 2] : vector<1x400x128xf32> to vector<1xf32>
    %reduce_sum3A_46 = vector.shape_cast %reduce_sum3A_45 : vector<1xf32> to vector<1x1x1xf32>
    %reduce_sum3A_47 = vector.extract %reduce_sum3A_46[0, 0, 0] : f32 from vector<1x1x1xf32>
    %mul3A = arith.mulf %add3A_33, %add3A_33 : vector<400x128xf32>
    %reduce_sum3A_48 = vector.shape_cast %mul3A : vector<400x128xf32> to vector<1x400x128xf32>
    %reduce_sum3A_49 = arith.constant dense<0.000000e+00> : vector<1xf32>
    %reduce_sum3A_50 = vector.multi_reduction <add>, %reduce_sum3A_48, %reduce_sum3A_49 [1, 2] : vector<1x400x128xf32> to vector<1xf32>
    %reduce_sum3A_51 = vector.shape_cast %reduce_sum3A_50 : vector<1xf32> to vector<1x1x1xf32>
    %reduce_sum3A_52 = vector.extract %reduce_sum3A_51[0, 0, 0] : f32 from vector<1x1x1xf32>
    %eq3A = arith.constant 0 : i32
    %eq3A_53 = arith.cmpi eq, %arg0, %eq3A : i32
    %convert_element_type3A = arith.extui %eq3A_53 : i1 to i32
    %cond3A = arith.constant 0 : i32
    %cond3A_54 = arith.cmpi ne, %convert_element_type3A, %cond3A : i32
    scf.if %cond3A_54 {
      %swap3A_75 = arith.constant 0 : index
      %swap3A_76 = memref.load %arg8[%swap3A_75] : memref<2xf32, #tpu.memory_space<smem>>
      memref.store %reduce_sum3A_47, %arg8[%swap3A_75] : memref<2xf32, #tpu.memory_space<smem>>
      %swap3A_77 = arith.constant 1 : index
      %swap3A_78 = memref.load %arg8[%swap3A_77] : memref<2xf32, #tpu.memory_space<smem>>
      memref.store %reduce_sum3A_52, %arg8[%swap3A_77] : memref<2xf32, #tpu.memory_space<smem>>
    } else {
    }
    %gt3A = arith.constant 0 : i32
    %gt3A_55 = arith.cmpi sgt, %arg0, %gt3A : i32
    %convert_element_type3A_56 = arith.extui %gt3A_55 : i1 to i32
    %cond3A_57 = arith.constant 0 : i32
    %cond3A_58 = arith.cmpi ne, %convert_element_type3A_56, %cond3A_57 : i32
    scf.if %cond3A_58 {
      %get3A_75 = arith.constant 0 : index
      %get3A_76 = memref.load %arg8[%get3A_75] : memref<2xf32, #tpu.memory_space<smem>>
      %add3A_77 = arith.addf %get3A_76, %reduce_sum3A_47 : f32
      %swap3A_78 = arith.constant 0 : index
      %swap3A_79 = memref.load %arg8[%swap3A_78] : memref<2xf32, #tpu.memory_space<smem>>
      memref.store %add3A_77, %arg8[%swap3A_78] : memref<2xf32, #tpu.memory_space<smem>>
      %get3A_80 = arith.constant 1 : index
      %get3A_81 = memref.load %arg8[%get3A_80] : memref<2xf32, #tpu.memory_space<smem>>
      %add3A_82 = arith.addf %get3A_81, %reduce_sum3A_52 : f32
      %swap3A_83 = arith.constant 1 : index
      %swap3A_84 = memref.load %arg8[%swap3A_83] : memref<2xf32, #tpu.memory_space<smem>>
      memref.store %add3A_82, %arg8[%swap3A_83] : memref<2xf32, #tpu.memory_space<smem>>
    } else {
    }
    %get3A_59 = arith.constant 1 : index
    %get3A_60 = memref.load %arg8[%get3A_59] : memref<2xf32, #tpu.memory_space<smem>>
    %get3A_61 = arith.constant 0 : index
    %get3A_62 = memref.load %arg8[%get3A_61] : memref<2xf32, #tpu.memory_space<smem>>
    %get3A_63 = arith.constant 0 : index
    %get3A_64 = memref.load %arg8[%get3A_63] : memref<2xf32, #tpu.memory_space<smem>>
    %mul3A_65 = arith.mulf %get3A_62, %get3A_64 : f32
    %div3A_66 = arith.constant 1.280000e+06 : f32
    %div3A_67 = arith.divf %mul3A_65, %div3A_66 : f32
    %sub3A_68 = arith.subf %get3A_60, %div3A_67 : f32
    %div3A_69 = arith.constant 0x499C3FF8 : f32
    %div3A_70 = arith.divf %sub3A_68, %div3A_69 : f32
    %broadcast_in_dim3A_71 = vector.broadcast %div3A_70 : f32 to vector<1x1xf32>
    %swap3A_72 = arith.constant 0 : index
    %swap3A_73 = arith.constant 0 : index
    %swap3A_74 = vector.load %arg7[%swap3A_72, %swap3A_73] : memref<1x1xf32, #tpu.memory_space<vmem>>, vector<1x1xf32>
    tpu.vector_store %arg7[%swap3A_72, %swap3A_73], %broadcast_in_dim3A_71 {strides = array<i32>} : memref<1x1xf32, #tpu.memory_space<vmem>>, vector<1x1xf32>,
    return
  }
  func.func @transform_0(%arg0: i32) -> (i32, i32, i32) {
    %c0_i32 = arith.constant 0 : i32
    %c0_i32_0 = arith.constant 0 : i32
    %c0_i32_1 = arith.constant 0 : i32
    return %c0_i32, %arg0, %c0_i32_0 : i32, i32, i32
  }
  func.func @transform_1(%arg0: i32) -> (i32, i32, i32) {
    %c0_i32 = arith.constant 0 : i32
    %c0_i32_0 = arith.constant 0 : i32
    %c0_i32_1 = arith.constant 0 : i32
    return %c0_i32, %arg0, %c0_i32_0 : i32, i32, i32
  }
  func.func @transform_2(%arg0: i32) -> (i32, i32) {
    %c0_i32 = arith.constant 0 : i32
    %c0_i32_0 = arith.constant 0 : i32
    return %arg0, %c0_i32 : i32, i32
  }
  func.func @transform_3(%arg0: i32) -> (i32, i32) {
    %c0_i32 = arith.constant 0 : i32
    %c0_i32_0 = arith.constant 0 : i32
    %c0_i32_1 = arith.constant 0 : i32
    return %c0_i32, %c0_i32_0 : i32, i32
  }
  func.func @transform_4(%arg0: i32) -> (i32, i32) {
    %c0_i32 = arith.constant 0 : i32
    %c0_i32_0 = arith.constant 0 : i32
    %c0_i32_1 = arith.constant 0 : i32
    return %c0_i32, %c0_i32_0 : i32, i32
  }
  func.func @transform_5(%arg0: i32) -> (i32, i32) {
    %c0_i32 = arith.constant 0 : i32
    %c0_i32_0 = arith.constant 0 : i32
    return %arg0, %c0_i32 : i32, i32
  }
  func.func @transform_6(%arg0: i32) -> (i32, i32) {
    %c0_i32 = arith.constant 0 : i32
    %c0_i32_0 = arith.constant 0 : i32
    %c0_i32_1 = arith.constant 0 : i32
    return %c0_i32, %c0_i32_0 : i32, i32
  }
}

</mosaic_0001>

<sc_bundles>
// kernel: kernel.12.cloned.1.call-start
scs
__scs_entry_jumppad:
0x0: {  	(pc) =	sbr.rel $0x88, $3  }
0x1: {  	(tag) =	ssettag $0x0;
	lr =	simm.s32 $0x1  }
0x2: {  	[smem:$0x3F94] =	sst lr;
	_ =	strace $0xD0000000  }
0x3: {  	_ = 	snop  }
0x4: {  	_ = 	snop  }
0x5: {  	_ = 	snop  }
0x6: {  	_ = 	snop  }
0x7: {  	_ = 	snop  }
__scs_overlays_trampoline_lowered:
0x8: {  	[smem:$0x3FA3] =	sst s0  }
0x9: {  	[smem:$0x3FA4] =	sst s1  }
0xa: {  	[smem:$0x3FA5] =	sst s2  }
0xb: {  	[smem:$0x3FA6] =	sst s3  }
0xc: {  	[smem:$0x3FA7] =	sst s4  }
0xd: {  	[smem:$0x3FA8] =	sst s5  }
0xe: {  	[smem:$0x3FA9] =	sst s6  }
0xf: {  	[smem:$0x3FAA] =	sst s7  }
0x10: {  	[smem:$0x3FAB] =	sst s8  }
0x11: {  	[smem:$0x3FAC] =	sst s9;
	s0 =	simm.s32 @!p0 $0x0  }
0x12: {  	s1 =	sld [smem:$0x3F92];
	s0 =	simm.s32 @p0 $0x1  }
0x13: {  	[smem:$0x3FAD] =	sst s0;
	s0 =	simm.s32 @!p1 $0x0  }
0x14: {  	s2 =	sld [smem:$0x3F91];
	s0 =	simm.s32 @p1 $0x1  }
0x15: {  	[smem:$0x3FAE] =	sst s0;
	s0 =	simm.s32 @!p2 $0x0  }
0x16: {  	s3 =	sld [smem:$0x3FDB];
	s0 =	simm.s32 @p2 $0x1  }
0x17: {  	s4 =	simm.s32 $0x1BF5;
	[smem:$0x3FB0] =	sst s0  }
0x18: {  	s0 =	sld [smem:$0x3F93];
	_ =	swait.ge [sflag:s4], $0x0  }
0x19: {  	s7 =	sld [smem:$0x3F94]  }
0x1a: {  	s8 =	sadd.s32 $0xFFFFE003, lr  }
0x1b: {  	s9 =	sadd.s32 $0xFFFFFEF7, lr;
	s5 =	simm.s32 $0xFFFFFFFF;
	p2 =	slt.u32 s8, $0xFFFFF086  }
0x1c: {  	p1 =	slt.u32 s9, $0xF7A;
	s5 =	simm.s32 @!p2 $0x0  }
0x1d: {  	s5 =	simm.s32 @p1 $0x1;
	p0 =	seq.s32 s7, s2  }
0x1e: {  	s7 =	smul.u32 @!p0 $0xF7A, s2;
	p2 =	seq.s32 @!p0 s5, $0x0  }
0x1f: {  	s9 =	smul.u32 $0xF7A, s1;
	s8 =	simm.s32 @!p0 $0x1BF5;
	p2 =	por !p2, p0  }
0x20: {  	[sflag:s8] =	ssyncset.s32 @!p0 $0xFFFFF086;
	s6 =	sadd.s32 @!p0 s3, s7;
	s7 =	simm.s32 @!p0 $0x108  }
0x21: {  	s3 =	sadd.s32 s3, s9;
	s6 =	sadd.s32 @!p0 $0x88, s6;
	s7 =	simm.s32 @p2 $0x1082  }
0x22: {  	[simem:s7], [sflag:s8] =	dma.local @!p0 [hbm:s6], $0xF7A  }
0x23: {  	s9 =	sor.u32 $0xD0000000, s2;
	s6 =	simm.s32 $0x108;
	_ =	swait.ge @!p0 [sflag:s8], $0x0  }
0x24: {  	s3 =	sadd.s32 $0x88, s3;
	s6 =	simm.s32 @!p1 $0x1082;
	[sflag:s4] =	ssyncset.s32 $0xFFFFF086  }
0x25: {  	[simem:s6], [sflag:s4] =	dma.local [hbm:s3], $0xF7A  }
0x26: {  	[smem:$0x3F94] =	sst s1;
	(tag) =	ssettag s2;
	_ =	strace s9  }
0x27: {  	s1 =	sld [smem:$0x3FA4]  }
0x28: {  	s2 =	sld [smem:$0x3FA5]  }
0x29: {  	s4 =	sld [smem:$0x3FA7]  }
0x2a: {  	p0 =	seq.s32 s5, $0x0;
	s5 =	sld [smem:$0x3FA8]  }
0x2b: {  	s6 =	sld [smem:$0x3FA9]  }
0x2c: {  	s7 =	sld [smem:$0x3FAA]  }
0x2d: {  	s3 =	simm.s32 $0x108;
	s8 =	sld [smem:$0x3FAB]  }
0x2e: {  	s3 =	simm.s32 @!p0 $0x1082;
	s9 =	sld [smem:$0x3FAC]  }
0x2f: {  	lr =	sadd.s32 s0, s3;
	s0 =	sld [smem:$0x3FA3]  }
0x30: {  	s3 =	sld [smem:$0x3FA6]  }
0x31: {  	[smem:$0x3FAF] =	sst s10  }
0x32: {  	s10 =	sld [smem:$0x3FAD];
	_ =	sdelay $0x3  }
0x33: {  	p0 =	seq.s32 s10, $0x1;
	s10 =	sld [smem:$0x3FAF];
	_ =	sdelay $0x3  }
0x34: {  	[smem:$0x3FAF] =	sst s10  }
0x35: {  	s10 =	sld [smem:$0x3FAE];
	_ =	sdelay $0x3  }
0x36: {  	p1 =	seq.s32 s10, $0x1;
	s10 =	sld [smem:$0x3FAF];
	_ =	sdelay $0x3  }
0x37: {  	[smem:$0x3FAF] =	sst s10  }
0x38: {  	s10 =	sld [smem:$0x3FB0]  }
0x39: {  	_ = 	snop;
	(pc) =	sbr.ind lr, $3  }
0x3a: {  	_ = 	snop  }
0x3b: {  	_ = 	snop  }
0x3c: {  	p2 =	seq.s32 s10, $0x1;
	s10 =	sld [smem:$0x3FAF]  }
0x3d: {  	_ =	shalt  }
0x3e: {  	_ =	shalt  }
0x3f: {  	_ =	shalt  }
0x40: {  	_ =	shalt  }
0x41: {  	_ =	shalt  }
0x42: {  	_ =	shalt  }
0x43: {  	_ =	shalt  }
0x44: {  	_ =	shalt  }
0x45: {  	_ =	shalt  }
0x46: {  	_ =	shalt  }
0x47: {  	_ =	shalt  }
0x48: {  	_ =	shalt  }
0x49: {  	_ =	shalt  }
0x4a: {  	_ =	shalt  }
0x4b: {  	_ =	shalt  }
0x4c: {  	_ =	shalt  }
0x4d: {  	_ =	shalt  }
0x4e: {  	_ =	shalt  }
0x4f: {  	_ =	shalt  }
0x50: {  	_ =	shalt  }
0x51: {  	_ =	shalt  }
0x52: {  	_ =	shalt  }
0x53: {  	_ =	shalt  }
0x54: {  	_ =	shalt  }
0x55: {  	_ =	shalt  }
0x56: {  	_ =	shalt  }
0x57: {  	_ =	shalt  }
0x58: {  	_ =	shalt  }
0x59: {  	_ =	shalt  }
0x5a: {  	_ =	shalt  }
0x5b: {  	_ =	shalt  }
0x5c: {  	_ =	shalt  }
0x5d: {  	_ =	shalt  }
0x5e: {  	_ =	shalt  }
0x5f: {  	_ =	shalt  }
0x60: {  	_ =	shalt  }
0x61: {  	_ =	shalt  }
0x62: {  	_ =	shalt  }
0x63: {  	_ =	shalt  }
0x64: {  	_ =	shalt  }
0x65: {  	_ =	shalt  }
0x66: {  	_ =	shalt  }
0x67: {  	_ =	shalt  }
0x68: {  	_ =	shalt  }
0x69: {  	_ =	shalt  }
0x6a: {  	_ =	shalt  }
0x6b: {  	_ =	shalt  }
0x6c: {  	_ =	shalt  }
0x6d: {  	_ =	shalt  }
0x6e: {  	_ =	shalt  }
0x6f: {  	_ =	shalt  }
0x70: {  	_ =	shalt  }
0x71: {  	_ =	shalt  }
0x72: {  	_ =	shalt  }
0x73: {  	_ =	shalt  }
0x74: {  	_ =	shalt  }
0x75: {  	_ =	shalt  }
0x76: {  	_ =	shalt  }
0x77: {  	_ =	shalt  }
0x78: {  	_ =	shalt  }
0x79: {  	_ =	shalt  }
0x7a: {  	_ =	shalt  }
0x7b: {  	_ =	shalt  }
0x7c: {  	_ =	shalt  }
0x7d: {  	_ =	shalt  }
0x7e: {  	_ =	shalt  }
0x7f: {  	_ =	shalt  }
0x80: {  	_ =	shalt  }
0x81: {  	_ =	shalt  }
0x82: {  	_ =	shalt  }
0x83: {  	_ =	shalt  }
0x84: {  	_ =	shalt  }
0x85: {  	_ =	shalt  }
0x86: {  	_ =	shalt  }
0x87: {  	_ =	shalt  }
.Lfunc_end0:
.L_simem_size_0:
called_computation.1_lowered:
.L_overlay_start_0:
0x88: {  	s2 =	sld [smem:$0x3FD9]  }
0x89: {  	s3 =	sld [smem:$0x3FFE];
	_ =	sdelay $0x1  }
0x8a: {  	s1 =	srdreg.scid  }
0x8b: {  	s0 =	sand.u32 $0x1, s1  }
0x8c: {  	s14 =	sshll.u32 s0, $0xA;
	s2 =	sadd.s32 s3, s2  }
0x8d: {  	s2 =	sadd.s32 s2, s14  }
0x8e: {  	[smem:$0x3FBB] =	sst s2  }
0x8f: {  	_ = 	snop  }
0x90: {  	s2 =	sld [smem:$0x3FD0];
	_ =	sdelay $0x2  }
0x91: {  	s15 =	simm.s32 $0xB;
	s4 =	simm.s32 $0x10  }
0x92: {  	[smem:s4], [sflag:s15] =	dma.local [hbm:s2], $0x1  }
0x93: {  	_ =	swait.eq [sflag:s15], $0x1  }
0x94: {  	[sflag:s15] =	ssyncset.done $0x0  }
0x95: {  	[sflag:s15] =	ssyncadd.s32 $0xFFFFFFFF  }
0x96: {  	s16 =	sld [smem:$0x10];
	(tm) =	ssettm $0x1  }
0x97: {  	s17 =	sld [smem:$0x3FFB];
	_ =	sdelay $0x3  }
0x98: {  	_ =	strace s17  }
0x99: {  	s3 =	sld [smem:$0x3FFC];
	_ =	sdelay $0x3  }
0x9a: {  	_ =	strace s3  }
0x9b: {  	s3 =	sld [smem:$0x3FFD];
	_ =	sdelay $0x3  }
0x9c: {  	_ =	strace s3  }
0x9d: {  	_ =	strace $0x8FFFFFFF  }
0x9e: {  	s18 =	sld [smem:$0x3FDB];
	_ =	sdelay $0x1  }
0x9f: {  	s19 =	simm.s32 $_scs_section_size  }
0xa0: {  	s5 =	simm.s32 $_size__tile_overlayer_lowered;
	s6 =	simm.s32 $_tile_overlayer_lowered  }
0xa1: {  	s22 =	simm.s32 $0x1BFF;
	s21 =	sshll.u32 s6, $0x1;
	s3 =	sadd.s32 s19, s18  }
0xa2: {  	s7 =	simm.s32 $0x0;
	s20 =	sshll.u32 s5, $0x1;
	s5 =	sadd.s32 s21, s3  }
0xa3: {  	[timem:s7], [sflag:s22] =	dma.local [hbm:s5], s20  }
0xa4: {  	_ =	swait.ge [sflag:s22], s20  }
0xa5: {  	s4 =	ssub.s32 $0x0, s20;
	[sflag:s22] =	ssyncset.done $0x0  }
0xa6: {  	[sflag:s22] =	ssyncadd.s32 s4;
	_ =	sdelay $0x1  }
0xa7: {  	s23 =	simm.s32 $0x1B8B  }
0xa8: {  	_ =	swait.ge [sflag:s23], $0x1  }
0xa9: {  	[sflag:s23] =	ssyncset.done $0x0  }
0xaa: {  	s25 =	simm.s32 $0x1B8E;
	s24 =	sld [smem:$0x3FFE];
	[sflag:s23] =	ssyncadd.s32 $0xFFFFFFFF  }
0xab: {  	s26 =	simm.s32 $execute0_lowered;
	[smem:$0x3FD2] =	sst s25  }
0xac: {  	s5 =	sshll.u32 s26, $0x1;
	_ =	strace $0x80000046;
	[dreg:$0x1] =	wrdreg $0xFFFFFFFF  }
0xad: {  	s28 =	simm.s32 $_size_execute0_lowered;
	s3 =	sadd.s32 s3, s5;
	[dreg:$0x0] =	wrdreg $0x0  }
0xae: {  	s5 =	sshll.u32 s28, $0x1;
	[dreg:$0x2] =	wrdreg s3  }
0xaf: {  	[dreg:$0x3] =	wrdreg s5  }
0xb0: {  	[dreg:$0x4] =	wrdreg $0xC0  }
0xb1: {  	_ =	task [dreg:s7], $0x5FFFF  }
0xb2: {  	[dreg:$0x1] =	wrdreg $0xFFFFFFFF  }
0xb3: {  	[dreg:$0x0] =	wrdreg $0x60  }
0xb4: {  	[dreg:$0x2] =	wrdreg s16  }
0xb5: {  	[dreg:$0x3] =	wrdreg s24  }
0xb6: {  	[dreg:$0x4] =	wrdreg $0xA6000  }
0xb7: {  	[dreg:$0x5] =	wrdreg $0x142400  }
0xb8: {  	[dreg:$0x6] =	wrdreg $0xA  }
0xb9: {  	_ =	task.clear_ibuf [dreg:s7], $0x7FFFF;
	_ =	strace $0x90000046  }
0xba: {  	s29 =	simm.s32 $0xA;
	_ =	strace $0x80000048  }
0xbb: {  	_ =	swait.ge [sflag:s29], $0x1  }
0xbc: {  	[sflag:s29] =	ssyncadd.s32 $0xFFFFFFFF  }
0xbd: {  	_ =	strace $0x90000048  }
0xbe: {  	_ =	sfence  }
0xbf: {  	s30 =	sld [smem:$0x0];
	_ =	sdelay $0x2  }
0xc0: {  	s31 =	sshll.u32 s1, $0xD;
	s1 =	sshrl.u32 s1, $0x2  }
0xc1: {  	s3 =	sand.u32 $0x4000, s31;
	s1 =	sadd.s32 s1, s30  }
0xc2: {  	s0 =	sor.u32 s3, s0;
	s1 =	sshll.u32 s1, $0x11  }
0xc3: {  	s0 =	sor.u32 s1, s0  }
0xc4: {  	s0 =	sadd.s32 $0x8F2B, s0  }
0xc5: {  	[sflag:s0] =	ssyncadd.remote.s32 $0x1  }
0xc6: {  	_ =	sfence.sel $0xFFFF  }
0xc7: {  	[dreg:$0x0] =	wrdreg $0xFFFFFFFF;
	(pc) =	sbr.abs _section_cstart, $3  }
0xc8: {  	[dreg:$0x1] =	wrdreg $0xFFFFFFFF  }
0xc9: {  	_ =	task.clear_ibuf [dreg:s7], $0x2FFFF;
	_ =	strace $0x9FFFFFFF  }
0xca: {  	(tm) =	ssettm $0x7FFFFFFF  }
0xcb: {  	_ =	shalt  }
tec
execute0_lowered:
.L_overlay_start_1:
0x0: {  	(tag) =	ssettag $0x1  }
0x1: {  	s0 =	rddreg [dreg:$0x0]  }
0x2: {  	s3 =	rddreg [dreg:$0x1]  }
0x3: {  	s1 =	rddreg [dreg:$0x2]  }
0x4: {  	s2 =	rddreg [dreg:$0x3];
	s4 =	simm.s32 $0x0  }
0x5: {  	s5 =	srdreg.scid;
	s20 =	stileid.u32;
	s28 =	simm.s32 $0x600  }
0x6: {  	s29 =	simm.s32 $0x80;
	s30 =	simm.s32 $0x180;
	s31 =	simm.s32 $0x8600  }
0x7: {  	[smem:$0x7FF] =	sst s4;
	s8 =	sand.u32 $0x1, s5;
	s5 =	sadd.s32 $0xAD800, s3  }
0x8: {  	s10 =	smul.u32 $0x9C40, s20;
	s6 =	sadd.s32 $0xA3800, s3;
	s7 =	sadd.s32 $0x3800, s3  }
0x9: {  	s3 =	sadd.s32 $0xB7800, s3;
	s14 =	smul.u32 $0x9E00, s20;
	s24 =	sshll.u32 s20, $0x6  }
0xa: {  	s9 =	smul.u32 $0x9C400, s8;
	_ =	strace $0x80000047;
	s11 =	ssub.s32 $0x2, s8  }
0xb: {  	s8 =	smul.u32 $0x9E000, s8;
	s12 =	sshrl.u32 s11, $0x1;
	s25 =	sadd.s32 $0x2000, s14  }
0xc: {  	s16 =	sadd.s32 $0x4000, s14;
	s17 =	sadd.s32 $0x6000, s14;
	s18 =	sadd.s32 $0x8000, s14  }
0xd: {  	s9 =	sadd.s32 s10, s9;
	s11 =	ssub.s32 s11, s12;
	s10 =	sadd.s32 s10, s1  }
0xe: {  	s12 =	sadd.s32 s14, s2;
	s21 =	sadd.s32 s25, s2;
	s13 =	sadd.s32 s16, s2  }
0xf: {  	s26 =	sadd.s32 s17, s2;
	s15 =	sadd.s32 s14, s8;
	[dreg:$0x6] =	wrdreg s13  }
0x10: {  	s14 =	sadd.s32 s18, s2;
	s22 =	sadd.s32 s8, s17;
	[dreg:$0x7] =	wrdreg s26  }
0x11: {  	s17 =	simm.s32 $0x6600;
	s9 =	sshrl.u32 s9, $0x3;
	[dreg:$0x8] =	wrdreg s14  }
0x12: {  	s19 =	sshrl.u32 s15, $0x3;
	s15 =	smul.u32 $0x28, s20;
	s20 =	sadd.s32 s8, s16  }
0x13: {  	s16 =	sshrl.u32 s22, $0x3;
	s26 =	sshrl.u32 s10, $0x3;
	s0 =	sadd.s32 s0, s9  }
0x14: {  	s9 =	sor.u32 $0x1C09, s24;
	s19 =	sadd.s32 s3, s19;
	[dreg:$0xf] =	wrdreg s26  }
0x15: {  	s23 =	sadd.s32 s3, s16;
	s26 =	simm.s32 $0xA000;
	[dreg:$0x5] =	wrdreg s0  }
0x16: {  	s16 =	simm.s32 $0x3;
	s0 =	sadd.s32 s8, s25;
	[dreg:$0x9] =	wrdreg s19  }
0x17: {  	s8 =	sadd.s32 s8, s18;
	[dreg:$0xc] =	wrdreg s23;
	s25 =	smax.u32 s11, $0x1  }
0x18: {  	s23 =	simm.s32 $0x9;
	s18 =	simm.s32 $0x4;
	s19 =	simm.s32 $0x0  }
0x19: {  	s0 =	sshrl.u32 s0, $0x3;
	s8 =	sshrl.u32 s8, $0x3;
	[dreg:$0xe] =	wrdreg s25  }
0x1a: {  	s25 =	simm.s32 $0x40;
	s0 =	sadd.s32 s3, s0;
	s24 =	sadd.s32 s3, s8  }
0x1b: {  	s8 =	simm.s32 $0x4600;
	[dreg:$0xa] =	wrdreg s0;
	s0 =	sshrl.u32 s20, $0x3  }
0x1c: {  	[dreg:$0xd] =	wrdreg s24;
	s24 =	simm.s32 $0x2600;
	s0 =	sadd.s32 s3, s0  }
0x1d: {  	v0 =	vimm.f32 $0.0e+00;
	s3 =	simm.s32 $0x2;
	[dreg:$0xb] =	wrdreg s0;
	s0 =	simm.s32 $0x1  }
.LBB2_1:
0x1e: {  	s10 =	rddreg [dreg:$0x5]  }
0x1f: {  	s11 =	rddreg [dreg:$0xf]  }
0x20: {  	[spmem:s11], [sflag:s9] =	dma.local [hbm:s10], $0x1388  }
0x21: {  	_ =	swait.ge [sflag:s23], $0x1388  }
0x22: {  	[sflag:s23] =	ssyncset.done $0x0  }
0x23: {  	s11 =	simm.s32 $0x100;
	s10 =	simm.s32 $0x0;
	[sflag:s23] =	ssyncadd.s32 $0xFFFFEC78  }
.LBB2_2:
0x24: {  	p0 =	sne.s32 s11, $0x7F00;
	[tilespmem:s10+$0x2630] =	vst v0;
	s20 =	smov.u32 s11;
	s11 =	sadd.s32 $0x100, s11  }
.Ltmp0:
0x25: {  	[tilespmem:s10+$0x2620] =	vst v0;
	(pc) =	sbr.rel @p0 .LBB2_2-.Ltmp0, $3  }
0x26: {  	[tilespmem:s10+$0x2600] =	vst v0  }
0x27: {  	[tilespmem:s10+$0x2610] =	vst v0;
	_ =	sdelay $0x1  }
0x28: {  	s10 =	sshra.s32 s20, $0x2  }
0x29: {  	[tilespmem:s10+$0x2630] =	vst v0  }
0x2a: {  	[tilespmem:s10+$0x2620] =	vst v0  }
0x2b: {  	[tilespmem:s10+$0x2600] =	vst v0  }
0x2c: {  	[tilespmem:s10+$0x2610] =	vst v0  }
0x2d: {  	[spmem:s12] =	stream.linear.scatter [tilespmem:s24], [sflag:$0x9], $0x2000, $0x38;
	[tilespmem:$0x1E040] =	vst v63  }
0x2e: {  	_ =	swait.ge [sflag:s23], $0x2000  }
0x2f: {  	[sflag:s23] =	ssyncset.done $0x0  }
0x30: {  	[sflag:s23] =	ssyncadd.s32 $0xFFFFE000  }
0x31: {  	[spmem:s21] =	stream.linear.scatter [tilespmem:s24], [sflag:$0x9], $0x2000, $0x38;
	[tilespmem:$0x1E040] =	vst v63  }
0x32: {  	_ =	swait.ge [sflag:s23], $0x2000  }
0x33: {  	[sflag:s23] =	ssyncset.done $0x0  }
0x34: {  	s20 =	rddreg [dreg:$0x6];
	[sflag:s23] =	ssyncadd.s32 $0xFFFFE000  }
0x35: {  	[spmem:s20] =	stream.linear.scatter [tilespmem:s24], [sflag:$0x9], $0x2000, $0x38;
	[tilespmem:$0x1E040] =	vst v63  }
0x36: {  	_ =	swait.ge [sflag:s23], $0x2000  }
0x37: {  	[sflag:s23] =	ssyncset.done $0x0  }
0x38: {  	s14 =	smov.u32 s21;
	s21 =	rddreg [dreg:$0x7];
	[sflag:s23] =	ssyncadd.s32 $0xFFFFE000  }
0x39: {  	[spmem:s21] =	stream.linear.scatter [tilespmem:s24], [sflag:$0x9], $0x2000, $0x38;
	[tilespmem:$0x1E040] =	vst v63  }
0x3a: {  	_ =	swait.ge [sflag:s23], $0x2000  }
0x3b: {  	[sflag:s23] =	ssyncset.done $0x0  }
0x3c: {  	s22 =	rddreg [dreg:$0x8];
	[sflag:s23] =	ssyncadd.s32 $0xFFFFE000  }
0x3d: {  	[spmem:s22] =	stream.linear.scatter [tilespmem:s24], [sflag:$0x9], $0x1E00, $0x38;
	[tilespmem:$0x1E040] =	vst v63  }
0x3e: {  	_ =	swait.ge [sflag:s23], $0x1E00  }
0x3f: {  	[sflag:s23] =	ssyncset.done $0x0  }
0x40: {  	[sflag:s23] =	ssyncadd.s32 $0xFFFFE200  }
0x41: {  	s13 =	smov.u32 s12;
	s20 =	simm.s32 $0x0;
	[bflag:$0x0] =	sbarrier.arrive $0xFFFF  }
.LBB2_4:
0x42: {  	s10 =	sadd.s32 s15, s20  }
0x43: {  	s11 =	sshll.u32 s10, $0x6  }
0x44: {  	s21 =	sadd.s32 s5, s11  }
0x45: {  	[tilespmem:s4], [sflag:$0x9] =	stream.linear.gather [hbm4b:s21+s4], $0x200, $0x38;
	[tilespmem:$0x1E040] =	vst v63  }
0x46: {  	s22 =	sshll.u32 s20, $0x9;
	_ =	swait.ge [sflag:s23], $0x200  }
0x47: {  	s21 =	sand.u32 $0x200, s22;
	[sflag:s23] =	ssyncset.done $0x0  }
0x48: {  	s11 =	sadd.s32 s6, s11;
	s22 =	sadd.s32 $0x200, s21;
	[sflag:s23] =	ssyncadd.s32 $0xFFFFFE00  }
0x49: {  	[tilespmem:s22], [sflag:$0x9] =	stream.linear.gather [hbm4b:s11+s4], $0x200, $0x38;
	[tilespmem:$0x1E040] =	vst v63  }
0x4a: {  	_ =	swait.ge [sflag:s23], $0x200  }
0x4b: {  	s10 =	sshll.u32 s10, $0x3;
	[sflag:s23] =	ssyncset.done $0x0  }
0x4c: {  	s10 =	sadd.s32 s7, s10;
	[sflag:s23] =	ssyncadd.s32 $0xFFFFFE00  }
0x4d: {  	[tilespmem:s28], [sflag:$0x9] =	stream.strided.gather [hbm4b:s10+s25], $0x2000, s26, s25, $0x38;
	[tilespmem:$0x1E040] =	vst v63  }
0x4e: {  	p0 =	seq.s32 s20, $0x0;
	_ =	swait.ge [sflag:s23], $0x2000  }
0x4f: {  	s12 =	simm.s32 @p0 $0x2600;
	[sflag:s23] =	ssyncset.done $0x0  }
0x50: {  	s11 =	simm.s32 @p0 $0x0;
	s10 =	simm.s32 @p0 $0x80;
	[sflag:s23] =	ssyncadd.s32 $0xFFFFE000  }
0x51: {  	[tilespmem:s12], [sflag:$0x1] =	stream.indirect.gather @p0 [spmem:s1], $0x40, s11, s10, $0xb8;
	[tilespmem:$0x1E040] =	vst v63  }
0x52: {  	s11 =	simm.s32 @p0 $0x4600  }
0x53: {  	[tilespmem:s11], [sflag:$0x2] =	stream.indirect.gather @p0 [spmem:s1], $0x40, s10, s10, $0xb8;
	[tilespmem:$0x1E040] =	vst v63  }
0x54: {  	s12 =	simm.s32 @p0 $0x6600;
	s11 =	simm.s32 @p0 $0x100  }
0x55: {  	[tilespmem:s12], [sflag:$0x3] =	stream.indirect.gather @p0 [spmem:s1], $0x40, s11, s10, $0xb8;
	[tilespmem:$0x1E040] =	vst v63  }
0x56: {  	s10 =	simm.s32 @!p0 $0x5  }
0x57: {  	_ =	swait.ge @!p0 [sflag:s10], $0x2000  }
0x58: {  	s11 =	simm.s32 @!p0 $0x0;
	[sflag:s10] =	ssyncset.done @!p0 $0x0  }
0x59: {  	s12 =	simm.s32 @!p0 $0x2600;
	[sflag:s10] =	ssyncadd.s32 @!p0 $0xFFFFE000;
	s10 =	simm.s32 @!p0 $0x80  }
0x5a: {  	[tilespmem:s12], [sflag:$0x1] =	stream.indirect.gather @!p0 [spmem:s1], $0x40, s11, s10, $0xb8;
	[tilespmem:$0x1E040] =	vst v63  }
0x5b: {  	s11 =	simm.s32 @!p0 $0x6  }
0x5c: {  	_ =	swait.ge @!p0 [sflag:s11], $0x2000  }
0x5d: {  	[sflag:s11] =	ssyncset.done @!p0 $0x0  }
0x5e: {  	[sflag:s11] =	ssyncadd.s32 @!p0 $0xFFFFE000;
	s11 =	simm.s32 @!p0 $0x4600  }
0x5f: {  	[tilespmem:s11], [sflag:$0x2] =	stream.indirect.gather @!p0 [spmem:s1], $0x40, s10, s10, $0xb8;
	[tilespmem:$0x1E040] =	vst v63  }
0x60: {  	s11 =	simm.s32 @!p0 $0x7  }
0x61: {  	_ =	swait.ge @!p0 [sflag:s11], $0x2000  }
0x62: {  	[sflag:s11] =	ssyncset.done @!p0 $0x0  }
0x63: {  	s12 =	simm.s32 @!p0 $0x6600;
	[sflag:s11] =	ssyncadd.s32 @!p0 $0xFFFFE000;
	s11 =	simm.s32 @!p0 $0x100  }
0x64: {  	[tilespmem:s12], [sflag:$0x3] =	stream.indirect.gather @!p0 [spmem:s1], $0x40, s11, s10, $0xb8;
	[tilespmem:$0x1E040] =	vst v63  }
0x65: {  	s10 =	simm.s32 @!p0 $0x8  }
0x66: {  	_ =	swait.ge @!p0 [sflag:s10], $0x2000  }
0x67: {  	[sflag:s10] =	ssyncset.done @!p0 $0x0  }
0x68: {  	[sflag:s10] =	ssyncadd.s32 @!p0 $0xFFFFE000  }
0x69: {  	[tilespmem:s31], [sflag:$0x4] =	stream.indirect.gather [spmem:s1], $0x40, s30, s29, $0xb8;
	[tilespmem:$0x1E040] =	vst v63  }
0x6a: {  	_ =	swait.ge [sflag:s0], $0x2000  }
0x6b: {  	[sflag:s0] =	ssyncset.done $0x0  }
0x6c: {  	s10 =	simm.s32 $0x0;
	[sflag:s0] =	ssyncadd.s32 $0xFFFFE000  }
0x6d: {  	v1 =	vld [tilespmem:s10+$0x600]  }
0x6e: {  	v3 =	vld [tilespmem:s10+$0x2600]  }
0x6f: {  	v4 =	vld [tilespmem:s10+$0x2610]  }
0x70: {  	s11 =	simm.s32 $0x100;
	v2 =	vld [tilespmem:s10+$0x2620]  }
.LBB2_5:
0x71: {  	p0 =	sne.s32 s11, $0x7F00;
	v5 =	vld [tilespmem:s10+$0x2630]  }
0x72: {  	v6 =	vmov v1  }
0x73: {  	v3 =	vmul.f32 v3, v6  }
.Ltmp1:
0x74: {  	s12 =	sshra.s32 s11, $0x2;
	v4 =	vmul.f32 v4, v6;
	(pc) =	sbr.rel @p0 .LBB2_5-.Ltmp1, $4  }
0x75: {  	v1 =	vld [tilespmem:s12+$0x600];
	[tilespmem:s10+$0x2600] =	vst v3;
	v2 =	vmul.f32 v2, v6  }
0x76: {  	v3 =	vld [tilespmem:s12+$0x2600];
	[tilespmem:s10+$0x2610] =	vst v4;
	v5 =	vmul.f32 v5, v6  }
0x77: {  	v4 =	vld [tilespmem:s12+$0x2610];
	[tilespmem:s10+$0x2620] =	vst v2  }
0x78: {  	s11 =	sadd.s32 $0x100, s11;
	v2 =	vld [tilespmem:s12+$0x2620];
	[tilespmem:s10+$0x2630] =	vst v5;
	s10 =	smov.u32 s12  }
0x79: {  	v5 =	vld [tilespmem:s10+$0x2630];
	_ =	sdelay $0x1  }
0x7a: {  	v3 =	vmul.f32 v3, v1  }
0x7b: {  	v4 =	vmul.f32 v4, v1  }
0x7c: {  	[tilespmem:s10+$0x2600] =	vst v3;
	v2 =	vmul.f32 v2, v1  }
0x7d: {  	[tilespmem:s10+$0x2610] =	vst v4;
	v1 =	vmul.f32 v5, v1  }
0x7e: {  	[tilespmem:s10+$0x2620] =	vst v2  }
0x7f: {  	[tilespmem:s10+$0x2630] =	vst v1  }
0x80: {  	[spmem:s2] =	stream.indirect.scatter.add.f32 [tilespmem:s24], [sflag:$0x5], $0x40, s22, s29, $0xb8;
	[tilespmem:$0x1E040] =	vst v63  }
0x81: {  	_ =	swait.ge [sflag:s3], $0x2000  }
0x82: {  	[sflag:s3] =	ssyncset.done $0x0  }
0x83: {  	s10 =	simm.s32 $0x0;
	[sflag:s3] =	ssyncadd.s32 $0xFFFFE000  }
0x84: {  	v1 =	vld [tilespmem:s10+$0x610]  }
0x85: {  	v3 =	vld [tilespmem:s10+$0x4600]  }
0x86: {  	v4 =	vld [tilespmem:s10+$0x4610]  }
0x87: {  	s11 =	simm.s32 $0x100;
	v2 =	vld [tilespmem:s10+$0x4620]  }
.LBB2_7:
0x88: {  	p0 =	sne.s32 s11, $0x7F00;
	v5 =	vld [tilespmem:s10+$0x4630]  }
0x89: {  	v6 =	vmov v1  }
0x8a: {  	v3 =	vmul.f32 v3, v6  }
.Ltmp2:
0x8b: {  	s12 =	sshra.s32 s11, $0x2;
	v4 =	vmul.f32 v4, v6;
	(pc) =	sbr.rel @p0 .LBB2_7-.Ltmp2, $4  }
0x8c: {  	v1 =	vld [tilespmem:s12+$0x610];
	[tilespmem:s10+$0x4600] =	vst v3;
	v2 =	vmul.f32 v2, v6  }
0x8d: {  	v3 =	vld [tilespmem:s12+$0x4600];
	[tilespmem:s10+$0x4610] =	vst v4;
	v5 =	vmul.f32 v5, v6  }
0x8e: {  	v4 =	vld [tilespmem:s12+$0x4610];
	[tilespmem:s10+$0x4620] =	vst v2  }
0x8f: {  	s11 =	sadd.s32 $0x100, s11;
	v2 =	vld [tilespmem:s12+$0x4620];
	[tilespmem:s10+$0x4630] =	vst v5;
	s10 =	smov.u32 s12  }
0x90: {  	v5 =	vld [tilespmem:s10+$0x4630];
	_ =	sdelay $0x1  }
0x91: {  	v3 =	vmul.f32 v3, v1  }
0x92: {  	v4 =	vmul.f32 v4, v1  }
0x93: {  	[tilespmem:s10+$0x4600] =	vst v3;
	v2 =	vmul.f32 v2, v1  }
0x94: {  	[tilespmem:s10+$0x4610] =	vst v4;
	v1 =	vmul.f32 v5, v1  }
0x95: {  	[tilespmem:s10+$0x4620] =	vst v2  }
0x96: {  	s22 =	sadd.s32 $0x280, s21;
	[tilespmem:s10+$0x4630] =	vst v1  }
0x97: {  	[spmem:s2] =	stream.indirect.scatter.add.f32 [tilespmem:s8], [sflag:$0x6], $0x40, s22, s29, $0xb8;
	[tilespmem:$0x1E040] =	vst v63  }
0x98: {  	_ =	swait.ge [sflag:s16], $0x2000  }
0x99: {  	[sflag:s16] =	ssyncset.done $0x0  }
0x9a: {  	s10 =	simm.s32 $0x0;
	[sflag:s16] =	ssyncadd.s32 $0xFFFFE000  }
0x9b: {  	v1 =	vld [tilespmem:s10+$0x620]  }
0x9c: {  	v3 =	vld [tilespmem:s10+$0x6600]  }
0x9d: {  	v4 =	vld [tilespmem:s10+$0x6610]  }
0x9e: {  	s11 =	simm.s32 $0x100;
	v2 =	vld [tilespmem:s10+$0x6620]  }
.LBB2_9:
0x9f: {  	p0 =	sne.s32 s11, $0x7F00;
	v5 =	vld [tilespmem:s10+$0x6630]  }
0xa0: {  	v6 =	vmov v1  }
0xa1: {  	v3 =	vmul.f32 v3, v6  }
.Ltmp3:
0xa2: {  	s12 =	sshra.s32 s11, $0x2;
	v4 =	vmul.f32 v4, v6;
	(pc) =	sbr.rel @p0 .LBB2_9-.Ltmp3, $4  }
0xa3: {  	v1 =	vld [tilespmem:s12+$0x620];
	[tilespmem:s10+$0x6600] =	vst v3;
	v2 =	vmul.f32 v2, v6  }
0xa4: {  	v3 =	vld [tilespmem:s12+$0x6600];
	[tilespmem:s10+$0x6610] =	vst v4;
	v5 =	vmul.f32 v5, v6  }
0xa5: {  	v4 =	vld [tilespmem:s12+$0x6610];
	[tilespmem:s10+$0x6620] =	vst v2  }
0xa6: {  	s11 =	sadd.s32 $0x100, s11;
	v2 =	vld [tilespmem:s12+$0x6620];
	[tilespmem:s10+$0x6630] =	vst v5;
	s10 =	smov.u32 s12  }
0xa7: {  	v5 =	vld [tilespmem:s10+$0x6630];
	_ =	sdelay $0x1  }
0xa8: {  	v3 =	vmul.f32 v3, v1  }
0xa9: {  	v4 =	vmul.f32 v4, v1  }
0xaa: {  	[tilespmem:s10+$0x6600] =	vst v3;
	v2 =	vmul.f32 v2, v1  }
0xab: {  	[tilespmem:s10+$0x6610] =	vst v4;
	v1 =	vmul.f32 v5, v1  }
0xac: {  	[tilespmem:s10+$0x6620] =	vst v2  }
0xad: {  	s22 =	sadd.s32 $0x300, s21;
	[tilespmem:s10+$0x6630] =	vst v1  }
0xae: {  	[spmem:s2] =	stream.indirect.scatter.add.f32 [tilespmem:s17], [sflag:$0x7], $0x40, s22, s29, $0xb8;
	[tilespmem:$0x1E040] =	vst v63  }
0xaf: {  	_ =	swait.ge [sflag:s18], $0x2000  }
0xb0: {  	[sflag:s18] =	ssyncset.done $0x0  }
0xb1: {  	s10 =	simm.s32 $0x0;
	[sflag:s18] =	ssyncadd.s32 $0xFFFFE000  }
0xb2: {  	v1 =	vld [tilespmem:s10+$0x630]  }
0xb3: {  	v3 =	vld [tilespmem:s10+$0x8600]  }
0xb4: {  	v4 =	vld [tilespmem:s10+$0x8610]  }
0xb5: {  	s11 =	simm.s32 $0x100;
	v2 =	vld [tilespmem:s10+$0x8620]  }
.LBB2_11:
0xb6: {  	p0 =	sne.s32 s11, $0x7F00;
	v5 =	vld [tilespmem:s10+$0x8630]  }
0xb7: {  	v6 =	vmov v1  }
0xb8: {  	v3 =	vmul.f32 v3, v6  }
.Ltmp4:
0xb9: {  	s12 =	sshra.s32 s11, $0x2;
	v4 =	vmul.f32 v4, v6;
	(pc) =	sbr.rel @p0 .LBB2_11-.Ltmp4, $4  }
0xba: {  	v1 =	vld [tilespmem:s12+$0x630];
	[tilespmem:s10+$0x8600] =	vst v3;
	v2 =	vmul.f32 v2, v6  }
0xbb: {  	v3 =	vld [tilespmem:s12+$0x8600];
	[tilespmem:s10+$0x8610] =	vst v4;
	v5 =	vmul.f32 v5, v6  }
0xbc: {  	v4 =	vld [tilespmem:s12+$0x8610];
	[tilespmem:s10+$0x8620] =	vst v2  }
0xbd: {  	s11 =	sadd.s32 $0x100, s11;
	v2 =	vld [tilespmem:s12+$0x8620];
	[tilespmem:s10+$0x8630] =	vst v5;
	s10 =	smov.u32 s12  }
0xbe: {  	v5 =	vld [tilespmem:s10+$0x8630];
	_ =	sdelay $0x1  }
0xbf: {  	s20 =	sadd.s32 $0x1, s20;
	v3 =	vmul.f32 v3, v1  }
0xc0: {  	p0 =	sne.s32 s20, $0x28;
	v4 =	vmul.f32 v4, v1  }
.Ltmp5:
0xc1: {  	[tilespmem:s10+$0x8600] =	vst v3;
	v2 =	vmul.f32 v2, v1;
	(pc) =	sbr.rel @p0 .LBB2_4-.Ltmp5, $4  }
0xc2: {  	[tilespmem:s10+$0x8610] =	vst v4;
	v1 =	vmul.f32 v5, v1  }
0xc3: {  	[tilespmem:s10+$0x8620] =	vst v2  }
0xc4: {  	s22 =	sadd.s32 $0x380, s21;
	[tilespmem:s10+$0x8630] =	vst v1  }
0xc5: {  	[spmem:s2] =	stream.indirect.scatter.add.f32 [tilespmem:s31], [sflag:$0x8], $0x40, s22, s29, $0xb8;
	[tilespmem:$0x1E040] =	vst v63  }
0xc6: {  	s10 =	simm.s32 $0x5  }
0xc7: {  	_ =	swait.ge [sflag:s10], $0x2000  }
0xc8: {  	[sflag:s10] =	ssyncset.done $0x0  }
0xc9: {  	s12 =	simm.s32 $0x6;
	[sflag:s10] =	ssyncadd.s32 $0xFFFFE000  }
0xca: {  	_ =	swait.ge [sflag:s12], $0x2000  }
0xcb: {  	[sflag:s12] =	ssyncset.done $0x0  }
0xcc: {  	s20 =	simm.s32 $0x7;
	[sflag:s12] =	ssyncadd.s32 $0xFFFFE000  }
0xcd: {  	_ =	swait.ge [sflag:s20], $0x2000  }
0xce: {  	[sflag:s20] =	ssyncset.done $0x0  }
0xcf: {  	s21 =	simm.s32 $0x8;
	[sflag:s20] =	ssyncadd.s32 $0xFFFFE000  }
0xd0: {  	_ =	swait.ge [sflag:s21], $0x2000  }
0xd1: {  	[sflag:s21] =	ssyncset.done $0x0  }
0xd2: {  	[sflag:s21] =	ssyncadd.s32 $0xFFFFE000  }
0xd3: {  	[bflag:$0x0] =	sbarrier.arrive $0xFFFF  }
0xd4: {  	s22 =	sshrl.u32 s13, $0x3;
	s11 =	rddreg [dreg:$0x9]  }
0xd5: {  	[hbm:s11], [sflag:s9] =	dma.local [spmem:s22], $0x400  }
0xd6: {  	_ =	swait.ge [sflag:s23], $0x400  }
0xd7: {  	s12 =	smov.u32 s13;
	s13 =	sshrl.u32 s14, $0x3;
	[sflag:s23] =	ssyncset.done $0x0  }
0xd8: {  	s21 =	smov.u32 s14;
	s14 =	rddreg [dreg:$0xa];
	[sflag:s23] =	ssyncadd.s32 $0xFFFFFC00  }
0xd9: {  	[hbm:s14], [sflag:s9] =	dma.local [spmem:s13], $0x400  }
0xda: {  	_ =	swait.ge [sflag:s23], $0x400  }
0xdb: {  	[sflag:s23] =	ssyncset.done $0x0;
	s20 =	rddreg [dreg:$0x6]  }
0xdc: {  	s22 =	rddreg [dreg:$0xb];
	[sflag:s23] =	ssyncadd.s32 $0xFFFFFC00;
	s10 =	sshrl.u32 s20, $0x3  }
0xdd: {  	[hbm:s22], [sflag:s9] =	dma.local [spmem:s10], $0x400  }
0xde: {  	_ =	swait.ge [sflag:s23], $0x400  }
0xdf: {  	[sflag:s23] =	ssyncset.done $0x0;
	s11 =	rddreg [dreg:$0x7]  }
0xe0: {  	s13 =	rddreg [dreg:$0xc];
	[sflag:s23] =	ssyncadd.s32 $0xFFFFFC00;
	s10 =	sshrl.u32 s11, $0x3  }
0xe1: {  	[hbm:s13], [sflag:s9] =	dma.local [spmem:s10], $0x400  }
0xe2: {  	_ =	swait.ge [sflag:s23], $0x400  }
0xe3: {  	[sflag:s23] =	ssyncset.done $0x0;
	s14 =	rddreg [dreg:$0x8]  }
0xe4: {  	s20 =	rddreg [dreg:$0xd];
	[sflag:s23] =	ssyncadd.s32 $0xFFFFFC00;
	s10 =	sshrl.u32 s14, $0x3  }
0xe5: {  	[hbm:s20], [sflag:s9] =	dma.local [spmem:s10], $0x3C0  }
0xe6: {  	_ =	swait.ge [sflag:s23], $0x3C0  }
0xe7: {  	s19 =	sadd.s32 $0x1, s19;
	s22 =	rddreg [dreg:$0xe]  }
0xe8: {  	p0 =	sne.s32 s19, s22  }
.Ltmp6:
0xe9: {  	_ = 	snop;
	(pc) =	sbr.rel @p0 .LBB2_1-.Ltmp6, $3  }
0xea: {  	_ =	sdelay $0x1  }
0xeb: {  	[sflag:s23] =	ssyncset.done $0x0  }
0xec: {  	[sflag:s23] =	ssyncadd.s32 $0xFFFFFC40  }
0xed: {  	_ =	sfence.sel $0x180000  }
0xee: {  	[bflag:$0x0] =	sbarrier.arrive $0xFFFF  }
0xef: {  	_ =	strace $0x90000047  }
0xf0: {  	s0 =	stileid.u32;
	[bflag:$0x2] =	sbarrier.arrive $0xFFFF  }
0xf1: {  	p0 =	sne.s32 s0, $0x0;
	s0 =	rddreg [dreg:$0x4]  }
0xf2: {  	s0 =	sadd.s32 @!p0 $0x100000, s0  }
0xf3: {  	[sflag:s0] =	ssyncadd.tile.s32 @!p0 $0x1;
	_ =	shalt  }
.Lfunc_end2:
_tile_overlayer_lowered:
.L_overlay_start_2:
0xf4: {  	(tag) =	ssettag $0x2  }
0xf5: {  	s0 =	rddreg [dreg:$0x0];
	s2 =	stileid.u32  }
0xf6: {  	s1 =	rddreg [dreg:$0x1];
	p0 =	sne.s32 s2, $0x0  }
0xf7: {  	s3 =	rddreg [dreg:$0x2];
	[bflag:$0x3] =	sbarrier.arrive $0xFFFF;
	s2 =	simm.s32 @!p0 $0x1C09  }
0xf8: {  	[timem:s3], [sflag:s2] =	dma.local @!p0 [hbm:s0], s1  }
0xf9: {  	s0 =	simm.s32 @!p0 $0x9  }
0xfa: {  	_ =	swait.ge @!p0 [sflag:s0], s1  }
0xfb: {  	s1 =	ssub.s32 @!p0 $0x0, s1;
	[sflag:s0] =	ssyncset.done @!p0 $0x0  }
0xfc: {  	[sflag:s0] =	ssyncadd.s32 @!p0 s1  }
0xfd: {  	[bflag:$0x3] =	sbarrier.arrive $0xFFFF  }
0xfe: {  	_ =	shalt  }

// kernel: kernel.15.cloned.1.call-start
scs
__scs_entry_jumppad:
0x0: {  	(pc) =	sbr.rel $0x88, $3  }
0x1: {  	(tag) =	ssettag $0x0;
	lr =	simm.s32 $0x1  }
0x2: {  	[smem:$0x3F94] =	sst lr;
	_ =	strace $0xD0000000  }
0x3: {  	_ = 	snop  }
0x4: {  	_ = 	snop  }
0x5: {  	_ = 	snop  }
0x6: {  	_ = 	snop  }
0x7: {  	_ = 	snop  }
__scs_overlays_trampoline_lowered:
0x8: {  	[smem:$0x3FA3] =	sst s0  }
0x9: {  	[smem:$0x3FA4] =	sst s1  }
0xa: {  	[smem:$0x3FA5] =	sst s2  }
0xb: {  	[smem:$0x3FA6] =	sst s3  }
0xc: {  	[smem:$0x3FA7] =	sst s4  }
0xd: {  	[smem:$0x3FA8] =	sst s5  }
0xe: {  	[smem:$0x3FA9] =	sst s6  }
0xf: {  	[smem:$0x3FAA] =	sst s7  }
0x10: {  	[smem:$0x3FAB] =	sst s8  }
0x11: {  	[smem:$0x3FAC] =	sst s9;
	s0 =	simm.s32 @!p0 $0x0  }
0x12: {  	s1 =	sld [smem:$0x3F92];
	s0 =	simm.s32 @p0 $0x1  }
0x13: {  	[smem:$0x3FAD] =	sst s0;
	s0 =	simm.s32 @!p1 $0x0  }
0x14: {  	s2 =	sld [smem:$0x3F91];
	s0 =	simm.s32 @p1 $0x1  }
0x15: {  	[smem:$0x3FAE] =	sst s0;
	s0 =	simm.s32 @!p2 $0x0  }
0x16: {  	s3 =	sld [smem:$0x3FDB];
	s0 =	simm.s32 @p2 $0x1  }
0x17: {  	s4 =	simm.s32 $0x1BF5;
	[smem:$0x3FB0] =	sst s0  }
0x18: {  	s0 =	sld [smem:$0x3F93];
	_ =	swait.ge [sflag:s4], $0x0  }
0x19: {  	s7 =	sld [smem:$0x3F94]  }
0x1a: {  	s8 =	sadd.s32 $0xFFFFE003, lr  }
0x1b: {  	s9 =	sadd.s32 $0xFFFFFEF7, lr;
	s5 =	simm.s32 $0xFFFFFFFF;
	p2 =	slt.u32 s8, $0xFFFFF086  }
0x1c: {  	p1 =	slt.u32 s9, $0xF7A;
	s5 =	simm.s32 @!p2 $0x0  }
0x1d: {  	s5 =	simm.s32 @p1 $0x1;
	p0 =	seq.s32 s7, s2  }
0x1e: {  	s7 =	smul.u32 @!p0 $0xF7A, s2;
	p2 =	seq.s32 @!p0 s5, $0x0  }
0x1f: {  	s9 =	smul.u32 $0xF7A, s1;
	s8 =	simm.s32 @!p0 $0x1BF5;
	p2 =	por !p2, p0  }
0x20: {  	[sflag:s8] =	ssyncset.s32 @!p0 $0xFFFFF086;
	s6 =	sadd.s32 @!p0 s3, s7;
	s7 =	simm.s32 @!p0 $0x108  }
0x21: {  	s3 =	sadd.s32 s3, s9;
	s6 =	sadd.s32 @!p0 $0x88, s6;
	s7 =	simm.s32 @p2 $0x1082  }
0x22: {  	[simem:s7], [sflag:s8] =	dma.local @!p0 [hbm:s6], $0xF7A  }
0x23: {  	s9 =	sor.u32 $0xD0000000, s2;
	s6 =	simm.s32 $0x108;
	_ =	swait.ge @!p0 [sflag:s8], $0x0  }
0x24: {  	s3 =	sadd.s32 $0x88, s3;
	s6 =	simm.s32 @!p1 $0x1082;
	[sflag:s4] =	ssyncset.s32 $0xFFFFF086  }
0x25: {  	[simem:s6], [sflag:s4] =	dma.local [hbm:s3], $0xF7A  }
0x26: {  	[smem:$0x3F94] =	sst s1;
	(tag) =	ssettag s2;
	_ =	strace s9  }
0x27: {  	s1 =	sld [smem:$0x3FA4]  }
0x28: {  	s2 =	sld [smem:$0x3FA5]  }
0x29: {  	s4 =	sld [smem:$0x3FA7]  }
0x2a: {  	p0 =	seq.s32 s5, $0x0;
	s5 =	sld [smem:$0x3FA8]  }
0x2b: {  	s6 =	sld [smem:$0x3FA9]  }
0x2c: {  	s7 =	sld [smem:$0x3FAA]  }
0x2d: {  	s3 =	simm.s32 $0x108;
	s8 =	sld [smem:$0x3FAB]  }
0x2e: {  	s3 =	simm.s32 @!p0 $0x1082;
	s9 =	sld [smem:$0x3FAC]  }
0x2f: {  	lr =	sadd.s32 s0, s3;
	s0 =	sld [smem:$0x3FA3]  }
0x30: {  	s3 =	sld [smem:$0x3FA6]  }
0x31: {  	[smem:$0x3FAF] =	sst s10  }
0x32: {  	s10 =	sld [smem:$0x3FAD];
	_ =	sdelay $0x3  }
0x33: {  	p0 =	seq.s32 s10, $0x1;
	s10 =	sld [smem:$0x3FAF];
	_ =	sdelay $0x3  }
0x34: {  	[smem:$0x3FAF] =	sst s10  }
0x35: {  	s10 =	sld [smem:$0x3FAE];
	_ =	sdelay $0x3  }
0x36: {  	p1 =	seq.s32 s10, $0x1;
	s10 =	sld [smem:$0x3FAF];
	_ =	sdelay $0x3  }
0x37: {  	[smem:$0x3FAF] =	sst s10  }
0x38: {  	s10 =	sld [smem:$0x3FB0]  }
0x39: {  	_ = 	snop;
	(pc) =	sbr.ind lr, $3  }
0x3a: {  	_ = 	snop  }
0x3b: {  	_ = 	snop  }
0x3c: {  	p2 =	seq.s32 s10, $0x1;
	s10 =	sld [smem:$0x3FAF]  }
0x3d: {  	_ =	shalt  }
0x3e: {  	_ =	shalt  }
0x3f: {  	_ =	shalt  }
0x40: {  	_ =	shalt  }
0x41: {  	_ =	shalt  }
0x42: {  	_ =	shalt  }
0x43: {  	_ =	shalt  }
0x44: {  	_ =	shalt  }
0x45: {  	_ =	shalt  }
0x46: {  	_ =	shalt  }
0x47: {  	_ =	shalt  }
0x48: {  	_ =	shalt  }
0x49: {  	_ =	shalt  }
0x4a: {  	_ =	shalt  }
0x4b: {  	_ =	shalt  }
0x4c: {  	_ =	shalt  }
0x4d: {  	_ =	shalt  }
0x4e: {  	_ =	shalt  }
0x4f: {  	_ =	shalt  }
0x50: {  	_ =	shalt  }
0x51: {  	_ =	shalt  }
0x52: {  	_ =	shalt  }
0x53: {  	_ =	shalt  }
0x54: {  	_ =	shalt  }
0x55: {  	_ =	shalt  }
0x56: {  	_ =	shalt  }
0x57: {  	_ =	shalt  }
0x58: {  	_ =	shalt  }
0x59: {  	_ =	shalt  }
0x5a: {  	_ =	shalt  }
0x5b: {  	_ =	shalt  }
0x5c: {  	_ =	shalt  }
0x5d: {  	_ =	shalt  }
0x5e: {  	_ =	shalt  }
0x5f: {  	_ =	shalt  }
0x60: {  	_ =	shalt  }
0x61: {  	_ =	shalt  }
0x62: {  	_ =	shalt  }
0x63: {  	_ =	shalt  }
0x64: {  	_ =	shalt  }
0x65: {  	_ =	shalt  }
0x66: {  	_ =	shalt  }
0x67: {  	_ =	shalt  }
0x68: {  	_ =	shalt  }
0x69: {  	_ =	shalt  }
0x6a: {  	_ =	shalt  }
0x6b: {  	_ =	shalt  }
0x6c: {  	_ =	shalt  }
0x6d: {  	_ =	shalt  }
0x6e: {  	_ =	shalt  }
0x6f: {  	_ =	shalt  }
0x70: {  	_ =	shalt  }
0x71: {  	_ =	shalt  }
0x72: {  	_ =	shalt  }
0x73: {  	_ =	shalt  }
0x74: {  	_ =	shalt  }
0x75: {  	_ =	shalt  }
0x76: {  	_ =	shalt  }
0x77: {  	_ =	shalt  }
0x78: {  	_ =	shalt  }
0x79: {  	_ =	shalt  }
0x7a: {  	_ =	shalt  }
0x7b: {  	_ =	shalt  }
0x7c: {  	_ =	shalt  }
0x7d: {  	_ =	shalt  }
0x7e: {  	_ =	shalt  }
0x7f: {  	_ =	shalt  }
0x80: {  	_ =	shalt  }
0x81: {  	_ =	shalt  }
0x82: {  	_ =	shalt  }
0x83: {  	_ =	shalt  }
0x84: {  	_ =	shalt  }
0x85: {  	_ =	shalt  }
0x86: {  	_ =	shalt  }
0x87: {  	_ =	shalt  }
.Lfunc_end0:
.L_simem_size_0:
called_computation.2_lowered:
.L_overlay_start_0:
0x88: {  	s2 =	sld [smem:$0x3FD9]  }
0x89: {  	s3 =	sld [smem:$0x3FFE];
	_ =	sdelay $0x1  }
0x8a: {  	s1 =	srdreg.scid  }
0x8b: {  	s0 =	sand.u32 $0x1, s1  }
0x8c: {  	s14 =	sshll.u32 s0, $0xA;
	s2 =	sadd.s32 s3, s2  }
0x8d: {  	s2 =	sadd.s32 s2, s14  }
0x8e: {  	[smem:$0x3FBB] =	sst s2  }
0x8f: {  	_ = 	snop  }
0x90: {  	s2 =	sld [smem:$0x3FD0];
	_ =	sdelay $0x2  }
0x91: {  	s15 =	simm.s32 $0xB;
	s4 =	simm.s32 $0x10  }
0x92: {  	[smem:s4], [sflag:s15] =	dma.local [hbm:s2], $0x1  }
0x93: {  	_ =	swait.eq [sflag:s15], $0x1  }
0x94: {  	[sflag:s15] =	ssyncset.done $0x0  }
0x95: {  	[sflag:s15] =	ssyncadd.s32 $0xFFFFFFFF  }
0x96: {  	s16 =	sld [smem:$0x10];
	(tm) =	ssettm $0x1  }
0x97: {  	s17 =	sld [smem:$0x3FFB];
	_ =	sdelay $0x3  }
0x98: {  	_ =	strace s17  }
0x99: {  	s3 =	sld [smem:$0x3FFC];
	_ =	sdelay $0x3  }
0x9a: {  	_ =	strace s3  }
0x9b: {  	s3 =	sld [smem:$0x3FFD];
	_ =	sdelay $0x3  }
0x9c: {  	_ =	strace s3  }
0x9d: {  	_ =	strace $0x8FFFFFFF  }
0x9e: {  	s18 =	sld [smem:$0x3FDB];
	_ =	sdelay $0x1  }
0x9f: {  	s19 =	simm.s32 $_scs_section_size  }
0xa0: {  	s5 =	simm.s32 $_size__tile_overlayer_lowered;
	s6 =	simm.s32 $_tile_overlayer_lowered  }
0xa1: {  	s22 =	simm.s32 $0x1BFF;
	s21 =	sshll.u32 s6, $0x1;
	s3 =	sadd.s32 s19, s18  }
0xa2: {  	s7 =	simm.s32 $0x0;
	s20 =	sshll.u32 s5, $0x1;
	s5 =	sadd.s32 s21, s3  }
0xa3: {  	[timem:s7], [sflag:s22] =	dma.local [hbm:s5], s20  }
0xa4: {  	_ =	swait.ge [sflag:s22], s20  }
0xa5: {  	s4 =	ssub.s32 $0x0, s20;
	[sflag:s22] =	ssyncset.done $0x0  }
0xa6: {  	[sflag:s22] =	ssyncadd.s32 s4;
	_ =	sdelay $0x1  }
0xa7: {  	s23 =	simm.s32 $0x1B8B  }
0xa8: {  	_ =	swait.ge [sflag:s23], $0x1  }
0xa9: {  	[sflag:s23] =	ssyncset.done $0x0  }
0xaa: {  	s25 =	simm.s32 $0x1B8E;
	s24 =	sld [smem:$0x3FFE];
	[sflag:s23] =	ssyncadd.s32 $0xFFFFFFFF  }
0xab: {  	s26 =	simm.s32 $execute0_lowered;
	[smem:$0x3FD2] =	sst s25  }
0xac: {  	s5 =	sshll.u32 s26, $0x1;
	_ =	strace $0x8000004C;
	[dreg:$0x1] =	wrdreg $0xFFFFFFFF  }
0xad: {  	s28 =	simm.s32 $_size_execute0_lowered;
	s3 =	sadd.s32 s3, s5;
	[dreg:$0x0] =	wrdreg $0x0  }
0xae: {  	s5 =	sshll.u32 s28, $0x1;
	[dreg:$0x2] =	wrdreg s3  }
0xaf: {  	[dreg:$0x3] =	wrdreg s5  }
0xb0: {  	[dreg:$0x4] =	wrdreg $0xC0  }
0xb1: {  	_ =	task [dreg:s7], $0x5FFFF  }
0xb2: {  	[dreg:$0x1] =	wrdreg $0xFFFFFFFF  }
0xb3: {  	[dreg:$0x0] =	wrdreg $0x60  }
0xb4: {  	[dreg:$0x2] =	wrdreg s16  }
0xb5: {  	[dreg:$0x3] =	wrdreg s24  }
0xb6: {  	[dreg:$0x4] =	wrdreg $0xA6000  }
0xb7: {  	[dreg:$0x5] =	wrdreg $0x142400  }
0xb8: {  	[dreg:$0x6] =	wrdreg $0x9  }
0xb9: {  	_ =	task.clear_ibuf [dreg:s7], $0x7FFFF;
	_ =	strace $0x9000004C  }
0xba: {  	s29 =	simm.s32 $0x9;
	_ =	strace $0x8000004E  }
0xbb: {  	_ =	swait.ge [sflag:s29], $0x1  }
0xbc: {  	[sflag:s29] =	ssyncadd.s32 $0xFFFFFFFF  }
0xbd: {  	_ =	strace $0x9000004E  }
0xbe: {  	_ =	sfence  }
0xbf: {  	s30 =	sld [smem:$0x0];
	_ =	sdelay $0x2  }
0xc0: {  	s31 =	sshll.u32 s1, $0xD;
	s1 =	sshrl.u32 s1, $0x2  }
0xc1: {  	s3 =	sand.u32 $0x4000, s31;
	s1 =	sadd.s32 s1, s30  }
0xc2: {  	s0 =	sor.u32 s3, s0;
	s1 =	sshll.u32 s1, $0x11  }
0xc3: {  	s0 =	sor.u32 s1, s0  }
0xc4: {  	s0 =	sadd.s32 $0x8F2B, s0  }
0xc5: {  	[sflag:s0] =	ssyncadd.remote.s32 $0x1  }
0xc6: {  	_ =	sfence.sel $0xFFFF  }
0xc7: {  	[dreg:$0x0] =	wrdreg $0xFFFFFFFF;
	(pc) =	sbr.abs _section_cstart, $3  }
0xc8: {  	[dreg:$0x1] =	wrdreg $0xFFFFFFFF  }
0xc9: {  	_ =	task.clear_ibuf [dreg:s7], $0x2FFFF;
	_ =	strace $0x9FFFFFFF  }
0xca: {  	(tm) =	ssettm $0x7FFFFFFF  }
0xcb: {  	_ =	shalt  }
tec
execute0_lowered:
.L_overlay_start_1:
0x0: {  	(tag) =	ssettag $0x1  }
0x1: {  	s0 =	rddreg [dreg:$0x0]  }
0x2: {  	s3 =	rddreg [dreg:$0x1]  }
0x3: {  	s1 =	rddreg [dreg:$0x2]  }
0x4: {  	s2 =	rddreg [dreg:$0x3];
	s4 =	simm.s32 $0x0  }
0x5: {  	s5 =	srdreg.scid;
	s20 =	stileid.u32;
	s28 =	simm.s32 $0x600  }
0x6: {  	s29 =	simm.s32 $0x80;
	s30 =	simm.s32 $0x180;
	s31 =	simm.s32 $0x8600  }
0x7: {  	[smem:$0x7FF] =	sst s4;
	s8 =	sand.u32 $0x1, s5;
	s5 =	sadd.s32 $0xAD800, s3  }
0x8: {  	s10 =	smul.u32 $0x9C40, s20;
	s6 =	sadd.s32 $0xA3800, s3;
	s7 =	sadd.s32 $0x3800, s3  }
0x9: {  	s3 =	sadd.s32 $0x105A00, s3;
	s14 =	smul.u32 $0x9E00, s20;
	s24 =	sshll.u32 s20, $0x6  }
0xa: {  	s9 =	smul.u32 $0x9C400, s8;
	_ =	strace $0x8000004D;
	s11 =	ssub.s32 $0x2, s8  }
0xb: {  	s8 =	smul.u32 $0x9E000, s8;
	s12 =	sshrl.u32 s11, $0x1;
	s25 =	sadd.s32 $0x2000, s14  }
0xc: {  	s16 =	sadd.s32 $0x4000, s14;
	s17 =	sadd.s32 $0x6000, s14;
	s18 =	sadd.s32 $0x8000, s14  }
0xd: {  	s9 =	sadd.s32 s10, s9;
	s11 =	ssub.s32 s11, s12;
	s10 =	sadd.s32 s10, s1  }
0xe: {  	s12 =	sadd.s32 s14, s2;
	s21 =	sadd.s32 s25, s2;
	s13 =	sadd.s32 s16, s2  }
0xf: {  	s26 =	sadd.s32 s17, s2;
	s15 =	sadd.s32 s14, s8;
	[dreg:$0x6] =	wrdreg s13  }
0x10: {  	s14 =	sadd.s32 s18, s2;
	s22 =	sadd.s32 s8, s17;
	[dreg:$0x7] =	wrdreg s26  }
0x11: {  	s17 =	simm.s32 $0x6600;
	s9 =	sshrl.u32 s9, $0x3;
	[dreg:$0x8] =	wrdreg s14  }
0x12: {  	s19 =	sshrl.u32 s15, $0x3;
	s15 =	smul.u32 $0x28, s20;
	s20 =	sadd.s32 s8, s16  }
0x13: {  	s16 =	sshrl.u32 s22, $0x3;
	s26 =	sshrl.u32 s10, $0x3;
	s0 =	sadd.s32 s0, s9  }
0x14: {  	s9 =	sor.u32 $0x1C09, s24;
	s19 =	sadd.s32 s3, s19;
	[dreg:$0xf] =	wrdreg s26  }
0x15: {  	s23 =	sadd.s32 s3, s16;
	s26 =	simm.s32 $0xA000;
	[dreg:$0x5] =	wrdreg s0  }
0x16: {  	s16 =	simm.s32 $0x3;
	s0 =	sadd.s32 s8, s25;
	[dreg:$0x9] =	wrdreg s19  }
0x17: {  	s8 =	sadd.s32 s8, s18;
	[dreg:$0xc] =	wrdreg s23;
	s25 =	smax.u32 s11, $0x1  }
0x18: {  	s23 =	simm.s32 $0x9;
	s18 =	simm.s32 $0x4;
	s19 =	simm.s32 $0x0  }
0x19: {  	s0 =	sshrl.u32 s0, $0x3;
	s8 =	sshrl.u32 s8, $0x3;
	[dreg:$0xe] =	wrdreg s25  }
0x1a: {  	s25 =	simm.s32 $0x40;
	s0 =	sadd.s32 s3, s0;
	s24 =	sadd.s32 s3, s8  }
0x1b: {  	s8 =	simm.s32 $0x4600;
	[dreg:$0xa] =	wrdreg s0;
	s0 =	sshrl.u32 s20, $0x3  }
0x1c: {  	[dreg:$0xd] =	wrdreg s24;
	s24 =	simm.s32 $0x2600;
	s0 =	sadd.s32 s3, s0  }
0x1d: {  	v0 =	vimm.f32 $0.0e+00;
	s3 =	simm.s32 $0x2;
	[dreg:$0xb] =	wrdreg s0;
	s0 =	simm.s32 $0x1  }
.LBB2_1:
0x1e: {  	s10 =	rddreg [dreg:$0x5]  }
0x1f: {  	s11 =	rddreg [dreg:$0xf]  }
0x20: {  	[spmem:s11], [sflag:s9] =	dma.local [hbm:s10], $0x1388  }
0x21: {  	_ =	swait.ge [sflag:s23], $0x1388  }
0x22: {  	[sflag:s23] =	ssyncset.done $0x0  }
0x23: {  	s11 =	simm.s32 $0x100;
	s10 =	simm.s32 $0x0;
	[sflag:s23] =	ssyncadd.s32 $0xFFFFEC78  }
.LBB2_2:
0x24: {  	p0 =	sne.s32 s11, $0x7F00;
	[tilespmem:s10+$0x2630] =	vst v0;
	s20 =	smov.u32 s11;
	s11 =	sadd.s32 $0x100, s11  }
.Ltmp0:
0x25: {  	[tilespmem:s10+$0x2620] =	vst v0;
	(pc) =	sbr.rel @p0 .LBB2_2-.Ltmp0, $3  }
0x26: {  	[tilespmem:s10+$0x2600] =	vst v0  }
0x27: {  	[tilespmem:s10+$0x2610] =	vst v0;
	_ =	sdelay $0x1  }
0x28: {  	s10 =	sshra.s32 s20, $0x2  }
0x29: {  	[tilespmem:s10+$0x2630] =	vst v0  }
0x2a: {  	[tilespmem:s10+$0x2620] =	vst v0  }
0x2b: {  	[tilespmem:s10+$0x2600] =	vst v0  }
0x2c: {  	[tilespmem:s10+$0x2610] =	vst v0  }
0x2d: {  	[spmem:s12] =	stream.linear.scatter [tilespmem:s24], [sflag:$0x9], $0x2000, $0x38;
	[tilespmem:$0x1E040] =	vst v63  }
0x2e: {  	_ =	swait.ge [sflag:s23], $0x2000  }
0x2f: {  	[sflag:s23] =	ssyncset.done $0x0  }
0x30: {  	[sflag:s23] =	ssyncadd.s32 $0xFFFFE000  }
0x31: {  	[spmem:s21] =	stream.linear.scatter [tilespmem:s24], [sflag:$0x9], $0x2000, $0x38;
	[tilespmem:$0x1E040] =	vst v63  }
0x32: {  	_ =	swait.ge [sflag:s23], $0x2000  }
0x33: {  	[sflag:s23] =	ssyncset.done $0x0  }
0x34: {  	s20 =	rddreg [dreg:$0x6];
	[sflag:s23] =	ssyncadd.s32 $0xFFFFE000  }
0x35: {  	[spmem:s20] =	stream.linear.scatter [tilespmem:s24], [sflag:$0x9], $0x2000, $0x38;
	[tilespmem:$0x1E040] =	vst v63  }
0x36: {  	_ =	swait.ge [sflag:s23], $0x2000  }
0x37: {  	[sflag:s23] =	ssyncset.done $0x0  }
0x38: {  	s14 =	smov.u32 s21;
	s21 =	rddreg [dreg:$0x7];
	[sflag:s23] =	ssyncadd.s32 $0xFFFFE000  }
0x39: {  	[spmem:s21] =	stream.linear.scatter [tilespmem:s24], [sflag:$0x9], $0x2000, $0x38;
	[tilespmem:$0x1E040] =	vst v63  }
0x3a: {  	_ =	swait.ge [sflag:s23], $0x2000  }
0x3b: {  	[sflag:s23] =	ssyncset.done $0x0  }
0x3c: {  	s22 =	rddreg [dreg:$0x8];
	[sflag:s23] =	ssyncadd.s32 $0xFFFFE000  }
0x3d: {  	[spmem:s22] =	stream.linear.scatter [tilespmem:s24], [sflag:$0x9], $0x1E00, $0x38;
	[tilespmem:$0x1E040] =	vst v63  }
0x3e: {  	_ =	swait.ge [sflag:s23], $0x1E00  }
0x3f: {  	[sflag:s23] =	ssyncset.done $0x0  }
0x40: {  	[sflag:s23] =	ssyncadd.s32 $0xFFFFE200  }
0x41: {  	s13 =	smov.u32 s12;
	s20 =	simm.s32 $0x0;
	[bflag:$0x0] =	sbarrier.arrive $0xFFFF  }
.LBB2_4:
0x42: {  	s10 =	sadd.s32 s15, s20  }
0x43: {  	s11 =	sshll.u32 s10, $0x6  }
0x44: {  	s21 =	sadd.s32 s5, s11  }
0x45: {  	[tilespmem:s4], [sflag:$0x9] =	stream.linear.gather [hbm4b:s21+s4], $0x200, $0x38;
	[tilespmem:$0x1E040] =	vst v63  }
0x46: {  	s22 =	sshll.u32 s20, $0x9;
	_ =	swait.ge [sflag:s23], $0x200  }
0x47: {  	s21 =	sand.u32 $0x200, s22;
	[sflag:s23] =	ssyncset.done $0x0  }
0x48: {  	s11 =	sadd.s32 s6, s11;
	s22 =	sadd.s32 $0x200, s21;
	[sflag:s23] =	ssyncadd.s32 $0xFFFFFE00  }
0x49: {  	[tilespmem:s22], [sflag:$0x9] =	stream.linear.gather [hbm4b:s11+s4], $0x200, $0x38;
	[tilespmem:$0x1E040] =	vst v63  }
0x4a: {  	_ =	swait.ge [sflag:s23], $0x200  }
0x4b: {  	s10 =	sshll.u32 s10, $0x3;
	[sflag:s23] =	ssyncset.done $0x0  }
0x4c: {  	s10 =	sadd.s32 s7, s10;
	[sflag:s23] =	ssyncadd.s32 $0xFFFFFE00  }
0x4d: {  	[tilespmem:s28], [sflag:$0x9] =	stream.strided.gather [hbm4b:s10+s25], $0x2000, s26, s25, $0x38;
	[tilespmem:$0x1E040] =	vst v63  }
0x4e: {  	p0 =	seq.s32 s20, $0x0;
	_ =	swait.ge [sflag:s23], $0x2000  }
0x4f: {  	s12 =	simm.s32 @p0 $0x2600;
	[sflag:s23] =	ssyncset.done $0x0  }
0x50: {  	s11 =	simm.s32 @p0 $0x0;
	s10 =	simm.s32 @p0 $0x80;
	[sflag:s23] =	ssyncadd.s32 $0xFFFFE000  }
0x51: {  	[tilespmem:s12], [sflag:$0x1] =	stream.indirect.gather @p0 [spmem:s1], $0x40, s11, s10, $0xb8;
	[tilespmem:$0x1E040] =	vst v63  }
0x52: {  	s11 =	simm.s32 @p0 $0x4600  }
0x53: {  	[tilespmem:s11], [sflag:$0x2] =	stream.indirect.gather @p0 [spmem:s1], $0x40, s10, s10, $0xb8;
	[tilespmem:$0x1E040] =	vst v63  }
0x54: {  	s12 =	simm.s32 @p0 $0x6600;
	s11 =	simm.s32 @p0 $0x100  }
0x55: {  	[tilespmem:s12], [sflag:$0x3] =	stream.indirect.gather @p0 [spmem:s1], $0x40, s11, s10, $0xb8;
	[tilespmem:$0x1E040] =	vst v63  }
0x56: {  	s10 =	simm.s32 @!p0 $0x5  }
0x57: {  	_ =	swait.ge @!p0 [sflag:s10], $0x2000  }
0x58: {  	s11 =	simm.s32 @!p0 $0x0;
	[sflag:s10] =	ssyncset.done @!p0 $0x0  }
0x59: {  	s12 =	simm.s32 @!p0 $0x2600;
	[sflag:s10] =	ssyncadd.s32 @!p0 $0xFFFFE000;
	s10 =	simm.s32 @!p0 $0x80  }
0x5a: {  	[tilespmem:s12], [sflag:$0x1] =	stream.indirect.gather @!p0 [spmem:s1], $0x40, s11, s10, $0xb8;
	[tilespmem:$0x1E040] =	vst v63  }
0x5b: {  	s11 =	simm.s32 @!p0 $0x6  }
0x5c: {  	_ =	swait.ge @!p0 [sflag:s11], $0x2000  }
0x5d: {  	[sflag:s11] =	ssyncset.done @!p0 $0x0  }
0x5e: {  	[sflag:s11] =	ssyncadd.s32 @!p0 $0xFFFFE000;
	s11 =	simm.s32 @!p0 $0x4600  }
0x5f: {  	[tilespmem:s11], [sflag:$0x2] =	stream.indirect.gather @!p0 [spmem:s1], $0x40, s10, s10, $0xb8;
	[tilespmem:$0x1E040] =	vst v63  }
0x60: {  	s11 =	simm.s32 @!p0 $0x7  }
0x61: {  	_ =	swait.ge @!p0 [sflag:s11], $0x2000  }
0x62: {  	[sflag:s11] =	ssyncset.done @!p0 $0x0  }
0x63: {  	s12 =	simm.s32 @!p0 $0x6600;
	[sflag:s11] =	ssyncadd.s32 @!p0 $0xFFFFE000;
	s11 =	simm.s32 @!p0 $0x100  }
0x64: {  	[tilespmem:s12], [sflag:$0x3] =	stream.indirect.gather @!p0 [spmem:s1], $0x40, s11, s10, $0xb8;
	[tilespmem:$0x1E040] =	vst v63  }
0x65: {  	s10 =	simm.s32 @!p0 $0x8  }
0x66: {  	_ =	swait.ge @!p0 [sflag:s10], $0x2000  }
0x67: {  	[sflag:s10] =	ssyncset.done @!p0 $0x0  }
0x68: {  	[sflag:s10] =	ssyncadd.s32 @!p0 $0xFFFFE000  }
0x69: {  	[tilespmem:s31], [sflag:$0x4] =	stream.indirect.gather [spmem:s1], $0x40, s30, s29, $0xb8;
	[tilespmem:$0x1E040] =	vst v63  }
0x6a: {  	_ =	swait.ge [sflag:s0], $0x2000  }
0x6b: {  	[sflag:s0] =	ssyncset.done $0x0  }
0x6c: {  	s10 =	simm.s32 $0x0;
	[sflag:s0] =	ssyncadd.s32 $0xFFFFE000  }
0x6d: {  	v1 =	vld [tilespmem:s10+$0x600]  }
0x6e: {  	v3 =	vld [tilespmem:s10+$0x2600]  }
0x6f: {  	v4 =	vld [tilespmem:s10+$0x2610]  }
0x70: {  	s11 =	simm.s32 $0x100;
	v2 =	vld [tilespmem:s10+$0x2620]  }
.LBB2_5:
0x71: {  	p0 =	sne.s32 s11, $0x7F00;
	v5 =	vld [tilespmem:s10+$0x2630]  }
0x72: {  	v6 =	vmov v1  }
0x73: {  	v3 =	vmul.f32 v3, v6  }
.Ltmp1:
0x74: {  	s12 =	sshra.s32 s11, $0x2;
	v4 =	vmul.f32 v4, v6;
	(pc) =	sbr.rel @p0 .LBB2_5-.Ltmp1, $4  }
0x75: {  	v1 =	vld [tilespmem:s12+$0x600];
	[tilespmem:s10+$0x2600] =	vst v3;
	v2 =	vmul.f32 v2, v6  }
0x76: {  	v3 =	vld [tilespmem:s12+$0x2600];
	[tilespmem:s10+$0x2610] =	vst v4;
	v5 =	vmul.f32 v5, v6  }
0x77: {  	v4 =	vld [tilespmem:s12+$0x2610];
	[tilespmem:s10+$0x2620] =	vst v2  }
0x78: {  	s11 =	sadd.s32 $0x100, s11;
	v2 =	vld [tilespmem:s12+$0x2620];
	[tilespmem:s10+$0x2630] =	vst v5;
	s10 =	smov.u32 s12  }
0x79: {  	v5 =	vld [tilespmem:s10+$0x2630];
	_ =	sdelay $0x1  }
0x7a: {  	v3 =	vmul.f32 v3, v1  }
0x7b: {  	v4 =	vmul.f32 v4, v1  }
0x7c: {  	[tilespmem:s10+$0x2600] =	vst v3;
	v2 =	vmul.f32 v2, v1  }
0x7d: {  	[tilespmem:s10+$0x2610] =	vst v4;
	v1 =	vmul.f32 v5, v1  }
0x7e: {  	[tilespmem:s10+$0x2620] =	vst v2  }
0x7f: {  	[tilespmem:s10+$0x2630] =	vst v1  }
0x80: {  	[spmem:s2] =	stream.indirect.scatter.add.f32 [tilespmem:s24], [sflag:$0x5], $0x40, s22, s29, $0xb8;
	[tilespmem:$0x1E040] =	vst v63  }
0x81: {  	_ =	swait.ge [sflag:s3], $0x2000  }
0x82: {  	[sflag:s3] =	ssyncset.done $0x0  }
0x83: {  	s10 =	simm.s32 $0x0;
	[sflag:s3] =	ssyncadd.s32 $0xFFFFE000  }
0x84: {  	v1 =	vld [tilespmem:s10+$0x610]  }
0x85: {  	v3 =	vld [tilespmem:s10+$0x4600]  }
0x86: {  	v4 =	vld [tilespmem:s10+$0x4610]  }
0x87: {  	s11 =	simm.s32 $0x100;
	v2 =	vld [tilespmem:s10+$0x4620]  }
.LBB2_7:
0x88: {  	p0 =	sne.s32 s11, $0x7F00;
	v5 =	vld [tilespmem:s10+$0x4630]  }
0x89: {  	v6 =	vmov v1  }
0x8a: {  	v3 =	vmul.f32 v3, v6  }
.Ltmp2:
0x8b: {  	s12 =	sshra.s32 s11, $0x2;
	v4 =	vmul.f32 v4, v6;
	(pc) =	sbr.rel @p0 .LBB2_7-.Ltmp2, $4  }
0x8c: {  	v1 =	vld [tilespmem:s12+$0x610];
	[tilespmem:s10+$0x4600] =	vst v3;
	v2 =	vmul.f32 v2, v6  }
0x8d: {  	v3 =	vld [tilespmem:s12+$0x4600];
	[tilespmem:s10+$0x4610] =	vst v4;
	v5 =	vmul.f32 v5, v6  }
0x8e: {  	v4 =	vld [tilespmem:s12+$0x4610];
	[tilespmem:s10+$0x4620] =	vst v2  }
0x8f: {  	s11 =	sadd.s32 $0x100, s11;
	v2 =	vld [tilespmem:s12+$0x4620];
	[tilespmem:s10+$0x4630] =	vst v5;
	s10 =	smov.u32 s12  }
0x90: {  	v5 =	vld [tilespmem:s10+$0x4630];
	_ =	sdelay $0x1  }
0x91: {  	v3 =	vmul.f32 v3, v1  }
0x92: {  	v4 =	vmul.f32 v4, v1  }
0x93: {  	[tilespmem:s10+$0x4600] =	vst v3;
	v2 =	vmul.f32 v2, v1  }
0x94: {  	[tilespmem:s10+$0x4610] =	vst v4;
	v1 =	vmul.f32 v5, v1  }
0x95: {  	[tilespmem:s10+$0x4620] =	vst v2  }
0x96: {  	s22 =	sadd.s32 $0x280, s21;
	[tilespmem:s10+$0x4630] =	vst v1  }
0x97: {  	[spmem:s2] =	stream.indirect.scatter.add.f32 [tilespmem:s8], [sflag:$0x6], $0x40, s22, s29, $0xb8;
	[tilespmem:$0x1E040] =	vst v63  }
0x98: {  	_ =	swait.ge [sflag:s16], $0x2000  }
0x99: {  	[sflag:s16] =	ssyncset.done $0x0  }
0x9a: {  	s10 =	simm.s32 $0x0;
	[sflag:s16] =	ssyncadd.s32 $0xFFFFE000  }
0x9b: {  	v1 =	vld [tilespmem:s10+$0x620]  }
0x9c: {  	v3 =	vld [tilespmem:s10+$0x6600]  }
0x9d: {  	v4 =	vld [tilespmem:s10+$0x6610]  }
0x9e: {  	s11 =	simm.s32 $0x100;
	v2 =	vld [tilespmem:s10+$0x6620]  }
.LBB2_9:
0x9f: {  	p0 =	sne.s32 s11, $0x7F00;
	v5 =	vld [tilespmem:s10+$0x6630]  }
0xa0: {  	v6 =	vmov v1  }
0xa1: {  	v3 =	vmul.f32 v3, v6  }
.Ltmp3:
0xa2: {  	s12 =	sshra.s32 s11, $0x2;
	v4 =	vmul.f32 v4, v6;
	(pc) =	sbr.rel @p0 .LBB2_9-.Ltmp3, $4  }
0xa3: {  	v1 =	vld [tilespmem:s12+$0x620];
	[tilespmem:s10+$0x6600] =	vst v3;
	v2 =	vmul.f32 v2, v6  }
0xa4: {  	v3 =	vld [tilespmem:s12+$0x6600];
	[tilespmem:s10+$0x6610] =	vst v4;
	v5 =	vmul.f32 v5, v6  }
0xa5: {  	v4 =	vld [tilespmem:s12+$0x6610];
	[tilespmem:s10+$0x6620] =	vst v2  }
0xa6: {  	s11 =	sadd.s32 $0x100, s11;
	v2 =	vld [tilespmem:s12+$0x6620];
	[tilespmem:s10+$0x6630] =	vst v5;
	s10 =	smov.u32 s12  }
0xa7: {  	v5 =	vld [tilespmem:s10+$0x6630];
	_ =	sdelay $0x1  }
0xa8: {  	v3 =	vmul.f32 v3, v1  }
0xa9: {  	v4 =	vmul.f32 v4, v1  }
0xaa: {  	[tilespmem:s10+$0x6600] =	vst v3;
	v2 =	vmul.f32 v2, v1  }
0xab: {  	[tilespmem:s10+$0x6610] =	vst v4;
	v1 =	vmul.f32 v5, v1  }
0xac: {  	[tilespmem:s10+$0x6620] =	vst v2  }
0xad: {  	s22 =	sadd.s32 $0x300, s21;
	[tilespmem:s10+$0x6630] =	vst v1  }
0xae: {  	[spmem:s2] =	stream.indirect.scatter.add.f32 [tilespmem:s17], [sflag:$0x7], $0x40, s22, s29, $0xb8;
	[tilespmem:$0x1E040] =	vst v63  }
0xaf: {  	_ =	swait.ge [sflag:s18], $0x2000  }
0xb0: {  	[sflag:s18] =	ssyncset.done $0x0  }
0xb1: {  	s10 =	simm.s32 $0x0;
	[sflag:s18] =	ssyncadd.s32 $0xFFFFE000  }
0xb2: {  	v1 =	vld [tilespmem:s10+$0x630]  }
0xb3: {  	v3 =	vld [tilespmem:s10+$0x8600]  }
0xb4: {  	v4 =	vld [tilespmem:s10+$0x8610]  }
0xb5: {  	s11 =	simm.s32 $0x100;
	v2 =	vld [tilespmem:s10+$0x8620]  }
.LBB2_11:
0xb6: {  	p0 =	sne.s32 s11, $0x7F00;
	v5 =	vld [tilespmem:s10+$0x8630]  }
0xb7: {  	v6 =	vmov v1  }
0xb8: {  	v3 =	vmul.f32 v3, v6  }
.Ltmp4:
0xb9: {  	s12 =	sshra.s32 s11, $0x2;
	v4 =	vmul.f32 v4, v6;
	(pc) =	sbr.rel @p0 .LBB2_11-.Ltmp4, $4  }
0xba: {  	v1 =	vld [tilespmem:s12+$0x630];
	[tilespmem:s10+$0x8600] =	vst v3;
	v2 =	vmul.f32 v2, v6  }
0xbb: {  	v3 =	vld [tilespmem:s12+$0x8600];
	[tilespmem:s10+$0x8610] =	vst v4;
	v5 =	vmul.f32 v5, v6  }
0xbc: {  	v4 =	vld [tilespmem:s12+$0x8610];
	[tilespmem:s10+$0x8620] =	vst v2  }
0xbd: {  	s11 =	sadd.s32 $0x100, s11;
	v2 =	vld [tilespmem:s12+$0x8620];
	[tilespmem:s10+$0x8630] =	vst v5;
	s10 =	smov.u32 s12  }
0xbe: {  	v5 =	vld [tilespmem:s10+$0x8630];
	_ =	sdelay $0x1  }
0xbf: {  	s20 =	sadd.s32 $0x1, s20;
	v3 =	vmul.f32 v3, v1  }
0xc0: {  	p0 =	sne.s32 s20, $0x28;
	v4 =	vmul.f32 v4, v1  }
.Ltmp5:
0xc1: {  	[tilespmem:s10+$0x8600] =	vst v3;
	v2 =	vmul.f32 v2, v1;
	(pc) =	sbr.rel @p0 .LBB2_4-.Ltmp5, $4  }
0xc2: {  	[tilespmem:s10+$0x8610] =	vst v4;
	v1 =	vmul.f32 v5, v1  }
0xc3: {  	[tilespmem:s10+$0x8620] =	vst v2  }
0xc4: {  	s22 =	sadd.s32 $0x380, s21;
	[tilespmem:s10+$0x8630] =	vst v1  }
0xc5: {  	[spmem:s2] =	stream.indirect.scatter.add.f32 [tilespmem:s31], [sflag:$0x8], $0x40, s22, s29, $0xb8;
	[tilespmem:$0x1E040] =	vst v63  }
0xc6: {  	s10 =	simm.s32 $0x5  }
0xc7: {  	_ =	swait.ge [sflag:s10], $0x2000  }
0xc8: {  	[sflag:s10] =	ssyncset.done $0x0  }
0xc9: {  	s12 =	simm.s32 $0x6;
	[sflag:s10] =	ssyncadd.s32 $0xFFFFE000  }
0xca: {  	_ =	swait.ge [sflag:s12], $0x2000  }
0xcb: {  	[sflag:s12] =	ssyncset.done $0x0  }
0xcc: {  	s20 =	simm.s32 $0x7;
	[sflag:s12] =	ssyncadd.s32 $0xFFFFE000  }
0xcd: {  	_ =	swait.ge [sflag:s20], $0x2000  }
0xce: {  	[sflag:s20] =	ssyncset.done $0x0  }
0xcf: {  	s21 =	simm.s32 $0x8;
	[sflag:s20] =	ssyncadd.s32 $0xFFFFE000  }
0xd0: {  	_ =	swait.ge [sflag:s21], $0x2000  }
0xd1: {  	[sflag:s21] =	ssyncset.done $0x0  }
0xd2: {  	[sflag:s21] =	ssyncadd.s32 $0xFFFFE000  }
0xd3: {  	[bflag:$0x0] =	sbarrier.arrive $0xFFFF  }
0xd4: {  	s22 =	sshrl.u32 s13, $0x3;
	s11 =	rddreg [dreg:$0x9]  }
0xd5: {  	[hbm:s11], [sflag:s9] =	dma.local [spmem:s22], $0x400  }
0xd6: {  	_ =	swait.ge [sflag:s23], $0x400  }
0xd7: {  	s12 =	smov.u32 s13;
	s13 =	sshrl.u32 s14, $0x3;
	[sflag:s23] =	ssyncset.done $0x0  }
0xd8: {  	s21 =	smov.u32 s14;
	s14 =	rddreg [dreg:$0xa];
	[sflag:s23] =	ssyncadd.s32 $0xFFFFFC00  }
0xd9: {  	[hbm:s14], [sflag:s9] =	dma.local [spmem:s13], $0x400  }
0xda: {  	_ =	swait.ge [sflag:s23], $0x400  }
0xdb: {  	[sflag:s23] =	ssyncset.done $0x0;
	s20 =	rddreg [dreg:$0x6]  }
0xdc: {  	s22 =	rddreg [dreg:$0xb];
	[sflag:s23] =	ssyncadd.s32 $0xFFFFFC00;
	s10 =	sshrl.u32 s20, $0x3  }
0xdd: {  	[hbm:s22], [sflag:s9] =	dma.local [spmem:s10], $0x400  }
0xde: {  	_ =	swait.ge [sflag:s23], $0x400  }
0xdf: {  	[sflag:s23] =	ssyncset.done $0x0;
	s11 =	rddreg [dreg:$0x7]  }
0xe0: {  	s13 =	rddreg [dreg:$0xc];
	[sflag:s23] =	ssyncadd.s32 $0xFFFFFC00;
	s10 =	sshrl.u32 s11, $0x3  }
0xe1: {  	[hbm:s13], [sflag:s9] =	dma.local [spmem:s10], $0x400  }
0xe2: {  	_ =	swait.ge [sflag:s23], $0x400  }
0xe3: {  	[sflag:s23] =	ssyncset.done $0x0;
	s14 =	rddreg [dreg:$0x8]  }
0xe4: {  	s20 =	rddreg [dreg:$0xd];
	[sflag:s23] =	ssyncadd.s32 $0xFFFFFC00;
	s10 =	sshrl.u32 s14, $0x3  }
0xe5: {  	[hbm:s20], [sflag:s9] =	dma.local [spmem:s10], $0x3C0  }
0xe6: {  	_ =	swait.ge [sflag:s23], $0x3C0  }
0xe7: {  	s19 =	sadd.s32 $0x1, s19;
	s22 =	rddreg [dreg:$0xe]  }
0xe8: {  	p0 =	sne.s32 s19, s22  }
.Ltmp6:
0xe9: {  	_ = 	snop;
	(pc) =	sbr.rel @p0 .LBB2_1-.Ltmp6, $3  }
0xea: {  	_ =	sdelay $0x1  }
0xeb: {  	[sflag:s23] =	ssyncset.done $0x0  }
0xec: {  	[sflag:s23] =	ssyncadd.s32 $0xFFFFFC40  }
0xed: {  	_ =	sfence.sel $0x180000  }
0xee: {  	[bflag:$0x0] =	sbarrier.arrive $0xFFFF  }
0xef: {  	_ =	strace $0x9000004D  }
0xf0: {  	s0 =	stileid.u32;
	[bflag:$0x2] =	sbarrier.arrive $0xFFFF  }
0xf1: {  	p0 =	sne.s32 s0, $0x0;
	s0 =	rddreg [dreg:$0x4]  }
0xf2: {  	s0 =	sadd.s32 @!p0 $0x100000, s0  }
0xf3: {  	[sflag:s0] =	ssyncadd.tile.s32 @!p0 $0x1;
	_ =	shalt  }
.Lfunc_end2:
_tile_overlayer_lowered:
.L_overlay_start_2:
0xf4: {  	(tag) =	ssettag $0x2  }
0xf5: {  	s0 =	rddreg [dreg:$0x0];
	s2 =	stileid.u32  }
0xf6: {  	s1 =	rddreg [dreg:$0x1];
	p0 =	sne.s32 s2, $0x0  }
0xf7: {  	s3 =	rddreg [dreg:$0x2];
	[bflag:$0x3] =	sbarrier.arrive $0xFFFF;
	s2 =	simm.s32 @!p0 $0x1C09  }
0xf8: {  	[timem:s3], [sflag:s2] =	dma.local @!p0 [hbm:s0], s1  }
0xf9: {  	s0 =	simm.s32 @!p0 $0x9  }
0xfa: {  	_ =	swait.ge @!p0 [sflag:s0], s1  }
0xfb: {  	s1 =	ssub.s32 @!p0 $0x0, s1;
	[sflag:s0] =	ssyncset.done @!p0 $0x0  }
0xfc: {  	[sflag:s0] =	ssyncadd.s32 @!p0 s1  }
0xfd: {  	[bflag:$0x3] =	sbarrier.arrive $0xFFFF  }
0xfe: {  	_ =	shalt  }

// kernel: kernel.9.cloned.1.call-start
scs
__scs_entry_jumppad:
0x0: {  	(pc) =	sbr.rel $0x88, $3  }
0x1: {  	(tag) =	ssettag $0x0;
	lr =	simm.s32 $0x1  }
0x2: {  	[smem:$0x3F94] =	sst lr;
	_ =	strace $0xD0000000  }
0x3: {  	_ = 	snop  }
0x4: {  	_ = 	snop  }
0x5: {  	_ = 	snop  }
0x6: {  	_ = 	snop  }
0x7: {  	_ = 	snop  }
__scs_overlays_trampoline_lowered:
0x8: {  	[smem:$0x3FA3] =	sst s0  }
0x9: {  	[smem:$0x3FA4] =	sst s1  }
0xa: {  	[smem:$0x3FA5] =	sst s2  }
0xb: {  	[smem:$0x3FA6] =	sst s3  }
0xc: {  	[smem:$0x3FA7] =	sst s4  }
0xd: {  	[smem:$0x3FA8] =	sst s5  }
0xe: {  	[smem:$0x3FA9] =	sst s6  }
0xf: {  	[smem:$0x3FAA] =	sst s7  }
0x10: {  	[smem:$0x3FAB] =	sst s8  }
0x11: {  	[smem:$0x3FAC] =	sst s9;
	s0 =	simm.s32 @!p0 $0x0  }
0x12: {  	s1 =	sld [smem:$0x3F92];
	s0 =	simm.s32 @p0 $0x1  }
0x13: {  	[smem:$0x3FAD] =	sst s0;
	s0 =	simm.s32 @!p1 $0x0  }
0x14: {  	s2 =	sld [smem:$0x3F91];
	s0 =	simm.s32 @p1 $0x1  }
0x15: {  	[smem:$0x3FAE] =	sst s0;
	s0 =	simm.s32 @!p2 $0x0  }
0x16: {  	s3 =	sld [smem:$0x3FDB];
	s0 =	simm.s32 @p2 $0x1  }
0x17: {  	s4 =	simm.s32 $0x1BF5;
	[smem:$0x3FB0] =	sst s0  }
0x18: {  	s0 =	sld [smem:$0x3F93];
	_ =	swait.ge [sflag:s4], $0x0  }
0x19: {  	s7 =	sld [smem:$0x3F94]  }
0x1a: {  	s8 =	sadd.s32 $0xFFFFE003, lr  }
0x1b: {  	s9 =	sadd.s32 $0xFFFFFEF7, lr;
	s5 =	simm.s32 $0xFFFFFFFF;
	p2 =	slt.u32 s8, $0xFFFFF086  }
0x1c: {  	p1 =	slt.u32 s9, $0xF7A;
	s5 =	simm.s32 @!p2 $0x0  }
0x1d: {  	s5 =	simm.s32 @p1 $0x1;
	p0 =	seq.s32 s7, s2  }
0x1e: {  	s7 =	smul.u32 @!p0 $0xF7A, s2;
	p2 =	seq.s32 @!p0 s5, $0x0  }
0x1f: {  	s9 =	smul.u32 $0xF7A, s1;
	s8 =	simm.s32 @!p0 $0x1BF5;
	p2 =	por !p2, p0  }
0x20: {  	[sflag:s8] =	ssyncset.s32 @!p0 $0xFFFFF086;
	s6 =	sadd.s32 @!p0 s3, s7;
	s7 =	simm.s32 @!p0 $0x108  }
0x21: {  	s3 =	sadd.s32 s3, s9;
	s6 =	sadd.s32 @!p0 $0x88, s6;
	s7 =	simm.s32 @p2 $0x1082  }
0x22: {  	[simem:s7], [sflag:s8] =	dma.local @!p0 [hbm:s6], $0xF7A  }
0x23: {  	s9 =	sor.u32 $0xD0000000, s2;
	s6 =	simm.s32 $0x108;
	_ =	swait.ge @!p0 [sflag:s8], $0x0  }
0x24: {  	s3 =	sadd.s32 $0x88, s3;
	s6 =	simm.s32 @!p1 $0x1082;
	[sflag:s4] =	ssyncset.s32 $0xFFFFF086  }
0x25: {  	[simem:s6], [sflag:s4] =	dma.local [hbm:s3], $0xF7A  }
0x26: {  	[smem:$0x3F94] =	sst s1;
	(tag) =	ssettag s2;
	_ =	strace s9  }
0x27: {  	s1 =	sld [smem:$0x3FA4]  }
0x28: {  	s2 =	sld [smem:$0x3FA5]  }
0x29: {  	s4 =	sld [smem:$0x3FA7]  }
0x2a: {  	p0 =	seq.s32 s5, $0x0;
	s5 =	sld [smem:$0x3FA8]  }
0x2b: {  	s6 =	sld [smem:$0x3FA9]  }
0x2c: {  	s7 =	sld [smem:$0x3FAA]  }
0x2d: {  	s3 =	simm.s32 $0x108;
	s8 =	sld [smem:$0x3FAB]  }
0x2e: {  	s3 =	simm.s32 @!p0 $0x1082;
	s9 =	sld [smem:$0x3FAC]  }
0x2f: {  	lr =	sadd.s32 s0, s3;
	s0 =	sld [smem:$0x3FA3]  }
0x30: {  	s3 =	sld [smem:$0x3FA6]  }
0x31: {  	[smem:$0x3FAF] =	sst s10  }
0x32: {  	s10 =	sld [smem:$0x3FAD];
	_ =	sdelay $0x3  }
0x33: {  	p0 =	seq.s32 s10, $0x1;
	s10 =	sld [smem:$0x3FAF];
	_ =	sdelay $0x3  }
0x34: {  	[smem:$0x3FAF] =	sst s10  }
0x35: {  	s10 =	sld [smem:$0x3FAE];
	_ =	sdelay $0x3  }
0x36: {  	p1 =	seq.s32 s10, $0x1;
	s10 =	sld [smem:$0x3FAF];
	_ =	sdelay $0x3  }
0x37: {  	[smem:$0x3FAF] =	sst s10  }
0x38: {  	s10 =	sld [smem:$0x3FB0]  }
0x39: {  	_ = 	snop;
	(pc) =	sbr.ind lr, $3  }
0x3a: {  	_ = 	snop  }
0x3b: {  	_ = 	snop  }
0x3c: {  	p2 =	seq.s32 s10, $0x1;
	s10 =	sld [smem:$0x3FAF]  }
0x3d: {  	_ =	shalt  }
0x3e: {  	_ =	shalt  }
0x3f: {  	_ =	shalt  }
0x40: {  	_ =	shalt  }
0x41: {  	_ =	shalt  }
0x42: {  	_ =	shalt  }
0x43: {  	_ =	shalt  }
0x44: {  	_ =	shalt  }
0x45: {  	_ =	shalt  }
0x46: {  	_ =	shalt  }
0x47: {  	_ =	shalt  }
0x48: {  	_ =	shalt  }
0x49: {  	_ =	shalt  }
0x4a: {  	_ =	shalt  }
0x4b: {  	_ =	shalt  }
0x4c: {  	_ =	shalt  }
0x4d: {  	_ =	shalt  }
0x4e: {  	_ =	shalt  }
0x4f: {  	_ =	shalt  }
0x50: {  	_ =	shalt  }
0x51: {  	_ =	shalt  }
0x52: {  	_ =	shalt  }
0x53: {  	_ =	shalt  }
0x54: {  	_ =	shalt  }
0x55: {  	_ =	shalt  }
0x56: {  	_ =	shalt  }
0x57: {  	_ =	shalt  }
0x58: {  	_ =	shalt  }
0x59: {  	_ =	shalt  }
0x5a: {  	_ =	shalt  }
0x5b: {  	_ =	shalt  }
0x5c: {  	_ =	shalt  }
0x5d: {  	_ =	shalt  }
0x5e: {  	_ =	shalt  }
0x5f: {  	_ =	shalt  }
0x60: {  	_ =	shalt  }
0x61: {  	_ =	shalt  }
0x62: {  	_ =	shalt  }
0x63: {  	_ =	shalt  }
0x64: {  	_ =	shalt  }
0x65: {  	_ =	shalt  }
0x66: {  	_ =	shalt  }
0x67: {  	_ =	shalt  }
0x68: {  	_ =	shalt  }
0x69: {  	_ =	shalt  }
0x6a: {  	_ =	shalt  }
0x6b: {  	_ =	shalt  }
0x6c: {  	_ =	shalt  }
0x6d: {  	_ =	shalt  }
0x6e: {  	_ =	shalt  }
0x6f: {  	_ =	shalt  }
0x70: {  	_ =	shalt  }
0x71: {  	_ =	shalt  }
0x72: {  	_ =	shalt  }
0x73: {  	_ =	shalt  }
0x74: {  	_ =	shalt  }
0x75: {  	_ =	shalt  }
0x76: {  	_ =	shalt  }
0x77: {  	_ =	shalt  }
0x78: {  	_ =	shalt  }
0x79: {  	_ =	shalt  }
0x7a: {  	_ =	shalt  }
0x7b: {  	_ =	shalt  }
0x7c: {  	_ =	shalt  }
0x7d: {  	_ =	shalt  }
0x7e: {  	_ =	shalt  }
0x7f: {  	_ =	shalt  }
0x80: {  	_ =	shalt  }
0x81: {  	_ =	shalt  }
0x82: {  	_ =	shalt  }
0x83: {  	_ =	shalt  }
0x84: {  	_ =	shalt  }
0x85: {  	_ =	shalt  }
0x86: {  	_ =	shalt  }
0x87: {  	_ =	shalt  }
.Lfunc_end0:
.L_simem_size_0:
called_computation_lowered:
.L_overlay_start_0:
0x88: {  	s2 =	sld [smem:$0x3FD9]  }
0x89: {  	s3 =	sld [smem:$0x3FFE];
	_ =	sdelay $0x1  }
0x8a: {  	s1 =	srdreg.scid  }
0x8b: {  	s0 =	sand.u32 $0x1, s1  }
0x8c: {  	s17 =	sshll.u32 s0, $0xA;
	s2 =	sadd.s32 s3, s2  }
0x8d: {  	s2 =	sadd.s32 s2, s17  }
0x8e: {  	[smem:$0x3FBB] =	sst s2  }
0x8f: {  	_ = 	snop  }
0x90: {  	(tm) =	ssettm $0x1  }
0x91: {  	s18 =	sld [smem:$0x3FFB];
	_ =	sdelay $0x3  }
0x92: {  	_ =	strace s18  }
0x93: {  	s2 =	sld [smem:$0x3FFC];
	_ =	sdelay $0x3  }
0x94: {  	_ =	strace s2  }
0x95: {  	s2 =	sld [smem:$0x3FFD];
	_ =	sdelay $0x3  }
0x96: {  	_ =	strace s2  }
0x97: {  	_ =	strace $0x8FFFFFFF  }
0x98: {  	s19 =	sld [smem:$0x3FDB];
	_ =	sdelay $0x1  }
0x99: {  	s20 =	simm.s32 $_scs_section_size  }
0x9a: {  	s4 =	simm.s32 $_size__tile_overlayer_lowered;
	s5 =	simm.s32 $_tile_overlayer_lowered  }
0x9b: {  	s6 =	simm.s32 $0x1BFF;
	s21 =	sshll.u32 s5, $0x1;
	s3 =	sadd.s32 s20, s19  }
0x9c: {  	s22 =	simm.s32 $0x0;
	s4 =	sshll.u32 s4, $0x1;
	s5 =	sadd.s32 s21, s3  }
0x9d: {  	[timem:s22], [sflag:s6] =	dma.local [hbm:s5], s4  }
0x9e: {  	_ =	swait.ge [sflag:s6], s4  }
0x9f: {  	s4 =	ssub.s32 $0x0, s4;
	[sflag:s6] =	ssyncset.done $0x0  }
0xa0: {  	[sflag:s6] =	ssyncadd.s32 s4;
	_ =	sdelay $0x1  }
0xa1: {  	s23 =	simm.s32 $0x1B8B  }
0xa2: {  	_ =	swait.ge [sflag:s23], $0x1  }
0xa3: {  	[sflag:s23] =	ssyncset.done $0x0  }
0xa4: {  	[sflag:s23] =	ssyncadd.s32 $0xFFFFFFFF  }
0xa5: {  	s4 =	sld [smem:$0x0]  }
0xa6: {  	s5 =	sand.u32 $0xFFFFFFFE, s1  }
0xa7: {  	p0 =	sne.s32 s1, s5  }
0xa8: {  	s5 =	sshll.u32 @p0 s5, $0xE  }
0xa9: {  	s5 =	sadd.s32 @p0 $0x11B8D, s5;
	s6 =	sshll.u32 @p0 s4, $0x11  }
0xaa: {  	s5 =	sor.u32 @p0 s6, s5  }
0xab: {  	[sflag:s5] =	ssyncadd.remote.s32 @p0 $0x1;
	_ =	sdelay $0x1  }
0xac: {  	s5 =	simm.s32 @p0 $0x1B8D  }
0xad: {  	_ =	swait.eq @p0 [sflag:s5], $0x1  }
0xae: {  	[sflag:s5] =	ssyncadd.s32 @p0 $0xFFFFFFFF  }
0xaf: {  	s6 =	sshll.u32 @!p0 s1, $0xE  }
0xb0: {  	s6 =	sor.u32 @!p0 $0x4000, s6;
	s5 =	simm.s32 @!p0 $0x1B8D  }
0xb1: {  	s4 =	sshll.u32 @!p0 s4, $0x11;
	s6 =	sadd.s32 @!p0 $0x11B8D, s6;
	_ =	swait.eq @!p0 [sflag:s5], $0x1  }
0xb2: {  	s4 =	sor.u32 @!p0 s4, s6;
	[sflag:s5] =	ssyncadd.s32 @!p0 $0xFFFFFFFF  }
0xb3: {  	s25 =	simm.s32 $0x1B8E;
	s24 =	sld [smem:$0x3FFE];
	[sflag:s4] =	ssyncadd.remote.s32 @!p0 $0x1  }
0xb4: {  	s26 =	simm.s32 $execute0_lowered;
	[smem:$0x3FD2] =	sst s25  }
0xb5: {  	s5 =	sshll.u32 s26, $0x1;
	_ =	strace $0x80000049;
	[dreg:$0x1] =	wrdreg $0xFFFFFFFF  }
0xb6: {  	s28 =	simm.s32 $_size_execute0_lowered;
	s3 =	sadd.s32 s3, s5;
	[dreg:$0x0] =	wrdreg $0x0  }
0xb7: {  	s5 =	sshll.u32 s28, $0x1;
	[dreg:$0x2] =	wrdreg s3  }
0xb8: {  	[dreg:$0x3] =	wrdreg s5  }
0xb9: {  	[dreg:$0x4] =	wrdreg $0xC0  }
0xba: {  	_ =	task [dreg:s22], $0x5FFFF  }
0xbb: {  	[dreg:$0x1] =	wrdreg $0xFFFFFFFF  }
0xbc: {  	[dreg:$0x0] =	wrdreg $0x60  }
0xbd: {  	[dreg:$0x2] =	wrdreg s24  }
0xbe: {  	[dreg:$0x3] =	wrdreg $0x38000  }
0xbf: {  	[dreg:$0x4] =	wrdreg $0x9  }
0xc0: {  	_ =	task.clear_ibuf [dreg:s22], $0x5FFFF;
	_ =	strace $0x90000049  }
0xc1: {  	s29 =	simm.s32 $0x9;
	_ =	strace $0x8000004B  }
0xc2: {  	_ =	swait.ge [sflag:s29], $0x1  }
0xc3: {  	[sflag:s29] =	ssyncadd.s32 $0xFFFFFFFF  }
0xc4: {  	_ =	strace $0x9000004B  }
0xc5: {  	_ =	sfence  }
0xc6: {  	s30 =	sld [smem:$0x0];
	_ =	sdelay $0x2  }
0xc7: {  	s31 =	sshll.u32 s1, $0xD;
	s1 =	sshrl.u32 s1, $0x2  }
0xc8: {  	s4 =	sand.u32 $0x4000, s31;
	s1 =	sadd.s32 s1, s30  }
0xc9: {  	s0 =	sor.u32 s4, s0;
	s1 =	sshll.u32 s1, $0x11  }
0xca: {  	s0 =	sor.u32 s1, s0  }
0xcb: {  	s0 =	sadd.s32 $0x8F2B, s0  }
0xcc: {  	[sflag:s0] =	ssyncadd.remote.s32 $0x1  }
0xcd: {  	_ =	sfence.sel $0xFFFF  }
0xce: {  	[dreg:$0x0] =	wrdreg $0xFFFFFFFF;
	(pc) =	sbr.abs _section_cstart, $3  }
0xcf: {  	[dreg:$0x1] =	wrdreg $0xFFFFFFFF  }
0xd0: {  	_ =	task.clear_ibuf [dreg:s22], $0x2FFFF;
	_ =	strace $0x9FFFFFFF  }
0xd1: {  	(tm) =	ssettm $0x7FFFFFFF  }
tec
execute0_lowered:
.L_overlay_start_1:
0x0: {  	(tag) =	ssettag $0x1  }
0x1: {  	s1 =	srdreg.scid;
	s4 =	rddreg [dreg:$0x0]  }
0x2: {  	s0 =	stileid.u32;
	s2 =	rddreg [dreg:$0x1]  }
0x3: {  	s3 =	simm.s32 $0x0;
	s5 =	sand.u32 $0x1, s1;
	s1 =	rddreg [dreg:$0x2]  }
0x4: {  	s19 =	simm.s32 $0x2800;
	s28 =	sshll.u32 s0, $0x1;
	[smem:$0x7FF] =	sst s3  }
0x5: {  	s8 =	smul.u32 $0x2780, s0;
	s14 =	sadd.s32 $0xDF000, s4;
	s6 =	sor.u32 s5, s28  }
0x6: {  	s7 =	ssub.s32 $0x2, s5;
	_ =	strace $0x8000004A;
	s13 =	smul.u32 $0x27800, s5  }
0x7: {  	s6 =	smul.u32 $0x500, s6;
	s29 =	sshrl.u32 s7, $0x1;
	s10 =	sadd.s32 $0x800, s8  }
0x8: {  	s12 =	sadd.s32 $0x1000, s8;
	s16 =	sadd.s32 $0x1800, s8;
	s17 =	sadd.s32 $0x2000, s8  }
0x9: {  	s15 =	ssub.s32 s7, s29;
	s5 =	sadd.s32 s10, s2;
	s7 =	sadd.s32 s16, s2  }
0xa: {  	s11 =	sadd.s32 s8, s13;
	s18 =	sadd.s32 s13, s10;
	s16 =	sadd.s32 s13, s16  }
0xb: {  	s9 =	sadd.s32 s6, s4;
	s4 =	sadd.s32 s8, s2;
	s6 =	sadd.s32 s12, s2  }
0xc: {  	s8 =	sadd.s32 s17, s2;
	s11 =	sshrl.u32 s11, $0x3;
	s30 =	sshrl.u32 s18, $0x3  }
0xd: {  	s12 =	sadd.s32 s13, s12;
	s16 =	sshrl.u32 s16, $0x3;
	s17 =	sadd.s32 s13, s17  }
0xe: {  	s15 =	smax.u32 s15, $0x1;
	s18 =	simm.s32 $0x80;
	s9 =	sadd.s32 $0xA3800, s9  }
0xf: {  	s10 =	sadd.s32 s14, s11;
	s11 =	sadd.s32 s14, s30;
	s12 =	sshrl.u32 s12, $0x3  }
0x10: {  	s13 =	sadd.s32 s14, s16;
	s31 =	sshrl.u32 s17, $0x3;
	s16 =	simm.s32 $0x3000  }
0x11: {  	v0 =	vimm.f32 $1.000000000e+00;
	v1 =	vimm.f32 $0.0e+00;
	s17 =	simm.s32 $0x1;
	s12 =	sadd.s32 s14, s12;
	s14 =	sadd.s32 s14, s31  }
.LBB2_1:
0x12: {  	s20 =	simm.s32 $0x40;
	s21 =	simm.s32 $0x0  }
.LBB2_2:
0x13: {  	p0 =	sne.s32 s20, $0x1FC0;
	[tilespmem:s21+$0x2800] =	vst v0;
	s22 =	smov.u32 s20;
	s20 =	sadd.s32 $0x40, s20  }
.Ltmp0:
0x14: {  	[tilespmem:s21+$0x3000] =	vst v1;
	(pc) =	sbr.rel @p0 .LBB2_2-.Ltmp0, $2  }
0x15: {  	_ =	sdelay $0x2  }
0x16: {  	s21 =	sshra.s32 s22, $0x2  }
0x17: {  	[tilespmem:s21+$0x2800] =	vst v0  }
0x18: {  	[tilespmem:s21+$0x3000] =	vst v1  }
0x19: {  	[spmem:s4] =	stream.linear.scatter [tilespmem:s16], [sflag:$0x1], $0x800, $0x38;
	[tilespmem:$0x5F80] =	vst v63  }
0x1a: {  	_ =	swait.ge [sflag:s17], $0x800  }
0x1b: {  	[sflag:s17] =	ssyncset.done $0x0  }
0x1c: {  	[sflag:s17] =	ssyncadd.s32 $0xFFFFF800  }
0x1d: {  	[spmem:s5] =	stream.linear.scatter [tilespmem:s16], [sflag:$0x1], $0x800, $0x38;
	[tilespmem:$0x5F80] =	vst v63  }
0x1e: {  	_ =	swait.ge [sflag:s17], $0x800  }
0x1f: {  	[sflag:s17] =	ssyncset.done $0x0  }
0x20: {  	[sflag:s17] =	ssyncadd.s32 $0xFFFFF800  }
0x21: {  	[spmem:s6] =	stream.linear.scatter [tilespmem:s16], [sflag:$0x1], $0x800, $0x38;
	[tilespmem:$0x5F80] =	vst v63  }
0x22: {  	_ =	swait.ge [sflag:s17], $0x800  }
0x23: {  	[sflag:s17] =	ssyncset.done $0x0  }
0x24: {  	[sflag:s17] =	ssyncadd.s32 $0xFFFFF800  }
0x25: {  	[spmem:s7] =	stream.linear.scatter [tilespmem:s16], [sflag:$0x1], $0x800, $0x38;
	[tilespmem:$0x5F80] =	vst v63  }
0x26: {  	_ =	swait.ge [sflag:s17], $0x800  }
0x27: {  	[sflag:s17] =	ssyncset.done $0x0  }
0x28: {  	[sflag:s17] =	ssyncadd.s32 $0xFFFFF800  }
0x29: {  	[spmem:s8] =	stream.linear.scatter [tilespmem:s16], [sflag:$0x1], $0x780, $0x38;
	[tilespmem:$0x5F80] =	vst v63  }
0x2a: {  	_ =	swait.ge [sflag:s17], $0x780  }
0x2b: {  	[sflag:s17] =	ssyncset.done $0x0  }
0x2c: {  	[sflag:s17] =	ssyncadd.s32 $0xFFFFF880  }
0x2d: {  	s20 =	simm.s32 $0x0;
	[bflag:$0x0] =	sbarrier.arrive $0xFFFF  }
0x2e: {  	[tilespmem:s20], [sflag:$0x1] =	stream.linear.gather [hbm4b:s9+s20], $0x2800, $0x38;
	[tilespmem:$0x5F80] =	vst v63  }
0x2f: {  	_ =	swait.ge [sflag:s17], $0x2800  }
0x30: {  	[sflag:s17] =	ssyncset.done $0x0  }
0x31: {  	s31 =	simm.s32 $0x0;
	[sflag:s17] =	ssyncadd.s32 $0xFFFFD800  }
0x32: {  	[spmem:s2] =	stream.indirect.scatter.add.f32 [tilespmem:s19], [sflag:$0x1], $0x10, s31, s18, $0xb8;
	[tilespmem:$0x5F80] =	vst v63  }
0x33: {  	_ =	swait.ge [sflag:s17], $0x800  }
0x34: {  	s20 =	simm.s32 $0x200;
	[sflag:s17] =	ssyncset.done $0x0  }
.LBB2_4:
0x35: {  	s21 =	sshra.s32 s20, $0x2;
	[sflag:s17] =	ssyncadd.s32 $0xFFFFF800;
	p0 =	sne.s32 s20, $0x9E00  }
0x36: {  	[spmem:s2] =	stream.indirect.scatter.add.f32 [tilespmem:s19], [sflag:$0x1], $0x10, s21, s18, $0xb8;
	[tilespmem:$0x5F80] =	vst v63  }
.Ltmp1:
0x37: {  	_ = 	snop;
	(pc) =	sbr.rel @p0 .LBB2_4-.Ltmp1, $4  }
0x38: {  	_ = 	snop  }
0x39: {  	s20 =	sadd.s32 $0x200, s20  }
0x3a: {  	_ =	swait.ge [sflag:s17], $0x800  }
0x3b: {  	[sflag:s17] =	ssyncset.done $0x0  }
0x3c: {  	[sflag:s17] =	ssyncadd.s32 $0xFFFFF800;
	s20 =	sshll.u32 s0, $0x6  }
0x3d: {  	s21 =	sshrl.u32 s4, $0x3;
	[bflag:$0x0] =	sbarrier.arrive $0xFFFF;
	s20 =	sor.u32 $0x1C01, s20  }
0x3e: {  	[hbm:s10], [sflag:s20] =	dma.local [spmem:s21], $0x100  }
0x3f: {  	_ =	swait.ge [sflag:s17], $0x100  }
0x40: {  	[sflag:s17] =	ssyncset.done $0x0  }
0x41: {  	s28 =	sshrl.u32 s5, $0x3;
	[sflag:s17] =	ssyncadd.s32 $0xFFFFFF00  }
0x42: {  	[hbm:s11], [sflag:s20] =	dma.local [spmem:s28], $0x100  }
0x43: {  	_ =	swait.ge [sflag:s17], $0x100  }
0x44: {  	[sflag:s17] =	ssyncset.done $0x0  }
0x45: {  	s29 =	sshrl.u32 s6, $0x3;
	[sflag:s17] =	ssyncadd.s32 $0xFFFFFF00  }
0x46: {  	[hbm:s12], [sflag:s20] =	dma.local [spmem:s29], $0x100  }
0x47: {  	_ =	swait.ge [sflag:s17], $0x100  }
0x48: {  	[sflag:s17] =	ssyncset.done $0x0  }
0x49: {  	s30 =	sshrl.u32 s7, $0x3;
	[sflag:s17] =	ssyncadd.s32 $0xFFFFFF00  }
0x4a: {  	[hbm:s13], [sflag:s20] =	dma.local [spmem:s30], $0x100  }
0x4b: {  	s3 =	sadd.s32 $0x1, s3;
	_ =	swait.ge [sflag:s17], $0x100  }
0x4c: {  	p0 =	sne.s32 s3, s15;
	[sflag:s17] =	ssyncset.done $0x0  }
.Ltmp2:
0x4d: {  	s31 =	sshrl.u32 s8, $0x3;
	[sflag:s17] =	ssyncadd.s32 $0xFFFFFF00;
	(pc) =	sbr.rel @p0 .LBB2_1-.Ltmp2, $4  }
0x4e: {  	[hbm:s14], [sflag:s20] =	dma.local [spmem:s31], $0xF0  }
0x4f: {  	_ =	swait.ge [sflag:s17], $0xF0  }
0x50: {  	[sflag:s17] =	ssyncset.done $0x0  }
0x51: {  	[sflag:s17] =	ssyncadd.s32 $0xFFFFFF10  }
0x52: {  	_ =	sfence.sel $0x180000  }
0x53: {  	[bflag:$0x0] =	sbarrier.arrive $0xFFFF  }
0x54: {  	p0 =	sne.s32 s0, $0x0;
	_ =	strace $0x9000004A  }
0x55: {  	s0 =	sadd.s32 @!p0 $0x100000, s1;
	[bflag:$0x2] =	sbarrier.arrive $0xFFFF  }
0x56: {  	[sflag:s0] =	ssyncadd.tile.s32 @!p0 $0x1;
	_ =	shalt  }
.Lfunc_end2:
_tile_overlayer_lowered:
.L_overlay_start_2:
0x57: {  	(tag) =	ssettag $0x2  }
0x58: {  	s0 =	rddreg [dreg:$0x0];
	s2 =	stileid.u32  }
0x59: {  	s1 =	rddreg [dreg:$0x1];
	p0 =	sne.s32 s2, $0x0  }
0x5a: {  	s3 =	rddreg [dreg:$0x2];
	[bflag:$0x3] =	sbarrier.arrive $0xFFFF;
	s2 =	simm.s32 @!p0 $0x1C01  }
0x5b: {  	[timem:s3], [sflag:s2] =	dma.local @!p0 [hbm:s0], s1  }
0x5c: {  	s0 =	simm.s32 @!p0 $0x1  }
0x5d: {  	_ =	swait.ge @!p0 [sflag:s0], s1  }
0x5e: {  	s1 =	ssub.s32 @!p0 $0x0, s1;
	[sflag:s0] =	ssyncset.done @!p0 $0x0  }
0x5f: {  	[sflag:s0] =	ssyncadd.s32 @!p0 s1  }
0x60: {  	[bflag:$0x3] =	sbarrier.arrive $0xFFFF  }
0x61: {  	_ =	shalt  }

</sc_bundles>
